<compile_context>
chip_gen: v7x
topology: tpu7x:2x2x1
jax: 0.10.2.dev20260603
libtpu: 0.0.44.dev20260713+nightly
codegen_flags: <defaults>
</compile_context>

<pallas_src>
import functools

import jax
import jax.numpy as jnp
from jax import lax
from jax.experimental import pallas as pl
from jax.experimental.pallas import tpu as pltpu
from jax.experimental.pallas import tpu_sc as plsc

B = 4
N = 2048
C = 67
PD = 3
K = 16
R2 = 4.0
_KEY_R2 = 0x40800000
QB = 256
NB = N // QB
CO = 259


def _knn_body(p0_ref, p1_ref, idx_ref, d2v_ref, *, base):
    p0 = p0_ref[0]
    p1 = p1_ref[0]
    s0 = jnp.sum(p0 * p0, axis=0, keepdims=True)
    s1 = jnp.sum(p1 * p1, axis=1, keepdims=True)
    cross = lax.dot_general(
        p1.astype(jnp.bfloat16), p0.astype(jnp.bfloat16),
        (((1,), (0,)), ((), ())), preferred_element_type=jnp.float32)
    d2 = s1 + s0 - 2.0 * cross
    bits = lax.bitcast_convert_type(d2, jnp.int32)
    iota_j = lax.broadcasted_iota(jnp.int32, (N, QB), 0)
    mkey = bits ^ (jnp.right_shift(bits, 31) & jnp.int32(0x7FFFFFFF))
    key = (mkey & jnp.int32(~2047)) | iota_j
    q = N // 4
    s0, s1, s2, s3 = (key[i * q:(i + 1) * q] for i in range(4))
    s0, s1 = jnp.minimum(s0, s1), jnp.maximum(s0, s1)
    s2, s3 = jnp.minimum(s2, s3), jnp.maximum(s2, s3)
    s0, s2 = jnp.minimum(s0, s2), jnp.maximum(s0, s2)
    s1, s3 = jnp.minimum(s1, s3), jnp.maximum(s1, s3)
    s1, s2 = jnp.minimum(s1, s2), jnp.maximum(s1, s2)
    last = jnp.full((1, QB), jnp.iinfo(jnp.int32).min, jnp.int32)
    big = jnp.iinfo(jnp.int32).max
    for k in range(K):
        cand = jnp.where(s3 > last, s3, big)
        cand = jnp.where(s2 > last, s2, cand)
        cand = jnp.where(s1 > last, s1, cand)
        cand = jnp.where(s0 > last, s0, cand)
        m = jnp.min(cand, axis=0, keepdims=True)
        idx_ref[0, pl.ds(k, 1), :] = (m & jnp.int32(2047)) + base
        d2v_ref[0, pl.ds(k, 1), :] = m
        last = m


def _knn(p0pad, p1pad, b):
    return pl.pallas_call(
        functools.partial(_knn_body, base=b * N),
        grid=(NB,),
        in_specs=[
            pl.BlockSpec((1, 8, QB), lambda i: (0, 0, i)),
            pl.BlockSpec((1, N, 8), lambda i: (0, 0, 0)),
        ],
        out_specs=[
            pl.BlockSpec((1, K, QB), lambda i: (i, 0, 0)),
            pl.BlockSpec((1, K, QB), lambda i: (i, 0, 0)),
        ],
        out_shape=[
            jax.ShapeDtypeStruct((NB, K, QB), jnp.int32),
            jax.ShapeDtypeStruct((NB, K, QB), jnp.int32),
        ],
    )(p0pad, p1pad)


def _a1_body(t_ref, w_ref, o_ref):
    o_ref[...] = jnp.dot(t_ref[...], w_ref[...],
                         preferred_element_type=jnp.float32)


def _a1(table, w1b):
    return pl.pallas_call(
        _a1_body,
        grid=(1,),
        in_specs=[pl.BlockSpec((B * N, 80), lambda i: (0, 0)),
                  pl.BlockSpec((80, 128), lambda i: (0, 0))],
        out_specs=pl.BlockSpec((B * N, 128), lambda i: (0, 0)),
        out_shape=jax.ShapeDtypeStruct((B * N, 128), jnp.float32),
    )(table, w1b)


_NC = 2
_NS = 16
_NW = _NC * _NS
_BTOT = N * K
_BPW = _BTOT // _NW
_GCH = 256


def _sc_gather(table, idxf):
    mesh = plsc.VectorSubcoreMesh(core_axis_name="c", subcore_axis_name="s")

    @functools.partial(
        pl.kernel, mesh=mesh,
        out_type=jax.ShapeDtypeStruct((_BTOT, 128), jnp.float32),
        scratch_types=[
            pltpu.VMEM((_BPW,), jnp.int32),
            pltpu.VMEM((_GCH, 128), jnp.float32),
            pltpu.VMEM((_GCH, 128), jnp.float32),
            pltpu.SemaphoreType.DMA,
            pltpu.SemaphoreType.DMA,
        ])
    def gk(table_hbm, idx_hbm, out_hbm, idx_v, buf0, buf1, sem0, sem1):
        wid = lax.axis_index("s") * _NC + lax.axis_index("c")
        base = wid * _BPW
        pltpu.sync_copy(idx_hbm.at[pl.ds(base, _BPW)], idx_v)
        bufs = (buf0, buf1)
        sems = (sem0, sem1)
        nch = _BPW // _GCH
        for c in range(nch):
            pltpu.make_async_copy(
                table_hbm.at[idx_v.at[pl.ds(c * _GCH, _GCH)]],
                bufs[c % 2], sems[c % 2]).start()
            if c >= 1:
                pltpu.make_async_copy(
                    table_hbm.at[idx_v.at[pl.ds((c - 1) * _GCH, _GCH)]],
                    bufs[(c - 1) % 2], sems[(c - 1) % 2]).wait()
                pltpu.sync_copy(bufs[(c - 1) % 2],
                                out_hbm.at[pl.ds(base + (c - 1) * _GCH, _GCH)])
        pltpu.make_async_copy(
            table_hbm.at[idx_v.at[pl.ds((nch - 1) * _GCH, _GCH)]],
            bufs[(nch - 1) % 2], sems[(nch - 1) % 2]).wait()
        pltpu.sync_copy(bufs[(nch - 1) % 2],
                        out_hbm.at[pl.ds(base + (nch - 1) * _GCH, _GCH)])

    return gk(table, idxf)


def _mlp_body(*refs):
    if len(refs) == 12:
        (prev_ref, gth_ref, pts0_ref, p0_ref, d2v_ref, w1a_ref, w2_ref,
         w3_ref, b1_ref, b2_ref, b3_ref, out_ref) = refs
        del prev_ref
    else:
        (gth_ref, pts0_ref, p0_ref, d2v_ref, w1a_ref, w2_ref,
         w3_ref, b1_ref, b2_ref, b3_ref, out_ref) = refs
    g = gth_ref[...]
    pts0 = pts0_ref[...]
    a0 = jnp.dot(pts0, w1a_ref[...], preferred_element_type=jnp.float32)
    d2v = jnp.transpose(d2v_ref[0], (1, 0))
    b1 = b1_ref[...]
    h1 = jnp.concatenate(
        [jax.nn.relu(g[k * QB:(k + 1) * QB] + a0 + b1) for k in range(K)]
    ).astype(jnp.bfloat16)
    h2 = jax.nn.relu(jnp.dot(h1, w2_ref[...], preferred_element_type=jnp.float32)
                     + b2_ref[...]).astype(jnp.bfloat16)
    h3 = jax.nn.relu(jnp.dot(h2, w3_ref[...], preferred_element_type=jnp.float32)
                     + b3_ref[...])
    acc = jnp.zeros((QB, 256), jnp.float32)
    for k in range(K):
        mask = d2v[:, k:k + 1] >= _KEY_R2
        acc = jnp.maximum(acc, jnp.where(mask, 0.0, h3[k * QB:(k + 1) * QB]))
    out_ref[0, :PD, :] = p0_ref[0, :PD, :]
    out_ref[0, PD:, :] = jnp.transpose(acc, (1, 0))


def _mlp(prev, b, gth, pts0p, p0pad, d2v, w1a, w2t, w3t, b1r, b2r, b3r):
    wspec = lambda shape: pl.BlockSpec(shape, lambda i: (0, 0))
    prev_args = () if prev is None else (prev,)
    prev_specs = [] if prev is None else [pl.BlockSpec(memory_space=pl.ANY)]
    return pl.pallas_call(
        _mlp_body,
        grid=(NB,),
        in_specs=prev_specs + [
            pl.BlockSpec((K * QB, 128), lambda i: (i, 0)),
            pl.BlockSpec((QB, 72), lambda i: (i, 0)),
            pl.BlockSpec((1, 8, QB), lambda i: (0, 0, i)),
            pl.BlockSpec((1, K, QB), lambda i: (i, 0, 0)),
            wspec((72, 128)), wspec((128, 128)),
            wspec((128, 256)), wspec((1, 128)), wspec((1, 128)),
            wspec((1, 256)),
        ],
        out_specs=pl.BlockSpec((1, CO, QB), lambda i, _b=b: (_b, 0, i)),
        out_shape=jax.ShapeDtypeStruct((B, CO, N), jnp.float32),
        input_output_aliases={0: 0} if prev is not None else {},
    )(*prev_args, gth, pts0p, p0pad, d2v, w1a, w2t, w3t, b1r, b2r, b3r)


def kernel(clouds0, clouds1, W1, b1, W2, b2, W3, b3):
    f32 = jnp.float32
    bf16 = jnp.bfloat16
    p0pad = jnp.pad(clouds0[:, :PD, :], ((0, 0), (0, 8 - PD), (0, 0)))
    p1pad = jnp.pad(jnp.transpose(clouds1[:, :PD, :], (0, 2, 1)),
                    ((0, 0), (0, 0), (0, 8 - PD)))

    pts1 = jnp.transpose(clouds1, (0, 2, 1)).reshape(B * N, C)
    pts1p = jnp.pad(pts1, ((0, 0), (0, 80 - C))).astype(bf16)
    pts0 = jnp.transpose(clouds0, (0, 2, 1)).reshape(B * N, C)
    pts0p = jnp.pad(pts0, ((0, 0), (0, 72 - C))).astype(bf16)

    w1pT = jnp.transpose(W1[:, :PD], (1, 0))
    w1f0T = jnp.transpose(W1[:, PD:C], (1, 0))
    w1f1T = jnp.transpose(W1[:, C:], (1, 0))
    w1a = jnp.concatenate(
        [-w1pT, w1f0T, jnp.zeros((72 - C, 128), f32)]).astype(bf16)
    w1b = jnp.concatenate(
        [w1pT, w1f1T, jnp.zeros((80 - C, 128), f32)]).astype(bf16)
    w2t = jnp.transpose(W2, (1, 0)).astype(bf16)
    w3t = jnp.transpose(W3, (1, 0)).astype(bf16)
    b1r = b1.reshape(1, 128)
    b2r = b2.reshape(1, 128)
    b3r = b3.reshape(1, 256)

    a1 = _a1(pts1p, w1b)

    knns = [_knn(p0pad[b:b + 1], p1pad[b:b + 1], b) for b in range(B)]
    gths = [_sc_gather(a1, idx.reshape(-1)) for idx, _ in knns]
    out = None
    for b in range(B):
        out = _mlp(out, b, gths[b], pts0p[b * N:(b + 1) * N], p0pad[b:b + 1],
                   knns[b][1], w1a, w2t, w3t, b1r, b2r, b3r)
    return out

# --- scband reference (transcript-rebuilt; emitter-appended) ---
"""Pipeline reference for scband-motion-embedding-base-24154896073198 (READ-ONLY COPY).

The authoritative reference and input builder live on the scoring server;
editing this copy changes nothing except your own understanding.
"""

import jax, jax.numpy as jnp
import numpy as np

B, C, N = 4, 67, 2048
PD = 3
K = 16
RADIUS = 2.0
MLP = [128, 128, 256]


def setup_inputs(seed: int = 0) -> dict:
    key = jax.random.key(seed)
    ks = jax.random.split(key, 8)
    clouds0 = jax.random.normal(ks[0], (B, C, N), dtype=jnp.float32)
    clouds1 = jax.random.normal(ks[1], (B, C, N), dtype=jnp.float32)
    in_ch = PD + 2 * (C - PD)  # append_features=True: point_dim + 2*(input_dim-point_dim) = 131
    dims = [in_ch] + MLP
    params = {}
    for i in range(len(MLP)):
        params[f"W{i+1}"] = jax.random.normal(ks[2 + i], (dims[i + 1], dims[i]), dtype=jnp.float32) * (1.0 / np.sqrt(dims[i]))
        params[f"b{i+1}"] = jnp.zeros((dims[i + 1],), dtype=jnp.float32)
    return {"clouds0": clouds0, "clouds1": clouds1, **params}


def _forward(clouds0, clouds1, W1, b1, W2, b2, W3, b3):
    Bn, Cn, Nn = clouds0.shape
    # _prepare_batch: [B, C, N] -> [B*N, C]
    pts0 = jnp.transpose(clouds0, (0, 2, 1)).reshape(-1, Cn)
    pts1 = jnp.transpose(clouds1, (0, 2, 1)).reshape(-1, Cn)
    # knn on detached positions (first PD dims), batched (neighbors only within same batch element)
    p0 = jax.lax.stop_gradient(jnp.transpose(clouds0[:, :PD, :], (0, 2, 1)))  # [B, N, PD]
    p1 = jax.lax.stop_gradient(jnp.transpose(clouds1[:, :PD, :], (0, 2, 1)))  # [B, N, PD]
    d2 = (jnp.sum(p0 * p0, axis=-1)[:, :, None]
          + jnp.sum(p1 * p1, axis=-1)[:, None, :]
          - 2.0 * jnp.einsum('bnd,bmd->bnm', p0, p1))  # [B, N, N]
    _, nbr = jax.lax.top_k(-d2, K)  # [B, N, K] local indices into cloud1
    idx1 = (nbr + (jnp.arange(Bn) * Nn)[:, None, None]).reshape(Bn * Nn, K)  # global indices
    # group_index[0] is just the query index repeated K times -> broadcast
    group_pts0 = jnp.broadcast_to(pts0[:, None, :], (Bn * Nn, K, Cn))
    group_pts1 = pts1[idx1]  # gather [B*N, K, C]
    pos_diff = group_pts1[:, :, :PD] - group_pts0[:, :, :PD]
    # append_features=True
    merged = jnp.concatenate([pos_diff, group_pts0[:, :, PD:], group_pts1[:, :, PD:]], axis=2)
    h = jnp.transpose(merged, (0, 2, 1))  # [B*N, 131, K]
    # Conv1dMultiLayer: stack of 1x1 Conv1d + ReLU (batch_norm=False)
    for W, b in ((W1, b1), (W2, b2), (W3, b3)):
        h = jnp.einsum('oc,bck->bok', W, h) + b[None, :, None]
        h = jax.nn.relu(h)
    if RADIUS > 0.0:
        pos_diff_norm = jnp.linalg.norm(pos_diff, axis=2)  # [B*N, K]
        mask = pos_diff_norm >= RADIUS
        h = jnp.where(mask[:, None, :], jnp.zeros_like(h), h)
    feat = jnp.max(h, axis=2)  # [B*N, 256]
    out = jnp.concatenate([pts0[:, :PD], feat], axis=1)  # [B*N, PD+256]
    out = jnp.transpose(out.reshape(Bn, Nn, -1), (0, 2, 1))  # [B, PD+256, N]
    return out


def reference(clouds0, clouds1, W1, b1, W2, b2, W3, b3):
    return _forward(clouds0, clouds1, W1, b1, W2, b2, W3, b3)

if __name__ == "__main__":
    import jax
    _d = setup_inputs()
    print(jax.jit(kernel)(*tuple(_d.values())))

</pallas_src>

<mosaic_0001>
#map = affine_map<(d0, d1) -> (0, 0)>
#map1 = affine_map<(d0, d1) -> (0)>
module attributes {stable_mosaic.version = 14 : i64} {
  func.func @gk(%arg0: i32, %arg1: i32, %arg2: memref<8192x128xf32, #tpu.memory_space<hbm>>, %arg3: memref<32768xi32, #tpu.memory_space<hbm>>, %arg4: memref<32768x128xf32, #tpu.memory_space<hbm>>, %arg5: memref<1024xi32, #tpu.memory_space<vmem>>, %arg6: memref<256x128xf32, #tpu.memory_space<vmem>>, %arg7: memref<256x128xf32, #tpu.memory_space<vmem>>, %arg8: memref<!tpu.dma_semaphore, #tpu.memory_space<semaphore_mem>>, %arg9: memref<!tpu.dma_semaphore, #tpu.memory_space<semaphore_mem>>) attributes {dimension_semantics = [#tpu.dimension_semantics<core_parallel>, #tpu.dimension_semantics<subcore_parallel>], iteration_bounds = array<i64: 2, 16>, scalar_prefetch = 0 : i64, scratch_operands = 5 : i64, tpu.core_type = #tpu.core_type<sc_vector_subcore>, window_params = [{transform_indices = #map}, {transform_indices = #map1}, {transform_indices = #map}]} {
    %mul3A = arith.constant 2 : i32
    %mul3A_0 = arith.muli %arg1, %mul3A : i32
    %add3A = arith.addi %mul3A_0, %arg0 : i32
    %mul3A_1 = arith.constant 1024 : i32
    %mul3A_2 = arith.muli %add3A, %mul3A_1 : i32
    "tpu.region"() ({
      %run_scoped3A = tpu.sem_alloc : memref<!tpu.dma_semaphore, #tpu.memory_space<semaphore_mem>>
      %dma_start3A_49 = tpu.memref_slice %arg3[%mul3A_2] : memref<32768xi32, #tpu.memory_space<hbm>> -> memref<1024xi32, #tpu.memory_space<hbm>>
      %dma_start3A_50 = tpu.memref_slice %arg3[%mul3A_2] : memref<32768xi32, #tpu.memory_space<hbm>> -> memref<1024xi32, #tpu.memory_space<hbm>>
      tpu.enqueue_dma source(%dma_start3A_50 : memref<1024xi32, #tpu.memory_space<hbm>>) target(%arg5 : memref<1024xi32, #tpu.memory_space<vmem>>) target_semaphore(%run_scoped3A : memref<!tpu.dma_semaphore, #tpu.memory_space<semaphore_mem>>)
      %dma_wait3A_51 = tpu.memref_slice %arg3[%mul3A_2] : memref<32768xi32, #tpu.memory_space<hbm>> -> memref<1024xi32, #tpu.memory_space<hbm>>
      %dma_wait3A_52 = tpu.memref_slice %arg3[%mul3A_2] : memref<32768xi32, #tpu.memory_space<hbm>> -> memref<1024xi32, #tpu.memory_space<hbm>>
      tpu.wait_dma2 semaphore(%run_scoped3A : memref<!tpu.dma_semaphore, #tpu.memory_space<semaphore_mem>>) src(%dma_wait3A_52 : memref<1024xi32, #tpu.memory_space<hbm>>) dst(%arg5 : memref<1024xi32, #tpu.memory_space<vmem>>)
      tpu.yield
    }) : () -> ()
    %dma_start3A = arith.constant 0 : i32
    %dma_start3A_3 = tpu.memref_slice %arg5[%dma_start3A] : memref<1024xi32, #tpu.memory_space<vmem>> -> memref<256xi32, #tpu.memory_space<vmem>>
    %dma_start3A_4 = arith.constant 0 : i32
    %dma_start3A_5 = arith.constant 0 : i32
    %dma_start3A_6 = tpu.memref_slice %arg2[%dma_start3A_4, %dma_start3A_5] : memref<8192x128xf32, #tpu.memory_space<hbm>> -> memref<8192x128xf32, #tpu.memory_space<hbm>>
    tpu.enqueue_indirect_dma source(%dma_start3A_6 : memref<8192x128xf32, #tpu.memory_space<hbm>>) target(%arg6 : memref<256x128xf32, #tpu.memory_space<vmem>>) offsets(%dma_start3A_3 : memref<256xi32, #tpu.memory_space<vmem>>) semaphore(%arg8 : memref<!tpu.dma_semaphore, #tpu.memory_space<semaphore_mem>>)
    %dma_start3A_7 = arith.constant 256 : i32
    %dma_start3A_8 = tpu.memref_slice %arg5[%dma_start3A_7] : memref<1024xi32, #tpu.memory_space<vmem>> -> memref<256xi32, #tpu.memory_space<vmem>>
    %dma_start3A_9 = arith.constant 0 : i32
    %dma_start3A_10 = arith.constant 0 : i32
    %dma_start3A_11 = tpu.memref_slice %arg2[%dma_start3A_9, %dma_start3A_10] : memref<8192x128xf32, #tpu.memory_space<hbm>> -> memref<8192x128xf32, #tpu.memory_space<hbm>>
    tpu.enqueue_indirect_dma source(%dma_start3A_11 : memref<8192x128xf32, #tpu.memory_space<hbm>>) target(%arg7 : memref<256x128xf32, #tpu.memory_space<vmem>>) offsets(%dma_start3A_8 : memref<256xi32, #tpu.memory_space<vmem>>) semaphore(%arg9 : memref<!tpu.dma_semaphore, #tpu.memory_space<semaphore_mem>>)
    %dma_wait3A = arith.constant 0 : i32
    %dma_wait3A_12 = tpu.memref_slice %arg5[%dma_wait3A] : memref<1024xi32, #tpu.memory_space<vmem>> -> memref<256xi32, #tpu.memory_space<vmem>>
    %dma_wait3A_13 = arith.constant 0 : i32
    %dma_wait3A_14 = arith.constant 0 : i32
    %dma_wait3A_15 = tpu.memref_slice %arg2[%dma_wait3A_13, %dma_wait3A_14] : memref<8192x128xf32, #tpu.memory_space<hbm>> -> memref<8192x128xf32, #tpu.memory_space<hbm>>
    tpu.wait_indirect_dma semaphore(%arg8 : memref<!tpu.dma_semaphore, #tpu.memory_space<semaphore_mem>>) src(%dma_wait3A_15 : memref<8192x128xf32, #tpu.memory_space<hbm>>) dst(%arg6 : memref<256x128xf32, #tpu.memory_space<vmem>>)
    %add3A_16 = arith.constant 0 : i32
    %add3A_17 = arith.addi %mul3A_2, %add3A_16 : i32
    "tpu.region"() ({
      %run_scoped3A = tpu.sem_alloc : memref<!tpu.dma_semaphore, #tpu.memory_space<semaphore_mem>>
      %dma_start3A_49 = arith.constant 0 : i32
      %dma_start3A_50 = tpu.memref_slice %arg4[%add3A_17, %dma_start3A_49] : memref<32768x128xf32, #tpu.memory_space<hbm>> -> memref<256x128xf32, #tpu.memory_space<hbm>>
      %dma_start3A_51 = arith.constant 0 : i32
      %dma_start3A_52 = tpu.memref_slice %arg4[%add3A_17, %dma_start3A_51] : memref<32768x128xf32, #tpu.memory_space<hbm>> -> memref<256x128xf32, #tpu.memory_space<hbm>>
      tpu.enqueue_dma source(%arg6 : memref<256x128xf32, #tpu.memory_space<vmem>>) target(%dma_start3A_52 : memref<256x128xf32, #tpu.memory_space<hbm>>) target_semaphore(%run_scoped3A : memref<!tpu.dma_semaphore, #tpu.memory_space<semaphore_mem>>)
      %dma_wait3A_53 = arith.constant 0 : i32
      %dma_wait3A_54 = tpu.memref_slice %arg4[%add3A_17, %dma_wait3A_53] : memref<32768x128xf32, #tpu.memory_space<hbm>> -> memref<256x128xf32, #tpu.memory_space<hbm>>
      %dma_wait3A_55 = arith.constant 0 : i32
      %dma_wait3A_56 = tpu.memref_slice %arg4[%add3A_17, %dma_wait3A_55] : memref<32768x128xf32, #tpu.memory_space<hbm>> -> memref<256x128xf32, #tpu.memory_space<hbm>>
      tpu.wait_dma2 semaphore(%run_scoped3A : memref<!tpu.dma_semaphore, #tpu.memory_space<semaphore_mem>>) src(%arg6 : memref<256x128xf32, #tpu.memory_space<vmem>>) dst(%dma_wait3A_56 : memref<256x128xf32, #tpu.memory_space<hbm>>)
      tpu.yield
    }) : () -> ()
    %dma_start3A_18 = arith.constant 512 : i32
    %dma_start3A_19 = tpu.memref_slice %arg5[%dma_start3A_18] : memref<1024xi32, #tpu.memory_space<vmem>> -> memref<256xi32, #tpu.memory_space<vmem>>
    %dma_start3A_20 = arith.constant 0 : i32
    %dma_start3A_21 = arith.constant 0 : i32
    %dma_start3A_22 = tpu.memref_slice %arg2[%dma_start3A_20, %dma_start3A_21] : memref<8192x128xf32, #tpu.memory_space<hbm>> -> memref<8192x128xf32, #tpu.memory_space<hbm>>
    tpu.enqueue_indirect_dma source(%dma_start3A_22 : memref<8192x128xf32, #tpu.memory_space<hbm>>) target(%arg6 : memref<256x128xf32, #tpu.memory_space<vmem>>) offsets(%dma_start3A_19 : memref<256xi32, #tpu.memory_space<vmem>>) semaphore(%arg8 : memref<!tpu.dma_semaphore, #tpu.memory_space<semaphore_mem>>)
    %dma_wait3A_23 = arith.constant 256 : i32
    %dma_wait3A_24 = tpu.memref_slice %arg5[%dma_wait3A_23] : memref<1024xi32, #tpu.memory_space<vmem>> -> memref<256xi32, #tpu.memory_space<vmem>>
    %dma_wait3A_25 = arith.constant 0 : i32
    %dma_wait3A_26 = arith.constant 0 : i32
    %dma_wait3A_27 = tpu.memref_slice %arg2[%dma_wait3A_25, %dma_wait3A_26] : memref<8192x128xf32, #tpu.memory_space<hbm>> -> memref<8192x128xf32, #tpu.memory_space<hbm>>
    tpu.wait_indirect_dma semaphore(%arg9 : memref<!tpu.dma_semaphore, #tpu.memory_space<semaphore_mem>>) src(%dma_wait3A_27 : memref<8192x128xf32, #tpu.memory_space<hbm>>) dst(%arg7 : memref<256x128xf32, #tpu.memory_space<vmem>>)
    %add3A_28 = arith.constant 256 : i32
    %add3A_29 = arith.addi %mul3A_2, %add3A_28 : i32
    "tpu.region"() ({
      %run_scoped3A = tpu.sem_alloc : memref<!tpu.dma_semaphore, #tpu.memory_space<semaphore_mem>>
      %dma_start3A_49 = arith.constant 0 : i32
      %dma_start3A_50 = tpu.memref_slice %arg4[%add3A_29, %dma_start3A_49] : memref<32768x128xf32, #tpu.memory_space<hbm>> -> memref<256x128xf32, #tpu.memory_space<hbm>>
      %dma_start3A_51 = arith.constant 0 : i32
      %dma_start3A_52 = tpu.memref_slice %arg4[%add3A_29, %dma_start3A_51] : memref<32768x128xf32, #tpu.memory_space<hbm>> -> memref<256x128xf32, #tpu.memory_space<hbm>>
      tpu.enqueue_dma source(%arg7 : memref<256x128xf32, #tpu.memory_space<vmem>>) target(%dma_start3A_52 : memref<256x128xf32, #tpu.memory_space<hbm>>) target_semaphore(%run_scoped3A : memref<!tpu.dma_semaphore, #tpu.memory_space<semaphore_mem>>)
      %dma_wait3A_53 = arith.constant 0 : i32
      %dma_wait3A_54 = tpu.memref_slice %arg4[%add3A_29, %dma_wait3A_53] : memref<32768x128xf32, #tpu.memory_space<hbm>> -> memref<256x128xf32, #tpu.memory_space<hbm>>
      %dma_wait3A_55 = arith.constant 0 : i32
      %dma_wait3A_56 = tpu.memref_slice %arg4[%add3A_29, %dma_wait3A_55] : memref<32768x128xf32, #tpu.memory_space<hbm>> -> memref<256x128xf32, #tpu.memory_space<hbm>>
      tpu.wait_dma2 semaphore(%run_scoped3A : memref<!tpu.dma_semaphore, #tpu.memory_space<semaphore_mem>>) src(%arg7 : memref<256x128xf32, #tpu.memory_space<vmem>>) dst(%dma_wait3A_56 : memref<256x128xf32, #tpu.memory_space<hbm>>)
      tpu.yield
    }) : () -> ()
    %dma_start3A_30 = arith.constant 768 : i32
    %dma_start3A_31 = tpu.memref_slice %arg5[%dma_start3A_30] : memref<1024xi32, #tpu.memory_space<vmem>> -> memref<256xi32, #tpu.memory_space<vmem>>
    %dma_start3A_32 = arith.constant 0 : i32
    %dma_start3A_33 = arith.constant 0 : i32
    %dma_start3A_34 = tpu.memref_slice %arg2[%dma_start3A_32, %dma_start3A_33] : memref<8192x128xf32, #tpu.memory_space<hbm>> -> memref<8192x128xf32, #tpu.memory_space<hbm>>
    tpu.enqueue_indirect_dma source(%dma_start3A_34 : memref<8192x128xf32, #tpu.memory_space<hbm>>) target(%arg7 : memref<256x128xf32, #tpu.memory_space<vmem>>) offsets(%dma_start3A_31 : memref<256xi32, #tpu.memory_space<vmem>>) semaphore(%arg9 : memref<!tpu.dma_semaphore, #tpu.memory_space<semaphore_mem>>)
    %dma_wait3A_35 = arith.constant 512 : i32
    %dma_wait3A_36 = tpu.memref_slice %arg5[%dma_wait3A_35] : memref<1024xi32, #tpu.memory_space<vmem>> -> memref<256xi32, #tpu.memory_space<vmem>>
    %dma_wait3A_37 = arith.constant 0 : i32
    %dma_wait3A_38 = arith.constant 0 : i32
    %dma_wait3A_39 = tpu.memref_slice %arg2[%dma_wait3A_37, %dma_wait3A_38] : memref<8192x128xf32, #tpu.memory_space<hbm>> -> memref<8192x128xf32, #tpu.memory_space<hbm>>
    tpu.wait_indirect_dma semaphore(%arg8 : memref<!tpu.dma_semaphore, #tpu.memory_space<semaphore_mem>>) src(%dma_wait3A_39 : memref<8192x128xf32, #tpu.memory_space<hbm>>) dst(%arg6 : memref<256x128xf32, #tpu.memory_space<vmem>>)
    %add3A_40 = arith.constant 512 : i32
    %add3A_41 = arith.addi %mul3A_2, %add3A_40 : i32
    "tpu.region"() ({
      %run_scoped3A = tpu.sem_alloc : memref<!tpu.dma_semaphore, #tpu.memory_space<semaphore_mem>>
      %dma_start3A_49 = arith.constant 0 : i32
      %dma_start3A_50 = tpu.memref_slice %arg4[%add3A_41, %dma_start3A_49] : memref<32768x128xf32, #tpu.memory_space<hbm>> -> memref<256x128xf32, #tpu.memory_space<hbm>>
      %dma_start3A_51 = arith.constant 0 : i32
      %dma_start3A_52 = tpu.memref_slice %arg4[%add3A_41, %dma_start3A_51] : memref<32768x128xf32, #tpu.memory_space<hbm>> -> memref<256x128xf32, #tpu.memory_space<hbm>>
      tpu.enqueue_dma source(%arg6 : memref<256x128xf32, #tpu.memory_space<vmem>>) target(%dma_start3A_52 : memref<256x128xf32, #tpu.memory_space<hbm>>) target_semaphore(%run_scoped3A : memref<!tpu.dma_semaphore, #tpu.memory_space<semaphore_mem>>)
      %dma_wait3A_53 = arith.constant 0 : i32
      %dma_wait3A_54 = tpu.memref_slice %arg4[%add3A_41, %dma_wait3A_53] : memref<32768x128xf32, #tpu.memory_space<hbm>> -> memref<256x128xf32, #tpu.memory_space<hbm>>
      %dma_wait3A_55 = arith.constant 0 : i32
      %dma_wait3A_56 = tpu.memref_slice %arg4[%add3A_41, %dma_wait3A_55] : memref<32768x128xf32, #tpu.memory_space<hbm>> -> memref<256x128xf32, #tpu.memory_space<hbm>>
      tpu.wait_dma2 semaphore(%run_scoped3A : memref<!tpu.dma_semaphore, #tpu.memory_space<semaphore_mem>>) src(%arg6 : memref<256x128xf32, #tpu.memory_space<vmem>>) dst(%dma_wait3A_56 : memref<256x128xf32, #tpu.memory_space<hbm>>)
      tpu.yield
    }) : () -> ()
    %dma_wait3A_42 = arith.constant 768 : i32
    %dma_wait3A_43 = tpu.memref_slice %arg5[%dma_wait3A_42] : memref<1024xi32, #tpu.memory_space<vmem>> -> memref<256xi32, #tpu.memory_space<vmem>>
    %dma_wait3A_44 = arith.constant 0 : i32
    %dma_wait3A_45 = arith.constant 0 : i32
    %dma_wait3A_46 = tpu.memref_slice %arg2[%dma_wait3A_44, %dma_wait3A_45] : memref<8192x128xf32, #tpu.memory_space<hbm>> -> memref<8192x128xf32, #tpu.memory_space<hbm>>
    tpu.wait_indirect_dma semaphore(%arg9 : memref<!tpu.dma_semaphore, #tpu.memory_space<semaphore_mem>>) src(%dma_wait3A_46 : memref<8192x128xf32, #tpu.memory_space<hbm>>) dst(%arg7 : memref<256x128xf32, #tpu.memory_space<vmem>>)
    %add3A_47 = arith.constant 768 : i32
    %add3A_48 = arith.addi %mul3A_2, %add3A_47 : i32
    "tpu.region"() ({
      %run_scoped3A = tpu.sem_alloc : memref<!tpu.dma_semaphore, #tpu.memory_space<semaphore_mem>>
      %dma_start3A_49 = arith.constant 0 : i32
      %dma_start3A_50 = tpu.memref_slice %arg4[%add3A_48, %dma_start3A_49] : memref<32768x128xf32, #tpu.memory_space<hbm>> -> memref<256x128xf32, #tpu.memory_space<hbm>>
      %dma_start3A_51 = arith.constant 0 : i32
      %dma_start3A_52 = tpu.memref_slice %arg4[%add3A_48, %dma_start3A_51] : memref<32768x128xf32, #tpu.memory_space<hbm>> -> memref<256x128xf32, #tpu.memory_space<hbm>>
      tpu.enqueue_dma source(%arg7 : memref<256x128xf32, #tpu.memory_space<vmem>>) target(%dma_start3A_52 : memref<256x128xf32, #tpu.memory_space<hbm>>) target_semaphore(%run_scoped3A : memref<!tpu.dma_semaphore, #tpu.memory_space<semaphore_mem>>)
      %dma_wait3A_53 = arith.constant 0 : i32
      %dma_wait3A_54 = tpu.memref_slice %arg4[%add3A_48, %dma_wait3A_53] : memref<32768x128xf32, #tpu.memory_space<hbm>> -> memref<256x128xf32, #tpu.memory_space<hbm>>
      %dma_wait3A_55 = arith.constant 0 : i32
      %dma_wait3A_56 = tpu.memref_slice %arg4[%add3A_48, %dma_wait3A_55] : memref<32768x128xf32, #tpu.memory_space<hbm>> -> memref<256x128xf32, #tpu.memory_space<hbm>>
      tpu.wait_dma2 semaphore(%run_scoped3A : memref<!tpu.dma_semaphore, #tpu.memory_space<semaphore_mem>>) src(%arg7 : memref<256x128xf32, #tpu.memory_space<vmem>>) dst(%dma_wait3A_56 : memref<256x128xf32, #tpu.memory_space<hbm>>)
      tpu.yield
    }) : () -> ()
    return
  }
}

#map = affine_map<(d0, d1) -> (0, 0)>
#map1 = affine_map<(d0, d1) -> (0)>
module attributes {stable_mosaic.version = 14 : i64} {
  func.func @gk(%arg0: i32, %arg1: i32, %arg2: memref<8192x128xf32, #tpu.memory_space<hbm>>, %arg3: memref<32768xi32, #tpu.memory_space<hbm>>, %arg4: memref<32768x128xf32, #tpu.memory_space<hbm>>, %arg5: memref<1024xi32, #tpu.memory_space<vmem>>, %arg6: memref<256x128xf32, #tpu.memory_space<vmem>>, %arg7: memref<256x128xf32, #tpu.memory_space<vmem>>, %arg8: memref<!tpu.dma_semaphore, #tpu.memory_space<semaphore_mem>>, %arg9: memref<!tpu.dma_semaphore, #tpu.memory_space<semaphore_mem>>) attributes {dimension_semantics = [#tpu.dimension_semantics<core_parallel>, #tpu.dimension_semantics<subcore_parallel>], iteration_bounds = array<i64: 2, 16>, scalar_prefetch = 0 : i64, scratch_operands = 5 : i64, tpu.core_type = #tpu.core_type<sc_vector_subcore>, window_params = [{transform_indices = #map}, {transform_indices = #map1}, {transform_indices = #map}]} {
    %mul3A = arith.constant 2 : i32
    %mul3A_0 = arith.muli %arg1, %mul3A : i32
    %add3A = arith.addi %mul3A_0, %arg0 : i32
    %mul3A_1 = arith.constant 1024 : i32
    %mul3A_2 = arith.muli %add3A, %mul3A_1 : i32
    "tpu.region"() ({
      %run_scoped3A = tpu.sem_alloc : memref<!tpu.dma_semaphore, #tpu.memory_space<semaphore_mem>>
      %dma_start3A_49 = tpu.memref_slice %arg3[%mul3A_2] : memref<32768xi32, #tpu.memory_space<hbm>> -> memref<1024xi32, #tpu.memory_space<hbm>>
      %dma_start3A_50 = tpu.memref_slice %arg3[%mul3A_2] : memref<32768xi32, #tpu.memory_space<hbm>> -> memref<1024xi32, #tpu.memory_space<hbm>>
      tpu.enqueue_dma source(%dma_start3A_50 : memref<1024xi32, #tpu.memory_space<hbm>>) target(%arg5 : memref<1024xi32, #tpu.memory_space<vmem>>) target_semaphore(%run_scoped3A : memref<!tpu.dma_semaphore, #tpu.memory_space<semaphore_mem>>)
      %dma_wait3A_51 = tpu.memref_slice %arg3[%mul3A_2] : memref<32768xi32, #tpu.memory_space<hbm>> -> memref<1024xi32, #tpu.memory_space<hbm>>
      %dma_wait3A_52 = tpu.memref_slice %arg3[%mul3A_2] : memref<32768xi32, #tpu.memory_space<hbm>> -> memref<1024xi32, #tpu.memory_space<hbm>>
      tpu.wait_dma2 semaphore(%run_scoped3A : memref<!tpu.dma_semaphore, #tpu.memory_space<semaphore_mem>>) src(%dma_wait3A_52 : memref<1024xi32, #tpu.memory_space<hbm>>) dst(%arg5 : memref<1024xi32, #tpu.memory_space<vmem>>)
      tpu.yield
    }) : () -> ()
    %dma_start3A = arith.constant 0 : i32
    %dma_start3A_3 = tpu.memref_slice %arg5[%dma_start3A] : memref<1024xi32, #tpu.memory_space<vmem>> -> memref<256xi32, #tpu.memory_space<vmem>>
    %dma_start3A_4 = arith.constant 0 : i32
    %dma_start3A_5 = arith.constant 0 : i32
    %dma_start3A_6 = tpu.memref_slice %arg2[%dma_start3A_4, %dma_start3A_5] : memref<8192x128xf32, #tpu.memory_space<hbm>> -> memref<8192x128xf32, #tpu.memory_space<hbm>>
    tpu.enqueue_indirect_dma source(%dma_start3A_6 : memref<8192x128xf32, #tpu.memory_space<hbm>>) target(%arg6 : memref<256x128xf32, #tpu.memory_space<vmem>>) offsets(%dma_start3A_3 : memref<256xi32, #tpu.memory_space<vmem>>) semaphore(%arg8 : memref<!tpu.dma_semaphore, #tpu.memory_space<semaphore_mem>>)
    %dma_start3A_7 = arith.constant 256 : i32
    %dma_start3A_8 = tpu.memref_slice %arg5[%dma_start3A_7] : memref<1024xi32, #tpu.memory_space<vmem>> -> memref<256xi32, #tpu.memory_space<vmem>>
    %dma_start3A_9 = arith.constant 0 : i32
    %dma_start3A_10 = arith.constant 0 : i32
    %dma_start3A_11 = tpu.memref_slice %arg2[%dma_start3A_9, %dma_start3A_10] : memref<8192x128xf32, #tpu.memory_space<hbm>> -> memref<8192x128xf32, #tpu.memory_space<hbm>>
    tpu.enqueue_indirect_dma source(%dma_start3A_11 : memref<8192x128xf32, #tpu.memory_space<hbm>>) target(%arg7 : memref<256x128xf32, #tpu.memory_space<vmem>>) offsets(%dma_start3A_8 : memref<256xi32, #tpu.memory_space<vmem>>) semaphore(%arg9 : memref<!tpu.dma_semaphore, #tpu.memory_space<semaphore_mem>>)
    %dma_wait3A = arith.constant 0 : i32
    %dma_wait3A_12 = tpu.memref_slice %arg5[%dma_wait3A] : memref<1024xi32, #tpu.memory_space<vmem>> -> memref<256xi32, #tpu.memory_space<vmem>>
    %dma_wait3A_13 = arith.constant 0 : i32
    %dma_wait3A_14 = arith.constant 0 : i32
    %dma_wait3A_15 = tpu.memref_slice %arg2[%dma_wait3A_13, %dma_wait3A_14] : memref<8192x128xf32, #tpu.memory_space<hbm>> -> memref<8192x128xf32, #tpu.memory_space<hbm>>
    tpu.wait_indirect_dma semaphore(%arg8 : memref<!tpu.dma_semaphore, #tpu.memory_space<semaphore_mem>>) src(%dma_wait3A_15 : memref<8192x128xf32, #tpu.memory_space<hbm>>) dst(%arg6 : memref<256x128xf32, #tpu.memory_space<vmem>>)
    %add3A_16 = arith.constant 0 : i32
    %add3A_17 = arith.addi %mul3A_2, %add3A_16 : i32
    "tpu.region"() ({
      %run_scoped3A = tpu.sem_alloc : memref<!tpu.dma_semaphore, #tpu.memory_space<semaphore_mem>>
      %dma_start3A_49 = arith.constant 0 : i32
      %dma_start3A_50 = tpu.memref_slice %arg4[%add3A_17, %dma_start3A_49] : memref<32768x128xf32, #tpu.memory_space<hbm>> -> memref<256x128xf32, #tpu.memory_space<hbm>>
      %dma_start3A_51 = arith.constant 0 : i32
      %dma_start3A_52 = tpu.memref_slice %arg4[%add3A_17, %dma_start3A_51] : memref<32768x128xf32, #tpu.memory_space<hbm>> -> memref<256x128xf32, #tpu.memory_space<hbm>>
      tpu.enqueue_dma source(%arg6 : memref<256x128xf32, #tpu.memory_space<vmem>>) target(%dma_start3A_52 : memref<256x128xf32, #tpu.memory_space<hbm>>) target_semaphore(%run_scoped3A : memref<!tpu.dma_semaphore, #tpu.memory_space<semaphore_mem>>)
      %dma_wait3A_53 = arith.constant 0 : i32
      %dma_wait3A_54 = tpu.memref_slice %arg4[%add3A_17, %dma_wait3A_53] : memref<32768x128xf32, #tpu.memory_space<hbm>> -> memref<256x128xf32, #tpu.memory_space<hbm>>
      %dma_wait3A_55 = arith.constant 0 : i32
      %dma_wait3A_56 = tpu.memref_slice %arg4[%add3A_17, %dma_wait3A_55] : memref<32768x128xf32, #tpu.memory_space<hbm>> -> memref<256x128xf32, #tpu.memory_space<hbm>>
      tpu.wait_dma2 semaphore(%run_scoped3A : memref<!tpu.dma_semaphore, #tpu.memory_space<semaphore_mem>>) src(%arg6 : memref<256x128xf32, #tpu.memory_space<vmem>>) dst(%dma_wait3A_56 : memref<256x128xf32, #tpu.memory_space<hbm>>)
      tpu.yield
    }) : () -> ()
    %dma_start3A_18 = arith.constant 512 : i32
    %dma_start3A_19 = tpu.memref_slice %arg5[%dma_start3A_18] : memref<1024xi32, #tpu.memory_space<vmem>> -> memref<256xi32, #tpu.memory_space<vmem>>
    %dma_start3A_20 = arith.constant 0 : i32
    %dma_start3A_21 = arith.constant 0 : i32
    %dma_start3A_22 = tpu.memref_slice %arg2[%dma_start3A_20, %dma_start3A_21] : memref<8192x128xf32, #tpu.memory_space<hbm>> -> memref<8192x128xf32, #tpu.memory_space<hbm>>
    tpu.enqueue_indirect_dma source(%dma_start3A_22 : memref<8192x128xf32, #tpu.memory_space<hbm>>) target(%arg6 : memref<256x128xf32, #tpu.memory_space<vmem>>) offsets(%dma_start3A_19 : memref<256xi32, #tpu.memory_space<vmem>>) semaphore(%arg8 : memref<!tpu.dma_semaphore, #tpu.memory_space<semaphore_mem>>)
    %dma_wait3A_23 = arith.constant 256 : i32
    %dma_wait3A_24 = tpu.memref_slice %arg5[%dma_wait3A_23] : memref<1024xi32, #tpu.memory_space<vmem>> -> memref<256xi32, #tpu.memory_space<vmem>>
    %dma_wait3A_25 = arith.constant 0 : i32
    %dma_wait3A_26 = arith.constant 0 : i32
    %dma_wait3A_27 = tpu.memref_slice %arg2[%dma_wait3A_25, %dma_wait3A_26] : memref<8192x128xf32, #tpu.memory_space<hbm>> -> memref<8192x128xf32, #tpu.memory_space<hbm>>
    tpu.wait_indirect_dma semaphore(%arg9 : memref<!tpu.dma_semaphore, #tpu.memory_space<semaphore_mem>>) src(%dma_wait3A_27 : memref<8192x128xf32, #tpu.memory_space<hbm>>) dst(%arg7 : memref<256x128xf32, #tpu.memory_space<vmem>>)
    %add3A_28 = arith.constant 256 : i32
    %add3A_29 = arith.addi %mul3A_2, %add3A_28 : i32
    "tpu.region"() ({
      %run_scoped3A = tpu.sem_alloc : memref<!tpu.dma_semaphore, #tpu.memory_space<semaphore_mem>>
      %dma_start3A_49 = arith.constant 0 : i32
      %dma_start3A_50 = tpu.memref_slice %arg4[%add3A_29, %dma_start3A_49] : memref<32768x128xf32, #tpu.memory_space<hbm>> -> memref<256x128xf32, #tpu.memory_space<hbm>>
      %dma_start3A_51 = arith.constant 0 : i32
      %dma_start3A_52 = tpu.memref_slice %arg4[%add3A_29, %dma_start3A_51] : memref<32768x128xf32, #tpu.memory_space<hbm>> -> memref<256x128xf32, #tpu.memory_space<hbm>>
      tpu.enqueue_dma source(%arg7 : memref<256x128xf32, #tpu.memory_space<vmem>>) target(%dma_start3A_52 : memref<256x128xf32, #tpu.memory_space<hbm>>) target_semaphore(%run_scoped3A : memref<!tpu.dma_semaphore, #tpu.memory_space<semaphore_mem>>)
      %dma_wait3A_53 = arith.constant 0 : i32
      %dma_wait3A_54 = tpu.memref_slice %arg4[%add3A_29, %dma_wait3A_53] : memref<32768x128xf32, #tpu.memory_space<hbm>> -> memref<256x128xf32, #tpu.memory_space<hbm>>
      %dma_wait3A_55 = arith.constant 0 : i32
      %dma_wait3A_56 = tpu.memref_slice %arg4[%add3A_29, %dma_wait3A_55] : memref<32768x128xf32, #tpu.memory_space<hbm>> -> memref<256x128xf32, #tpu.memory_space<hbm>>
      tpu.wait_dma2 semaphore(%run_scoped3A : memref<!tpu.dma_semaphore, #tpu.memory_space<semaphore_mem>>) src(%arg7 : memref<256x128xf32, #tpu.memory_space<vmem>>) dst(%dma_wait3A_56 : memref<256x128xf32, #tpu.memory_space<hbm>>)
      tpu.yield
    }) : () -> ()
    %dma_start3A_30 = arith.constant 768 : i32
    %dma_start3A_31 = tpu.memref_slice %arg5[%dma_start3A_30] : memref<1024xi32, #tpu.memory_space<vmem>> -> memref<256xi32, #tpu.memory_space<vmem>>
    %dma_start3A_32 = arith.constant 0 : i32
    %dma_start3A_33 = arith.constant 0 : i32
    %dma_start3A_34 = tpu.memref_slice %arg2[%dma_start3A_32, %dma_start3A_33] : memref<8192x128xf32, #tpu.memory_space<hbm>> -> memref<8192x128xf32, #tpu.memory_space<hbm>>
    tpu.enqueue_indirect_dma source(%dma_start3A_34 : memref<8192x128xf32, #tpu.memory_space<hbm>>) target(%arg7 : memref<256x128xf32, #tpu.memory_space<vmem>>) offsets(%dma_start3A_31 : memref<256xi32, #tpu.memory_space<vmem>>) semaphore(%arg9 : memref<!tpu.dma_semaphore, #tpu.memory_space<semaphore_mem>>)
    %dma_wait3A_35 = arith.constant 512 : i32
    %dma_wait3A_36 = tpu.memref_slice %arg5[%dma_wait3A_35] : memref<1024xi32, #tpu.memory_space<vmem>> -> memref<256xi32, #tpu.memory_space<vmem>>
    %dma_wait3A_37 = arith.constant 0 : i32
    %dma_wait3A_38 = arith.constant 0 : i32
    %dma_wait3A_39 = tpu.memref_slice %arg2[%dma_wait3A_37, %dma_wait3A_38] : memref<8192x128xf32, #tpu.memory_space<hbm>> -> memref<8192x128xf32, #tpu.memory_space<hbm>>
    tpu.wait_indirect_dma semaphore(%arg8 : memref<!tpu.dma_semaphore, #tpu.memory_space<semaphore_mem>>) src(%dma_wait3A_39 : memref<8192x128xf32, #tpu.memory_space<hbm>>) dst(%arg6 : memref<256x128xf32, #tpu.memory_space<vmem>>)
    %add3A_40 = arith.constant 512 : i32
    %add3A_41 = arith.addi %mul3A_2, %add3A_40 : i32
    "tpu.region"() ({
      %run_scoped3A = tpu.sem_alloc : memref<!tpu.dma_semaphore, #tpu.memory_space<semaphore_mem>>
      %dma_start3A_49 = arith.constant 0 : i32
      %dma_start3A_50 = tpu.memref_slice %arg4[%add3A_41, %dma_start3A_49] : memref<32768x128xf32, #tpu.memory_space<hbm>> -> memref<256x128xf32, #tpu.memory_space<hbm>>
      %dma_start3A_51 = arith.constant 0 : i32
      %dma_start3A_52 = tpu.memref_slice %arg4[%add3A_41, %dma_start3A_51] : memref<32768x128xf32, #tpu.memory_space<hbm>> -> memref<256x128xf32, #tpu.memory_space<hbm>>
      tpu.enqueue_dma source(%arg6 : memref<256x128xf32, #tpu.memory_space<vmem>>) target(%dma_start3A_52 : memref<256x128xf32, #tpu.memory_space<hbm>>) target_semaphore(%run_scoped3A : memref<!tpu.dma_semaphore, #tpu.memory_space<semaphore_mem>>)
      %dma_wait3A_53 = arith.constant 0 : i32
      %dma_wait3A_54 = tpu.memref_slice %arg4[%add3A_41, %dma_wait3A_53] : memref<32768x128xf32, #tpu.memory_space<hbm>> -> memref<256x128xf32, #tpu.memory_space<hbm>>
      %dma_wait3A_55 = arith.constant 0 : i32
      %dma_wait3A_56 = tpu.memref_slice %arg4[%add3A_41, %dma_wait3A_55] : memref<32768x128xf32, #tpu.memory_space<hbm>> -> memref<256x128xf32, #tpu.memory_space<hbm>>
      tpu.wait_dma2 semaphore(%run_scoped3A : memref<!tpu.dma_semaphore, #tpu.memory_space<semaphore_mem>>) src(%arg6 : memref<256x128xf32, #tpu.memory_space<vmem>>) dst(%dma_wait3A_56 : memref<256x128xf32, #tpu.memory_space<hbm>>)
      tpu.yield
    }) : () -> ()
    %dma_wait3A_42 = arith.constant 768 : i32
    %dma_wait3A_43 = tpu.memref_slice %arg5[%dma_wait3A_42] : memref<1024xi32, #tpu.memory_space<vmem>> -> memref<256xi32, #tpu.memory_space<vmem>>
    %dma_wait3A_44 = arith.constant 0 : i32
    %dma_wait3A_45 = arith.constant 0 : i32
    %dma_wait3A_46 = tpu.memref_slice %arg2[%dma_wait3A_44, %dma_wait3A_45] : memref<8192x128xf32, #tpu.memory_space<hbm>> -> memref<8192x128xf32, #tpu.memory_space<hbm>>
    tpu.wait_indirect_dma semaphore(%arg9 : memref<!tpu.dma_semaphore, #tpu.memory_space<semaphore_mem>>) src(%dma_wait3A_46 : memref<8192x128xf32, #tpu.memory_space<hbm>>) dst(%arg7 : memref<256x128xf32, #tpu.memory_space<vmem>>)
    %add3A_47 = arith.constant 768 : i32
    %add3A_48 = arith.addi %mul3A_2, %add3A_47 : i32
    "tpu.region"() ({
      %run_scoped3A = tpu.sem_alloc : memref<!tpu.dma_semaphore, #tpu.memory_space<semaphore_mem>>
      %dma_start3A_49 = arith.constant 0 : i32
      %dma_start3A_50 = tpu.memref_slice %arg4[%add3A_48, %dma_start3A_49] : memref<32768x128xf32, #tpu.memory_space<hbm>> -> memref<256x128xf32, #tpu.memory_space<hbm>>
      %dma_start3A_51 = arith.constant 0 : i32
      %dma_start3A_52 = tpu.memref_slice %arg4[%add3A_48, %dma_start3A_51] : memref<32768x128xf32, #tpu.memory_space<hbm>> -> memref<256x128xf32, #tpu.memory_space<hbm>>
      tpu.enqueue_dma source(%arg7 : memref<256x128xf32, #tpu.memory_space<vmem>>) target(%dma_start3A_52 : memref<256x128xf32, #tpu.memory_space<hbm>>) target_semaphore(%run_scoped3A : memref<!tpu.dma_semaphore, #tpu.memory_space<semaphore_mem>>)
      %dma_wait3A_53 = arith.constant 0 : i32
      %dma_wait3A_54 = tpu.memref_slice %arg4[%add3A_48, %dma_wait3A_53] : memref<32768x128xf32, #tpu.memory_space<hbm>> -> memref<256x128xf32, #tpu.memory_space<hbm>>
      %dma_wait3A_55 = arith.constant 0 : i32
      %dma_wait3A_56 = tpu.memref_slice %arg4[%add3A_48, %dma_wait3A_55] : memref<32768x128xf32, #tpu.memory_space<hbm>> -> memref<256x128xf32, #tpu.memory_space<hbm>>
      tpu.wait_dma2 semaphore(%run_scoped3A : memref<!tpu.dma_semaphore, #tpu.memory_space<semaphore_mem>>) src(%arg7 : memref<256x128xf32, #tpu.memory_space<vmem>>) dst(%dma_wait3A_56 : memref<256x128xf32, #tpu.memory_space<hbm>>)
      tpu.yield
    }) : () -> ()
    return
  }
}

#map = affine_map<(d0, d1) -> (0, 0)>
#map1 = affine_map<(d0, d1) -> (0)>
module attributes {stable_mosaic.version = 14 : i64} {
  func.func @gk(%arg0: i32, %arg1: i32, %arg2: memref<8192x128xf32, #tpu.memory_space<hbm>>, %arg3: memref<32768xi32, #tpu.memory_space<hbm>>, %arg4: memref<32768x128xf32, #tpu.memory_space<hbm>>, %arg5: memref<1024xi32, #tpu.memory_space<vmem>>, %arg6: memref<256x128xf32, #tpu.memory_space<vmem>>, %arg7: memref<256x128xf32, #tpu.memory_space<vmem>>, %arg8: memref<!tpu.dma_semaphore, #tpu.memory_space<semaphore_mem>>, %arg9: memref<!tpu.dma_semaphore, #tpu.memory_space<semaphore_mem>>) attributes {dimension_semantics = [#tpu.dimension_semantics<core_parallel>, #tpu.dimension_semantics<subcore_parallel>], iteration_bounds = array<i64: 2, 16>, scalar_prefetch = 0 : i64, scratch_operands = 5 : i64, tpu.core_type = #tpu.core_type<sc_vector_subcore>, window_params = [{transform_indices = #map}, {transform_indices = #map1}, {transform_indices = #map}]} {
    %mul3A = arith.constant 2 : i32
    %mul3A_0 = arith.muli %arg1, %mul3A : i32
    %add3A = arith.addi %mul3A_0, %arg0 : i32
    %mul3A_1 = arith.constant 1024 : i32
    %mul3A_2 = arith.muli %add3A, %mul3A_1 : i32
    "tpu.region"() ({
      %run_scoped3A = tpu.sem_alloc : memref<!tpu.dma_semaphore, #tpu.memory_space<semaphore_mem>>
      %dma_start3A_49 = tpu.memref_slice %arg3[%mul3A_2] : memref<32768xi32, #tpu.memory_space<hbm>> -> memref<1024xi32, #tpu.memory_space<hbm>>
      %dma_start3A_50 = tpu.memref_slice %arg3[%mul3A_2] : memref<32768xi32, #tpu.memory_space<hbm>> -> memref<1024xi32, #tpu.memory_space<hbm>>
      tpu.enqueue_dma source(%dma_start3A_50 : memref<1024xi32, #tpu.memory_space<hbm>>) target(%arg5 : memref<1024xi32, #tpu.memory_space<vmem>>) target_semaphore(%run_scoped3A : memref<!tpu.dma_semaphore, #tpu.memory_space<semaphore_mem>>)
      %dma_wait3A_51 = tpu.memref_slice %arg3[%mul3A_2] : memref<32768xi32, #tpu.memory_space<hbm>> -> memref<1024xi32, #tpu.memory_space<hbm>>
      %dma_wait3A_52 = tpu.memref_slice %arg3[%mul3A_2] : memref<32768xi32, #tpu.memory_space<hbm>> -> memref<1024xi32, #tpu.memory_space<hbm>>
      tpu.wait_dma2 semaphore(%run_scoped3A : memref<!tpu.dma_semaphore, #tpu.memory_space<semaphore_mem>>) src(%dma_wait3A_52 : memref<1024xi32, #tpu.memory_space<hbm>>) dst(%arg5 : memref<1024xi32, #tpu.memory_space<vmem>>)
      tpu.yield
    }) : () -> ()
    %dma_start3A = arith.constant 0 : i32
    %dma_start3A_3 = tpu.memref_slice %arg5[%dma_start3A] : memref<1024xi32, #tpu.memory_space<vmem>> -> memref<256xi32, #tpu.memory_space<vmem>>
    %dma_start3A_4 = arith.constant 0 : i32
    %dma_start3A_5 = arith.constant 0 : i32
    %dma_start3A_6 = tpu.memref_slice %arg2[%dma_start3A_4, %dma_start3A_5] : memref<8192x128xf32, #tpu.memory_space<hbm>> -> memref<8192x128xf32, #tpu.memory_space<hbm>>
    tpu.enqueue_indirect_dma source(%dma_start3A_6 : memref<8192x128xf32, #tpu.memory_space<hbm>>) target(%arg6 : memref<256x128xf32, #tpu.memory_space<vmem>>) offsets(%dma_start3A_3 : memref<256xi32, #tpu.memory_space<vmem>>) semaphore(%arg8 : memref<!tpu.dma_semaphore, #tpu.memory_space<semaphore_mem>>)
    %dma_start3A_7 = arith.constant 256 : i32
    %dma_start3A_8 = tpu.memref_slice %arg5[%dma_start3A_7] : memref<1024xi32, #tpu.memory_space<vmem>> -> memref<256xi32, #tpu.memory_space<vmem>>
    %dma_start3A_9 = arith.constant 0 : i32
    %dma_start3A_10 = arith.constant 0 : i32
    %dma_start3A_11 = tpu.memref_slice %arg2[%dma_start3A_9, %dma_start3A_10] : memref<8192x128xf32, #tpu.memory_space<hbm>> -> memref<8192x128xf32, #tpu.memory_space<hbm>>
    tpu.enqueue_indirect_dma source(%dma_start3A_11 : memref<8192x128xf32, #tpu.memory_space<hbm>>) target(%arg7 : memref<256x128xf32, #tpu.memory_space<vmem>>) offsets(%dma_start3A_8 : memref<256xi32, #tpu.memory_space<vmem>>) semaphore(%arg9 : memref<!tpu.dma_semaphore, #tpu.memory_space<semaphore_mem>>)
    %dma_wait3A = arith.constant 0 : i32
    %dma_wait3A_12 = tpu.memref_slice %arg5[%dma_wait3A] : memref<1024xi32, #tpu.memory_space<vmem>> -> memref<256xi32, #tpu.memory_space<vmem>>
    %dma_wait3A_13 = arith.constant 0 : i32
    %dma_wait3A_14 = arith.constant 0 : i32
    %dma_wait3A_15 = tpu.memref_slice %arg2[%dma_wait3A_13, %dma_wait3A_14] : memref<8192x128xf32, #tpu.memory_space<hbm>> -> memref<8192x128xf32, #tpu.memory_space<hbm>>
    tpu.wait_indirect_dma semaphore(%arg8 : memref<!tpu.dma_semaphore, #tpu.memory_space<semaphore_mem>>) src(%dma_wait3A_15 : memref<8192x128xf32, #tpu.memory_space<hbm>>) dst(%arg6 : memref<256x128xf32, #tpu.memory_space<vmem>>)
    %add3A_16 = arith.constant 0 : i32
    %add3A_17 = arith.addi %mul3A_2, %add3A_16 : i32
    "tpu.region"() ({
      %run_scoped3A = tpu.sem_alloc : memref<!tpu.dma_semaphore, #tpu.memory_space<semaphore_mem>>
      %dma_start3A_49 = arith.constant 0 : i32
      %dma_start3A_50 = tpu.memref_slice %arg4[%add3A_17, %dma_start3A_49] : memref<32768x128xf32, #tpu.memory_space<hbm>> -> memref<256x128xf32, #tpu.memory_space<hbm>>
      %dma_start3A_51 = arith.constant 0 : i32
      %dma_start3A_52 = tpu.memref_slice %arg4[%add3A_17, %dma_start3A_51] : memref<32768x128xf32, #tpu.memory_space<hbm>> -> memref<256x128xf32, #tpu.memory_space<hbm>>
      tpu.enqueue_dma source(%arg6 : memref<256x128xf32, #tpu.memory_space<vmem>>) target(%dma_start3A_52 : memref<256x128xf32, #tpu.memory_space<hbm>>) target_semaphore(%run_scoped3A : memref<!tpu.dma_semaphore, #tpu.memory_space<semaphore_mem>>)
      %dma_wait3A_53 = arith.constant 0 : i32
      %dma_wait3A_54 = tpu.memref_slice %arg4[%add3A_17, %dma_wait3A_53] : memref<32768x128xf32, #tpu.memory_space<hbm>> -> memref<256x128xf32, #tpu.memory_space<hbm>>
      %dma_wait3A_55 = arith.constant 0 : i32
      %dma_wait3A_56 = tpu.memref_slice %arg4[%add3A_17, %dma_wait3A_55] : memref<32768x128xf32, #tpu.memory_space<hbm>> -> memref<256x128xf32, #tpu.memory_space<hbm>>
      tpu.wait_dma2 semaphore(%run_scoped3A : memref<!tpu.dma_semaphore, #tpu.memory_space<semaphore_mem>>) src(%arg6 : memref<256x128xf32, #tpu.memory_space<vmem>>) dst(%dma_wait3A_56 : memref<256x128xf32, #tpu.memory_space<hbm>>)
      tpu.yield
    }) : () -> ()
    %dma_start3A_18 = arith.constant 512 : i32
    %dma_start3A_19 = tpu.memref_slice %arg5[%dma_start3A_18] : memref<1024xi32, #tpu.memory_space<vmem>> -> memref<256xi32, #tpu.memory_space<vmem>>
    %dma_start3A_20 = arith.constant 0 : i32
    %dma_start3A_21 = arith.constant 0 : i32
    %dma_start3A_22 = tpu.memref_slice %arg2[%dma_start3A_20, %dma_start3A_21] : memref<8192x128xf32, #tpu.memory_space<hbm>> -> memref<8192x128xf32, #tpu.memory_space<hbm>>
    tpu.enqueue_indirect_dma source(%dma_start3A_22 : memref<8192x128xf32, #tpu.memory_space<hbm>>) target(%arg6 : memref<256x128xf32, #tpu.memory_space<vmem>>) offsets(%dma_start3A_19 : memref<256xi32, #tpu.memory_space<vmem>>) semaphore(%arg8 : memref<!tpu.dma_semaphore, #tpu.memory_space<semaphore_mem>>)
    %dma_wait3A_23 = arith.constant 256 : i32
    %dma_wait3A_24 = tpu.memref_slice %arg5[%dma_wait3A_23] : memref<1024xi32, #tpu.memory_space<vmem>> -> memref<256xi32, #tpu.memory_space<vmem>>
    %dma_wait3A_25 = arith.constant 0 : i32
    %dma_wait3A_26 = arith.constant 0 : i32
    %dma_wait3A_27 = tpu.memref_slice %arg2[%dma_wait3A_25, %dma_wait3A_26] : memref<8192x128xf32, #tpu.memory_space<hbm>> -> memref<8192x128xf32, #tpu.memory_space<hbm>>
    tpu.wait_indirect_dma semaphore(%arg9 : memref<!tpu.dma_semaphore, #tpu.memory_space<semaphore_mem>>) src(%dma_wait3A_27 : memref<8192x128xf32, #tpu.memory_space<hbm>>) dst(%arg7 : memref<256x128xf32, #tpu.memory_space<vmem>>)
    %add3A_28 = arith.constant 256 : i32
    %add3A_29 = arith.addi %mul3A_2, %add3A_28 : i32
    "tpu.region"() ({
      %run_scoped3A = tpu.sem_alloc : memref<!tpu.dma_semaphore, #tpu.memory_space<semaphore_mem>>
      %dma_start3A_49 = arith.constant 0 : i32
      %dma_start3A_50 = tpu.memref_slice %arg4[%add3A_29, %dma_start3A_49] : memref<32768x128xf32, #tpu.memory_space<hbm>> -> memref<256x128xf32, #tpu.memory_space<hbm>>
      %dma_start3A_51 = arith.constant 0 : i32
      %dma_start3A_52 = tpu.memref_slice %arg4[%add3A_29, %dma_start3A_51] : memref<32768x128xf32, #tpu.memory_space<hbm>> -> memref<256x128xf32, #tpu.memory_space<hbm>>
      tpu.enqueue_dma source(%arg7 : memref<256x128xf32, #tpu.memory_space<vmem>>) target(%dma_start3A_52 : memref<256x128xf32, #tpu.memory_space<hbm>>) target_semaphore(%run_scoped3A : memref<!tpu.dma_semaphore, #tpu.memory_space<semaphore_mem>>)
      %dma_wait3A_53 = arith.constant 0 : i32
      %dma_wait3A_54 = tpu.memref_slice %arg4[%add3A_29, %dma_wait3A_53] : memref<32768x128xf32, #tpu.memory_space<hbm>> -> memref<256x128xf32, #tpu.memory_space<hbm>>
      %dma_wait3A_55 = arith.constant 0 : i32
      %dma_wait3A_56 = tpu.memref_slice %arg4[%add3A_29, %dma_wait3A_55] : memref<32768x128xf32, #tpu.memory_space<hbm>> -> memref<256x128xf32, #tpu.memory_space<hbm>>
      tpu.wait_dma2 semaphore(%run_scoped3A : memref<!tpu.dma_semaphore, #tpu.memory_space<semaphore_mem>>) src(%arg7 : memref<256x128xf32, #tpu.memory_space<vmem>>) dst(%dma_wait3A_56 : memref<256x128xf32, #tpu.memory_space<hbm>>)
      tpu.yield
    }) : () -> ()
    %dma_start3A_30 = arith.constant 768 : i32
    %dma_start3A_31 = tpu.memref_slice %arg5[%dma_start3A_30] : memref<1024xi32, #tpu.memory_space<vmem>> -> memref<256xi32, #tpu.memory_space<vmem>>
    %dma_start3A_32 = arith.constant 0 : i32
    %dma_start3A_33 = arith.constant 0 : i32
    %dma_start3A_34 = tpu.memref_slice %arg2[%dma_start3A_32, %dma_start3A_33] : memref<8192x128xf32, #tpu.memory_space<hbm>> -> memref<8192x128xf32, #tpu.memory_space<hbm>>
    tpu.enqueue_indirect_dma source(%dma_start3A_34 : memref<8192x128xf32, #tpu.memory_space<hbm>>) target(%arg7 : memref<256x128xf32, #tpu.memory_space<vmem>>) offsets(%dma_start3A_31 : memref<256xi32, #tpu.memory_space<vmem>>) semaphore(%arg9 : memref<!tpu.dma_semaphore, #tpu.memory_space<semaphore_mem>>)
    %dma_wait3A_35 = arith.constant 512 : i32
    %dma_wait3A_36 = tpu.memref_slice %arg5[%dma_wait3A_35] : memref<1024xi32, #tpu.memory_space<vmem>> -> memref<256xi32, #tpu.memory_space<vmem>>
    %dma_wait3A_37 = arith.constant 0 : i32
    %dma_wait3A_38 = arith.constant 0 : i32
    %dma_wait3A_39 = tpu.memref_slice %arg2[%dma_wait3A_37, %dma_wait3A_38] : memref<8192x128xf32, #tpu.memory_space<hbm>> -> memref<8192x128xf32, #tpu.memory_space<hbm>>
    tpu.wait_indirect_dma semaphore(%arg8 : memref<!tpu.dma_semaphore, #tpu.memory_space<semaphore_mem>>) src(%dma_wait3A_39 : memref<8192x128xf32, #tpu.memory_space<hbm>>) dst(%arg6 : memref<256x128xf32, #tpu.memory_space<vmem>>)
    %add3A_40 = arith.constant 512 : i32
    %add3A_41 = arith.addi %mul3A_2, %add3A_40 : i32
    "tpu.region"() ({
      %run_scoped3A = tpu.sem_alloc : memref<!tpu.dma_semaphore, #tpu.memory_space<semaphore_mem>>
      %dma_start3A_49 = arith.constant 0 : i32
      %dma_start3A_50 = tpu.memref_slice %arg4[%add3A_41, %dma_start3A_49] : memref<32768x128xf32, #tpu.memory_space<hbm>> -> memref<256x128xf32, #tpu.memory_space<hbm>>
      %dma_start3A_51 = arith.constant 0 : i32
      %dma_start3A_52 = tpu.memref_slice %arg4[%add3A_41, %dma_start3A_51] : memref<32768x128xf32, #tpu.memory_space<hbm>> -> memref<256x128xf32, #tpu.memory_space<hbm>>
      tpu.enqueue_dma source(%arg6 : memref<256x128xf32, #tpu.memory_space<vmem>>) target(%dma_start3A_52 : memref<256x128xf32, #tpu.memory_space<hbm>>) target_semaphore(%run_scoped3A : memref<!tpu.dma_semaphore, #tpu.memory_space<semaphore_mem>>)
      %dma_wait3A_53 = arith.constant 0 : i32
      %dma_wait3A_54 = tpu.memref_slice %arg4[%add3A_41, %dma_wait3A_53] : memref<32768x128xf32, #tpu.memory_space<hbm>> -> memref<256x128xf32, #tpu.memory_space<hbm>>
      %dma_wait3A_55 = arith.constant 0 : i32
      %dma_wait3A_56 = tpu.memref_slice %arg4[%add3A_41, %dma_wait3A_55] : memref<32768x128xf32, #tpu.memory_space<hbm>> -> memref<256x128xf32, #tpu.memory_space<hbm>>
      tpu.wait_dma2 semaphore(%run_scoped3A : memref<!tpu.dma_semaphore, #tpu.memory_space<semaphore_mem>>) src(%arg6 : memref<256x128xf32, #tpu.memory_space<vmem>>) dst(%dma_wait3A_56 : memref<256x128xf32, #tpu.memory_space<hbm>>)
      tpu.yield
    }) : () -> ()
    %dma_wait3A_42 = arith.constant 768 : i32
    %dma_wait3A_43 = tpu.memref_slice %arg5[%dma_wait3A_42] : memref<1024xi32, #tpu.memory_space<vmem>> -> memref<256xi32, #tpu.memory_space<vmem>>
    %dma_wait3A_44 = arith.constant 0 : i32
    %dma_wait3A_45 = arith.constant 0 : i32
    %dma_wait3A_46 = tpu.memref_slice %arg2[%dma_wait3A_44, %dma_wait3A_45] : memref<8192x128xf32, #tpu.memory_space<hbm>> -> memref<8192x128xf32, #tpu.memory_space<hbm>>
    tpu.wait_indirect_dma semaphore(%arg9 : memref<!tpu.dma_semaphore, #tpu.memory_space<semaphore_mem>>) src(%dma_wait3A_46 : memref<8192x128xf32, #tpu.memory_space<hbm>>) dst(%arg7 : memref<256x128xf32, #tpu.memory_space<vmem>>)
    %add3A_47 = arith.constant 768 : i32
    %add3A_48 = arith.addi %mul3A_2, %add3A_47 : i32
    "tpu.region"() ({
      %run_scoped3A = tpu.sem_alloc : memref<!tpu.dma_semaphore, #tpu.memory_space<semaphore_mem>>
      %dma_start3A_49 = arith.constant 0 : i32
      %dma_start3A_50 = tpu.memref_slice %arg4[%add3A_48, %dma_start3A_49] : memref<32768x128xf32, #tpu.memory_space<hbm>> -> memref<256x128xf32, #tpu.memory_space<hbm>>
      %dma_start3A_51 = arith.constant 0 : i32
      %dma_start3A_52 = tpu.memref_slice %arg4[%add3A_48, %dma_start3A_51] : memref<32768x128xf32, #tpu.memory_space<hbm>> -> memref<256x128xf32, #tpu.memory_space<hbm>>
      tpu.enqueue_dma source(%arg7 : memref<256x128xf32, #tpu.memory_space<vmem>>) target(%dma_start3A_52 : memref<256x128xf32, #tpu.memory_space<hbm>>) target_semaphore(%run_scoped3A : memref<!tpu.dma_semaphore, #tpu.memory_space<semaphore_mem>>)
      %dma_wait3A_53 = arith.constant 0 : i32
      %dma_wait3A_54 = tpu.memref_slice %arg4[%add3A_48, %dma_wait3A_53] : memref<32768x128xf32, #tpu.memory_space<hbm>> -> memref<256x128xf32, #tpu.memory_space<hbm>>
      %dma_wait3A_55 = arith.constant 0 : i32
      %dma_wait3A_56 = tpu.memref_slice %arg4[%add3A_48, %dma_wait3A_55] : memref<32768x128xf32, #tpu.memory_space<hbm>> -> memref<256x128xf32, #tpu.memory_space<hbm>>
      tpu.wait_dma2 semaphore(%run_scoped3A : memref<!tpu.dma_semaphore, #tpu.memory_space<semaphore_mem>>) src(%arg7 : memref<256x128xf32, #tpu.memory_space<vmem>>) dst(%dma_wait3A_56 : memref<256x128xf32, #tpu.memory_space<hbm>>)
      tpu.yield
    }) : () -> ()
    return
  }
}

#map = affine_map<(d0, d1) -> (0, 0)>
#map1 = affine_map<(d0, d1) -> (0)>
module attributes {stable_mosaic.version = 14 : i64} {
  func.func @gk(%arg0: i32, %arg1: i32, %arg2: memref<8192x128xf32, #tpu.memory_space<hbm>>, %arg3: memref<32768xi32, #tpu.memory_space<hbm>>, %arg4: memref<32768x128xf32, #tpu.memory_space<hbm>>, %arg5: memref<1024xi32, #tpu.memory_space<vmem>>, %arg6: memref<256x128xf32, #tpu.memory_space<vmem>>, %arg7: memref<256x128xf32, #tpu.memory_space<vmem>>, %arg8: memref<!tpu.dma_semaphore, #tpu.memory_space<semaphore_mem>>, %arg9: memref<!tpu.dma_semaphore, #tpu.memory_space<semaphore_mem>>) attributes {dimension_semantics = [#tpu.dimension_semantics<core_parallel>, #tpu.dimension_semantics<subcore_parallel>], iteration_bounds = array<i64: 2, 16>, scalar_prefetch = 0 : i64, scratch_operands = 5 : i64, tpu.core_type = #tpu.core_type<sc_vector_subcore>, window_params = [{transform_indices = #map}, {transform_indices = #map1}, {transform_indices = #map}]} {
    %mul3A = arith.constant 2 : i32
    %mul3A_0 = arith.muli %arg1, %mul3A : i32
    %add3A = arith.addi %mul3A_0, %arg0 : i32
    %mul3A_1 = arith.constant 1024 : i32
    %mul3A_2 = arith.muli %add3A, %mul3A_1 : i32
    "tpu.region"() ({
      %run_scoped3A = tpu.sem_alloc : memref<!tpu.dma_semaphore, #tpu.memory_space<semaphore_mem>>
      %dma_start3A_49 = tpu.memref_slice %arg3[%mul3A_2] : memref<32768xi32, #tpu.memory_space<hbm>> -> memref<1024xi32, #tpu.memory_space<hbm>>
      %dma_start3A_50 = tpu.memref_slice %arg3[%mul3A_2] : memref<32768xi32, #tpu.memory_space<hbm>> -> memref<1024xi32, #tpu.memory_space<hbm>>
      tpu.enqueue_dma source(%dma_start3A_50 : memref<1024xi32, #tpu.memory_space<hbm>>) target(%arg5 : memref<1024xi32, #tpu.memory_space<vmem>>) target_semaphore(%run_scoped3A : memref<!tpu.dma_semaphore, #tpu.memory_space<semaphore_mem>>)
      %dma_wait3A_51 = tpu.memref_slice %arg3[%mul3A_2] : memref<32768xi32, #tpu.memory_space<hbm>> -> memref<1024xi32, #tpu.memory_space<hbm>>
      %dma_wait3A_52 = tpu.memref_slice %arg3[%mul3A_2] : memref<32768xi32, #tpu.memory_space<hbm>> -> memref<1024xi32, #tpu.memory_space<hbm>>
      tpu.wait_dma2 semaphore(%run_scoped3A : memref<!tpu.dma_semaphore, #tpu.memory_space<semaphore_mem>>) src(%dma_wait3A_52 : memref<1024xi32, #tpu.memory_space<hbm>>) dst(%arg5 : memref<1024xi32, #tpu.memory_space<vmem>>)
      tpu.yield
    }) : () -> ()
    %dma_start3A = arith.constant 0 : i32
    %dma_start3A_3 = tpu.memref_slice %arg5[%dma_start3A] : memref<1024xi32, #tpu.memory_space<vmem>> -> memref<256xi32, #tpu.memory_space<vmem>>
    %dma_start3A_4 = arith.constant 0 : i32
    %dma_start3A_5 = arith.constant 0 : i32
    %dma_start3A_6 = tpu.memref_slice %arg2[%dma_start3A_4, %dma_start3A_5] : memref<8192x128xf32, #tpu.memory_space<hbm>> -> memref<8192x128xf32, #tpu.memory_space<hbm>>
    tpu.enqueue_indirect_dma source(%dma_start3A_6 : memref<8192x128xf32, #tpu.memory_space<hbm>>) target(%arg6 : memref<256x128xf32, #tpu.memory_space<vmem>>) offsets(%dma_start3A_3 : memref<256xi32, #tpu.memory_space<vmem>>) semaphore(%arg8 : memref<!tpu.dma_semaphore, #tpu.memory_space<semaphore_mem>>)
    %dma_start3A_7 = arith.constant 256 : i32
    %dma_start3A_8 = tpu.memref_slice %arg5[%dma_start3A_7] : memref<1024xi32, #tpu.memory_space<vmem>> -> memref<256xi32, #tpu.memory_space<vmem>>
    %dma_start3A_9 = arith.constant 0 : i32
    %dma_start3A_10 = arith.constant 0 : i32
    %dma_start3A_11 = tpu.memref_slice %arg2[%dma_start3A_9, %dma_start3A_10] : memref<8192x128xf32, #tpu.memory_space<hbm>> -> memref<8192x128xf32, #tpu.memory_space<hbm>>
    tpu.enqueue_indirect_dma source(%dma_start3A_11 : memref<8192x128xf32, #tpu.memory_space<hbm>>) target(%arg7 : memref<256x128xf32, #tpu.memory_space<vmem>>) offsets(%dma_start3A_8 : memref<256xi32, #tpu.memory_space<vmem>>) semaphore(%arg9 : memref<!tpu.dma_semaphore, #tpu.memory_space<semaphore_mem>>)
    %dma_wait3A = arith.constant 0 : i32
    %dma_wait3A_12 = tpu.memref_slice %arg5[%dma_wait3A] : memref<1024xi32, #tpu.memory_space<vmem>> -> memref<256xi32, #tpu.memory_space<vmem>>
    %dma_wait3A_13 = arith.constant 0 : i32
    %dma_wait3A_14 = arith.constant 0 : i32
    %dma_wait3A_15 = tpu.memref_slice %arg2[%dma_wait3A_13, %dma_wait3A_14] : memref<8192x128xf32, #tpu.memory_space<hbm>> -> memref<8192x128xf32, #tpu.memory_space<hbm>>
    tpu.wait_indirect_dma semaphore(%arg8 : memref<!tpu.dma_semaphore, #tpu.memory_space<semaphore_mem>>) src(%dma_wait3A_15 : memref<8192x128xf32, #tpu.memory_space<hbm>>) dst(%arg6 : memref<256x128xf32, #tpu.memory_space<vmem>>)
    %add3A_16 = arith.constant 0 : i32
    %add3A_17 = arith.addi %mul3A_2, %add3A_16 : i32
    "tpu.region"() ({
      %run_scoped3A = tpu.sem_alloc : memref<!tpu.dma_semaphore, #tpu.memory_space<semaphore_mem>>
      %dma_start3A_49 = arith.constant 0 : i32
      %dma_start3A_50 = tpu.memref_slice %arg4[%add3A_17, %dma_start3A_49] : memref<32768x128xf32, #tpu.memory_space<hbm>> -> memref<256x128xf32, #tpu.memory_space<hbm>>
      %dma_start3A_51 = arith.constant 0 : i32
      %dma_start3A_52 = tpu.memref_slice %arg4[%add3A_17, %dma_start3A_51] : memref<32768x128xf32, #tpu.memory_space<hbm>> -> memref<256x128xf32, #tpu.memory_space<hbm>>
      tpu.enqueue_dma source(%arg6 : memref<256x128xf32, #tpu.memory_space<vmem>>) target(%dma_start3A_52 : memref<256x128xf32, #tpu.memory_space<hbm>>) target_semaphore(%run_scoped3A : memref<!tpu.dma_semaphore, #tpu.memory_space<semaphore_mem>>)
      %dma_wait3A_53 = arith.constant 0 : i32
      %dma_wait3A_54 = tpu.memref_slice %arg4[%add3A_17, %dma_wait3A_53] : memref<32768x128xf32, #tpu.memory_space<hbm>> -> memref<256x128xf32, #tpu.memory_space<hbm>>
      %dma_wait3A_55 = arith.constant 0 : i32
      %dma_wait3A_56 = tpu.memref_slice %arg4[%add3A_17, %dma_wait3A_55] : memref<32768x128xf32, #tpu.memory_space<hbm>> -> memref<256x128xf32, #tpu.memory_space<hbm>>
      tpu.wait_dma2 semaphore(%run_scoped3A : memref<!tpu.dma_semaphore, #tpu.memory_space<semaphore_mem>>) src(%arg6 : memref<256x128xf32, #tpu.memory_space<vmem>>) dst(%dma_wait3A_56 : memref<256x128xf32, #tpu.memory_space<hbm>>)
      tpu.yield
    }) : () -> ()
    %dma_start3A_18 = arith.constant 512 : i32
    %dma_start3A_19 = tpu.memref_slice %arg5[%dma_start3A_18] : memref<1024xi32, #tpu.memory_space<vmem>> -> memref<256xi32, #tpu.memory_space<vmem>>
    %dma_start3A_20 = arith.constant 0 : i32
    %dma_start3A_21 = arith.constant 0 : i32
    %dma_start3A_22 = tpu.memref_slice %arg2[%dma_start3A_20, %dma_start3A_21] : memref<8192x128xf32, #tpu.memory_space<hbm>> -> memref<8192x128xf32, #tpu.memory_space<hbm>>
    tpu.enqueue_indirect_dma source(%dma_start3A_22 : memref<8192x128xf32, #tpu.memory_space<hbm>>) target(%arg6 : memref<256x128xf32, #tpu.memory_space<vmem>>) offsets(%dma_start3A_19 : memref<256xi32, #tpu.memory_space<vmem>>) semaphore(%arg8 : memref<!tpu.dma_semaphore, #tpu.memory_space<semaphore_mem>>)
    %dma_wait3A_23 = arith.constant 256 : i32
    %dma_wait3A_24 = tpu.memref_slice %arg5[%dma_wait3A_23] : memref<1024xi32, #tpu.memory_space<vmem>> -> memref<256xi32, #tpu.memory_space<vmem>>
    %dma_wait3A_25 = arith.constant 0 : i32
    %dma_wait3A_26 = arith.constant 0 : i32
    %dma_wait3A_27 = tpu.memref_slice %arg2[%dma_wait3A_25, %dma_wait3A_26] : memref<8192x128xf32, #tpu.memory_space<hbm>> -> memref<8192x128xf32, #tpu.memory_space<hbm>>
    tpu.wait_indirect_dma semaphore(%arg9 : memref<!tpu.dma_semaphore, #tpu.memory_space<semaphore_mem>>) src(%dma_wait3A_27 : memref<8192x128xf32, #tpu.memory_space<hbm>>) dst(%arg7 : memref<256x128xf32, #tpu.memory_space<vmem>>)
    %add3A_28 = arith.constant 256 : i32
    %add3A_29 = arith.addi %mul3A_2, %add3A_28 : i32
    "tpu.region"() ({
      %run_scoped3A = tpu.sem_alloc : memref<!tpu.dma_semaphore, #tpu.memory_space<semaphore_mem>>
      %dma_start3A_49 = arith.constant 0 : i32
      %dma_start3A_50 = tpu.memref_slice %arg4[%add3A_29, %dma_start3A_49] : memref<32768x128xf32, #tpu.memory_space<hbm>> -> memref<256x128xf32, #tpu.memory_space<hbm>>
      %dma_start3A_51 = arith.constant 0 : i32
      %dma_start3A_52 = tpu.memref_slice %arg4[%add3A_29, %dma_start3A_51] : memref<32768x128xf32, #tpu.memory_space<hbm>> -> memref<256x128xf32, #tpu.memory_space<hbm>>
      tpu.enqueue_dma source(%arg7 : memref<256x128xf32, #tpu.memory_space<vmem>>) target(%dma_start3A_52 : memref<256x128xf32, #tpu.memory_space<hbm>>) target_semaphore(%run_scoped3A : memref<!tpu.dma_semaphore, #tpu.memory_space<semaphore_mem>>)
      %dma_wait3A_53 = arith.constant 0 : i32
      %dma_wait3A_54 = tpu.memref_slice %arg4[%add3A_29, %dma_wait3A_53] : memref<32768x128xf32, #tpu.memory_space<hbm>> -> memref<256x128xf32, #tpu.memory_space<hbm>>
      %dma_wait3A_55 = arith.constant 0 : i32
      %dma_wait3A_56 = tpu.memref_slice %arg4[%add3A_29, %dma_wait3A_55] : memref<32768x128xf32, #tpu.memory_space<hbm>> -> memref<256x128xf32, #tpu.memory_space<hbm>>
      tpu.wait_dma2 semaphore(%run_scoped3A : memref<!tpu.dma_semaphore, #tpu.memory_space<semaphore_mem>>) src(%arg7 : memref<256x128xf32, #tpu.memory_space<vmem>>) dst(%dma_wait3A_56 : memref<256x128xf32, #tpu.memory_space<hbm>>)
      tpu.yield
    }) : () -> ()
    %dma_start3A_30 = arith.constant 768 : i32
    %dma_start3A_31 = tpu.memref_slice %arg5[%dma_start3A_30] : memref<1024xi32, #tpu.memory_space<vmem>> -> memref<256xi32, #tpu.memory_space<vmem>>
    %dma_start3A_32 = arith.constant 0 : i32
    %dma_start3A_33 = arith.constant 0 : i32
    %dma_start3A_34 = tpu.memref_slice %arg2[%dma_start3A_32, %dma_start3A_33] : memref<8192x128xf32, #tpu.memory_space<hbm>> -> memref<8192x128xf32, #tpu.memory_space<hbm>>
    tpu.enqueue_indirect_dma source(%dma_start3A_34 : memref<8192x128xf32, #tpu.memory_space<hbm>>) target(%arg7 : memref<256x128xf32, #tpu.memory_space<vmem>>) offsets(%dma_start3A_31 : memref<256xi32, #tpu.memory_space<vmem>>) semaphore(%arg9 : memref<!tpu.dma_semaphore, #tpu.memory_space<semaphore_mem>>)
    %dma_wait3A_35 = arith.constant 512 : i32
    %dma_wait3A_36 = tpu.memref_slice %arg5[%dma_wait3A_35] : memref<1024xi32, #tpu.memory_space<vmem>> -> memref<256xi32, #tpu.memory_space<vmem>>
    %dma_wait3A_37 = arith.constant 0 : i32
    %dma_wait3A_38 = arith.constant 0 : i32
    %dma_wait3A_39 = tpu.memref_slice %arg2[%dma_wait3A_37, %dma_wait3A_38] : memref<8192x128xf32, #tpu.memory_space<hbm>> -> memref<8192x128xf32, #tpu.memory_space<hbm>>
    tpu.wait_indirect_dma semaphore(%arg8 : memref<!tpu.dma_semaphore, #tpu.memory_space<semaphore_mem>>) src(%dma_wait3A_39 : memref<8192x128xf32, #tpu.memory_space<hbm>>) dst(%arg6 : memref<256x128xf32, #tpu.memory_space<vmem>>)
    %add3A_40 = arith.constant 512 : i32
    %add3A_41 = arith.addi %mul3A_2, %add3A_40 : i32
    "tpu.region"() ({
      %run_scoped3A = tpu.sem_alloc : memref<!tpu.dma_semaphore, #tpu.memory_space<semaphore_mem>>
      %dma_start3A_49 = arith.constant 0 : i32
      %dma_start3A_50 = tpu.memref_slice %arg4[%add3A_41, %dma_start3A_49] : memref<32768x128xf32, #tpu.memory_space<hbm>> -> memref<256x128xf32, #tpu.memory_space<hbm>>
      %dma_start3A_51 = arith.constant 0 : i32
      %dma_start3A_52 = tpu.memref_slice %arg4[%add3A_41, %dma_start3A_51] : memref<32768x128xf32, #tpu.memory_space<hbm>> -> memref<256x128xf32, #tpu.memory_space<hbm>>
      tpu.enqueue_dma source(%arg6 : memref<256x128xf32, #tpu.memory_space<vmem>>) target(%dma_start3A_52 : memref<256x128xf32, #tpu.memory_space<hbm>>) target_semaphore(%run_scoped3A : memref<!tpu.dma_semaphore, #tpu.memory_space<semaphore_mem>>)
      %dma_wait3A_53 = arith.constant 0 : i32
      %dma_wait3A_54 = tpu.memref_slice %arg4[%add3A_41, %dma_wait3A_53] : memref<32768x128xf32, #tpu.memory_space<hbm>> -> memref<256x128xf32, #tpu.memory_space<hbm>>
      %dma_wait3A_55 = arith.constant 0 : i32
      %dma_wait3A_56 = tpu.memref_slice %arg4[%add3A_41, %dma_wait3A_55] : memref<32768x128xf32, #tpu.memory_space<hbm>> -> memref<256x128xf32, #tpu.memory_space<hbm>>
      tpu.wait_dma2 semaphore(%run_scoped3A : memref<!tpu.dma_semaphore, #tpu.memory_space<semaphore_mem>>) src(%arg6 : memref<256x128xf32, #tpu.memory_space<vmem>>) dst(%dma_wait3A_56 : memref<256x128xf32, #tpu.memory_space<hbm>>)
      tpu.yield
    }) : () -> ()
    %dma_wait3A_42 = arith.constant 768 : i32
    %dma_wait3A_43 = tpu.memref_slice %arg5[%dma_wait3A_42] : memref<1024xi32, #tpu.memory_space<vmem>> -> memref<256xi32, #tpu.memory_space<vmem>>
    %dma_wait3A_44 = arith.constant 0 : i32
    %dma_wait3A_45 = arith.constant 0 : i32
    %dma_wait3A_46 = tpu.memref_slice %arg2[%dma_wait3A_44, %dma_wait3A_45] : memref<8192x128xf32, #tpu.memory_space<hbm>> -> memref<8192x128xf32, #tpu.memory_space<hbm>>
    tpu.wait_indirect_dma semaphore(%arg9 : memref<!tpu.dma_semaphore, #tpu.memory_space<semaphore_mem>>) src(%dma_wait3A_46 : memref<8192x128xf32, #tpu.memory_space<hbm>>) dst(%arg7 : memref<256x128xf32, #tpu.memory_space<vmem>>)
    %add3A_47 = arith.constant 768 : i32
    %add3A_48 = arith.addi %mul3A_2, %add3A_47 : i32
    "tpu.region"() ({
      %run_scoped3A = tpu.sem_alloc : memref<!tpu.dma_semaphore, #tpu.memory_space<semaphore_mem>>
      %dma_start3A_49 = arith.constant 0 : i32
      %dma_start3A_50 = tpu.memref_slice %arg4[%add3A_48, %dma_start3A_49] : memref<32768x128xf32, #tpu.memory_space<hbm>> -> memref<256x128xf32, #tpu.memory_space<hbm>>
      %dma_start3A_51 = arith.constant 0 : i32
      %dma_start3A_52 = tpu.memref_slice %arg4[%add3A_48, %dma_start3A_51] : memref<32768x128xf32, #tpu.memory_space<hbm>> -> memref<256x128xf32, #tpu.memory_space<hbm>>
      tpu.enqueue_dma source(%arg7 : memref<256x128xf32, #tpu.memory_space<vmem>>) target(%dma_start3A_52 : memref<256x128xf32, #tpu.memory_space<hbm>>) target_semaphore(%run_scoped3A : memref<!tpu.dma_semaphore, #tpu.memory_space<semaphore_mem>>)
      %dma_wait3A_53 = arith.constant 0 : i32
      %dma_wait3A_54 = tpu.memref_slice %arg4[%add3A_48, %dma_wait3A_53] : memref<32768x128xf32, #tpu.memory_space<hbm>> -> memref<256x128xf32, #tpu.memory_space<hbm>>
      %dma_wait3A_55 = arith.constant 0 : i32
      %dma_wait3A_56 = tpu.memref_slice %arg4[%add3A_48, %dma_wait3A_55] : memref<32768x128xf32, #tpu.memory_space<hbm>> -> memref<256x128xf32, #tpu.memory_space<hbm>>
      tpu.wait_dma2 semaphore(%run_scoped3A : memref<!tpu.dma_semaphore, #tpu.memory_space<semaphore_mem>>) src(%arg7 : memref<256x128xf32, #tpu.memory_space<vmem>>) dst(%dma_wait3A_56 : memref<256x128xf32, #tpu.memory_space<hbm>>)
      tpu.yield
    }) : () -> ()
    return
  }
}

module attributes {stable_mosaic.version = 14 : i64} {
  func.func @_knn_body(%arg0: i32, %arg1: memref<1x8x256xf32, #tpu.memory_space<vmem>>, %arg2: memref<1x2048x8xf32, #tpu.memory_space<vmem>>, %arg3: memref<1x16x256xi32, #tpu.memory_space<vmem>>, %arg4: memref<1x16x256xi32, #tpu.memory_space<vmem>>) attributes {dimension_semantics = [#tpu.dimension_semantics<arbitrary>], iteration_bounds = array<i64: 8>, scalar_prefetch = 0 : i64, scratch_operands = 0 : i64, tpu.core_type = #tpu.core_type<tc>, window_params = [{transform_indices = @transform_0, window_bounds = array<i64: 1, 8, 256>}, {pipeline_mode = #tpu.pipeline_mode<synchronous>, transform_indices = @transform_1, window_bounds = array<i64: 1, 2048, 8>}, {transform_indices = @transform_2, window_bounds = array<i64: 1, 16, 256>}, {transform_indices = @transform_3, window_bounds = array<i64: 1, 16, 256>}]} {
    %get3A = arith.constant 0 : index
    %get3A_0 = arith.constant 0 : index
    %get3A_1 = arith.constant 0 : index
    %get3A_2 = vector.load %arg1[%get3A, %get3A_0, %get3A_1] : memref<1x8x256xf32, #tpu.memory_space<vmem>>, vector<1x8x256xf32>
    %get3A_3 = vector.shape_cast %get3A_2 : vector<1x8x256xf32> to vector<8x256xf32>
    %get3A_4 = arith.constant 0 : index
    %get3A_5 = arith.constant 0 : index
    %get3A_6 = arith.constant 0 : index
    %get3A_7 = vector.load %arg2[%get3A_4, %get3A_5, %get3A_6] : memref<1x2048x8xf32, #tpu.memory_space<vmem>>, vector<1x2048x8xf32>
    %get3A_8 = vector.shape_cast %get3A_7 : vector<1x2048x8xf32> to vector<2048x8xf32>
    %mul3A = arith.mulf %get3A_3, %get3A_3 : vector<8x256xf32>
    %reduce_sum3A = arith.constant dense<0.000000e+00> : vector<256xf32>
    %reduce_sum3A_9 = vector.multi_reduction <add>, %mul3A, %reduce_sum3A [0] : vector<8x256xf32> to vector<256xf32>
    %broadcast_in_dim3A = vector.shape_cast %reduce_sum3A_9 : vector<256xf32> to vector<1x256xf32>
    %mul3A_10 = arith.mulf %get3A_8, %get3A_8 : vector<2048x8xf32>
    %reduce_sum3A_11 = arith.constant dense<0.000000e+00> : vector<2048xf32>
    %reduce_sum3A_12 = vector.multi_reduction <add>, %mul3A_10, %reduce_sum3A_11 [1] : vector<2048x8xf32> to vector<2048xf32>
    %broadcast_in_dim3A_13 = vector.shape_cast %reduce_sum3A_12 : vector<2048xf32> to vector<2048x1xf32>
    %convert_element_type3A = arith.truncf %get3A_8 : vector<2048x8xf32> to vector<2048x8xbf16>
    %convert_element_type3A_14 = arith.truncf %get3A_3 : vector<8x256xf32> to vector<8x256xbf16>
    %dot_general3A = arith.constant dense<0.000000e+00> : vector<2048x256xf32>
    %dot_general3A_15 = tpu.matmul %convert_element_type3A, %convert_element_type3A_14, %dot_general3A {dimension_numbers = #tpu.dot_dimension_numbers<[1], [0], [0], [1], [0, 0, 1, 1], [], []>, transpose_lhs_hint = false} : vector<2048x8xbf16>, vector<8x256xbf16>, vector<2048x256xf32> -> vector<2048x256xf32>
    %add3A = vector.broadcast %broadcast_in_dim3A_13 : vector<2048x1xf32> to vector<2048x256xf32>
    %add3A_16 = vector.broadcast %broadcast_in_dim3A : vector<1x256xf32> to vector<2048x256xf32>
    %add3A_17 = arith.addf %add3A, %add3A_16 : vector<2048x256xf32>
    %mul3A_18 = arith.constant 2.000000e+00 : f32
    %mul3A_19 = vector.broadcast %mul3A_18 : f32 to vector<2048x256xf32>
    %mul3A_20 = arith.mulf %mul3A_19, %dot_general3A_15 : vector<2048x256xf32>
    %sub3A = arith.subf %add3A_17, %mul3A_20 : vector<2048x256xf32>
    %bitcast_convert_type3A = tpu.bitcast %sub3A : vector<2048x256xf32> -> vector<2048x256xi32>
    %iota3A = tpu.iota {dimensions = array<i32: 0>} : vector<2048x256xi32>
    %shift_right_arithmetic3A = arith.constant 31 : i32
    %shift_right_arithmetic3A_21 = vector.broadcast %shift_right_arithmetic3A : i32 to vector<2048x256xi32>
    %shift_right_arithmetic3A_22 = arith.shrsi %bitcast_convert_type3A, %shift_right_arithmetic3A_21 : vector<2048x256xi32>
    %and3A = arith.constant 2147483647 : i32
    %and3A_23 = vector.broadcast %and3A : i32 to vector<2048x256xi32>
    %and3A_24 = arith.andi %shift_right_arithmetic3A_22, %and3A_23 : vector<2048x256xi32>
    %xor3A = arith.xori %bitcast_convert_type3A, %and3A_24 : vector<2048x256xi32>
    %and3A_25 = arith.constant -2048 : i32
    %and3A_26 = vector.broadcast %and3A_25 : i32 to vector<2048x256xi32>
    %and3A_27 = arith.andi %xor3A, %and3A_26 : vector<2048x256xi32>
    %or3A = arith.ori %and3A_27, %iota3A : vector<2048x256xi32>
    %slice3A = vector.extract_strided_slice %or3A {offsets = [0, 0], sizes = [512, 256], strides = [1, 1]} : vector<2048x256xi32> to vector<512x256xi32>
    %slice3A_28 = vector.extract_strided_slice %or3A {offsets = [512, 0], sizes = [512, 256], strides = [1, 1]} : vector<2048x256xi32> to vector<512x256xi32>
    %slice3A_29 = vector.extract_strided_slice %or3A {offsets = [1024, 0], sizes = [512, 256], strides = [1, 1]} : vector<2048x256xi32> to vector<512x256xi32>
    %slice3A_30 = vector.extract_strided_slice %or3A {offsets = [1536, 0], sizes = [512, 256], strides = [1, 1]} : vector<2048x256xi32> to vector<512x256xi32>
    %min3A = arith.minsi %slice3A, %slice3A_28 : vector<512x256xi32>
    %max3A = arith.maxsi %slice3A, %slice3A_28 : vector<512x256xi32>
    %min3A_31 = arith.minsi %slice3A_29, %slice3A_30 : vector<512x256xi32>
    %max3A_32 = arith.maxsi %slice3A_29, %slice3A_30 : vector<512x256xi32>
    %min3A_33 = arith.minsi %min3A, %min3A_31 : vector<512x256xi32>
    %max3A_34 = arith.maxsi %min3A, %min3A_31 : vector<512x256xi32>
    %min3A_35 = arith.minsi %max3A, %max3A_32 : vector<512x256xi32>
    %max3A_36 = arith.maxsi %max3A, %max3A_32 : vector<512x256xi32>
    %min3A_37 = arith.minsi %min3A_35, %max3A_34 : vector<512x256xi32>
    %max3A_38 = arith.maxsi %min3A_35, %max3A_34 : vector<512x256xi32>
    %broadcast_in_dim3A_39 = arith.constant -2147483648 : i32
    %broadcast_in_dim3A_40 = vector.broadcast %broadcast_in_dim3A_39 : i32 to vector<1x256xi32>
    %gt3A = vector.broadcast %broadcast_in_dim3A_40 : vector<1x256xi32> to vector<512x256xi32>
    %gt3A_41 = arith.cmpi sgt, %max3A_36, %gt3A : vector<512x256xi32>
    %jit3A = arith.constant 2147483647 : i32
    %broadcast_in_dim3A_42 = vector.broadcast %jit3A : i32 to vector<512x256xi32>
    %select_n3A = arith.select %gt3A_41, %max3A_36, %broadcast_in_dim3A_42 : vector<512x256xi1>, vector<512x256xi32>
    %gt3A_43 = vector.broadcast %broadcast_in_dim3A_40 : vector<1x256xi32> to vector<512x256xi32>
    %gt3A_44 = arith.cmpi sgt, %max3A_38, %gt3A_43 : vector<512x256xi32>
    %select_n3A_45 = arith.select %gt3A_44, %max3A_38, %select_n3A : vector<512x256xi1>, vector<512x256xi32>
    %gt3A_46 = vector.broadcast %broadcast_in_dim3A_40 : vector<1x256xi32> to vector<512x256xi32>
    %gt3A_47 = arith.cmpi sgt, %min3A_37, %gt3A_46 : vector<512x256xi32>
    %select_n3A_48 = arith.select %gt3A_47, %min3A_37, %select_n3A_45 : vector<512x256xi1>, vector<512x256xi32>
    %gt3A_49 = vector.broadcast %broadcast_in_dim3A_40 : vector<1x256xi32> to vector<512x256xi32>
    %gt3A_50 = arith.cmpi sgt, %min3A_33, %gt3A_49 : vector<512x256xi32>
    %select_n3A_51 = arith.select %gt3A_50, %min3A_33, %select_n3A_48 : vector<512x256xi1>, vector<512x256xi32>
    %reduce_min3A = arith.constant dense<2147483647> : vector<256xi32>
    %reduce_min3A_52 = vector.multi_reduction <minsi>, %select_n3A_51, %reduce_min3A [0] : vector<512x256xi32> to vector<256xi32>
    %broadcast_in_dim3A_53 = vector.shape_cast %reduce_min3A_52 : vector<256xi32> to vector<1x256xi32>
    %and3A_54 = arith.constant 2047 : i32
    %and3A_55 = vector.broadcast %and3A_54 : i32 to vector<1x256xi32>
    %and3A_56 = arith.andi %broadcast_in_dim3A_53, %and3A_55 : vector<1x256xi32>
    %add3A_57 = arith.constant 0 : i32
    %add3A_58 = vector.broadcast %add3A_57 : i32 to vector<1x256xi32>
    %add3A_59 = arith.addi %and3A_56, %add3A_58 : vector<1x256xi32>
    %swap3A = arith.constant 0 : index
    %swap3A_60 = arith.constant 0 : index
    %swap3A_61 = arith.constant 0 : index
    %swap3A_62 = vector.load %arg3[%swap3A, %swap3A_60, %swap3A_61] : memref<1x16x256xi32, #tpu.memory_space<vmem>>, vector<1x1x256xi32>
    %swap3A_63 = vector.shape_cast %swap3A_62 : vector<1x1x256xi32> to vector<1x256xi32>
    %swap3A_64 = vector.shape_cast %add3A_59 : vector<1x256xi32> to vector<1x1x256xi32>
    tpu.vector_store %arg3[%swap3A, %swap3A_60, %swap3A_61], %swap3A_64 {strides = array<i32>} : memref<1x16x256xi32, #tpu.memory_space<vmem>>, vector<1x1x256xi32>,
    %swap3A_65 = arith.constant 0 : index
    %swap3A_66 = arith.constant 0 : index
    %swap3A_67 = arith.constant 0 : index
    %swap3A_68 = vector.load %arg4[%swap3A_65, %swap3A_66, %swap3A_67] : memref<1x16x256xi32, #tpu.memory_space<vmem>>, vector<1x1x256xi32>
    %swap3A_69 = vector.shape_cast %swap3A_68 : vector<1x1x256xi32> to vector<1x256xi32>
    %swap3A_70 = vector.shape_cast %broadcast_in_dim3A_53 : vector<1x256xi32> to vector<1x1x256xi32>
    tpu.vector_store %arg4[%swap3A_65, %swap3A_66, %swap3A_67], %swap3A_70 {strides = array<i32>} : memref<1x16x256xi32, #tpu.memory_space<vmem>>, vector<1x1x256xi32>,
    %gt3A_71 = vector.broadcast %broadcast_in_dim3A_53 : vector<1x256xi32> to vector<512x256xi32>
    %gt3A_72 = arith.cmpi sgt, %max3A_36, %gt3A_71 : vector<512x256xi32>
    %jit3A_73 = arith.constant 2147483647 : i32
    %broadcast_in_dim3A_74 = vector.broadcast %jit3A_73 : i32 to vector<512x256xi32>
    %select_n3A_75 = arith.select %gt3A_72, %max3A_36, %broadcast_in_dim3A_74 : vector<512x256xi1>, vector<512x256xi32>
    %gt3A_76 = vector.broadcast %broadcast_in_dim3A_53 : vector<1x256xi32> to vector<512x256xi32>
    %gt3A_77 = arith.cmpi sgt, %max3A_38, %gt3A_76 : vector<512x256xi32>
    %select_n3A_78 = arith.select %gt3A_77, %max3A_38, %select_n3A_75 : vector<512x256xi1>, vector<512x256xi32>
    %gt3A_79 = vector.broadcast %broadcast_in_dim3A_53 : vector<1x256xi32> to vector<512x256xi32>
    %gt3A_80 = arith.cmpi sgt, %min3A_37, %gt3A_79 : vector<512x256xi32>
    %select_n3A_81 = arith.select %gt3A_80, %min3A_37, %select_n3A_78 : vector<512x256xi1>, vector<512x256xi32>
    %gt3A_82 = vector.broadcast %broadcast_in_dim3A_53 : vector<1x256xi32> to vector<512x256xi32>
    %gt3A_83 = arith.cmpi sgt, %min3A_33, %gt3A_82 : vector<512x256xi32>
    %select_n3A_84 = arith.select %gt3A_83, %min3A_33, %select_n3A_81 : vector<512x256xi1>, vector<512x256xi32>
    %reduce_min3A_85 = arith.constant dense<2147483647> : vector<256xi32>
    %reduce_min3A_86 = vector.multi_reduction <minsi>, %select_n3A_84, %reduce_min3A_85 [0] : vector<512x256xi32> to vector<256xi32>
    %broadcast_in_dim3A_87 = vector.shape_cast %reduce_min3A_86 : vector<256xi32> to vector<1x256xi32>
    %and3A_88 = arith.constant 2047 : i32
    %and3A_89 = vector.broadcast %and3A_88 : i32 to vector<1x256xi32>
    %and3A_90 = arith.andi %broadcast_in_dim3A_87, %and3A_89 : vector<1x256xi32>
    %add3A_91 = arith.constant 0 : i32
    %add3A_92 = vector.broadcast %add3A_91 : i32 to vector<1x256xi32>
    %add3A_93 = arith.addi %and3A_90, %add3A_92 : vector<1x256xi32>
    %swap3A_94 = arith.constant 0 : index
    %swap3A_95 = arith.constant 1 : index
    %swap3A_96 = arith.constant 0 : index
    %swap3A_97 = vector.load %arg3[%swap3A_94, %swap3A_95, %swap3A_96] : memref<1x16x256xi32, #tpu.memory_space<vmem>>, vector<1x1x256xi32>
    %swap3A_98 = vector.shape_cast %swap3A_97 : vector<1x1x256xi32> to vector<1x256xi32>
    %swap3A_99 = vector.shape_cast %add3A_93 : vector<1x256xi32> to vector<1x1x256xi32>
    tpu.vector_store %arg3[%swap3A_94, %swap3A_95, %swap3A_96], %swap3A_99 {strides = array<i32>} : memref<1x16x256xi32, #tpu.memory_space<vmem>>, vector<1x1x256xi32>,
    %swap3A_100 = arith.constant 0 : index
    %swap3A_101 = arith.constant 1 : index
    %swap3A_102 = arith.constant 0 : index
    %swap3A_103 = vector.load %arg4[%swap3A_100, %swap3A_101, %swap3A_102] : memref<1x16x256xi32, #tpu.memory_space<vmem>>, vector<1x1x256xi32>
    %swap3A_104 = vector.shape_cast %swap3A_103 : vector<1x1x256xi32> to vector<1x256xi32>
    %swap3A_105 = vector.shape_cast %broadcast_in_dim3A_87 : vector<1x256xi32> to vector<1x1x256xi32>
    tpu.vector_store %arg4[%swap3A_100, %swap3A_101, %swap3A_102], %swap3A_105 {strides = array<i32>} : memref<1x16x256xi32, #tpu.memory_space<vmem>>, vector<1x1x256xi32>,
    %gt3A_106 = vector.broadcast %broadcast_in_dim3A_87 : vector<1x256xi32> to vector<512x256xi32>
    %gt3A_107 = arith.cmpi sgt, %max3A_36, %gt3A_106 : vector<512x256xi32>
    %jit3A_108 = arith.constant 2147483647 : i32
    %broadcast_in_dim3A_109 = vector.broadcast %jit3A_108 : i32 to vector<512x256xi32>
    %select_n3A_110 = arith.select %gt3A_107, %max3A_36, %broadcast_in_dim3A_109 : vector<512x256xi1>, vector<512x256xi32>
    %gt3A_111 = vector.broadcast %broadcast_in_dim3A_87 : vector<1x256xi32> to vector<512x256xi32>
    %gt3A_112 = arith.cmpi sgt, %max3A_38, %gt3A_111 : vector<512x256xi32>
    %select_n3A_113 = arith.select %gt3A_112, %max3A_38, %select_n3A_110 : vector<512x256xi1>, vector<512x256xi32>
    %gt3A_114 = vector.broadcast %broadcast_in_dim3A_87 : vector<1x256xi32> to vector<512x256xi32>
    %gt3A_115 = arith.cmpi sgt, %min3A_37, %gt3A_114 : vector<512x256xi32>
    %select_n3A_116 = arith.select %gt3A_115, %min3A_37, %select_n3A_113 : vector<512x256xi1>, vector<512x256xi32>
    %gt3A_117 = vector.broadcast %broadcast_in_dim3A_87 : vector<1x256xi32> to vector<512x256xi32>
    %gt3A_118 = arith.cmpi sgt, %min3A_33, %gt3A_117 : vector<512x256xi32>
    %select_n3A_119 = arith.select %gt3A_118, %min3A_33, %select_n3A_116 : vector<512x256xi1>, vector<512x256xi32>
    %reduce_min3A_120 = arith.constant dense<2147483647> : vector<256xi32>
    %reduce_min3A_121 = vector.multi_reduction <minsi>, %select_n3A_119, %reduce_min3A_120 [0] : vector<512x256xi32> to vector<256xi32>
    %broadcast_in_dim3A_122 = vector.shape_cast %reduce_min3A_121 : vector<256xi32> to vector<1x256xi32>
    %and3A_123 = arith.constant 2047 : i32
    %and3A_124 = vector.broadcast %and3A_123 : i32 to vector<1x256xi32>
    %and3A_125 = arith.andi %broadcast_in_dim3A_122, %and3A_124 : vector<1x256xi32>
    %add3A_126 = arith.constant 0 : i32
    %add3A_127 = vector.broadcast %add3A_126 : i32 to vector<1x256xi32>
    %add3A_128 = arith.addi %and3A_125, %add3A_127 : vector<1x256xi32>
    %swap3A_129 = arith.constant 0 : index
    %swap3A_130 = arith.constant 2 : index
    %swap3A_131 = arith.constant 0 : index
    %swap3A_132 = vector.load %arg3[%swap3A_129, %swap3A_130, %swap3A_131] : memref<1x16x256xi32, #tpu.memory_space<vmem>>, vector<1x1x256xi32>
    %swap3A_133 = vector.shape_cast %swap3A_132 : vector<1x1x256xi32> to vector<1x256xi32>
    %swap3A_134 = vector.shape_cast %add3A_128 : vector<1x256xi32> to vector<1x1x256xi32>
    tpu.vector_store %arg3[%swap3A_129, %swap3A_130, %swap3A_131], %swap3A_134 {strides = array<i32>} : memref<1x16x256xi32, #tpu.memory_space<vmem>>, vector<1x1x256xi32>,
    %swap3A_135 = arith.constant 0 : index
    %swap3A_136 = arith.constant 2 : index
    %swap3A_137 = arith.constant 0 : index
    %swap3A_138 = vector.load %arg4[%swap3A_135, %swap3A_136, %swap3A_137] : memref<1x16x256xi32, #tpu.memory_space<vmem>>, vector<1x1x256xi32>
    %swap3A_139 = vector.shape_cast %swap3A_138 : vector<1x1x256xi32> to vector<1x256xi32>
    %swap3A_140 = vector.shape_cast %broadcast_in_dim3A_122 : vector<1x256xi32> to vector<1x1x256xi32>
    tpu.vector_store %arg4[%swap3A_135, %swap3A_136, %swap3A_137], %swap3A_140 {strides = array<i32>} : memref<1x16x256xi32, #tpu.memory_space<vmem>>, vector<1x1x256xi32>,
    %gt3A_141 = vector.broadcast %broadcast_in_dim3A_122 : vector<1x256xi32> to vector<512x256xi32>
    %gt3A_142 = arith.cmpi sgt, %max3A_36, %gt3A_141 : vector<512x256xi32>
    %jit3A_143 = arith.constant 2147483647 : i32
    %broadcast_in_dim3A_144 = vector.broadcast %jit3A_143 : i32 to vector<512x256xi32>
    %select_n3A_145 = arith.select %gt3A_142, %max3A_36, %broadcast_in_dim3A_144 : vector<512x256xi1>, vector<512x256xi32>
    %gt3A_146 = vector.broadcast %broadcast_in_dim3A_122 : vector<1x256xi32> to vector<512x256xi32>
    %gt3A_147 = arith.cmpi sgt, %max3A_38, %gt3A_146 : vector<512x256xi32>
    %select_n3A_148 = arith.select %gt3A_147, %max3A_38, %select_n3A_145 : vector<512x256xi1>, vector<512x256xi32>
    %gt3A_149 = vector.broadcast %broadcast_in_dim3A_122 : vector<1x256xi32> to vector<512x256xi32>
    %gt3A_150 = arith.cmpi sgt, %min3A_37, %gt3A_149 : vector<512x256xi32>
    %select_n3A_151 = arith.select %gt3A_150, %min3A_37, %select_n3A_148 : vector<512x256xi1>, vector<512x256xi32>
    %gt3A_152 = vector.broadcast %broadcast_in_dim3A_122 : vector<1x256xi32> to vector<512x256xi32>
    %gt3A_153 = arith.cmpi sgt, %min3A_33, %gt3A_152 : vector<512x256xi32>
    %select_n3A_154 = arith.select %gt3A_153, %min3A_33, %select_n3A_151 : vector<512x256xi1>, vector<512x256xi32>
    %reduce_min3A_155 = arith.constant dense<2147483647> : vector<256xi32>
    %reduce_min3A_156 = vector.multi_reduction <minsi>, %select_n3A_154, %reduce_min3A_155 [0] : vector<512x256xi32> to vector<256xi32>
    %broadcast_in_dim3A_157 = vector.shape_cast %reduce_min3A_156 : vector<256xi32> to vector<1x256xi32>
    %and3A_158 = arith.constant 2047 : i32
    %and3A_159 = vector.broadcast %and3A_158 : i32 to vector<1x256xi32>
    %and3A_160 = arith.andi %broadcast_in_dim3A_157, %and3A_159 : vector<1x256xi32>
    %add3A_161 = arith.constant 0 : i32
    %add3A_162 = vector.broadcast %add3A_161 : i32 to vector<1x256xi32>
    %add3A_163 = arith.addi %and3A_160, %add3A_162 : vector<1x256xi32>
    %swap3A_164 = arith.constant 0 : index
    %swap3A_165 = arith.constant 3 : index
    %swap3A_166 = arith.constant 0 : index
    %swap3A_167 = vector.load %arg3[%swap3A_164, %swap3A_165, %swap3A_166] : memref<1x16x256xi32, #tpu.memory_space<vmem>>, vector<1x1x256xi32>
    %swap3A_168 = vector.shape_cast %swap3A_167 : vector<1x1x256xi32> to vector<1x256xi32>
    %swap3A_169 = vector.shape_cast %add3A_163 : vector<1x256xi32> to vector<1x1x256xi32>
    tpu.vector_store %arg3[%swap3A_164, %swap3A_165, %swap3A_166], %swap3A_169 {strides = array<i32>} : memref<1x16x256xi32, #tpu.memory_space<vmem>>, vector<1x1x256xi32>,
    %swap3A_170 = arith.constant 0 : index
    %swap3A_171 = arith.constant 3 : index
    %swap3A_172 = arith.constant 0 : index
    %swap3A_173 = vector.load %arg4[%swap3A_170, %swap3A_171, %swap3A_172] : memref<1x16x256xi32, #tpu.memory_space<vmem>>, vector<1x1x256xi32>
    %swap3A_174 = vector.shape_cast %swap3A_173 : vector<1x1x256xi32> to vector<1x256xi32>
    %swap3A_175 = vector.shape_cast %broadcast_in_dim3A_157 : vector<1x256xi32> to vector<1x1x256xi32>
    tpu.vector_store %arg4[%swap3A_170, %swap3A_171, %swap3A_172], %swap3A_175 {strides = array<i32>} : memref<1x16x256xi32, #tpu.memory_space<vmem>>, vector<1x1x256xi32>,
    %gt3A_176 = vector.broadcast %broadcast_in_dim3A_157 : vector<1x256xi32> to vector<512x256xi32>
    %gt3A_177 = arith.cmpi sgt, %max3A_36, %gt3A_176 : vector<512x256xi32>
    %jit3A_178 = arith.constant 2147483647 : i32
    %broadcast_in_dim3A_179 = vector.broadcast %jit3A_178 : i32 to vector<512x256xi32>
    %select_n3A_180 = arith.select %gt3A_177, %max3A_36, %broadcast_in_dim3A_179 : vector<512x256xi1>, vector<512x256xi32>
    %gt3A_181 = vector.broadcast %broadcast_in_dim3A_157 : vector<1x256xi32> to vector<512x256xi32>
    %gt3A_182 = arith.cmpi sgt, %max3A_38, %gt3A_181 : vector<512x256xi32>
    %select_n3A_183 = arith.select %gt3A_182, %max3A_38, %select_n3A_180 : vector<512x256xi1>, vector<512x256xi32>
    %gt3A_184 = vector.broadcast %broadcast_in_dim3A_157 : vector<1x256xi32> to vector<512x256xi32>
    %gt3A_185 = arith.cmpi sgt, %min3A_37, %gt3A_184 : vector<512x256xi32>
    %select_n3A_186 = arith.select %gt3A_185, %min3A_37, %select_n3A_183 : vector<512x256xi1>, vector<512x256xi32>
    %gt3A_187 = vector.broadcast %broadcast_in_dim3A_157 : vector<1x256xi32> to vector<512x256xi32>
    %gt3A_188 = arith.cmpi sgt, %min3A_33, %gt3A_187 : vector<512x256xi32>
    %select_n3A_189 = arith.select %gt3A_188, %min3A_33, %select_n3A_186 : vector<512x256xi1>, vector<512x256xi32>
    %reduce_min3A_190 = arith.constant dense<2147483647> : vector<256xi32>
    %reduce_min3A_191 = vector.multi_reduction <minsi>, %select_n3A_189, %reduce_min3A_190 [0] : vector<512x256xi32> to vector<256xi32>
    %broadcast_in_dim3A_192 = vector.shape_cast %reduce_min3A_191 : vector<256xi32> to vector<1x256xi32>
    %and3A_193 = arith.constant 2047 : i32
    %and3A_194 = vector.broadcast %and3A_193 : i32 to vector<1x256xi32>
    %and3A_195 = arith.andi %broadcast_in_dim3A_192, %and3A_194 : vector<1x256xi32>
    %add3A_196 = arith.constant 0 : i32
    %add3A_197 = vector.broadcast %add3A_196 : i32 to vector<1x256xi32>
    %add3A_198 = arith.addi %and3A_195, %add3A_197 : vector<1x256xi32>
    %swap3A_199 = arith.constant 0 : index
    %swap3A_200 = arith.constant 4 : index
    %swap3A_201 = arith.constant 0 : index
    %swap3A_202 = vector.load %arg3[%swap3A_199, %swap3A_200, %swap3A_201] : memref<1x16x256xi32, #tpu.memory_space<vmem>>, vector<1x1x256xi32>
    %swap3A_203 = vector.shape_cast %swap3A_202 : vector<1x1x256xi32> to vector<1x256xi32>
    %swap3A_204 = vector.shape_cast %add3A_198 : vector<1x256xi32> to vector<1x1x256xi32>
    tpu.vector_store %arg3[%swap3A_199, %swap3A_200, %swap3A_201], %swap3A_204 {strides = array<i32>} : memref<1x16x256xi32, #tpu.memory_space<vmem>>, vector<1x1x256xi32>,
    %swap3A_205 = arith.constant 0 : index
    %swap3A_206 = arith.constant 4 : index
    %swap3A_207 = arith.constant 0 : index
    %swap3A_208 = vector.load %arg4[%swap3A_205, %swap3A_206, %swap3A_207] : memref<1x16x256xi32, #tpu.memory_space<vmem>>, vector<1x1x256xi32>
    %swap3A_209 = vector.shape_cast %swap3A_208 : vector<1x1x256xi32> to vector<1x256xi32>
    %swap3A_210 = vector.shape_cast %broadcast_in_dim3A_192 : vector<1x256xi32> to vector<1x1x256xi32>
    tpu.vector_store %arg4[%swap3A_205, %swap3A_206, %swap3A_207], %swap3A_210 {strides = array<i32>} : memref<1x16x256xi32, #tpu.memory_space<vmem>>, vector<1x1x256xi32>,
    %gt3A_211 = vector.broadcast %broadcast_in_dim3A_192 : vector<1x256xi32> to vector<512x256xi32>
    %gt3A_212 = arith.cmpi sgt, %max3A_36, %gt3A_211 : vector<512x256xi32>
    %jit3A_213 = arith.constant 2147483647 : i32
    %broadcast_in_dim3A_214 = vector.broadcast %jit3A_213 : i32 to vector<512x256xi32>
    %select_n3A_215 = arith.select %gt3A_212, %max3A_36, %broadcast_in_dim3A_214 : vector<512x256xi1>, vector<512x256xi32>
    %gt3A_216 = vector.broadcast %broadcast_in_dim3A_192 : vector<1x256xi32> to vector<512x256xi32>
    %gt3A_217 = arith.cmpi sgt, %max3A_38, %gt3A_216 : vector<512x256xi32>
    %select_n3A_218 = arith.select %gt3A_217, %max3A_38, %select_n3A_215 : vector<512x256xi1>, vector<512x256xi32>
    %gt3A_219 = vector.broadcast %broadcast_in_dim3A_192 : vector<1x256xi32> to vector<512x256xi32>
    %gt3A_220 = arith.cmpi sgt, %min3A_37, %gt3A_219 : vector<512x256xi32>
    %select_n3A_221 = arith.select %gt3A_220, %min3A_37, %select_n3A_218 : vector<512x256xi1>, vector<512x256xi32>
    %gt3A_222 = vector.broadcast %broadcast_in_dim3A_192 : vector<1x256xi32> to vector<512x256xi32>
    %gt3A_223 = arith.cmpi sgt, %min3A_33, %gt3A_222 : vector<512x256xi32>
    %select_n3A_224 = arith.select %gt3A_223, %min3A_33, %select_n3A_221 : vector<512x256xi1>, vector<512x256xi32>
    %reduce_min3A_225 = arith.constant dense<2147483647> : vector<256xi32>
    %reduce_min3A_226 = vector.multi_reduction <minsi>, %select_n3A_224, %reduce_min3A_225 [0] : vector<512x256xi32> to vector<256xi32>
    %broadcast_in_dim3A_227 = vector.shape_cast %reduce_min3A_226 : vector<256xi32> to vector<1x256xi32>
    %and3A_228 = arith.constant 2047 : i32
    %and3A_229 = vector.broadcast %and3A_228 : i32 to vector<1x256xi32>
    %and3A_230 = arith.andi %broadcast_in_dim3A_227, %and3A_229 : vector<1x256xi32>
    %add3A_231 = arith.constant 0 : i32
    %add3A_232 = vector.broadcast %add3A_231 : i32 to vector<1x256xi32>
    %add3A_233 = arith.addi %and3A_230, %add3A_232 : vector<1x256xi32>
    %swap3A_234 = arith.constant 0 : index
    %swap3A_235 = arith.constant 5 : index
    %swap3A_236 = arith.constant 0 : index
    %swap3A_237 = vector.load %arg3[%swap3A_234, %swap3A_235, %swap3A_236] : memref<1x16x256xi32, #tpu.memory_space<vmem>>, vector<1x1x256xi32>
    %swap3A_238 = vector.shape_cast %swap3A_237 : vector<1x1x256xi32> to vector<1x256xi32>
    %swap3A_239 = vector.shape_cast %add3A_233 : vector<1x256xi32> to vector<1x1x256xi32>
    tpu.vector_store %arg3[%swap3A_234, %swap3A_235, %swap3A_236], %swap3A_239 {strides = array<i32>} : memref<1x16x256xi32, #tpu.memory_space<vmem>>, vector<1x1x256xi32>,
    %swap3A_240 = arith.constant 0 : index
    %swap3A_241 = arith.constant 5 : index
    %swap3A_242 = arith.constant 0 : index
    %swap3A_243 = vector.load %arg4[%swap3A_240, %swap3A_241, %swap3A_242] : memref<1x16x256xi32, #tpu.memory_space<vmem>>, vector<1x1x256xi32>
    %swap3A_244 = vector.shape_cast %swap3A_243 : vector<1x1x256xi32> to vector<1x256xi32>
    %swap3A_245 = vector.shape_cast %broadcast_in_dim3A_227 : vector<1x256xi32> to vector<1x1x256xi32>
    tpu.vector_store %arg4[%swap3A_240, %swap3A_241, %swap3A_242], %swap3A_245 {strides = array<i32>} : memref<1x16x256xi32, #tpu.memory_space<vmem>>, vector<1x1x256xi32>,
    %gt3A_246 = vector.broadcast %broadcast_in_dim3A_227 : vector<1x256xi32> to vector<512x256xi32>
    %gt3A_247 = arith.cmpi sgt, %max3A_36, %gt3A_246 : vector<512x256xi32>
    %jit3A_248 = arith.constant 2147483647 : i32
    %broadcast_in_dim3A_249 = vector.broadcast %jit3A_248 : i32 to vector<512x256xi32>
    %select_n3A_250 = arith.select %gt3A_247, %max3A_36, %broadcast_in_dim3A_249 : vector<512x256xi1>, vector<512x256xi32>
    %gt3A_251 = vector.broadcast %broadcast_in_dim3A_227 : vector<1x256xi32> to vector<512x256xi32>
    %gt3A_252 = arith.cmpi sgt, %max3A_38, %gt3A_251 : vector<512x256xi32>
    %select_n3A_253 = arith.select %gt3A_252, %max3A_38, %select_n3A_250 : vector<512x256xi1>, vector<512x256xi32>
    %gt3A_254 = vector.broadcast %broadcast_in_dim3A_227 : vector<1x256xi32> to vector<512x256xi32>
    %gt3A_255 = arith.cmpi sgt, %min3A_37, %gt3A_254 : vector<512x256xi32>
    %select_n3A_256 = arith.select %gt3A_255, %min3A_37, %select_n3A_253 : vector<512x256xi1>, vector<512x256xi32>
    %gt3A_257 = vector.broadcast %broadcast_in_dim3A_227 : vector<1x256xi32> to vector<512x256xi32>
    %gt3A_258 = arith.cmpi sgt, %min3A_33, %gt3A_257 : vector<512x256xi32>
    %select_n3A_259 = arith.select %gt3A_258, %min3A_33, %select_n3A_256 : vector<512x256xi1>, vector<512x256xi32>
    %reduce_min3A_260 = arith.constant dense<2147483647> : vector<256xi32>
    %reduce_min3A_261 = vector.multi_reduction <minsi>, %select_n3A_259, %reduce_min3A_260 [0] : vector<512x256xi32> to vector<256xi32>
    %broadcast_in_dim3A_262 = vector.shape_cast %reduce_min3A_261 : vector<256xi32> to vector<1x256xi32>
    %and3A_263 = arith.constant 2047 : i32
    %and3A_264 = vector.broadcast %and3A_263 : i32 to vector<1x256xi32>
    %and3A_265 = arith.andi %broadcast_in_dim3A_262, %and3A_264 : vector<1x256xi32>
    %add3A_266 = arith.constant 0 : i32
    %add3A_267 = vector.broadcast %add3A_266 : i32 to vector<1x256xi32>
    %add3A_268 = arith.addi %and3A_265, %add3A_267 : vector<1x256xi32>
    %swap3A_269 = arith.constant 0 : index
    %swap3A_270 = arith.constant 6 : index
    %swap3A_271 = arith.constant 0 : index
    %swap3A_272 = vector.load %arg3[%swap3A_269, %swap3A_270, %swap3A_271] : memref<1x16x256xi32, #tpu.memory_space<vmem>>, vector<1x1x256xi32>
    %swap3A_273 = vector.shape_cast %swap3A_272 : vector<1x1x256xi32> to vector<1x256xi32>
    %swap3A_274 = vector.shape_cast %add3A_268 : vector<1x256xi32> to vector<1x1x256xi32>
    tpu.vector_store %arg3[%swap3A_269, %swap3A_270, %swap3A_271], %swap3A_274 {strides = array<i32>} : memref<1x16x256xi32, #tpu.memory_space<vmem>>, vector<1x1x256xi32>,
    %swap3A_275 = arith.constant 0 : index
    %swap3A_276 = arith.constant 6 : index
    %swap3A_277 = arith.constant 0 : index
    %swap3A_278 = vector.load %arg4[%swap3A_275, %swap3A_276, %swap3A_277] : memref<1x16x256xi32, #tpu.memory_space<vmem>>, vector<1x1x256xi32>
    %swap3A_279 = vector.shape_cast %swap3A_278 : vector<1x1x256xi32> to vector<1x256xi32>
    %swap3A_280 = vector.shape_cast %broadcast_in_dim3A_262 : vector<1x256xi32> to vector<1x1x256xi32>
    tpu.vector_store %arg4[%swap3A_275, %swap3A_276, %swap3A_277], %swap3A_280 {strides = array<i32>} : memref<1x16x256xi32, #tpu.memory_space<vmem>>, vector<1x1x256xi32>,
    %gt3A_281 = vector.broadcast %broadcast_in_dim3A_262 : vector<1x256xi32> to vector<512x256xi32>
    %gt3A_282 = arith.cmpi sgt, %max3A_36, %gt3A_281 : vector<512x256xi32>
    %jit3A_283 = arith.constant 2147483647 : i32
    %broadcast_in_dim3A_284 = vector.broadcast %jit3A_283 : i32 to vector<512x256xi32>
    %select_n3A_285 = arith.select %gt3A_282, %max3A_36, %broadcast_in_dim3A_284 : vector<512x256xi1>, vector<512x256xi32>
    %gt3A_286 = vector.broadcast %broadcast_in_dim3A_262 : vector<1x256xi32> to vector<512x256xi32>
    %gt3A_287 = arith.cmpi sgt, %max3A_38, %gt3A_286 : vector<512x256xi32>
    %select_n3A_288 = arith.select %gt3A_287, %max3A_38, %select_n3A_285 : vector<512x256xi1>, vector<512x256xi32>
    %gt3A_289 = vector.broadcast %broadcast_in_dim3A_262 : vector<1x256xi32> to vector<512x256xi32>
    %gt3A_290 = arith.cmpi sgt, %min3A_37, %gt3A_289 : vector<512x256xi32>
    %select_n3A_291 = arith.select %gt3A_290, %min3A_37, %select_n3A_288 : vector<512x256xi1>, vector<512x256xi32>
    %gt3A_292 = vector.broadcast %broadcast_in_dim3A_262 : vector<1x256xi32> to vector<512x256xi32>
    %gt3A_293 = arith.cmpi sgt, %min3A_33, %gt3A_292 : vector<512x256xi32>
    %select_n3A_294 = arith.select %gt3A_293, %min3A_33, %select_n3A_291 : vector<512x256xi1>, vector<512x256xi32>
    %reduce_min3A_295 = arith.constant dense<2147483647> : vector<256xi32>
    %reduce_min3A_296 = vector.multi_reduction <minsi>, %select_n3A_294, %reduce_min3A_295 [0] : vector<512x256xi32> to vector<256xi32>
    %broadcast_in_dim3A_297 = vector.shape_cast %reduce_min3A_296 : vector<256xi32> to vector<1x256xi32>
    %and3A_298 = arith.constant 2047 : i32
    %and3A_299 = vector.broadcast %and3A_298 : i32 to vector<1x256xi32>
    %and3A_300 = arith.andi %broadcast_in_dim3A_297, %and3A_299 : vector<1x256xi32>
    %add3A_301 = arith.constant 0 : i32
    %add3A_302 = vector.broadcast %add3A_301 : i32 to vector<1x256xi32>
    %add3A_303 = arith.addi %and3A_300, %add3A_302 : vector<1x256xi32>
    %swap3A_304 = arith.constant 0 : index
    %swap3A_305 = arith.constant 7 : index
    %swap3A_306 = arith.constant 0 : index
    %swap3A_307 = vector.load %arg3[%swap3A_304, %swap3A_305, %swap3A_306] : memref<1x16x256xi32, #tpu.memory_space<vmem>>, vector<1x1x256xi32>
    %swap3A_308 = vector.shape_cast %swap3A_307 : vector<1x1x256xi32> to vector<1x256xi32>
    %swap3A_309 = vector.shape_cast %add3A_303 : vector<1x256xi32> to vector<1x1x256xi32>
    tpu.vector_store %arg3[%swap3A_304, %swap3A_305, %swap3A_306], %swap3A_309 {strides = array<i32>} : memref<1x16x256xi32, #tpu.memory_space<vmem>>, vector<1x1x256xi32>,
    %swap3A_310 = arith.constant 0 : index
    %swap3A_311 = arith.constant 7 : index
    %swap3A_312 = arith.constant 0 : index
    %swap3A_313 = vector.load %arg4[%swap3A_310, %swap3A_311, %swap3A_312] : memref<1x16x256xi32, #tpu.memory_space<vmem>>, vector<1x1x256xi32>
    %swap3A_314 = vector.shape_cast %swap3A_313 : vector<1x1x256xi32> to vector<1x256xi32>
    %swap3A_315 = vector.shape_cast %broadcast_in_dim3A_297 : vector<1x256xi32> to vector<1x1x256xi32>
    tpu.vector_store %arg4[%swap3A_310, %swap3A_311, %swap3A_312], %swap3A_315 {strides = array<i32>} : memref<1x16x256xi32, #tpu.memory_space<vmem>>, vector<1x1x256xi32>,
    %gt3A_316 = vector.broadcast %broadcast_in_dim3A_297 : vector<1x256xi32> to vector<512x256xi32>
    %gt3A_317 = arith.cmpi sgt, %max3A_36, %gt3A_316 : vector<512x256xi32>
    %jit3A_318 = arith.constant 2147483647 : i32
    %broadcast_in_dim3A_319 = vector.broadcast %jit3A_318 : i32 to vector<512x256xi32>
    %select_n3A_320 = arith.select %gt3A_317, %max3A_36, %broadcast_in_dim3A_319 : vector<512x256xi1>, vector<512x256xi32>
    %gt3A_321 = vector.broadcast %broadcast_in_dim3A_297 : vector<1x256xi32> to vector<512x256xi32>
    %gt3A_322 = arith.cmpi sgt, %max3A_38, %gt3A_321 : vector<512x256xi32>
    %select_n3A_323 = arith.select %gt3A_322, %max3A_38, %select_n3A_320 : vector<512x256xi1>, vector<512x256xi32>
    %gt3A_324 = vector.broadcast %broadcast_in_dim3A_297 : vector<1x256xi32> to vector<512x256xi32>
    %gt3A_325 = arith.cmpi sgt, %min3A_37, %gt3A_324 : vector<512x256xi32>
    %select_n3A_326 = arith.select %gt3A_325, %min3A_37, %select_n3A_323 : vector<512x256xi1>, vector<512x256xi32>
    %gt3A_327 = vector.broadcast %broadcast_in_dim3A_297 : vector<1x256xi32> to vector<512x256xi32>
    %gt3A_328 = arith.cmpi sgt, %min3A_33, %gt3A_327 : vector<512x256xi32>
    %select_n3A_329 = arith.select %gt3A_328, %min3A_33, %select_n3A_326 : vector<512x256xi1>, vector<512x256xi32>
    %reduce_min3A_330 = arith.constant dense<2147483647> : vector<256xi32>
    %reduce_min3A_331 = vector.multi_reduction <minsi>, %select_n3A_329, %reduce_min3A_330 [0] : vector<512x256xi32> to vector<256xi32>
    %broadcast_in_dim3A_332 = vector.shape_cast %reduce_min3A_331 : vector<256xi32> to vector<1x256xi32>
    %and3A_333 = arith.constant 2047 : i32
    %and3A_334 = vector.broadcast %and3A_333 : i32 to vector<1x256xi32>
    %and3A_335 = arith.andi %broadcast_in_dim3A_332, %and3A_334 : vector<1x256xi32>
    %add3A_336 = arith.constant 0 : i32
    %add3A_337 = vector.broadcast %add3A_336 : i32 to vector<1x256xi32>
    %add3A_338 = arith.addi %and3A_335, %add3A_337 : vector<1x256xi32>
    %swap3A_339 = arith.constant 0 : index
    %swap3A_340 = arith.constant 8 : index
    %swap3A_341 = arith.constant 0 : index
    %swap3A_342 = vector.load %arg3[%swap3A_339, %swap3A_340, %swap3A_341] : memref<1x16x256xi32, #tpu.memory_space<vmem>>, vector<1x1x256xi32>
    %swap3A_343 = vector.shape_cast %swap3A_342 : vector<1x1x256xi32> to vector<1x256xi32>
    %swap3A_344 = vector.shape_cast %add3A_338 : vector<1x256xi32> to vector<1x1x256xi32>
    tpu.vector_store %arg3[%swap3A_339, %swap3A_340, %swap3A_341], %swap3A_344 {strides = array<i32>} : memref<1x16x256xi32, #tpu.memory_space<vmem>>, vector<1x1x256xi32>,
    %swap3A_345 = arith.constant 0 : index
    %swap3A_346 = arith.constant 8 : index
    %swap3A_347 = arith.constant 0 : index
    %swap3A_348 = vector.load %arg4[%swap3A_345, %swap3A_346, %swap3A_347] : memref<1x16x256xi32, #tpu.memory_space<vmem>>, vector<1x1x256xi32>
    %swap3A_349 = vector.shape_cast %swap3A_348 : vector<1x1x256xi32> to vector<1x256xi32>
    %swap3A_350 = vector.shape_cast %broadcast_in_dim3A_332 : vector<1x256xi32> to vector<1x1x256xi32>
    tpu.vector_store %arg4[%swap3A_345, %swap3A_346, %swap3A_347], %swap3A_350 {strides = array<i32>} : memref<1x16x256xi32, #tpu.memory_space<vmem>>, vector<1x1x256xi32>,
    %gt3A_351 = vector.broadcast %broadcast_in_dim3A_332 : vector<1x256xi32> to vector<512x256xi32>
    %gt3A_352 = arith.cmpi sgt, %max3A_36, %gt3A_351 : vector<512x256xi32>
    %jit3A_353 = arith.constant 2147483647 : i32
    %broadcast_in_dim3A_354 = vector.broadcast %jit3A_353 : i32 to vector<512x256xi32>
    %select_n3A_355 = arith.select %gt3A_352, %max3A_36, %broadcast_in_dim3A_354 : vector<512x256xi1>, vector<512x256xi32>
    %gt3A_356 = vector.broadcast %broadcast_in_dim3A_332 : vector<1x256xi32> to vector<512x256xi32>
    %gt3A_357 = arith.cmpi sgt, %max3A_38, %gt3A_356 : vector<512x256xi32>
    %select_n3A_358 = arith.select %gt3A_357, %max3A_38, %select_n3A_355 : vector<512x256xi1>, vector<512x256xi32>
    %gt3A_359 = vector.broadcast %broadcast_in_dim3A_332 : vector<1x256xi32> to vector<512x256xi32>
    %gt3A_360 = arith.cmpi sgt, %min3A_37, %gt3A_359 : vector<512x256xi32>
    %select_n3A_361 = arith.select %gt3A_360, %min3A_37, %select_n3A_358 : vector<512x256xi1>, vector<512x256xi32>
    %gt3A_362 = vector.broadcast %broadcast_in_dim3A_332 : vector<1x256xi32> to vector<512x256xi32>
    %gt3A_363 = arith.cmpi sgt, %min3A_33, %gt3A_362 : vector<512x256xi32>
    %select_n3A_364 = arith.select %gt3A_363, %min3A_33, %select_n3A_361 : vector<512x256xi1>, vector<512x256xi32>
    %reduce_min3A_365 = arith.constant dense<2147483647> : vector<256xi32>
    %reduce_min3A_366 = vector.multi_reduction <minsi>, %select_n3A_364, %reduce_min3A_365 [0] : vector<512x256xi32> to vector<256xi32>
    %broadcast_in_dim3A_367 = vector.shape_cast %reduce_min3A_366 : vector<256xi32> to vector<1x256xi32>
    %and3A_368 = arith.constant 2047 : i32
    %and3A_369 = vector.broadcast %and3A_368 : i32 to vector<1x256xi32>
    %and3A_370 = arith.andi %broadcast_in_dim3A_367, %and3A_369 : vector<1x256xi32>
    %add3A_371 = arith.constant 0 : i32
    %add3A_372 = vector.broadcast %add3A_371 : i32 to vector<1x256xi32>
    %add3A_373 = arith.addi %and3A_370, %add3A_372 : vector<1x256xi32>
    %swap3A_374 = arith.constant 0 : index
    %swap3A_375 = arith.constant 9 : index
    %swap3A_376 = arith.constant 0 : index
    %swap3A_377 = vector.load %arg3[%swap3A_374, %swap3A_375, %swap3A_376] : memref<1x16x256xi32, #tpu.memory_space<vmem>>, vector<1x1x256xi32>
    %swap3A_378 = vector.shape_cast %swap3A_377 : vector<1x1x256xi32> to vector<1x256xi32>
    %swap3A_379 = vector.shape_cast %add3A_373 : vector<1x256xi32> to vector<1x1x256xi32>
    tpu.vector_store %arg3[%swap3A_374, %swap3A_375, %swap3A_376], %swap3A_379 {strides = array<i32>} : memref<1x16x256xi32, #tpu.memory_space<vmem>>, vector<1x1x256xi32>,
    %swap3A_380 = arith.constant 0 : index
    %swap3A_381 = arith.constant 9 : index
    %swap3A_382 = arith.constant 0 : index
    %swap3A_383 = vector.load %arg4[%swap3A_380, %swap3A_381, %swap3A_382] : memref<1x16x256xi32, #tpu.memory_space<vmem>>, vector<1x1x256xi32>
    %swap3A_384 = vector.shape_cast %swap3A_383 : vector<1x1x256xi32> to vector<1x256xi32>
    %swap3A_385 = vector.shape_cast %broadcast_in_dim3A_367 : vector<1x256xi32> to vector<1x1x256xi32>
    tpu.vector_store %arg4[%swap3A_380, %swap3A_381, %swap3A_382], %swap3A_385 {strides = array<i32>} : memref<1x16x256xi32, #tpu.memory_space<vmem>>, vector<1x1x256xi32>,
    %gt3A_386 = vector.broadcast %broadcast_in_dim3A_367 : vector<1x256xi32> to vector<512x256xi32>
    %gt3A_387 = arith.cmpi sgt, %max3A_36, %gt3A_386 : vector<512x256xi32>
    %jit3A_388 = arith.constant 2147483647 : i32
    %broadcast_in_dim3A_389 = vector.broadcast %jit3A_388 : i32 to vector<512x256xi32>
    %select_n3A_390 = arith.select %gt3A_387, %max3A_36, %broadcast_in_dim3A_389 : vector<512x256xi1>, vector<512x256xi32>
    %gt3A_391 = vector.broadcast %broadcast_in_dim3A_367 : vector<1x256xi32> to vector<512x256xi32>
    %gt3A_392 = arith.cmpi sgt, %max3A_38, %gt3A_391 : vector<512x256xi32>
    %select_n3A_393 = arith.select %gt3A_392, %max3A_38, %select_n3A_390 : vector<512x256xi1>, vector<512x256xi32>
    %gt3A_394 = vector.broadcast %broadcast_in_dim3A_367 : vector<1x256xi32> to vector<512x256xi32>
    %gt3A_395 = arith.cmpi sgt, %min3A_37, %gt3A_394 : vector<512x256xi32>
    %select_n3A_396 = arith.select %gt3A_395, %min3A_37, %select_n3A_393 : vector<512x256xi1>, vector<512x256xi32>
    %gt3A_397 = vector.broadcast %broadcast_in_dim3A_367 : vector<1x256xi32> to vector<512x256xi32>
    %gt3A_398 = arith.cmpi sgt, %min3A_33, %gt3A_397 : vector<512x256xi32>
    %select_n3A_399 = arith.select %gt3A_398, %min3A_33, %select_n3A_396 : vector<512x256xi1>, vector<512x256xi32>
    %reduce_min3A_400 = arith.constant dense<2147483647> : vector<256xi32>
    %reduce_min3A_401 = vector.multi_reduction <minsi>, %select_n3A_399, %reduce_min3A_400 [0] : vector<512x256xi32> to vector<256xi32>
    %broadcast_in_dim3A_402 = vector.shape_cast %reduce_min3A_401 : vector<256xi32> to vector<1x256xi32>
    %and3A_403 = arith.constant 2047 : i32
    %and3A_404 = vector.broadcast %and3A_403 : i32 to vector<1x256xi32>
    %and3A_405 = arith.andi %broadcast_in_dim3A_402, %and3A_404 : vector<1x256xi32>
    %add3A_406 = arith.constant 0 : i32
    %add3A_407 = vector.broadcast %add3A_406 : i32 to vector<1x256xi32>
    %add3A_408 = arith.addi %and3A_405, %add3A_407 : vector<1x256xi32>
    %swap3A_409 = arith.constant 0 : index
    %swap3A_410 = arith.constant 10 : index
    %swap3A_411 = arith.constant 0 : index
    %swap3A_412 = vector.load %arg3[%swap3A_409, %swap3A_410, %swap3A_411] : memref<1x16x256xi32, #tpu.memory_space<vmem>>, vector<1x1x256xi32>
    %swap3A_413 = vector.shape_cast %swap3A_412 : vector<1x1x256xi32> to vector<1x256xi32>
    %swap3A_414 = vector.shape_cast %add3A_408 : vector<1x256xi32> to vector<1x1x256xi32>
    tpu.vector_store %arg3[%swap3A_409, %swap3A_410, %swap3A_411], %swap3A_414 {strides = array<i32>} : memref<1x16x256xi32, #tpu.memory_space<vmem>>, vector<1x1x256xi32>,
    %swap3A_415 = arith.constant 0 : index
    %swap3A_416 = arith.constant 10 : index
    %swap3A_417 = arith.constant 0 : index
    %swap3A_418 = vector.load %arg4[%swap3A_415, %swap3A_416, %swap3A_417] : memref<1x16x256xi32, #tpu.memory_space<vmem>>, vector<1x1x256xi32>
    %swap3A_419 = vector.shape_cast %swap3A_418 : vector<1x1x256xi32> to vector<1x256xi32>
    %swap3A_420 = vector.shape_cast %broadcast_in_dim3A_402 : vector<1x256xi32> to vector<1x1x256xi32>
    tpu.vector_store %arg4[%swap3A_415, %swap3A_416, %swap3A_417], %swap3A_420 {strides = array<i32>} : memref<1x16x256xi32, #tpu.memory_space<vmem>>, vector<1x1x256xi32>,
    %gt3A_421 = vector.broadcast %broadcast_in_dim3A_402 : vector<1x256xi32> to vector<512x256xi32>
    %gt3A_422 = arith.cmpi sgt, %max3A_36, %gt3A_421 : vector<512x256xi32>
    %jit3A_423 = arith.constant 2147483647 : i32
    %broadcast_in_dim3A_424 = vector.broadcast %jit3A_423 : i32 to vector<512x256xi32>
    %select_n3A_425 = arith.select %gt3A_422, %max3A_36, %broadcast_in_dim3A_424 : vector<512x256xi1>, vector<512x256xi32>
    %gt3A_426 = vector.broadcast %broadcast_in_dim3A_402 : vector<1x256xi32> to vector<512x256xi32>
    %gt3A_427 = arith.cmpi sgt, %max3A_38, %gt3A_426 : vector<512x256xi32>
    %select_n3A_428 = arith.select %gt3A_427, %max3A_38, %select_n3A_425 : vector<512x256xi1>, vector<512x256xi32>
    %gt3A_429 = vector.broadcast %broadcast_in_dim3A_402 : vector<1x256xi32> to vector<512x256xi32>
    %gt3A_430 = arith.cmpi sgt, %min3A_37, %gt3A_429 : vector<512x256xi32>
    %select_n3A_431 = arith.select %gt3A_430, %min3A_37, %select_n3A_428 : vector<512x256xi1>, vector<512x256xi32>
    %gt3A_432 = vector.broadcast %broadcast_in_dim3A_402 : vector<1x256xi32> to vector<512x256xi32>
    %gt3A_433 = arith.cmpi sgt, %min3A_33, %gt3A_432 : vector<512x256xi32>
    %select_n3A_434 = arith.select %gt3A_433, %min3A_33, %select_n3A_431 : vector<512x256xi1>, vector<512x256xi32>
    %reduce_min3A_435 = arith.constant dense<2147483647> : vector<256xi32>
    %reduce_min3A_436 = vector.multi_reduction <minsi>, %select_n3A_434, %reduce_min3A_435 [0] : vector<512x256xi32> to vector<256xi32>
    %broadcast_in_dim3A_437 = vector.shape_cast %reduce_min3A_436 : vector<256xi32> to vector<1x256xi32>
    %and3A_438 = arith.constant 2047 : i32
    %and3A_439 = vector.broadcast %and3A_438 : i32 to vector<1x256xi32>
    %and3A_440 = arith.andi %broadcast_in_dim3A_437, %and3A_439 : vector<1x256xi32>
    %add3A_441 = arith.constant 0 : i32
    %add3A_442 = vector.broadcast %add3A_441 : i32 to vector<1x256xi32>
    %add3A_443 = arith.addi %and3A_440, %add3A_442 : vector<1x256xi32>
    %swap3A_444 = arith.constant 0 : index
    %swap3A_445 = arith.constant 11 : index
    %swap3A_446 = arith.constant 0 : index
    %swap3A_447 = vector.load %arg3[%swap3A_444, %swap3A_445, %swap3A_446] : memref<1x16x256xi32, #tpu.memory_space<vmem>>, vector<1x1x256xi32>
    %swap3A_448 = vector.shape_cast %swap3A_447 : vector<1x1x256xi32> to vector<1x256xi32>
    %swap3A_449 = vector.shape_cast %add3A_443 : vector<1x256xi32> to vector<1x1x256xi32>
    tpu.vector_store %arg3[%swap3A_444, %swap3A_445, %swap3A_446], %swap3A_449 {strides = array<i32>} : memref<1x16x256xi32, #tpu.memory_space<vmem>>, vector<1x1x256xi32>,
    %swap3A_450 = arith.constant 0 : index
    %swap3A_451 = arith.constant 11 : index
    %swap3A_452 = arith.constant 0 : index
    %swap3A_453 = vector.load %arg4[%swap3A_450, %swap3A_451, %swap3A_452] : memref<1x16x256xi32, #tpu.memory_space<vmem>>, vector<1x1x256xi32>
    %swap3A_454 = vector.shape_cast %swap3A_453 : vector<1x1x256xi32> to vector<1x256xi32>
    %swap3A_455 = vector.shape_cast %broadcast_in_dim3A_437 : vector<1x256xi32> to vector<1x1x256xi32>
    tpu.vector_store %arg4[%swap3A_450, %swap3A_451, %swap3A_452], %swap3A_455 {strides = array<i32>} : memref<1x16x256xi32, #tpu.memory_space<vmem>>, vector<1x1x256xi32>,
    %gt3A_456 = vector.broadcast %broadcast_in_dim3A_437 : vector<1x256xi32> to vector<512x256xi32>
    %gt3A_457 = arith.cmpi sgt, %max3A_36, %gt3A_456 : vector<512x256xi32>
    %jit3A_458 = arith.constant 2147483647 : i32
    %broadcast_in_dim3A_459 = vector.broadcast %jit3A_458 : i32 to vector<512x256xi32>
    %select_n3A_460 = arith.select %gt3A_457, %max3A_36, %broadcast_in_dim3A_459 : vector<512x256xi1>, vector<512x256xi32>
    %gt3A_461 = vector.broadcast %broadcast_in_dim3A_437 : vector<1x256xi32> to vector<512x256xi32>
    %gt3A_462 = arith.cmpi sgt, %max3A_38, %gt3A_461 : vector<512x256xi32>
    %select_n3A_463 = arith.select %gt3A_462, %max3A_38, %select_n3A_460 : vector<512x256xi1>, vector<512x256xi32>
    %gt3A_464 = vector.broadcast %broadcast_in_dim3A_437 : vector<1x256xi32> to vector<512x256xi32>
    %gt3A_465 = arith.cmpi sgt, %min3A_37, %gt3A_464 : vector<512x256xi32>
    %select_n3A_466 = arith.select %gt3A_465, %min3A_37, %select_n3A_463 : vector<512x256xi1>, vector<512x256xi32>
    %gt3A_467 = vector.broadcast %broadcast_in_dim3A_437 : vector<1x256xi32> to vector<512x256xi32>
    %gt3A_468 = arith.cmpi sgt, %min3A_33, %gt3A_467 : vector<512x256xi32>
    %select_n3A_469 = arith.select %gt3A_468, %min3A_33, %select_n3A_466 : vector<512x256xi1>, vector<512x256xi32>
    %reduce_min3A_470 = arith.constant dense<2147483647> : vector<256xi32>
    %reduce_min3A_471 = vector.multi_reduction <minsi>, %select_n3A_469, %reduce_min3A_470 [0] : vector<512x256xi32> to vector<256xi32>
    %broadcast_in_dim3A_472 = vector.shape_cast %reduce_min3A_471 : vector<256xi32> to vector<1x256xi32>
    %and3A_473 = arith.constant 2047 : i32
    %and3A_474 = vector.broadcast %and3A_473 : i32 to vector<1x256xi32>
    %and3A_475 = arith.andi %broadcast_in_dim3A_472, %and3A_474 : vector<1x256xi32>
    %add3A_476 = arith.constant 0 : i32
    %add3A_477 = vector.broadcast %add3A_476 : i32 to vector<1x256xi32>
    %add3A_478 = arith.addi %and3A_475, %add3A_477 : vector<1x256xi32>
    %swap3A_479 = arith.constant 0 : index
    %swap3A_480 = arith.constant 12 : index
    %swap3A_481 = arith.constant 0 : index
    %swap3A_482 = vector.load %arg3[%swap3A_479, %swap3A_480, %swap3A_481] : memref<1x16x256xi32, #tpu.memory_space<vmem>>, vector<1x1x256xi32>
    %swap3A_483 = vector.shape_cast %swap3A_482 : vector<1x1x256xi32> to vector<1x256xi32>
    %swap3A_484 = vector.shape_cast %add3A_478 : vector<1x256xi32> to vector<1x1x256xi32>
    tpu.vector_store %arg3[%swap3A_479, %swap3A_480, %swap3A_481], %swap3A_484 {strides = array<i32>} : memref<1x16x256xi32, #tpu.memory_space<vmem>>, vector<1x1x256xi32>,
    %swap3A_485 = arith.constant 0 : index
    %swap3A_486 = arith.constant 12 : index
    %swap3A_487 = arith.constant 0 : index
    %swap3A_488 = vector.load %arg4[%swap3A_485, %swap3A_486, %swap3A_487] : memref<1x16x256xi32, #tpu.memory_space<vmem>>, vector<1x1x256xi32>
    %swap3A_489 = vector.shape_cast %swap3A_488 : vector<1x1x256xi32> to vector<1x256xi32>
    %swap3A_490 = vector.shape_cast %broadcast_in_dim3A_472 : vector<1x256xi32> to vector<1x1x256xi32>
    tpu.vector_store %arg4[%swap3A_485, %swap3A_486, %swap3A_487], %swap3A_490 {strides = array<i32>} : memref<1x16x256xi32, #tpu.memory_space<vmem>>, vector<1x1x256xi32>,
    %gt3A_491 = vector.broadcast %broadcast_in_dim3A_472 : vector<1x256xi32> to vector<512x256xi32>
    %gt3A_492 = arith.cmpi sgt, %max3A_36, %gt3A_491 : vector<512x256xi32>
    %jit3A_493 = arith.constant 2147483647 : i32
    %broadcast_in_dim3A_494 = vector.broadcast %jit3A_493 : i32 to vector<512x256xi32>
    %select_n3A_495 = arith.select %gt3A_492, %max3A_36, %broadcast_in_dim3A_494 : vector<512x256xi1>, vector<512x256xi32>
    %gt3A_496 = vector.broadcast %broadcast_in_dim3A_472 : vector<1x256xi32> to vector<512x256xi32>
    %gt3A_497 = arith.cmpi sgt, %max3A_38, %gt3A_496 : vector<512x256xi32>
    %select_n3A_498 = arith.select %gt3A_497, %max3A_38, %select_n3A_495 : vector<512x256xi1>, vector<512x256xi32>
    %gt3A_499 = vector.broadcast %broadcast_in_dim3A_472 : vector<1x256xi32> to vector<512x256xi32>
    %gt3A_500 = arith.cmpi sgt, %min3A_37, %gt3A_499 : vector<512x256xi32>
    %select_n3A_501 = arith.select %gt3A_500, %min3A_37, %select_n3A_498 : vector<512x256xi1>, vector<512x256xi32>
    %gt3A_502 = vector.broadcast %broadcast_in_dim3A_472 : vector<1x256xi32> to vector<512x256xi32>
    %gt3A_503 = arith.cmpi sgt, %min3A_33, %gt3A_502 : vector<512x256xi32>
    %select_n3A_504 = arith.select %gt3A_503, %min3A_33, %select_n3A_501 : vector<512x256xi1>, vector<512x256xi32>
    %reduce_min3A_505 = arith.constant dense<2147483647> : vector<256xi32>
    %reduce_min3A_506 = vector.multi_reduction <minsi>, %select_n3A_504, %reduce_min3A_505 [0] : vector<512x256xi32> to vector<256xi32>
    %broadcast_in_dim3A_507 = vector.shape_cast %reduce_min3A_506 : vector<256xi32> to vector<1x256xi32>
    %and3A_508 = arith.constant 2047 : i32
    %and3A_509 = vector.broadcast %and3A_508 : i32 to vector<1x256xi32>
    %and3A_510 = arith.andi %broadcast_in_dim3A_507, %and3A_509 : vector<1x256xi32>
    %add3A_511 = arith.constant 0 : i32
    %add3A_512 = vector.broadcast %add3A_511 : i32 to vector<1x256xi32>
    %add3A_513 = arith.addi %and3A_510, %add3A_512 : vector<1x256xi32>
    %swap3A_514 = arith.constant 0 : index
    %swap3A_515 = arith.constant 13 : index
    %swap3A_516 = arith.constant 0 : index
    %swap3A_517 = vector.load %arg3[%swap3A_514, %swap3A_515, %swap3A_516] : memref<1x16x256xi32, #tpu.memory_space<vmem>>, vector<1x1x256xi32>
    %swap3A_518 = vector.shape_cast %swap3A_517 : vector<1x1x256xi32> to vector<1x256xi32>
    %swap3A_519 = vector.shape_cast %add3A_513 : vector<1x256xi32> to vector<1x1x256xi32>
    tpu.vector_store %arg3[%swap3A_514, %swap3A_515, %swap3A_516], %swap3A_519 {strides = array<i32>} : memref<1x16x256xi32, #tpu.memory_space<vmem>>, vector<1x1x256xi32>,
    %swap3A_520 = arith.constant 0 : index
    %swap3A_521 = arith.constant 13 : index
    %swap3A_522 = arith.constant 0 : index
    %swap3A_523 = vector.load %arg4[%swap3A_520, %swap3A_521, %swap3A_522] : memref<1x16x256xi32, #tpu.memory_space<vmem>>, vector<1x1x256xi32>
    %swap3A_524 = vector.shape_cast %swap3A_523 : vector<1x1x256xi32> to vector<1x256xi32>
    %swap3A_525 = vector.shape_cast %broadcast_in_dim3A_507 : vector<1x256xi32> to vector<1x1x256xi32>
    tpu.vector_store %arg4[%swap3A_520, %swap3A_521, %swap3A_522], %swap3A_525 {strides = array<i32>} : memref<1x16x256xi32, #tpu.memory_space<vmem>>, vector<1x1x256xi32>,
    %gt3A_526 = vector.broadcast %broadcast_in_dim3A_507 : vector<1x256xi32> to vector<512x256xi32>
    %gt3A_527 = arith.cmpi sgt, %max3A_36, %gt3A_526 : vector<512x256xi32>
    %jit3A_528 = arith.constant 2147483647 : i32
    %broadcast_in_dim3A_529 = vector.broadcast %jit3A_528 : i32 to vector<512x256xi32>
    %select_n3A_530 = arith.select %gt3A_527, %max3A_36, %broadcast_in_dim3A_529 : vector<512x256xi1>, vector<512x256xi32>
    %gt3A_531 = vector.broadcast %broadcast_in_dim3A_507 : vector<1x256xi32> to vector<512x256xi32>
    %gt3A_532 = arith.cmpi sgt, %max3A_38, %gt3A_531 : vector<512x256xi32>
    %select_n3A_533 = arith.select %gt3A_532, %max3A_38, %select_n3A_530 : vector<512x256xi1>, vector<512x256xi32>
    %gt3A_534 = vector.broadcast %broadcast_in_dim3A_507 : vector<1x256xi32> to vector<512x256xi32>
    %gt3A_535 = arith.cmpi sgt, %min3A_37, %gt3A_534 : vector<512x256xi32>
    %select_n3A_536 = arith.select %gt3A_535, %min3A_37, %select_n3A_533 : vector<512x256xi1>, vector<512x256xi32>
    %gt3A_537 = vector.broadcast %broadcast_in_dim3A_507 : vector<1x256xi32> to vector<512x256xi32>
    %gt3A_538 = arith.cmpi sgt, %min3A_33, %gt3A_537 : vector<512x256xi32>
    %select_n3A_539 = arith.select %gt3A_538, %min3A_33, %select_n3A_536 : vector<512x256xi1>, vector<512x256xi32>
    %reduce_min3A_540 = arith.constant dense<2147483647> : vector<256xi32>
    %reduce_min3A_541 = vector.multi_reduction <minsi>, %select_n3A_539, %reduce_min3A_540 [0] : vector<512x256xi32> to vector<256xi32>
    %broadcast_in_dim3A_542 = vector.shape_cast %reduce_min3A_541 : vector<256xi32> to vector<1x256xi32>
    %and3A_543 = arith.constant 2047 : i32
    %and3A_544 = vector.broadcast %and3A_543 : i32 to vector<1x256xi32>
    %and3A_545 = arith.andi %broadcast_in_dim3A_542, %and3A_544 : vector<1x256xi32>
    %add3A_546 = arith.constant 0 : i32
    %add3A_547 = vector.broadcast %add3A_546 : i32 to vector<1x256xi32>
    %add3A_548 = arith.addi %and3A_545, %add3A_547 : vector<1x256xi32>
    %swap3A_549 = arith.constant 0 : index
    %swap3A_550 = arith.constant 14 : index
    %swap3A_551 = arith.constant 0 : index
    %swap3A_552 = vector.load %arg3[%swap3A_549, %swap3A_550, %swap3A_551] : memref<1x16x256xi32, #tpu.memory_space<vmem>>, vector<1x1x256xi32>
    %swap3A_553 = vector.shape_cast %swap3A_552 : vector<1x1x256xi32> to vector<1x256xi32>
    %swap3A_554 = vector.shape_cast %add3A_548 : vector<1x256xi32> to vector<1x1x256xi32>
    tpu.vector_store %arg3[%swap3A_549, %swap3A_550, %swap3A_551], %swap3A_554 {strides = array<i32>} : memref<1x16x256xi32, #tpu.memory_space<vmem>>, vector<1x1x256xi32>,
    %swap3A_555 = arith.constant 0 : index
    %swap3A_556 = arith.constant 14 : index
    %swap3A_557 = arith.constant 0 : index
    %swap3A_558 = vector.load %arg4[%swap3A_555, %swap3A_556, %swap3A_557] : memref<1x16x256xi32, #tpu.memory_space<vmem>>, vector<1x1x256xi32>
    %swap3A_559 = vector.shape_cast %swap3A_558 : vector<1x1x256xi32> to vector<1x256xi32>
    %swap3A_560 = vector.shape_cast %broadcast_in_dim3A_542 : vector<1x256xi32> to vector<1x1x256xi32>
    tpu.vector_store %arg4[%swap3A_555, %swap3A_556, %swap3A_557], %swap3A_560 {strides = array<i32>} : memref<1x16x256xi32, #tpu.memory_space<vmem>>, vector<1x1x256xi32>,
    %gt3A_561 = vector.broadcast %broadcast_in_dim3A_542 : vector<1x256xi32> to vector<512x256xi32>
    %gt3A_562 = arith.cmpi sgt, %max3A_36, %gt3A_561 : vector<512x256xi32>
    %jit3A_563 = arith.constant 2147483647 : i32
    %broadcast_in_dim3A_564 = vector.broadcast %jit3A_563 : i32 to vector<512x256xi32>
    %select_n3A_565 = arith.select %gt3A_562, %max3A_36, %broadcast_in_dim3A_564 : vector<512x256xi1>, vector<512x256xi32>
    %gt3A_566 = vector.broadcast %broadcast_in_dim3A_542 : vector<1x256xi32> to vector<512x256xi32>
    %gt3A_567 = arith.cmpi sgt, %max3A_38, %gt3A_566 : vector<512x256xi32>
    %select_n3A_568 = arith.select %gt3A_567, %max3A_38, %select_n3A_565 : vector<512x256xi1>, vector<512x256xi32>
    %gt3A_569 = vector.broadcast %broadcast_in_dim3A_542 : vector<1x256xi32> to vector<512x256xi32>
    %gt3A_570 = arith.cmpi sgt, %min3A_37, %gt3A_569 : vector<512x256xi32>
    %select_n3A_571 = arith.select %gt3A_570, %min3A_37, %select_n3A_568 : vector<512x256xi1>, vector<512x256xi32>
    %gt3A_572 = vector.broadcast %broadcast_in_dim3A_542 : vector<1x256xi32> to vector<512x256xi32>
    %gt3A_573 = arith.cmpi sgt, %min3A_33, %gt3A_572 : vector<512x256xi32>
    %select_n3A_574 = arith.select %gt3A_573, %min3A_33, %select_n3A_571 : vector<512x256xi1>, vector<512x256xi32>
    %reduce_min3A_575 = arith.constant dense<2147483647> : vector<256xi32>
    %reduce_min3A_576 = vector.multi_reduction <minsi>, %select_n3A_574, %reduce_min3A_575 [0] : vector<512x256xi32> to vector<256xi32>
    %broadcast_in_dim3A_577 = vector.shape_cast %reduce_min3A_576 : vector<256xi32> to vector<1x256xi32>
    %and3A_578 = arith.constant 2047 : i32
    %and3A_579 = vector.broadcast %and3A_578 : i32 to vector<1x256xi32>
    %and3A_580 = arith.andi %broadcast_in_dim3A_577, %and3A_579 : vector<1x256xi32>
    %add3A_581 = arith.constant 0 : i32
    %add3A_582 = vector.broadcast %add3A_581 : i32 to vector<1x256xi32>
    %add3A_583 = arith.addi %and3A_580, %add3A_582 : vector<1x256xi32>
    %swap3A_584 = arith.constant 0 : index
    %swap3A_585 = arith.constant 15 : index
    %swap3A_586 = arith.constant 0 : index
    %swap3A_587 = vector.load %arg3[%swap3A_584, %swap3A_585, %swap3A_586] : memref<1x16x256xi32, #tpu.memory_space<vmem>>, vector<1x1x256xi32>
    %swap3A_588 = vector.shape_cast %swap3A_587 : vector<1x1x256xi32> to vector<1x256xi32>
    %swap3A_589 = vector.shape_cast %add3A_583 : vector<1x256xi32> to vector<1x1x256xi32>
    tpu.vector_store %arg3[%swap3A_584, %swap3A_585, %swap3A_586], %swap3A_589 {strides = array<i32>} : memref<1x16x256xi32, #tpu.memory_space<vmem>>, vector<1x1x256xi32>,
    %swap3A_590 = arith.constant 0 : index
    %swap3A_591 = arith.constant 15 : index
    %swap3A_592 = arith.constant 0 : index
    %swap3A_593 = vector.load %arg4[%swap3A_590, %swap3A_591, %swap3A_592] : memref<1x16x256xi32, #tpu.memory_space<vmem>>, vector<1x1x256xi32>
    %swap3A_594 = vector.shape_cast %swap3A_593 : vector<1x1x256xi32> to vector<1x256xi32>
    %swap3A_595 = vector.shape_cast %broadcast_in_dim3A_577 : vector<1x256xi32> to vector<1x1x256xi32>
    tpu.vector_store %arg4[%swap3A_590, %swap3A_591, %swap3A_592], %swap3A_595 {strides = array<i32>} : memref<1x16x256xi32, #tpu.memory_space<vmem>>, vector<1x1x256xi32>,
    return
  }
  func.func @transform_0(%arg0: i32) -> (i32, i32, i32) {
    %c0_i32 = arith.constant 0 : i32
    %c0_i32_0 = arith.constant 0 : i32
    %c0_i32_1 = arith.constant 0 : i32
    return %c0_i32, %c0_i32_0, %arg0 : i32, i32, i32
  }
  func.func @transform_1(%arg0: i32) -> (i32, i32, i32) {
    %c0_i32 = arith.constant 0 : i32
    %c0_i32_0 = arith.constant 0 : i32
    %c0_i32_1 = arith.constant 0 : i32
    %c0_i32_2 = arith.constant 0 : i32
    return %c0_i32, %c0_i32_0, %c0_i32_1 : i32, i32, i32
  }
  func.func @transform_2(%arg0: i32) -> (i32, i32, i32) {
    %c0_i32 = arith.constant 0 : i32
    %c0_i32_0 = arith.constant 0 : i32
    %c0_i32_1 = arith.constant 0 : i32
    return %arg0, %c0_i32, %c0_i32_0 : i32, i32, i32
  }
  func.func @transform_3(%arg0: i32) -> (i32, i32, i32) {
    %c0_i32 = arith.constant 0 : i32
    %c0_i32_0 = arith.constant 0 : i32
    %c0_i32_1 = arith.constant 0 : i32
    return %arg0, %c0_i32, %c0_i32_0 : i32, i32, i32
  }
}

module attributes {stable_mosaic.version = 14 : i64} {
  func.func @_a1_body(%arg0: i32, %arg1: memref<8192x80xbf16, #tpu.memory_space<vmem>>, %arg2: memref<80x128xbf16, #tpu.memory_space<vmem>>, %arg3: memref<8192x128xf32, #tpu.memory_space<vmem>>) attributes {dimension_semantics = [#tpu.dimension_semantics<arbitrary>], iteration_bounds = array<i64: 1>, scalar_prefetch = 0 : i64, scratch_operands = 0 : i64, tpu.core_type = #tpu.core_type<tc>, window_params = [{pipeline_mode = #tpu.pipeline_mode<synchronous>, transform_indices = @transform_0, window_bounds = array<i64: 8192, 80>}, {pipeline_mode = #tpu.pipeline_mode<synchronous>, transform_indices = @transform_1, window_bounds = array<i64: 80, 128>}, {pipeline_mode = #tpu.pipeline_mode<synchronous>, transform_indices = @transform_2, window_bounds = array<i64: 8192, 128>}]} {
    %get3A = arith.constant 0 : index
    %get3A_0 = arith.constant 0 : index
    %get3A_1 = vector.load %arg1[%get3A, %get3A_0] : memref<8192x80xbf16, #tpu.memory_space<vmem>>, vector<8192x80xbf16>
    %get3A_2 = arith.constant 0 : index
    %get3A_3 = arith.constant 0 : index
    %get3A_4 = vector.load %arg2[%get3A_2, %get3A_3] : memref<80x128xbf16, #tpu.memory_space<vmem>>, vector<80x128xbf16>
    %dot_general3A = arith.constant dense<0.000000e+00> : vector<8192x128xf32>
    %dot_general3A_5 = tpu.matmul %get3A_1, %get3A_4, %dot_general3A {dimension_numbers = #tpu.dot_dimension_numbers<[1], [0], [0], [1], [0, 0, 1, 1], [], []>, transpose_lhs_hint = false} : vector<8192x80xbf16>, vector<80x128xbf16>, vector<8192x128xf32> -> vector<8192x128xf32>
    %swap3A = arith.constant 0 : index
    %swap3A_6 = arith.constant 0 : index
    %swap3A_7 = vector.load %arg3[%swap3A, %swap3A_6] : memref<8192x128xf32, #tpu.memory_space<vmem>>, vector<8192x128xf32>
    tpu.vector_store %arg3[%swap3A, %swap3A_6], %dot_general3A_5 {strides = array<i32>} : memref<8192x128xf32, #tpu.memory_space<vmem>>, vector<8192x128xf32>,
    return
  }
  func.func @transform_0(%arg0: i32) -> (i32, i32) {
    %c0_i32 = arith.constant 0 : i32
    %c0_i32_0 = arith.constant 0 : i32
    %c0_i32_1 = arith.constant 0 : i32
    return %c0_i32, %c0_i32_0 : i32, i32
  }
  func.func @transform_1(%arg0: i32) -> (i32, i32) {
    %c0_i32 = arith.constant 0 : i32
    %c0_i32_0 = arith.constant 0 : i32
    %c0_i32_1 = arith.constant 0 : i32
    return %c0_i32, %c0_i32_0 : i32, i32
  }
  func.func @transform_2(%arg0: i32) -> (i32, i32) {
    %c0_i32 = arith.constant 0 : i32
    %c0_i32_0 = arith.constant 0 : i32
    %c0_i32_1 = arith.constant 0 : i32
    return %c0_i32, %c0_i32_0 : i32, i32
  }
}

module attributes {stable_mosaic.version = 14 : i64} {
  func.func @_knn_body(%arg0: i32, %arg1: memref<1x8x256xf32, #tpu.memory_space<vmem>>, %arg2: memref<1x2048x8xf32, #tpu.memory_space<vmem>>, %arg3: memref<1x16x256xi32, #tpu.memory_space<vmem>>, %arg4: memref<1x16x256xi32, #tpu.memory_space<vmem>>) attributes {dimension_semantics = [#tpu.dimension_semantics<arbitrary>], iteration_bounds = array<i64: 8>, scalar_prefetch = 0 : i64, scratch_operands = 0 : i64, tpu.core_type = #tpu.core_type<tc>, window_params = [{transform_indices = @transform_0, window_bounds = array<i64: 1, 8, 256>}, {pipeline_mode = #tpu.pipeline_mode<synchronous>, transform_indices = @transform_1, window_bounds = array<i64: 1, 2048, 8>}, {transform_indices = @transform_2, window_bounds = array<i64: 1, 16, 256>}, {transform_indices = @transform_3, window_bounds = array<i64: 1, 16, 256>}]} {
    %get3A = arith.constant 0 : index
    %get3A_0 = arith.constant 0 : index
    %get3A_1 = arith.constant 0 : index
    %get3A_2 = vector.load %arg1[%get3A, %get3A_0, %get3A_1] : memref<1x8x256xf32, #tpu.memory_space<vmem>>, vector<1x8x256xf32>
    %get3A_3 = vector.shape_cast %get3A_2 : vector<1x8x256xf32> to vector<8x256xf32>
    %get3A_4 = arith.constant 0 : index
    %get3A_5 = arith.constant 0 : index
    %get3A_6 = arith.constant 0 : index
    %get3A_7 = vector.load %arg2[%get3A_4, %get3A_5, %get3A_6] : memref<1x2048x8xf32, #tpu.memory_space<vmem>>, vector<1x2048x8xf32>
    %get3A_8 = vector.shape_cast %get3A_7 : vector<1x2048x8xf32> to vector<2048x8xf32>
    %mul3A = arith.mulf %get3A_3, %get3A_3 : vector<8x256xf32>
    %reduce_sum3A = arith.constant dense<0.000000e+00> : vector<256xf32>
    %reduce_sum3A_9 = vector.multi_reduction <add>, %mul3A, %reduce_sum3A [0] : vector<8x256xf32> to vector<256xf32>
    %broadcast_in_dim3A = vector.shape_cast %reduce_sum3A_9 : vector<256xf32> to vector<1x256xf32>
    %mul3A_10 = arith.mulf %get3A_8, %get3A_8 : vector<2048x8xf32>
    %reduce_sum3A_11 = arith.constant dense<0.000000e+00> : vector<2048xf32>
    %reduce_sum3A_12 = vector.multi_reduction <add>, %mul3A_10, %reduce_sum3A_11 [1] : vector<2048x8xf32> to vector<2048xf32>
    %broadcast_in_dim3A_13 = vector.shape_cast %reduce_sum3A_12 : vector<2048xf32> to vector<2048x1xf32>
    %convert_element_type3A = arith.truncf %get3A_8 : vector<2048x8xf32> to vector<2048x8xbf16>
    %convert_element_type3A_14 = arith.truncf %get3A_3 : vector<8x256xf32> to vector<8x256xbf16>
    %dot_general3A = arith.constant dense<0.000000e+00> : vector<2048x256xf32>
    %dot_general3A_15 = tpu.matmul %convert_element_type3A, %convert_element_type3A_14, %dot_general3A {dimension_numbers = #tpu.dot_dimension_numbers<[1], [0], [0], [1], [0, 0, 1, 1], [], []>, transpose_lhs_hint = false} : vector<2048x8xbf16>, vector<8x256xbf16>, vector<2048x256xf32> -> vector<2048x256xf32>
    %add3A = vector.broadcast %broadcast_in_dim3A_13 : vector<2048x1xf32> to vector<2048x256xf32>
    %add3A_16 = vector.broadcast %broadcast_in_dim3A : vector<1x256xf32> to vector<2048x256xf32>
    %add3A_17 = arith.addf %add3A, %add3A_16 : vector<2048x256xf32>
    %mul3A_18 = arith.constant 2.000000e+00 : f32
    %mul3A_19 = vector.broadcast %mul3A_18 : f32 to vector<2048x256xf32>
    %mul3A_20 = arith.mulf %mul3A_19, %dot_general3A_15 : vector<2048x256xf32>
    %sub3A = arith.subf %add3A_17, %mul3A_20 : vector<2048x256xf32>
    %bitcast_convert_type3A = tpu.bitcast %sub3A : vector<2048x256xf32> -> vector<2048x256xi32>
    %iota3A = tpu.iota {dimensions = array<i32: 0>} : vector<2048x256xi32>
    %shift_right_arithmetic3A = arith.constant 31 : i32
    %shift_right_arithmetic3A_21 = vector.broadcast %shift_right_arithmetic3A : i32 to vector<2048x256xi32>
    %shift_right_arithmetic3A_22 = arith.shrsi %bitcast_convert_type3A, %shift_right_arithmetic3A_21 : vector<2048x256xi32>
    %and3A = arith.constant 2147483647 : i32
    %and3A_23 = vector.broadcast %and3A : i32 to vector<2048x256xi32>
    %and3A_24 = arith.andi %shift_right_arithmetic3A_22, %and3A_23 : vector<2048x256xi32>
    %xor3A = arith.xori %bitcast_convert_type3A, %and3A_24 : vector<2048x256xi32>
    %and3A_25 = arith.constant -2048 : i32
    %and3A_26 = vector.broadcast %and3A_25 : i32 to vector<2048x256xi32>
    %and3A_27 = arith.andi %xor3A, %and3A_26 : vector<2048x256xi32>
    %or3A = arith.ori %and3A_27, %iota3A : vector<2048x256xi32>
    %slice3A = vector.extract_strided_slice %or3A {offsets = [0, 0], sizes = [512, 256], strides = [1, 1]} : vector<2048x256xi32> to vector<512x256xi32>
    %slice3A_28 = vector.extract_strided_slice %or3A {offsets = [512, 0], sizes = [512, 256], strides = [1, 1]} : vector<2048x256xi32> to vector<512x256xi32>
    %slice3A_29 = vector.extract_strided_slice %or3A {offsets = [1024, 0], sizes = [512, 256], strides = [1, 1]} : vector<2048x256xi32> to vector<512x256xi32>
    %slice3A_30 = vector.extract_strided_slice %or3A {offsets = [1536, 0], sizes = [512, 256], strides = [1, 1]} : vector<2048x256xi32> to vector<512x256xi32>
    %min3A = arith.minsi %slice3A, %slice3A_28 : vector<512x256xi32>
    %max3A = arith.maxsi %slice3A, %slice3A_28 : vector<512x256xi32>
    %min3A_31 = arith.minsi %slice3A_29, %slice3A_30 : vector<512x256xi32>
    %max3A_32 = arith.maxsi %slice3A_29, %slice3A_30 : vector<512x256xi32>
    %min3A_33 = arith.minsi %min3A, %min3A_31 : vector<512x256xi32>
    %max3A_34 = arith.maxsi %min3A, %min3A_31 : vector<512x256xi32>
    %min3A_35 = arith.minsi %max3A, %max3A_32 : vector<512x256xi32>
    %max3A_36 = arith.maxsi %max3A, %max3A_32 : vector<512x256xi32>
    %min3A_37 = arith.minsi %min3A_35, %max3A_34 : vector<512x256xi32>
    %max3A_38 = arith.maxsi %min3A_35, %max3A_34 : vector<512x256xi32>
    %broadcast_in_dim3A_39 = arith.constant -2147483648 : i32
    %broadcast_in_dim3A_40 = vector.broadcast %broadcast_in_dim3A_39 : i32 to vector<1x256xi32>
    %gt3A = vector.broadcast %broadcast_in_dim3A_40 : vector<1x256xi32> to vector<512x256xi32>
    %gt3A_41 = arith.cmpi sgt, %max3A_36, %gt3A : vector<512x256xi32>
    %jit3A = arith.constant 2147483647 : i32
    %broadcast_in_dim3A_42 = vector.broadcast %jit3A : i32 to vector<512x256xi32>
    %select_n3A = arith.select %gt3A_41, %max3A_36, %broadcast_in_dim3A_42 : vector<512x256xi1>, vector<512x256xi32>
    %gt3A_43 = vector.broadcast %broadcast_in_dim3A_40 : vector<1x256xi32> to vector<512x256xi32>
    %gt3A_44 = arith.cmpi sgt, %max3A_38, %gt3A_43 : vector<512x256xi32>
    %select_n3A_45 = arith.select %gt3A_44, %max3A_38, %select_n3A : vector<512x256xi1>, vector<512x256xi32>
    %gt3A_46 = vector.broadcast %broadcast_in_dim3A_40 : vector<1x256xi32> to vector<512x256xi32>
    %gt3A_47 = arith.cmpi sgt, %min3A_37, %gt3A_46 : vector<512x256xi32>
    %select_n3A_48 = arith.select %gt3A_47, %min3A_37, %select_n3A_45 : vector<512x256xi1>, vector<512x256xi32>
    %gt3A_49 = vector.broadcast %broadcast_in_dim3A_40 : vector<1x256xi32> to vector<512x256xi32>
    %gt3A_50 = arith.cmpi sgt, %min3A_33, %gt3A_49 : vector<512x256xi32>
    %select_n3A_51 = arith.select %gt3A_50, %min3A_33, %select_n3A_48 : vector<512x256xi1>, vector<512x256xi32>
    %reduce_min3A = arith.constant dense<2147483647> : vector<256xi32>
    %reduce_min3A_52 = vector.multi_reduction <minsi>, %select_n3A_51, %reduce_min3A [0] : vector<512x256xi32> to vector<256xi32>
    %broadcast_in_dim3A_53 = vector.shape_cast %reduce_min3A_52 : vector<256xi32> to vector<1x256xi32>
    %and3A_54 = arith.constant 2047 : i32
    %and3A_55 = vector.broadcast %and3A_54 : i32 to vector<1x256xi32>
    %and3A_56 = arith.andi %broadcast_in_dim3A_53, %and3A_55 : vector<1x256xi32>
    %add3A_57 = arith.constant 2048 : i32
    %add3A_58 = vector.broadcast %add3A_57 : i32 to vector<1x256xi32>
    %add3A_59 = arith.addi %and3A_56, %add3A_58 : vector<1x256xi32>
    %swap3A = arith.constant 0 : index
    %swap3A_60 = arith.constant 0 : index
    %swap3A_61 = arith.constant 0 : index
    %swap3A_62 = vector.load %arg3[%swap3A, %swap3A_60, %swap3A_61] : memref<1x16x256xi32, #tpu.memory_space<vmem>>, vector<1x1x256xi32>
    %swap3A_63 = vector.shape_cast %swap3A_62 : vector<1x1x256xi32> to vector<1x256xi32>
    %swap3A_64 = vector.shape_cast %add3A_59 : vector<1x256xi32> to vector<1x1x256xi32>
    tpu.vector_store %arg3[%swap3A, %swap3A_60, %swap3A_61], %swap3A_64 {strides = array<i32>} : memref<1x16x256xi32, #tpu.memory_space<vmem>>, vector<1x1x256xi32>,
    %swap3A_65 = arith.constant 0 : index
    %swap3A_66 = arith.constant 0 : index
    %swap3A_67 = arith.constant 0 : index
    %swap3A_68 = vector.load %arg4[%swap3A_65, %swap3A_66, %swap3A_67] : memref<1x16x256xi32, #tpu.memory_space<vmem>>, vector<1x1x256xi32>
    %swap3A_69 = vector.shape_cast %swap3A_68 : vector<1x1x256xi32> to vector<1x256xi32>
    %swap3A_70 = vector.shape_cast %broadcast_in_dim3A_53 : vector<1x256xi32> to vector<1x1x256xi32>
    tpu.vector_store %arg4[%swap3A_65, %swap3A_66, %swap3A_67], %swap3A_70 {strides = array<i32>} : memref<1x16x256xi32, #tpu.memory_space<vmem>>, vector<1x1x256xi32>,
    %gt3A_71 = vector.broadcast %broadcast_in_dim3A_53 : vector<1x256xi32> to vector<512x256xi32>
    %gt3A_72 = arith.cmpi sgt, %max3A_36, %gt3A_71 : vector<512x256xi32>
    %jit3A_73 = arith.constant 2147483647 : i32
    %broadcast_in_dim3A_74 = vector.broadcast %jit3A_73 : i32 to vector<512x256xi32>
    %select_n3A_75 = arith.select %gt3A_72, %max3A_36, %broadcast_in_dim3A_74 : vector<512x256xi1>, vector<512x256xi32>
    %gt3A_76 = vector.broadcast %broadcast_in_dim3A_53 : vector<1x256xi32> to vector<512x256xi32>
    %gt3A_77 = arith.cmpi sgt, %max3A_38, %gt3A_76 : vector<512x256xi32>
    %select_n3A_78 = arith.select %gt3A_77, %max3A_38, %select_n3A_75 : vector<512x256xi1>, vector<512x256xi32>
    %gt3A_79 = vector.broadcast %broadcast_in_dim3A_53 : vector<1x256xi32> to vector<512x256xi32>
    %gt3A_80 = arith.cmpi sgt, %min3A_37, %gt3A_79 : vector<512x256xi32>
    %select_n3A_81 = arith.select %gt3A_80, %min3A_37, %select_n3A_78 : vector<512x256xi1>, vector<512x256xi32>
    %gt3A_82 = vector.broadcast %broadcast_in_dim3A_53 : vector<1x256xi32> to vector<512x256xi32>
    %gt3A_83 = arith.cmpi sgt, %min3A_33, %gt3A_82 : vector<512x256xi32>
    %select_n3A_84 = arith.select %gt3A_83, %min3A_33, %select_n3A_81 : vector<512x256xi1>, vector<512x256xi32>
    %reduce_min3A_85 = arith.constant dense<2147483647> : vector<256xi32>
    %reduce_min3A_86 = vector.multi_reduction <minsi>, %select_n3A_84, %reduce_min3A_85 [0] : vector<512x256xi32> to vector<256xi32>
    %broadcast_in_dim3A_87 = vector.shape_cast %reduce_min3A_86 : vector<256xi32> to vector<1x256xi32>
    %and3A_88 = arith.constant 2047 : i32
    %and3A_89 = vector.broadcast %and3A_88 : i32 to vector<1x256xi32>
    %and3A_90 = arith.andi %broadcast_in_dim3A_87, %and3A_89 : vector<1x256xi32>
    %add3A_91 = arith.constant 2048 : i32
    %add3A_92 = vector.broadcast %add3A_91 : i32 to vector<1x256xi32>
    %add3A_93 = arith.addi %and3A_90, %add3A_92 : vector<1x256xi32>
    %swap3A_94 = arith.constant 0 : index
    %swap3A_95 = arith.constant 1 : index
    %swap3A_96 = arith.constant 0 : index
    %swap3A_97 = vector.load %arg3[%swap3A_94, %swap3A_95, %swap3A_96] : memref<1x16x256xi32, #tpu.memory_space<vmem>>, vector<1x1x256xi32>
    %swap3A_98 = vector.shape_cast %swap3A_97 : vector<1x1x256xi32> to vector<1x256xi32>
    %swap3A_99 = vector.shape_cast %add3A_93 : vector<1x256xi32> to vector<1x1x256xi32>
    tpu.vector_store %arg3[%swap3A_94, %swap3A_95, %swap3A_96], %swap3A_99 {strides = array<i32>} : memref<1x16x256xi32, #tpu.memory_space<vmem>>, vector<1x1x256xi32>,
    %swap3A_100 = arith.constant 0 : index
    %swap3A_101 = arith.constant 1 : index
    %swap3A_102 = arith.constant 0 : index
    %swap3A_103 = vector.load %arg4[%swap3A_100, %swap3A_101, %swap3A_102] : memref<1x16x256xi32, #tpu.memory_space<vmem>>, vector<1x1x256xi32>
    %swap3A_104 = vector.shape_cast %swap3A_103 : vector<1x1x256xi32> to vector<1x256xi32>
    %swap3A_105 = vector.shape_cast %broadcast_in_dim3A_87 : vector<1x256xi32> to vector<1x1x256xi32>
    tpu.vector_store %arg4[%swap3A_100, %swap3A_101, %swap3A_102], %swap3A_105 {strides = array<i32>} : memref<1x16x256xi32, #tpu.memory_space<vmem>>, vector<1x1x256xi32>,
    %gt3A_106 = vector.broadcast %broadcast_in_dim3A_87 : vector<1x256xi32> to vector<512x256xi32>
    %gt3A_107 = arith.cmpi sgt, %max3A_36, %gt3A_106 : vector<512x256xi32>
    %jit3A_108 = arith.constant 2147483647 : i32
    %broadcast_in_dim3A_109 = vector.broadcast %jit3A_108 : i32 to vector<512x256xi32>
    %select_n3A_110 = arith.select %gt3A_107, %max3A_36, %broadcast_in_dim3A_109 : vector<512x256xi1>, vector<512x256xi32>
    %gt3A_111 = vector.broadcast %broadcast_in_dim3A_87 : vector<1x256xi32> to vector<512x256xi32>
    %gt3A_112 = arith.cmpi sgt, %max3A_38, %gt3A_111 : vector<512x256xi32>
    %select_n3A_113 = arith.select %gt3A_112, %max3A_38, %select_n3A_110 : vector<512x256xi1>, vector<512x256xi32>
    %gt3A_114 = vector.broadcast %broadcast_in_dim3A_87 : vector<1x256xi32> to vector<512x256xi32>
    %gt3A_115 = arith.cmpi sgt, %min3A_37, %gt3A_114 : vector<512x256xi32>
    %select_n3A_116 = arith.select %gt3A_115, %min3A_37, %select_n3A_113 : vector<512x256xi1>, vector<512x256xi32>
    %gt3A_117 = vector.broadcast %broadcast_in_dim3A_87 : vector<1x256xi32> to vector<512x256xi32>
    %gt3A_118 = arith.cmpi sgt, %min3A_33, %gt3A_117 : vector<512x256xi32>
    %select_n3A_119 = arith.select %gt3A_118, %min3A_33, %select_n3A_116 : vector<512x256xi1>, vector<512x256xi32>
    %reduce_min3A_120 = arith.constant dense<2147483647> : vector<256xi32>
    %reduce_min3A_121 = vector.multi_reduction <minsi>, %select_n3A_119, %reduce_min3A_120 [0] : vector<512x256xi32> to vector<256xi32>
    %broadcast_in_dim3A_122 = vector.shape_cast %reduce_min3A_121 : vector<256xi32> to vector<1x256xi32>
    %and3A_123 = arith.constant 2047 : i32
    %and3A_124 = vector.broadcast %and3A_123 : i32 to vector<1x256xi32>
    %and3A_125 = arith.andi %broadcast_in_dim3A_122, %and3A_124 : vector<1x256xi32>
    %add3A_126 = arith.constant 2048 : i32
    %add3A_127 = vector.broadcast %add3A_126 : i32 to vector<1x256xi32>
    %add3A_128 = arith.addi %and3A_125, %add3A_127 : vector<1x256xi32>
    %swap3A_129 = arith.constant 0 : index
    %swap3A_130 = arith.constant 2 : index
    %swap3A_131 = arith.constant 0 : index
    %swap3A_132 = vector.load %arg3[%swap3A_129, %swap3A_130, %swap3A_131] : memref<1x16x256xi32, #tpu.memory_space<vmem>>, vector<1x1x256xi32>
    %swap3A_133 = vector.shape_cast %swap3A_132 : vector<1x1x256xi32> to vector<1x256xi32>
    %swap3A_134 = vector.shape_cast %add3A_128 : vector<1x256xi32> to vector<1x1x256xi32>
    tpu.vector_store %arg3[%swap3A_129, %swap3A_130, %swap3A_131], %swap3A_134 {strides = array<i32>} : memref<1x16x256xi32, #tpu.memory_space<vmem>>, vector<1x1x256xi32>,
    %swap3A_135 = arith.constant 0 : index
    %swap3A_136 = arith.constant 2 : index
    %swap3A_137 = arith.constant 0 : index
    %swap3A_138 = vector.load %arg4[%swap3A_135, %swap3A_136, %swap3A_137] : memref<1x16x256xi32, #tpu.memory_space<vmem>>, vector<1x1x256xi32>
    %swap3A_139 = vector.shape_cast %swap3A_138 : vector<1x1x256xi32> to vector<1x256xi32>
    %swap3A_140 = vector.shape_cast %broadcast_in_dim3A_122 : vector<1x256xi32> to vector<1x1x256xi32>
    tpu.vector_store %arg4[%swap3A_135, %swap3A_136, %swap3A_137], %swap3A_140 {strides = array<i32>} : memref<1x16x256xi32, #tpu.memory_space<vmem>>, vector<1x1x256xi32>,
    %gt3A_141 = vector.broadcast %broadcast_in_dim3A_122 : vector<1x256xi32> to vector<512x256xi32>
    %gt3A_142 = arith.cmpi sgt, %max3A_36, %gt3A_141 : vector<512x256xi32>
    %jit3A_143 = arith.constant 2147483647 : i32
    %broadcast_in_dim3A_144 = vector.broadcast %jit3A_143 : i32 to vector<512x256xi32>
    %select_n3A_145 = arith.select %gt3A_142, %max3A_36, %broadcast_in_dim3A_144 : vector<512x256xi1>, vector<512x256xi32>
    %gt3A_146 = vector.broadcast %broadcast_in_dim3A_122 : vector<1x256xi32> to vector<512x256xi32>
    %gt3A_147 = arith.cmpi sgt, %max3A_38, %gt3A_146 : vector<512x256xi32>
    %select_n3A_148 = arith.select %gt3A_147, %max3A_38, %select_n3A_145 : vector<512x256xi1>, vector<512x256xi32>
    %gt3A_149 = vector.broadcast %broadcast_in_dim3A_122 : vector<1x256xi32> to vector<512x256xi32>
    %gt3A_150 = arith.cmpi sgt, %min3A_37, %gt3A_149 : vector<512x256xi32>
    %select_n3A_151 = arith.select %gt3A_150, %min3A_37, %select_n3A_148 : vector<512x256xi1>, vector<512x256xi32>
    %gt3A_152 = vector.broadcast %broadcast_in_dim3A_122 : vector<1x256xi32> to vector<512x256xi32>
    %gt3A_153 = arith.cmpi sgt, %min3A_33, %gt3A_152 : vector<512x256xi32>
    %select_n3A_154 = arith.select %gt3A_153, %min3A_33, %select_n3A_151 : vector<512x256xi1>, vector<512x256xi32>
    %reduce_min3A_155 = arith.constant dense<2147483647> : vector<256xi32>
    %reduce_min3A_156 = vector.multi_reduction <minsi>, %select_n3A_154, %reduce_min3A_155 [0] : vector<512x256xi32> to vector<256xi32>
    %broadcast_in_dim3A_157 = vector.shape_cast %reduce_min3A_156 : vector<256xi32> to vector<1x256xi32>
    %and3A_158 = arith.constant 2047 : i32
    %and3A_159 = vector.broadcast %and3A_158 : i32 to vector<1x256xi32>
    %and3A_160 = arith.andi %broadcast_in_dim3A_157, %and3A_159 : vector<1x256xi32>
    %add3A_161 = arith.constant 2048 : i32
    %add3A_162 = vector.broadcast %add3A_161 : i32 to vector<1x256xi32>
    %add3A_163 = arith.addi %and3A_160, %add3A_162 : vector<1x256xi32>
    %swap3A_164 = arith.constant 0 : index
    %swap3A_165 = arith.constant 3 : index
    %swap3A_166 = arith.constant 0 : index
    %swap3A_167 = vector.load %arg3[%swap3A_164, %swap3A_165, %swap3A_166] : memref<1x16x256xi32, #tpu.memory_space<vmem>>, vector<1x1x256xi32>
    %swap3A_168 = vector.shape_cast %swap3A_167 : vector<1x1x256xi32> to vector<1x256xi32>
    %swap3A_169 = vector.shape_cast %add3A_163 : vector<1x256xi32> to vector<1x1x256xi32>
    tpu.vector_store %arg3[%swap3A_164, %swap3A_165, %swap3A_166], %swap3A_169 {strides = array<i32>} : memref<1x16x256xi32, #tpu.memory_space<vmem>>, vector<1x1x256xi32>,
    %swap3A_170 = arith.constant 0 : index
    %swap3A_171 = arith.constant 3 : index
    %swap3A_172 = arith.constant 0 : index
    %swap3A_173 = vector.load %arg4[%swap3A_170, %swap3A_171, %swap3A_172] : memref<1x16x256xi32, #tpu.memory_space<vmem>>, vector<1x1x256xi32>
    %swap3A_174 = vector.shape_cast %swap3A_173 : vector<1x1x256xi32> to vector<1x256xi32>
    %swap3A_175 = vector.shape_cast %broadcast_in_dim3A_157 : vector<1x256xi32> to vector<1x1x256xi32>
    tpu.vector_store %arg4[%swap3A_170, %swap3A_171, %swap3A_172], %swap3A_175 {strides = array<i32>} : memref<1x16x256xi32, #tpu.memory_space<vmem>>, vector<1x1x256xi32>,
    %gt3A_176 = vector.broadcast %broadcast_in_dim3A_157 : vector<1x256xi32> to vector<512x256xi32>
    %gt3A_177 = arith.cmpi sgt, %max3A_36, %gt3A_176 : vector<512x256xi32>
    %jit3A_178 = arith.constant 2147483647 : i32
    %broadcast_in_dim3A_179 = vector.broadcast %jit3A_178 : i32 to vector<512x256xi32>
    %select_n3A_180 = arith.select %gt3A_177, %max3A_36, %broadcast_in_dim3A_179 : vector<512x256xi1>, vector<512x256xi32>
    %gt3A_181 = vector.broadcast %broadcast_in_dim3A_157 : vector<1x256xi32> to vector<512x256xi32>
    %gt3A_182 = arith.cmpi sgt, %max3A_38, %gt3A_181 : vector<512x256xi32>
    %select_n3A_183 = arith.select %gt3A_182, %max3A_38, %select_n3A_180 : vector<512x256xi1>, vector<512x256xi32>
    %gt3A_184 = vector.broadcast %broadcast_in_dim3A_157 : vector<1x256xi32> to vector<512x256xi32>
    %gt3A_185 = arith.cmpi sgt, %min3A_37, %gt3A_184 : vector<512x256xi32>
    %select_n3A_186 = arith.select %gt3A_185, %min3A_37, %select_n3A_183 : vector<512x256xi1>, vector<512x256xi32>
    %gt3A_187 = vector.broadcast %broadcast_in_dim3A_157 : vector<1x256xi32> to vector<512x256xi32>
    %gt3A_188 = arith.cmpi sgt, %min3A_33, %gt3A_187 : vector<512x256xi32>
    %select_n3A_189 = arith.select %gt3A_188, %min3A_33, %select_n3A_186 : vector<512x256xi1>, vector<512x256xi32>
    %reduce_min3A_190 = arith.constant dense<2147483647> : vector<256xi32>
    %reduce_min3A_191 = vector.multi_reduction <minsi>, %select_n3A_189, %reduce_min3A_190 [0] : vector<512x256xi32> to vector<256xi32>
    %broadcast_in_dim3A_192 = vector.shape_cast %reduce_min3A_191 : vector<256xi32> to vector<1x256xi32>
    %and3A_193 = arith.constant 2047 : i32
    %and3A_194 = vector.broadcast %and3A_193 : i32 to vector<1x256xi32>
    %and3A_195 = arith.andi %broadcast_in_dim3A_192, %and3A_194 : vector<1x256xi32>
    %add3A_196 = arith.constant 2048 : i32
    %add3A_197 = vector.broadcast %add3A_196 : i32 to vector<1x256xi32>
    %add3A_198 = arith.addi %and3A_195, %add3A_197 : vector<1x256xi32>
    %swap3A_199 = arith.constant 0 : index
    %swap3A_200 = arith.constant 4 : index
    %swap3A_201 = arith.constant 0 : index
    %swap3A_202 = vector.load %arg3[%swap3A_199, %swap3A_200, %swap3A_201] : memref<1x16x256xi32, #tpu.memory_space<vmem>>, vector<1x1x256xi32>
    %swap3A_203 = vector.shape_cast %swap3A_202 : vector<1x1x256xi32> to vector<1x256xi32>
    %swap3A_204 = vector.shape_cast %add3A_198 : vector<1x256xi32> to vector<1x1x256xi32>
    tpu.vector_store %arg3[%swap3A_199, %swap3A_200, %swap3A_201], %swap3A_204 {strides = array<i32>} : memref<1x16x256xi32, #tpu.memory_space<vmem>>, vector<1x1x256xi32>,
    %swap3A_205 = arith.constant 0 : index
    %swap3A_206 = arith.constant 4 : index
    %swap3A_207 = arith.constant 0 : index
    %swap3A_208 = vector.load %arg4[%swap3A_205, %swap3A_206, %swap3A_207] : memref<1x16x256xi32, #tpu.memory_space<vmem>>, vector<1x1x256xi32>
    %swap3A_209 = vector.shape_cast %swap3A_208 : vector<1x1x256xi32> to vector<1x256xi32>
    %swap3A_210 = vector.shape_cast %broadcast_in_dim3A_192 : vector<1x256xi32> to vector<1x1x256xi32>
    tpu.vector_store %arg4[%swap3A_205, %swap3A_206, %swap3A_207], %swap3A_210 {strides = array<i32>} : memref<1x16x256xi32, #tpu.memory_space<vmem>>, vector<1x1x256xi32>,
    %gt3A_211 = vector.broadcast %broadcast_in_dim3A_192 : vector<1x256xi32> to vector<512x256xi32>
    %gt3A_212 = arith.cmpi sgt, %max3A_36, %gt3A_211 : vector<512x256xi32>
    %jit3A_213 = arith.constant 2147483647 : i32
    %broadcast_in_dim3A_214 = vector.broadcast %jit3A_213 : i32 to vector<512x256xi32>
    %select_n3A_215 = arith.select %gt3A_212, %max3A_36, %broadcast_in_dim3A_214 : vector<512x256xi1>, vector<512x256xi32>
    %gt3A_216 = vector.broadcast %broadcast_in_dim3A_192 : vector<1x256xi32> to vector<512x256xi32>
    %gt3A_217 = arith.cmpi sgt, %max3A_38, %gt3A_216 : vector<512x256xi32>
    %select_n3A_218 = arith.select %gt3A_217, %max3A_38, %select_n3A_215 : vector<512x256xi1>, vector<512x256xi32>
    %gt3A_219 = vector.broadcast %broadcast_in_dim3A_192 : vector<1x256xi32> to vector<512x256xi32>
    %gt3A_220 = arith.cmpi sgt, %min3A_37, %gt3A_219 : vector<512x256xi32>
    %select_n3A_221 = arith.select %gt3A_220, %min3A_37, %select_n3A_218 : vector<512x256xi1>, vector<512x256xi32>
    %gt3A_222 = vector.broadcast %broadcast_in_dim3A_192 : vector<1x256xi32> to vector<512x256xi32>
    %gt3A_223 = arith.cmpi sgt, %min3A_33, %gt3A_222 : vector<512x256xi32>
    %select_n3A_224 = arith.select %gt3A_223, %min3A_33, %select_n3A_221 : vector<512x256xi1>, vector<512x256xi32>
    %reduce_min3A_225 = arith.constant dense<2147483647> : vector<256xi32>
    %reduce_min3A_226 = vector.multi_reduction <minsi>, %select_n3A_224, %reduce_min3A_225 [0] : vector<512x256xi32> to vector<256xi32>
    %broadcast_in_dim3A_227 = vector.shape_cast %reduce_min3A_226 : vector<256xi32> to vector<1x256xi32>
    %and3A_228 = arith.constant 2047 : i32
    %and3A_229 = vector.broadcast %and3A_228 : i32 to vector<1x256xi32>
    %and3A_230 = arith.andi %broadcast_in_dim3A_227, %and3A_229 : vector<1x256xi32>
    %add3A_231 = arith.constant 2048 : i32
    %add3A_232 = vector.broadcast %add3A_231 : i32 to vector<1x256xi32>
    %add3A_233 = arith.addi %and3A_230, %add3A_232 : vector<1x256xi32>
    %swap3A_234 = arith.constant 0 : index
    %swap3A_235 = arith.constant 5 : index
    %swap3A_236 = arith.constant 0 : index
    %swap3A_237 = vector.load %arg3[%swap3A_234, %swap3A_235, %swap3A_236] : memref<1x16x256xi32, #tpu.memory_space<vmem>>, vector<1x1x256xi32>
    %swap3A_238 = vector.shape_cast %swap3A_237 : vector<1x1x256xi32> to vector<1x256xi32>
    %swap3A_239 = vector.shape_cast %add3A_233 : vector<1x256xi32> to vector<1x1x256xi32>
    tpu.vector_store %arg3[%swap3A_234, %swap3A_235, %swap3A_236], %swap3A_239 {strides = array<i32>} : memref<1x16x256xi32, #tpu.memory_space<vmem>>, vector<1x1x256xi32>,
    %swap3A_240 = arith.constant 0 : index
    %swap3A_241 = arith.constant 5 : index
    %swap3A_242 = arith.constant 0 : index
    %swap3A_243 = vector.load %arg4[%swap3A_240, %swap3A_241, %swap3A_242] : memref<1x16x256xi32, #tpu.memory_space<vmem>>, vector<1x1x256xi32>
    %swap3A_244 = vector.shape_cast %swap3A_243 : vector<1x1x256xi32> to vector<1x256xi32>
    %swap3A_245 = vector.shape_cast %broadcast_in_dim3A_227 : vector<1x256xi32> to vector<1x1x256xi32>
    tpu.vector_store %arg4[%swap3A_240, %swap3A_241, %swap3A_242], %swap3A_245 {strides = array<i32>} : memref<1x16x256xi32, #tpu.memory_space<vmem>>, vector<1x1x256xi32>,
    %gt3A_246 = vector.broadcast %broadcast_in_dim3A_227 : vector<1x256xi32> to vector<512x256xi32>
    %gt3A_247 = arith.cmpi sgt, %max3A_36, %gt3A_246 : vector<512x256xi32>
    %jit3A_248 = arith.constant 2147483647 : i32
    %broadcast_in_dim3A_249 = vector.broadcast %jit3A_248 : i32 to vector<512x256xi32>
    %select_n3A_250 = arith.select %gt3A_247, %max3A_36, %broadcast_in_dim3A_249 : vector<512x256xi1>, vector<512x256xi32>
    %gt3A_251 = vector.broadcast %broadcast_in_dim3A_227 : vector<1x256xi32> to vector<512x256xi32>
    %gt3A_252 = arith.cmpi sgt, %max3A_38, %gt3A_251 : vector<512x256xi32>
    %select_n3A_253 = arith.select %gt3A_252, %max3A_38, %select_n3A_250 : vector<512x256xi1>, vector<512x256xi32>
    %gt3A_254 = vector.broadcast %broadcast_in_dim3A_227 : vector<1x256xi32> to vector<512x256xi32>
    %gt3A_255 = arith.cmpi sgt, %min3A_37, %gt3A_254 : vector<512x256xi32>
    %select_n3A_256 = arith.select %gt3A_255, %min3A_37, %select_n3A_253 : vector<512x256xi1>, vector<512x256xi32>
    %gt3A_257 = vector.broadcast %broadcast_in_dim3A_227 : vector<1x256xi32> to vector<512x256xi32>
    %gt3A_258 = arith.cmpi sgt, %min3A_33, %gt3A_257 : vector<512x256xi32>
    %select_n3A_259 = arith.select %gt3A_258, %min3A_33, %select_n3A_256 : vector<512x256xi1>, vector<512x256xi32>
    %reduce_min3A_260 = arith.constant dense<2147483647> : vector<256xi32>
    %reduce_min3A_261 = vector.multi_reduction <minsi>, %select_n3A_259, %reduce_min3A_260 [0] : vector<512x256xi32> to vector<256xi32>
    %broadcast_in_dim3A_262 = vector.shape_cast %reduce_min3A_261 : vector<256xi32> to vector<1x256xi32>
    %and3A_263 = arith.constant 2047 : i32
    %and3A_264 = vector.broadcast %and3A_263 : i32 to vector<1x256xi32>
    %and3A_265 = arith.andi %broadcast_in_dim3A_262, %and3A_264 : vector<1x256xi32>
    %add3A_266 = arith.constant 2048 : i32
    %add3A_267 = vector.broadcast %add3A_266 : i32 to vector<1x256xi32>
    %add3A_268 = arith.addi %and3A_265, %add3A_267 : vector<1x256xi32>
    %swap3A_269 = arith.constant 0 : index
    %swap3A_270 = arith.constant 6 : index
    %swap3A_271 = arith.constant 0 : index
    %swap3A_272 = vector.load %arg3[%swap3A_269, %swap3A_270, %swap3A_271] : memref<1x16x256xi32, #tpu.memory_space<vmem>>, vector<1x1x256xi32>
    %swap3A_273 = vector.shape_cast %swap3A_272 : vector<1x1x256xi32> to vector<1x256xi32>
    %swap3A_274 = vector.shape_cast %add3A_268 : vector<1x256xi32> to vector<1x1x256xi32>
    tpu.vector_store %arg3[%swap3A_269, %swap3A_270, %swap3A_271], %swap3A_274 {strides = array<i32>} : memref<1x16x256xi32, #tpu.memory_space<vmem>>, vector<1x1x256xi32>,
    %swap3A_275 = arith.constant 0 : index
    %swap3A_276 = arith.constant 6 : index
    %swap3A_277 = arith.constant 0 : index
    %swap3A_278 = vector.load %arg4[%swap3A_275, %swap3A_276, %swap3A_277] : memref<1x16x256xi32, #tpu.memory_space<vmem>>, vector<1x1x256xi32>
    %swap3A_279 = vector.shape_cast %swap3A_278 : vector<1x1x256xi32> to vector<1x256xi32>
    %swap3A_280 = vector.shape_cast %broadcast_in_dim3A_262 : vector<1x256xi32> to vector<1x1x256xi32>
    tpu.vector_store %arg4[%swap3A_275, %swap3A_276, %swap3A_277], %swap3A_280 {strides = array<i32>} : memref<1x16x256xi32, #tpu.memory_space<vmem>>, vector<1x1x256xi32>,
    %gt3A_281 = vector.broadcast %broadcast_in_dim3A_262 : vector<1x256xi32> to vector<512x256xi32>
    %gt3A_282 = arith.cmpi sgt, %max3A_36, %gt3A_281 : vector<512x256xi32>
    %jit3A_283 = arith.constant 2147483647 : i32
    %broadcast_in_dim3A_284 = vector.broadcast %jit3A_283 : i32 to vector<512x256xi32>
    %select_n3A_285 = arith.select %gt3A_282, %max3A_36, %broadcast_in_dim3A_284 : vector<512x256xi1>, vector<512x256xi32>
    %gt3A_286 = vector.broadcast %broadcast_in_dim3A_262 : vector<1x256xi32> to vector<512x256xi32>
    %gt3A_287 = arith.cmpi sgt, %max3A_38, %gt3A_286 : vector<512x256xi32>
    %select_n3A_288 = arith.select %gt3A_287, %max3A_38, %select_n3A_285 : vector<512x256xi1>, vector<512x256xi32>
    %gt3A_289 = vector.broadcast %broadcast_in_dim3A_262 : vector<1x256xi32> to vector<512x256xi32>
    %gt3A_290 = arith.cmpi sgt, %min3A_37, %gt3A_289 : vector<512x256xi32>
    %select_n3A_291 = arith.select %gt3A_290, %min3A_37, %select_n3A_288 : vector<512x256xi1>, vector<512x256xi32>
    %gt3A_292 = vector.broadcast %broadcast_in_dim3A_262 : vector<1x256xi32> to vector<512x256xi32>
    %gt3A_293 = arith.cmpi sgt, %min3A_33, %gt3A_292 : vector<512x256xi32>
    %select_n3A_294 = arith.select %gt3A_293, %min3A_33, %select_n3A_291 : vector<512x256xi1>, vector<512x256xi32>
    %reduce_min3A_295 = arith.constant dense<2147483647> : vector<256xi32>
    %reduce_min3A_296 = vector.multi_reduction <minsi>, %select_n3A_294, %reduce_min3A_295 [0] : vector<512x256xi32> to vector<256xi32>
    %broadcast_in_dim3A_297 = vector.shape_cast %reduce_min3A_296 : vector<256xi32> to vector<1x256xi32>
    %and3A_298 = arith.constant 2047 : i32
    %and3A_299 = vector.broadcast %and3A_298 : i32 to vector<1x256xi32>
    %and3A_300 = arith.andi %broadcast_in_dim3A_297, %and3A_299 : vector<1x256xi32>
    %add3A_301 = arith.constant 2048 : i32
    %add3A_302 = vector.broadcast %add3A_301 : i32 to vector<1x256xi32>
    %add3A_303 = arith.addi %and3A_300, %add3A_302 : vector<1x256xi32>
    %swap3A_304 = arith.constant 0 : index
    %swap3A_305 = arith.constant 7 : index
    %swap3A_306 = arith.constant 0 : index
    %swap3A_307 = vector.load %arg3[%swap3A_304, %swap3A_305, %swap3A_306] : memref<1x16x256xi32, #tpu.memory_space<vmem>>, vector<1x1x256xi32>
    %swap3A_308 = vector.shape_cast %swap3A_307 : vector<1x1x256xi32> to vector<1x256xi32>
    %swap3A_309 = vector.shape_cast %add3A_303 : vector<1x256xi32> to vector<1x1x256xi32>
    tpu.vector_store %arg3[%swap3A_304, %swap3A_305, %swap3A_306], %swap3A_309 {strides = array<i32>} : memref<1x16x256xi32, #tpu.memory_space<vmem>>, vector<1x1x256xi32>,
    %swap3A_310 = arith.constant 0 : index
    %swap3A_311 = arith.constant 7 : index
    %swap3A_312 = arith.constant 0 : index
    %swap3A_313 = vector.load %arg4[%swap3A_310, %swap3A_311, %swap3A_312] : memref<1x16x256xi32, #tpu.memory_space<vmem>>, vector<1x1x256xi32>
    %swap3A_314 = vector.shape_cast %swap3A_313 : vector<1x1x256xi32> to vector<1x256xi32>
    %swap3A_315 = vector.shape_cast %broadcast_in_dim3A_297 : vector<1x256xi32> to vector<1x1x256xi32>
    tpu.vector_store %arg4[%swap3A_310, %swap3A_311, %swap3A_312], %swap3A_315 {strides = array<i32>} : memref<1x16x256xi32, #tpu.memory_space<vmem>>, vector<1x1x256xi32>,
    %gt3A_316 = vector.broadcast %broadcast_in_dim3A_297 : vector<1x256xi32> to vector<512x256xi32>
    %gt3A_317 = arith.cmpi sgt, %max3A_36, %gt3A_316 : vector<512x256xi32>
    %jit3A_318 = arith.constant 2147483647 : i32
    %broadcast_in_dim3A_319 = vector.broadcast %jit3A_318 : i32 to vector<512x256xi32>
    %select_n3A_320 = arith.select %gt3A_317, %max3A_36, %broadcast_in_dim3A_319 : vector<512x256xi1>, vector<512x256xi32>
    %gt3A_321 = vector.broadcast %broadcast_in_dim3A_297 : vector<1x256xi32> to vector<512x256xi32>
    %gt3A_322 = arith.cmpi sgt, %max3A_38, %gt3A_321 : vector<512x256xi32>
    %select_n3A_323 = arith.select %gt3A_322, %max3A_38, %select_n3A_320 : vector<512x256xi1>, vector<512x256xi32>
    %gt3A_324 = vector.broadcast %broadcast_in_dim3A_297 : vector<1x256xi32> to vector<512x256xi32>
    %gt3A_325 = arith.cmpi sgt, %min3A_37, %gt3A_324 : vector<512x256xi32>
    %select_n3A_326 = arith.select %gt3A_325, %min3A_37, %select_n3A_323 : vector<512x256xi1>, vector<512x256xi32>
    %gt3A_327 = vector.broadcast %broadcast_in_dim3A_297 : vector<1x256xi32> to vector<512x256xi32>
    %gt3A_328 = arith.cmpi sgt, %min3A_33, %gt3A_327 : vector<512x256xi32>
    %select_n3A_329 = arith.select %gt3A_328, %min3A_33, %select_n3A_326 : vector<512x256xi1>, vector<512x256xi32>
    %reduce_min3A_330 = arith.constant dense<2147483647> : vector<256xi32>
    %reduce_min3A_331 = vector.multi_reduction <minsi>, %select_n3A_329, %reduce_min3A_330 [0] : vector<512x256xi32> to vector<256xi32>
    %broadcast_in_dim3A_332 = vector.shape_cast %reduce_min3A_331 : vector<256xi32> to vector<1x256xi32>
    %and3A_333 = arith.constant 2047 : i32
    %and3A_334 = vector.broadcast %and3A_333 : i32 to vector<1x256xi32>
    %and3A_335 = arith.andi %broadcast_in_dim3A_332, %and3A_334 : vector<1x256xi32>
    %add3A_336 = arith.constant 2048 : i32
    %add3A_337 = vector.broadcast %add3A_336 : i32 to vector<1x256xi32>
    %add3A_338 = arith.addi %and3A_335, %add3A_337 : vector<1x256xi32>
    %swap3A_339 = arith.constant 0 : index
    %swap3A_340 = arith.constant 8 : index
    %swap3A_341 = arith.constant 0 : index
    %swap3A_342 = vector.load %arg3[%swap3A_339, %swap3A_340, %swap3A_341] : memref<1x16x256xi32, #tpu.memory_space<vmem>>, vector<1x1x256xi32>
    %swap3A_343 = vector.shape_cast %swap3A_342 : vector<1x1x256xi32> to vector<1x256xi32>
    %swap3A_344 = vector.shape_cast %add3A_338 : vector<1x256xi32> to vector<1x1x256xi32>
    tpu.vector_store %arg3[%swap3A_339, %swap3A_340, %swap3A_341], %swap3A_344 {strides = array<i32>} : memref<1x16x256xi32, #tpu.memory_space<vmem>>, vector<1x1x256xi32>,
    %swap3A_345 = arith.constant 0 : index
    %swap3A_346 = arith.constant 8 : index
    %swap3A_347 = arith.constant 0 : index
    %swap3A_348 = vector.load %arg4[%swap3A_345, %swap3A_346, %swap3A_347] : memref<1x16x256xi32, #tpu.memory_space<vmem>>, vector<1x1x256xi32>
    %swap3A_349 = vector.shape_cast %swap3A_348 : vector<1x1x256xi32> to vector<1x256xi32>
    %swap3A_350 = vector.shape_cast %broadcast_in_dim3A_332 : vector<1x256xi32> to vector<1x1x256xi32>
    tpu.vector_store %arg4[%swap3A_345, %swap3A_346, %swap3A_347], %swap3A_350 {strides = array<i32>} : memref<1x16x256xi32, #tpu.memory_space<vmem>>, vector<1x1x256xi32>,
    %gt3A_351 = vector.broadcast %broadcast_in_dim3A_332 : vector<1x256xi32> to vector<512x256xi32>
    %gt3A_352 = arith.cmpi sgt, %max3A_36, %gt3A_351 : vector<512x256xi32>
    %jit3A_353 = arith.constant 2147483647 : i32
    %broadcast_in_dim3A_354 = vector.broadcast %jit3A_353 : i32 to vector<512x256xi32>
    %select_n3A_355 = arith.select %gt3A_352, %max3A_36, %broadcast_in_dim3A_354 : vector<512x256xi1>, vector<512x256xi32>
    %gt3A_356 = vector.broadcast %broadcast_in_dim3A_332 : vector<1x256xi32> to vector<512x256xi32>
    %gt3A_357 = arith.cmpi sgt, %max3A_38, %gt3A_356 : vector<512x256xi32>
    %select_n3A_358 = arith.select %gt3A_357, %max3A_38, %select_n3A_355 : vector<512x256xi1>, vector<512x256xi32>
    %gt3A_359 = vector.broadcast %broadcast_in_dim3A_332 : vector<1x256xi32> to vector<512x256xi32>
    %gt3A_360 = arith.cmpi sgt, %min3A_37, %gt3A_359 : vector<512x256xi32>
    %select_n3A_361 = arith.select %gt3A_360, %min3A_37, %select_n3A_358 : vector<512x256xi1>, vector<512x256xi32>
    %gt3A_362 = vector.broadcast %broadcast_in_dim3A_332 : vector<1x256xi32> to vector<512x256xi32>
    %gt3A_363 = arith.cmpi sgt, %min3A_33, %gt3A_362 : vector<512x256xi32>
    %select_n3A_364 = arith.select %gt3A_363, %min3A_33, %select_n3A_361 : vector<512x256xi1>, vector<512x256xi32>
    %reduce_min3A_365 = arith.constant dense<2147483647> : vector<256xi32>
    %reduce_min3A_366 = vector.multi_reduction <minsi>, %select_n3A_364, %reduce_min3A_365 [0] : vector<512x256xi32> to vector<256xi32>
    %broadcast_in_dim3A_367 = vector.shape_cast %reduce_min3A_366 : vector<256xi32> to vector<1x256xi32>
    %and3A_368 = arith.constant 2047 : i32
    %and3A_369 = vector.broadcast %and3A_368 : i32 to vector<1x256xi32>
    %and3A_370 = arith.andi %broadcast_in_dim3A_367, %and3A_369 : vector<1x256xi32>
    %add3A_371 = arith.constant 2048 : i32
    %add3A_372 = vector.broadcast %add3A_371 : i32 to vector<1x256xi32>
    %add3A_373 = arith.addi %and3A_370, %add3A_372 : vector<1x256xi32>
    %swap3A_374 = arith.constant 0 : index
    %swap3A_375 = arith.constant 9 : index
    %swap3A_376 = arith.constant 0 : index
    %swap3A_377 = vector.load %arg3[%swap3A_374, %swap3A_375, %swap3A_376] : memref<1x16x256xi32, #tpu.memory_space<vmem>>, vector<1x1x256xi32>
    %swap3A_378 = vector.shape_cast %swap3A_377 : vector<1x1x256xi32> to vector<1x256xi32>
    %swap3A_379 = vector.shape_cast %add3A_373 : vector<1x256xi32> to vector<1x1x256xi32>
    tpu.vector_store %arg3[%swap3A_374, %swap3A_375, %swap3A_376], %swap3A_379 {strides = array<i32>} : memref<1x16x256xi32, #tpu.memory_space<vmem>>, vector<1x1x256xi32>,
    %swap3A_380 = arith.constant 0 : index
    %swap3A_381 = arith.constant 9 : index
    %swap3A_382 = arith.constant 0 : index
    %swap3A_383 = vector.load %arg4[%swap3A_380, %swap3A_381, %swap3A_382] : memref<1x16x256xi32, #tpu.memory_space<vmem>>, vector<1x1x256xi32>
    %swap3A_384 = vector.shape_cast %swap3A_383 : vector<1x1x256xi32> to vector<1x256xi32>
    %swap3A_385 = vector.shape_cast %broadcast_in_dim3A_367 : vector<1x256xi32> to vector<1x1x256xi32>
    tpu.vector_store %arg4[%swap3A_380, %swap3A_381, %swap3A_382], %swap3A_385 {strides = array<i32>} : memref<1x16x256xi32, #tpu.memory_space<vmem>>, vector<1x1x256xi32>,
    %gt3A_386 = vector.broadcast %broadcast_in_dim3A_367 : vector<1x256xi32> to vector<512x256xi32>
    %gt3A_387 = arith.cmpi sgt, %max3A_36, %gt3A_386 : vector<512x256xi32>
    %jit3A_388 = arith.constant 2147483647 : i32
    %broadcast_in_dim3A_389 = vector.broadcast %jit3A_388 : i32 to vector<512x256xi32>
    %select_n3A_390 = arith.select %gt3A_387, %max3A_36, %broadcast_in_dim3A_389 : vector<512x256xi1>, vector<512x256xi32>
    %gt3A_391 = vector.broadcast %broadcast_in_dim3A_367 : vector<1x256xi32> to vector<512x256xi32>
    %gt3A_392 = arith.cmpi sgt, %max3A_38, %gt3A_391 : vector<512x256xi32>
    %select_n3A_393 = arith.select %gt3A_392, %max3A_38, %select_n3A_390 : vector<512x256xi1>, vector<512x256xi32>
    %gt3A_394 = vector.broadcast %broadcast_in_dim3A_367 : vector<1x256xi32> to vector<512x256xi32>
    %gt3A_395 = arith.cmpi sgt, %min3A_37, %gt3A_394 : vector<512x256xi32>
    %select_n3A_396 = arith.select %gt3A_395, %min3A_37, %select_n3A_393 : vector<512x256xi1>, vector<512x256xi32>
    %gt3A_397 = vector.broadcast %broadcast_in_dim3A_367 : vector<1x256xi32> to vector<512x256xi32>
    %gt3A_398 = arith.cmpi sgt, %min3A_33, %gt3A_397 : vector<512x256xi32>
    %select_n3A_399 = arith.select %gt3A_398, %min3A_33, %select_n3A_396 : vector<512x256xi1>, vector<512x256xi32>
    %reduce_min3A_400 = arith.constant dense<2147483647> : vector<256xi32>
    %reduce_min3A_401 = vector.multi_reduction <minsi>, %select_n3A_399, %reduce_min3A_400 [0] : vector<512x256xi32> to vector<256xi32>
    %broadcast_in_dim3A_402 = vector.shape_cast %reduce_min3A_401 : vector<256xi32> to vector<1x256xi32>
    %and3A_403 = arith.constant 2047 : i32
    %and3A_404 = vector.broadcast %and3A_403 : i32 to vector<1x256xi32>
    %and3A_405 = arith.andi %broadcast_in_dim3A_402, %and3A_404 : vector<1x256xi32>
    %add3A_406 = arith.constant 2048 : i32
    %add3A_407 = vector.broadcast %add3A_406 : i32 to vector<1x256xi32>
    %add3A_408 = arith.addi %and3A_405, %add3A_407 : vector<1x256xi32>
    %swap3A_409 = arith.constant 0 : index
    %swap3A_410 = arith.constant 10 : index
    %swap3A_411 = arith.constant 0 : index
    %swap3A_412 = vector.load %arg3[%swap3A_409, %swap3A_410, %swap3A_411] : memref<1x16x256xi32, #tpu.memory_space<vmem>>, vector<1x1x256xi32>
    %swap3A_413 = vector.shape_cast %swap3A_412 : vector<1x1x256xi32> to vector<1x256xi32>
    %swap3A_414 = vector.shape_cast %add3A_408 : vector<1x256xi32> to vector<1x1x256xi32>
    tpu.vector_store %arg3[%swap3A_409, %swap3A_410, %swap3A_411], %swap3A_414 {strides = array<i32>} : memref<1x16x256xi32, #tpu.memory_space<vmem>>, vector<1x1x256xi32>,
    %swap3A_415 = arith.constant 0 : index
    %swap3A_416 = arith.constant 10 : index
    %swap3A_417 = arith.constant 0 : index
    %swap3A_418 = vector.load %arg4[%swap3A_415, %swap3A_416, %swap3A_417] : memref<1x16x256xi32, #tpu.memory_space<vmem>>, vector<1x1x256xi32>
    %swap3A_419 = vector.shape_cast %swap3A_418 : vector<1x1x256xi32> to vector<1x256xi32>
    %swap3A_420 = vector.shape_cast %broadcast_in_dim3A_402 : vector<1x256xi32> to vector<1x1x256xi32>
    tpu.vector_store %arg4[%swap3A_415, %swap3A_416, %swap3A_417], %swap3A_420 {strides = array<i32>} : memref<1x16x256xi32, #tpu.memory_space<vmem>>, vector<1x1x256xi32>,
    %gt3A_421 = vector.broadcast %broadcast_in_dim3A_402 : vector<1x256xi32> to vector<512x256xi32>
    %gt3A_422 = arith.cmpi sgt, %max3A_36, %gt3A_421 : vector<512x256xi32>
    %jit3A_423 = arith.constant 2147483647 : i32
    %broadcast_in_dim3A_424 = vector.broadcast %jit3A_423 : i32 to vector<512x256xi32>
    %select_n3A_425 = arith.select %gt3A_422, %max3A_36, %broadcast_in_dim3A_424 : vector<512x256xi1>, vector<512x256xi32>
    %gt3A_426 = vector.broadcast %broadcast_in_dim3A_402 : vector<1x256xi32> to vector<512x256xi32>
    %gt3A_427 = arith.cmpi sgt, %max3A_38, %gt3A_426 : vector<512x256xi32>
    %select_n3A_428 = arith.select %gt3A_427, %max3A_38, %select_n3A_425 : vector<512x256xi1>, vector<512x256xi32>
    %gt3A_429 = vector.broadcast %broadcast_in_dim3A_402 : vector<1x256xi32> to vector<512x256xi32>
    %gt3A_430 = arith.cmpi sgt, %min3A_37, %gt3A_429 : vector<512x256xi32>
    %select_n3A_431 = arith.select %gt3A_430, %min3A_37, %select_n3A_428 : vector<512x256xi1>, vector<512x256xi32>
    %gt3A_432 = vector.broadcast %broadcast_in_dim3A_402 : vector<1x256xi32> to vector<512x256xi32>
    %gt3A_433 = arith.cmpi sgt, %min3A_33, %gt3A_432 : vector<512x256xi32>
    %select_n3A_434 = arith.select %gt3A_433, %min3A_33, %select_n3A_431 : vector<512x256xi1>, vector<512x256xi32>
    %reduce_min3A_435 = arith.constant dense<2147483647> : vector<256xi32>
    %reduce_min3A_436 = vector.multi_reduction <minsi>, %select_n3A_434, %reduce_min3A_435 [0] : vector<512x256xi32> to vector<256xi32>
    %broadcast_in_dim3A_437 = vector.shape_cast %reduce_min3A_436 : vector<256xi32> to vector<1x256xi32>
    %and3A_438 = arith.constant 2047 : i32
    %and3A_439 = vector.broadcast %and3A_438 : i32 to vector<1x256xi32>
    %and3A_440 = arith.andi %broadcast_in_dim3A_437, %and3A_439 : vector<1x256xi32>
    %add3A_441 = arith.constant 2048 : i32
    %add3A_442 = vector.broadcast %add3A_441 : i32 to vector<1x256xi32>
    %add3A_443 = arith.addi %and3A_440, %add3A_442 : vector<1x256xi32>
    %swap3A_444 = arith.constant 0 : index
    %swap3A_445 = arith.constant 11 : index
    %swap3A_446 = arith.constant 0 : index
    %swap3A_447 = vector.load %arg3[%swap3A_444, %swap3A_445, %swap3A_446] : memref<1x16x256xi32, #tpu.memory_space<vmem>>, vector<1x1x256xi32>
    %swap3A_448 = vector.shape_cast %swap3A_447 : vector<1x1x256xi32> to vector<1x256xi32>
    %swap3A_449 = vector.shape_cast %add3A_443 : vector<1x256xi32> to vector<1x1x256xi32>
    tpu.vector_store %arg3[%swap3A_444, %swap3A_445, %swap3A_446], %swap3A_449 {strides = array<i32>} : memref<1x16x256xi32, #tpu.memory_space<vmem>>, vector<1x1x256xi32>,
    %swap3A_450 = arith.constant 0 : index
    %swap3A_451 = arith.constant 11 : index
    %swap3A_452 = arith.constant 0 : index
    %swap3A_453 = vector.load %arg4[%swap3A_450, %swap3A_451, %swap3A_452] : memref<1x16x256xi32, #tpu.memory_space<vmem>>, vector<1x1x256xi32>
    %swap3A_454 = vector.shape_cast %swap3A_453 : vector<1x1x256xi32> to vector<1x256xi32>
    %swap3A_455 = vector.shape_cast %broadcast_in_dim3A_437 : vector<1x256xi32> to vector<1x1x256xi32>
    tpu.vector_store %arg4[%swap3A_450, %swap3A_451, %swap3A_452], %swap3A_455 {strides = array<i32>} : memref<1x16x256xi32, #tpu.memory_space<vmem>>, vector<1x1x256xi32>,
    %gt3A_456 = vector.broadcast %broadcast_in_dim3A_437 : vector<1x256xi32> to vector<512x256xi32>
    %gt3A_457 = arith.cmpi sgt, %max3A_36, %gt3A_456 : vector<512x256xi32>
    %jit3A_458 = arith.constant 2147483647 : i32
    %broadcast_in_dim3A_459 = vector.broadcast %jit3A_458 : i32 to vector<512x256xi32>
    %select_n3A_460 = arith.select %gt3A_457, %max3A_36, %broadcast_in_dim3A_459 : vector<512x256xi1>, vector<512x256xi32>
    %gt3A_461 = vector.broadcast %broadcast_in_dim3A_437 : vector<1x256xi32> to vector<512x256xi32>
    %gt3A_462 = arith.cmpi sgt, %max3A_38, %gt3A_461 : vector<512x256xi32>
    %select_n3A_463 = arith.select %gt3A_462, %max3A_38, %select_n3A_460 : vector<512x256xi1>, vector<512x256xi32>
    %gt3A_464 = vector.broadcast %broadcast_in_dim3A_437 : vector<1x256xi32> to vector<512x256xi32>
    %gt3A_465 = arith.cmpi sgt, %min3A_37, %gt3A_464 : vector<512x256xi32>
    %select_n3A_466 = arith.select %gt3A_465, %min3A_37, %select_n3A_463 : vector<512x256xi1>, vector<512x256xi32>
    %gt3A_467 = vector.broadcast %broadcast_in_dim3A_437 : vector<1x256xi32> to vector<512x256xi32>
    %gt3A_468 = arith.cmpi sgt, %min3A_33, %gt3A_467 : vector<512x256xi32>
    %select_n3A_469 = arith.select %gt3A_468, %min3A_33, %select_n3A_466 : vector<512x256xi1>, vector<512x256xi32>
    %reduce_min3A_470 = arith.constant dense<2147483647> : vector<256xi32>
    %reduce_min3A_471 = vector.multi_reduction <minsi>, %select_n3A_469, %reduce_min3A_470 [0] : vector<512x256xi32> to vector<256xi32>
    %broadcast_in_dim3A_472 = vector.shape_cast %reduce_min3A_471 : vector<256xi32> to vector<1x256xi32>
    %and3A_473 = arith.constant 2047 : i32
    %and3A_474 = vector.broadcast %and3A_473 : i32 to vector<1x256xi32>
    %and3A_475 = arith.andi %broadcast_in_dim3A_472, %and3A_474 : vector<1x256xi32>
    %add3A_476 = arith.constant 2048 : i32
    %add3A_477 = vector.broadcast %add3A_476 : i32 to vector<1x256xi32>
    %add3A_478 = arith.addi %and3A_475, %add3A_477 : vector<1x256xi32>
    %swap3A_479 = arith.constant 0 : index
    %swap3A_480 = arith.constant 12 : index
    %swap3A_481 = arith.constant 0 : index
    %swap3A_482 = vector.load %arg3[%swap3A_479, %swap3A_480, %swap3A_481] : memref<1x16x256xi32, #tpu.memory_space<vmem>>, vector<1x1x256xi32>
    %swap3A_483 = vector.shape_cast %swap3A_482 : vector<1x1x256xi32> to vector<1x256xi32>
    %swap3A_484 = vector.shape_cast %add3A_478 : vector<1x256xi32> to vector<1x1x256xi32>
    tpu.vector_store %arg3[%swap3A_479, %swap3A_480, %swap3A_481], %swap3A_484 {strides = array<i32>} : memref<1x16x256xi32, #tpu.memory_space<vmem>>, vector<1x1x256xi32>,
    %swap3A_485 = arith.constant 0 : index
    %swap3A_486 = arith.constant 12 : index
    %swap3A_487 = arith.constant 0 : index
    %swap3A_488 = vector.load %arg4[%swap3A_485, %swap3A_486, %swap3A_487] : memref<1x16x256xi32, #tpu.memory_space<vmem>>, vector<1x1x256xi32>
    %swap3A_489 = vector.shape_cast %swap3A_488 : vector<1x1x256xi32> to vector<1x256xi32>
    %swap3A_490 = vector.shape_cast %broadcast_in_dim3A_472 : vector<1x256xi32> to vector<1x1x256xi32>
    tpu.vector_store %arg4[%swap3A_485, %swap3A_486, %swap3A_487], %swap3A_490 {strides = array<i32>} : memref<1x16x256xi32, #tpu.memory_space<vmem>>, vector<1x1x256xi32>,
    %gt3A_491 = vector.broadcast %broadcast_in_dim3A_472 : vector<1x256xi32> to vector<512x256xi32>
    %gt3A_492 = arith.cmpi sgt, %max3A_36, %gt3A_491 : vector<512x256xi32>
    %jit3A_493 = arith.constant 2147483647 : i32
    %broadcast_in_dim3A_494 = vector.broadcast %jit3A_493 : i32 to vector<512x256xi32>
    %select_n3A_495 = arith.select %gt3A_492, %max3A_36, %broadcast_in_dim3A_494 : vector<512x256xi1>, vector<512x256xi32>
    %gt3A_496 = vector.broadcast %broadcast_in_dim3A_472 : vector<1x256xi32> to vector<512x256xi32>
    %gt3A_497 = arith.cmpi sgt, %max3A_38, %gt3A_496 : vector<512x256xi32>
    %select_n3A_498 = arith.select %gt3A_497, %max3A_38, %select_n3A_495 : vector<512x256xi1>, vector<512x256xi32>
    %gt3A_499 = vector.broadcast %broadcast_in_dim3A_472 : vector<1x256xi32> to vector<512x256xi32>
    %gt3A_500 = arith.cmpi sgt, %min3A_37, %gt3A_499 : vector<512x256xi32>
    %select_n3A_501 = arith.select %gt3A_500, %min3A_37, %select_n3A_498 : vector<512x256xi1>, vector<512x256xi32>
    %gt3A_502 = vector.broadcast %broadcast_in_dim3A_472 : vector<1x256xi32> to vector<512x256xi32>
    %gt3A_503 = arith.cmpi sgt, %min3A_33, %gt3A_502 : vector<512x256xi32>
    %select_n3A_504 = arith.select %gt3A_503, %min3A_33, %select_n3A_501 : vector<512x256xi1>, vector<512x256xi32>
    %reduce_min3A_505 = arith.constant dense<2147483647> : vector<256xi32>
    %reduce_min3A_506 = vector.multi_reduction <minsi>, %select_n3A_504, %reduce_min3A_505 [0] : vector<512x256xi32> to vector<256xi32>
    %broadcast_in_dim3A_507 = vector.shape_cast %reduce_min3A_506 : vector<256xi32> to vector<1x256xi32>
    %and3A_508 = arith.constant 2047 : i32
    %and3A_509 = vector.broadcast %and3A_508 : i32 to vector<1x256xi32>
    %and3A_510 = arith.andi %broadcast_in_dim3A_507, %and3A_509 : vector<1x256xi32>
    %add3A_511 = arith.constant 2048 : i32
    %add3A_512 = vector.broadcast %add3A_511 : i32 to vector<1x256xi32>
    %add3A_513 = arith.addi %and3A_510, %add3A_512 : vector<1x256xi32>
    %swap3A_514 = arith.constant 0 : index
    %swap3A_515 = arith.constant 13 : index
    %swap3A_516 = arith.constant 0 : index
    %swap3A_517 = vector.load %arg3[%swap3A_514, %swap3A_515, %swap3A_516] : memref<1x16x256xi32, #tpu.memory_space<vmem>>, vector<1x1x256xi32>
    %swap3A_518 = vector.shape_cast %swap3A_517 : vector<1x1x256xi32> to vector<1x256xi32>
    %swap3A_519 = vector.shape_cast %add3A_513 : vector<1x256xi32> to vector<1x1x256xi32>
    tpu.vector_store %arg3[%swap3A_514, %swap3A_515, %swap3A_516], %swap3A_519 {strides = array<i32>} : memref<1x16x256xi32, #tpu.memory_space<vmem>>, vector<1x1x256xi32>,
    %swap3A_520 = arith.constant 0 : index
    %swap3A_521 = arith.constant 13 : index
    %swap3A_522 = arith.constant 0 : index
    %swap3A_523 = vector.load %arg4[%swap3A_520, %swap3A_521, %swap3A_522] : memref<1x16x256xi32, #tpu.memory_space<vmem>>, vector<1x1x256xi32>
    %swap3A_524 = vector.shape_cast %swap3A_523 : vector<1x1x256xi32> to vector<1x256xi32>
    %swap3A_525 = vector.shape_cast %broadcast_in_dim3A_507 : vector<1x256xi32> to vector<1x1x256xi32>
    tpu.vector_store %arg4[%swap3A_520, %swap3A_521, %swap3A_522], %swap3A_525 {strides = array<i32>} : memref<1x16x256xi32, #tpu.memory_space<vmem>>, vector<1x1x256xi32>,
    %gt3A_526 = vector.broadcast %broadcast_in_dim3A_507 : vector<1x256xi32> to vector<512x256xi32>
    %gt3A_527 = arith.cmpi sgt, %max3A_36, %gt3A_526 : vector<512x256xi32>
    %jit3A_528 = arith.constant 2147483647 : i32
    %broadcast_in_dim3A_529 = vector.broadcast %jit3A_528 : i32 to vector<512x256xi32>
    %select_n3A_530 = arith.select %gt3A_527, %max3A_36, %broadcast_in_dim3A_529 : vector<512x256xi1>, vector<512x256xi32>
    %gt3A_531 = vector.broadcast %broadcast_in_dim3A_507 : vector<1x256xi32> to vector<512x256xi32>
    %gt3A_532 = arith.cmpi sgt, %max3A_38, %gt3A_531 : vector<512x256xi32>
    %select_n3A_533 = arith.select %gt3A_532, %max3A_38, %select_n3A_530 : vector<512x256xi1>, vector<512x256xi32>
    %gt3A_534 = vector.broadcast %broadcast_in_dim3A_507 : vector<1x256xi32> to vector<512x256xi32>
    %gt3A_535 = arith.cmpi sgt, %min3A_37, %gt3A_534 : vector<512x256xi32>
    %select_n3A_536 = arith.select %gt3A_535, %min3A_37, %select_n3A_533 : vector<512x256xi1>, vector<512x256xi32>
    %gt3A_537 = vector.broadcast %broadcast_in_dim3A_507 : vector<1x256xi32> to vector<512x256xi32>
    %gt3A_538 = arith.cmpi sgt, %min3A_33, %gt3A_537 : vector<512x256xi32>
    %select_n3A_539 = arith.select %gt3A_538, %min3A_33, %select_n3A_536 : vector<512x256xi1>, vector<512x256xi32>
    %reduce_min3A_540 = arith.constant dense<2147483647> : vector<256xi32>
    %reduce_min3A_541 = vector.multi_reduction <minsi>, %select_n3A_539, %reduce_min3A_540 [0] : vector<512x256xi32> to vector<256xi32>
    %broadcast_in_dim3A_542 = vector.shape_cast %reduce_min3A_541 : vector<256xi32> to vector<1x256xi32>
    %and3A_543 = arith.constant 2047 : i32
    %and3A_544 = vector.broadcast %and3A_543 : i32 to vector<1x256xi32>
    %and3A_545 = arith.andi %broadcast_in_dim3A_542, %and3A_544 : vector<1x256xi32>
    %add3A_546 = arith.constant 2048 : i32
    %add3A_547 = vector.broadcast %add3A_546 : i32 to vector<1x256xi32>
    %add3A_548 = arith.addi %and3A_545, %add3A_547 : vector<1x256xi32>
    %swap3A_549 = arith.constant 0 : index
    %swap3A_550 = arith.constant 14 : index
    %swap3A_551 = arith.constant 0 : index
    %swap3A_552 = vector.load %arg3[%swap3A_549, %swap3A_550, %swap3A_551] : memref<1x16x256xi32, #tpu.memory_space<vmem>>, vector<1x1x256xi32>
    %swap3A_553 = vector.shape_cast %swap3A_552 : vector<1x1x256xi32> to vector<1x256xi32>
    %swap3A_554 = vector.shape_cast %add3A_548 : vector<1x256xi32> to vector<1x1x256xi32>
    tpu.vector_store %arg3[%swap3A_549, %swap3A_550, %swap3A_551], %swap3A_554 {strides = array<i32>} : memref<1x16x256xi32, #tpu.memory_space<vmem>>, vector<1x1x256xi32>,
    %swap3A_555 = arith.constant 0 : index
    %swap3A_556 = arith.constant 14 : index
    %swap3A_557 = arith.constant 0 : index
    %swap3A_558 = vector.load %arg4[%swap3A_555, %swap3A_556, %swap3A_557] : memref<1x16x256xi32, #tpu.memory_space<vmem>>, vector<1x1x256xi32>
    %swap3A_559 = vector.shape_cast %swap3A_558 : vector<1x1x256xi32> to vector<1x256xi32>
    %swap3A_560 = vector.shape_cast %broadcast_in_dim3A_542 : vector<1x256xi32> to vector<1x1x256xi32>
    tpu.vector_store %arg4[%swap3A_555, %swap3A_556, %swap3A_557], %swap3A_560 {strides = array<i32>} : memref<1x16x256xi32, #tpu.memory_space<vmem>>, vector<1x1x256xi32>,
    %gt3A_561 = vector.broadcast %broadcast_in_dim3A_542 : vector<1x256xi32> to vector<512x256xi32>
    %gt3A_562 = arith.cmpi sgt, %max3A_36, %gt3A_561 : vector<512x256xi32>
    %jit3A_563 = arith.constant 2147483647 : i32
    %broadcast_in_dim3A_564 = vector.broadcast %jit3A_563 : i32 to vector<512x256xi32>
    %select_n3A_565 = arith.select %gt3A_562, %max3A_36, %broadcast_in_dim3A_564 : vector<512x256xi1>, vector<512x256xi32>
    %gt3A_566 = vector.broadcast %broadcast_in_dim3A_542 : vector<1x256xi32> to vector<512x256xi32>
    %gt3A_567 = arith.cmpi sgt, %max3A_38, %gt3A_566 : vector<512x256xi32>
    %select_n3A_568 = arith.select %gt3A_567, %max3A_38, %select_n3A_565 : vector<512x256xi1>, vector<512x256xi32>
    %gt3A_569 = vector.broadcast %broadcast_in_dim3A_542 : vector<1x256xi32> to vector<512x256xi32>
    %gt3A_570 = arith.cmpi sgt, %min3A_37, %gt3A_569 : vector<512x256xi32>
    %select_n3A_571 = arith.select %gt3A_570, %min3A_37, %select_n3A_568 : vector<512x256xi1>, vector<512x256xi32>
    %gt3A_572 = vector.broadcast %broadcast_in_dim3A_542 : vector<1x256xi32> to vector<512x256xi32>
    %gt3A_573 = arith.cmpi sgt, %min3A_33, %gt3A_572 : vector<512x256xi32>
    %select_n3A_574 = arith.select %gt3A_573, %min3A_33, %select_n3A_571 : vector<512x256xi1>, vector<512x256xi32>
    %reduce_min3A_575 = arith.constant dense<2147483647> : vector<256xi32>
    %reduce_min3A_576 = vector.multi_reduction <minsi>, %select_n3A_574, %reduce_min3A_575 [0] : vector<512x256xi32> to vector<256xi32>
    %broadcast_in_dim3A_577 = vector.shape_cast %reduce_min3A_576 : vector<256xi32> to vector<1x256xi32>
    %and3A_578 = arith.constant 2047 : i32
    %and3A_579 = vector.broadcast %and3A_578 : i32 to vector<1x256xi32>
    %and3A_580 = arith.andi %broadcast_in_dim3A_577, %and3A_579 : vector<1x256xi32>
    %add3A_581 = arith.constant 2048 : i32
    %add3A_582 = vector.broadcast %add3A_581 : i32 to vector<1x256xi32>
    %add3A_583 = arith.addi %and3A_580, %add3A_582 : vector<1x256xi32>
    %swap3A_584 = arith.constant 0 : index
    %swap3A_585 = arith.constant 15 : index
    %swap3A_586 = arith.constant 0 : index
    %swap3A_587 = vector.load %arg3[%swap3A_584, %swap3A_585, %swap3A_586] : memref<1x16x256xi32, #tpu.memory_space<vmem>>, vector<1x1x256xi32>
    %swap3A_588 = vector.shape_cast %swap3A_587 : vector<1x1x256xi32> to vector<1x256xi32>
    %swap3A_589 = vector.shape_cast %add3A_583 : vector<1x256xi32> to vector<1x1x256xi32>
    tpu.vector_store %arg3[%swap3A_584, %swap3A_585, %swap3A_586], %swap3A_589 {strides = array<i32>} : memref<1x16x256xi32, #tpu.memory_space<vmem>>, vector<1x1x256xi32>,
    %swap3A_590 = arith.constant 0 : index
    %swap3A_591 = arith.constant 15 : index
    %swap3A_592 = arith.constant 0 : index
    %swap3A_593 = vector.load %arg4[%swap3A_590, %swap3A_591, %swap3A_592] : memref<1x16x256xi32, #tpu.memory_space<vmem>>, vector<1x1x256xi32>
    %swap3A_594 = vector.shape_cast %swap3A_593 : vector<1x1x256xi32> to vector<1x256xi32>
    %swap3A_595 = vector.shape_cast %broadcast_in_dim3A_577 : vector<1x256xi32> to vector<1x1x256xi32>
    tpu.vector_store %arg4[%swap3A_590, %swap3A_591, %swap3A_592], %swap3A_595 {strides = array<i32>} : memref<1x16x256xi32, #tpu.memory_space<vmem>>, vector<1x1x256xi32>,
    return
  }
  func.func @transform_0(%arg0: i32) -> (i32, i32, i32) {
    %c0_i32 = arith.constant 0 : i32
    %c0_i32_0 = arith.constant 0 : i32
    %c0_i32_1 = arith.constant 0 : i32
    return %c0_i32, %c0_i32_0, %arg0 : i32, i32, i32
  }
  func.func @transform_1(%arg0: i32) -> (i32, i32, i32) {
    %c0_i32 = arith.constant 0 : i32
    %c0_i32_0 = arith.constant 0 : i32
    %c0_i32_1 = arith.constant 0 : i32
    %c0_i32_2 = arith.constant 0 : i32
    return %c0_i32, %c0_i32_0, %c0_i32_1 : i32, i32, i32
  }
  func.func @transform_2(%arg0: i32) -> (i32, i32, i32) {
    %c0_i32 = arith.constant 0 : i32
    %c0_i32_0 = arith.constant 0 : i32
    %c0_i32_1 = arith.constant 0 : i32
    return %arg0, %c0_i32, %c0_i32_0 : i32, i32, i32
  }
  func.func @transform_3(%arg0: i32) -> (i32, i32, i32) {
    %c0_i32 = arith.constant 0 : i32
    %c0_i32_0 = arith.constant 0 : i32
    %c0_i32_1 = arith.constant 0 : i32
    return %arg0, %c0_i32, %c0_i32_0 : i32, i32, i32
  }
}

module attributes {stable_mosaic.version = 14 : i64} {
  func.func @_knn_body(%arg0: i32, %arg1: memref<1x8x256xf32, #tpu.memory_space<vmem>>, %arg2: memref<1x2048x8xf32, #tpu.memory_space<vmem>>, %arg3: memref<1x16x256xi32, #tpu.memory_space<vmem>>, %arg4: memref<1x16x256xi32, #tpu.memory_space<vmem>>) attributes {dimension_semantics = [#tpu.dimension_semantics<arbitrary>], iteration_bounds = array<i64: 8>, scalar_prefetch = 0 : i64, scratch_operands = 0 : i64, tpu.core_type = #tpu.core_type<tc>, window_params = [{transform_indices = @transform_0, window_bounds = array<i64: 1, 8, 256>}, {pipeline_mode = #tpu.pipeline_mode<synchronous>, transform_indices = @transform_1, window_bounds = array<i64: 1, 2048, 8>}, {transform_indices = @transform_2, window_bounds = array<i64: 1, 16, 256>}, {transform_indices = @transform_3, window_bounds = array<i64: 1, 16, 256>}]} {
    %get3A = arith.constant 0 : index
    %get3A_0 = arith.constant 0 : index
    %get3A_1 = arith.constant 0 : index
    %get3A_2 = vector.load %arg1[%get3A, %get3A_0, %get3A_1] : memref<1x8x256xf32, #tpu.memory_space<vmem>>, vector<1x8x256xf32>
    %get3A_3 = vector.shape_cast %get3A_2 : vector<1x8x256xf32> to vector<8x256xf32>
    %get3A_4 = arith.constant 0 : index
    %get3A_5 = arith.constant 0 : index
    %get3A_6 = arith.constant 0 : index
    %get3A_7 = vector.load %arg2[%get3A_4, %get3A_5, %get3A_6] : memref<1x2048x8xf32, #tpu.memory_space<vmem>>, vector<1x2048x8xf32>
    %get3A_8 = vector.shape_cast %get3A_7 : vector<1x2048x8xf32> to vector<2048x8xf32>
    %mul3A = arith.mulf %get3A_3, %get3A_3 : vector<8x256xf32>
    %reduce_sum3A = arith.constant dense<0.000000e+00> : vector<256xf32>
    %reduce_sum3A_9 = vector.multi_reduction <add>, %mul3A, %reduce_sum3A [0] : vector<8x256xf32> to vector<256xf32>
    %broadcast_in_dim3A = vector.shape_cast %reduce_sum3A_9 : vector<256xf32> to vector<1x256xf32>
    %mul3A_10 = arith.mulf %get3A_8, %get3A_8 : vector<2048x8xf32>
    %reduce_sum3A_11 = arith.constant dense<0.000000e+00> : vector<2048xf32>
    %reduce_sum3A_12 = vector.multi_reduction <add>, %mul3A_10, %reduce_sum3A_11 [1] : vector<2048x8xf32> to vector<2048xf32>
    %broadcast_in_dim3A_13 = vector.shape_cast %reduce_sum3A_12 : vector<2048xf32> to vector<2048x1xf32>
    %convert_element_type3A = arith.truncf %get3A_8 : vector<2048x8xf32> to vector<2048x8xbf16>
    %convert_element_type3A_14 = arith.truncf %get3A_3 : vector<8x256xf32> to vector<8x256xbf16>
    %dot_general3A = arith.constant dense<0.000000e+00> : vector<2048x256xf32>
    %dot_general3A_15 = tpu.matmul %convert_element_type3A, %convert_element_type3A_14, %dot_general3A {dimension_numbers = #tpu.dot_dimension_numbers<[1], [0], [0], [1], [0, 0, 1, 1], [], []>, transpose_lhs_hint = false} : vector<2048x8xbf16>, vector<8x256xbf16>, vector<2048x256xf32> -> vector<2048x256xf32>
    %add3A = vector.broadcast %broadcast_in_dim3A_13 : vector<2048x1xf32> to vector<2048x256xf32>
    %add3A_16 = vector.broadcast %broadcast_in_dim3A : vector<1x256xf32> to vector<2048x256xf32>
    %add3A_17 = arith.addf %add3A, %add3A_16 : vector<2048x256xf32>
    %mul3A_18 = arith.constant 2.000000e+00 : f32
    %mul3A_19 = vector.broadcast %mul3A_18 : f32 to vector<2048x256xf32>
    %mul3A_20 = arith.mulf %mul3A_19, %dot_general3A_15 : vector<2048x256xf32>
    %sub3A = arith.subf %add3A_17, %mul3A_20 : vector<2048x256xf32>
    %bitcast_convert_type3A = tpu.bitcast %sub3A : vector<2048x256xf32> -> vector<2048x256xi32>
    %iota3A = tpu.iota {dimensions = array<i32: 0>} : vector<2048x256xi32>
    %shift_right_arithmetic3A = arith.constant 31 : i32
    %shift_right_arithmetic3A_21 = vector.broadcast %shift_right_arithmetic3A : i32 to vector<2048x256xi32>
    %shift_right_arithmetic3A_22 = arith.shrsi %bitcast_convert_type3A, %shift_right_arithmetic3A_21 : vector<2048x256xi32>
    %and3A = arith.constant 2147483647 : i32
    %and3A_23 = vector.broadcast %and3A : i32 to vector<2048x256xi32>
    %and3A_24 = arith.andi %shift_right_arithmetic3A_22, %and3A_23 : vector<2048x256xi32>
    %xor3A = arith.xori %bitcast_convert_type3A, %and3A_24 : vector<2048x256xi32>
    %and3A_25 = arith.constant -2048 : i32
    %and3A_26 = vector.broadcast %and3A_25 : i32 to vector<2048x256xi32>
    %and3A_27 = arith.andi %xor3A, %and3A_26 : vector<2048x256xi32>
    %or3A = arith.ori %and3A_27, %iota3A : vector<2048x256xi32>
    %slice3A = vector.extract_strided_slice %or3A {offsets = [0, 0], sizes = [512, 256], strides = [1, 1]} : vector<2048x256xi32> to vector<512x256xi32>
    %slice3A_28 = vector.extract_strided_slice %or3A {offsets = [512, 0], sizes = [512, 256], strides = [1, 1]} : vector<2048x256xi32> to vector<512x256xi32>
    %slice3A_29 = vector.extract_strided_slice %or3A {offsets = [1024, 0], sizes = [512, 256], strides = [1, 1]} : vector<2048x256xi32> to vector<512x256xi32>
    %slice3A_30 = vector.extract_strided_slice %or3A {offsets = [1536, 0], sizes = [512, 256], strides = [1, 1]} : vector<2048x256xi32> to vector<512x256xi32>
    %min3A = arith.minsi %slice3A, %slice3A_28 : vector<512x256xi32>
    %max3A = arith.maxsi %slice3A, %slice3A_28 : vector<512x256xi32>
    %min3A_31 = arith.minsi %slice3A_29, %slice3A_30 : vector<512x256xi32>
    %max3A_32 = arith.maxsi %slice3A_29, %slice3A_30 : vector<512x256xi32>
    %min3A_33 = arith.minsi %min3A, %min3A_31 : vector<512x256xi32>
    %max3A_34 = arith.maxsi %min3A, %min3A_31 : vector<512x256xi32>
    %min3A_35 = arith.minsi %max3A, %max3A_32 : vector<512x256xi32>
    %max3A_36 = arith.maxsi %max3A, %max3A_32 : vector<512x256xi32>
    %min3A_37 = arith.minsi %min3A_35, %max3A_34 : vector<512x256xi32>
    %max3A_38 = arith.maxsi %min3A_35, %max3A_34 : vector<512x256xi32>
    %broadcast_in_dim3A_39 = arith.constant -2147483648 : i32
    %broadcast_in_dim3A_40 = vector.broadcast %broadcast_in_dim3A_39 : i32 to vector<1x256xi32>
    %gt3A = vector.broadcast %broadcast_in_dim3A_40 : vector<1x256xi32> to vector<512x256xi32>
    %gt3A_41 = arith.cmpi sgt, %max3A_36, %gt3A : vector<512x256xi32>
    %jit3A = arith.constant 2147483647 : i32
    %broadcast_in_dim3A_42 = vector.broadcast %jit3A : i32 to vector<512x256xi32>
    %select_n3A = arith.select %gt3A_41, %max3A_36, %broadcast_in_dim3A_42 : vector<512x256xi1>, vector<512x256xi32>
    %gt3A_43 = vector.broadcast %broadcast_in_dim3A_40 : vector<1x256xi32> to vector<512x256xi32>
    %gt3A_44 = arith.cmpi sgt, %max3A_38, %gt3A_43 : vector<512x256xi32>
    %select_n3A_45 = arith.select %gt3A_44, %max3A_38, %select_n3A : vector<512x256xi1>, vector<512x256xi32>
    %gt3A_46 = vector.broadcast %broadcast_in_dim3A_40 : vector<1x256xi32> to vector<512x256xi32>
    %gt3A_47 = arith.cmpi sgt, %min3A_37, %gt3A_46 : vector<512x256xi32>
    %select_n3A_48 = arith.select %gt3A_47, %min3A_37, %select_n3A_45 : vector<512x256xi1>, vector<512x256xi32>
    %gt3A_49 = vector.broadcast %broadcast_in_dim3A_40 : vector<1x256xi32> to vector<512x256xi32>
    %gt3A_50 = arith.cmpi sgt, %min3A_33, %gt3A_49 : vector<512x256xi32>
    %select_n3A_51 = arith.select %gt3A_50, %min3A_33, %select_n3A_48 : vector<512x256xi1>, vector<512x256xi32>
    %reduce_min3A = arith.constant dense<2147483647> : vector<256xi32>
    %reduce_min3A_52 = vector.multi_reduction <minsi>, %select_n3A_51, %reduce_min3A [0] : vector<512x256xi32> to vector<256xi32>
    %broadcast_in_dim3A_53 = vector.shape_cast %reduce_min3A_52 : vector<256xi32> to vector<1x256xi32>
    %and3A_54 = arith.constant 2047 : i32
    %and3A_55 = vector.broadcast %and3A_54 : i32 to vector<1x256xi32>
    %and3A_56 = arith.andi %broadcast_in_dim3A_53, %and3A_55 : vector<1x256xi32>
    %add3A_57 = arith.constant 4096 : i32
    %add3A_58 = vector.broadcast %add3A_57 : i32 to vector<1x256xi32>
    %add3A_59 = arith.addi %and3A_56, %add3A_58 : vector<1x256xi32>
    %swap3A = arith.constant 0 : index
    %swap3A_60 = arith.constant 0 : index
    %swap3A_61 = arith.constant 0 : index
    %swap3A_62 = vector.load %arg3[%swap3A, %swap3A_60, %swap3A_61] : memref<1x16x256xi32, #tpu.memory_space<vmem>>, vector<1x1x256xi32>
    %swap3A_63 = vector.shape_cast %swap3A_62 : vector<1x1x256xi32> to vector<1x256xi32>
    %swap3A_64 = vector.shape_cast %add3A_59 : vector<1x256xi32> to vector<1x1x256xi32>
    tpu.vector_store %arg3[%swap3A, %swap3A_60, %swap3A_61], %swap3A_64 {strides = array<i32>} : memref<1x16x256xi32, #tpu.memory_space<vmem>>, vector<1x1x256xi32>,
    %swap3A_65 = arith.constant 0 : index
    %swap3A_66 = arith.constant 0 : index
    %swap3A_67 = arith.constant 0 : index
    %swap3A_68 = vector.load %arg4[%swap3A_65, %swap3A_66, %swap3A_67] : memref<1x16x256xi32, #tpu.memory_space<vmem>>, vector<1x1x256xi32>
    %swap3A_69 = vector.shape_cast %swap3A_68 : vector<1x1x256xi32> to vector<1x256xi32>
    %swap3A_70 = vector.shape_cast %broadcast_in_dim3A_53 : vector<1x256xi32> to vector<1x1x256xi32>
    tpu.vector_store %arg4[%swap3A_65, %swap3A_66, %swap3A_67], %swap3A_70 {strides = array<i32>} : memref<1x16x256xi32, #tpu.memory_space<vmem>>, vector<1x1x256xi32>,
    %gt3A_71 = vector.broadcast %broadcast_in_dim3A_53 : vector<1x256xi32> to vector<512x256xi32>
    %gt3A_72 = arith.cmpi sgt, %max3A_36, %gt3A_71 : vector<512x256xi32>
    %jit3A_73 = arith.constant 2147483647 : i32
    %broadcast_in_dim3A_74 = vector.broadcast %jit3A_73 : i32 to vector<512x256xi32>
    %select_n3A_75 = arith.select %gt3A_72, %max3A_36, %broadcast_in_dim3A_74 : vector<512x256xi1>, vector<512x256xi32>
    %gt3A_76 = vector.broadcast %broadcast_in_dim3A_53 : vector<1x256xi32> to vector<512x256xi32>
    %gt3A_77 = arith.cmpi sgt, %max3A_38, %gt3A_76 : vector<512x256xi32>
    %select_n3A_78 = arith.select %gt3A_77, %max3A_38, %select_n3A_75 : vector<512x256xi1>, vector<512x256xi32>
    %gt3A_79 = vector.broadcast %broadcast_in_dim3A_53 : vector<1x256xi32> to vector<512x256xi32>
    %gt3A_80 = arith.cmpi sgt, %min3A_37, %gt3A_79 : vector<512x256xi32>
    %select_n3A_81 = arith.select %gt3A_80, %min3A_37, %select_n3A_78 : vector<512x256xi1>, vector<512x256xi32>
    %gt3A_82 = vector.broadcast %broadcast_in_dim3A_53 : vector<1x256xi32> to vector<512x256xi32>
    %gt3A_83 = arith.cmpi sgt, %min3A_33, %gt3A_82 : vector<512x256xi32>
    %select_n3A_84 = arith.select %gt3A_83, %min3A_33, %select_n3A_81 : vector<512x256xi1>, vector<512x256xi32>
    %reduce_min3A_85 = arith.constant dense<2147483647> : vector<256xi32>
    %reduce_min3A_86 = vector.multi_reduction <minsi>, %select_n3A_84, %reduce_min3A_85 [0] : vector<512x256xi32> to vector<256xi32>
    %broadcast_in_dim3A_87 = vector.shape_cast %reduce_min3A_86 : vector<256xi32> to vector<1x256xi32>
    %and3A_88 = arith.constant 2047 : i32
    %and3A_89 = vector.broadcast %and3A_88 : i32 to vector<1x256xi32>
    %and3A_90 = arith.andi %broadcast_in_dim3A_87, %and3A_89 : vector<1x256xi32>
    %add3A_91 = arith.constant 4096 : i32
    %add3A_92 = vector.broadcast %add3A_91 : i32 to vector<1x256xi32>
    %add3A_93 = arith.addi %and3A_90, %add3A_92 : vector<1x256xi32>
    %swap3A_94 = arith.constant 0 : index
    %swap3A_95 = arith.constant 1 : index
    %swap3A_96 = arith.constant 0 : index
    %swap3A_97 = vector.load %arg3[%swap3A_94, %swap3A_95, %swap3A_96] : memref<1x16x256xi32, #tpu.memory_space<vmem>>, vector<1x1x256xi32>
    %swap3A_98 = vector.shape_cast %swap3A_97 : vector<1x1x256xi32> to vector<1x256xi32>
    %swap3A_99 = vector.shape_cast %add3A_93 : vector<1x256xi32> to vector<1x1x256xi32>
    tpu.vector_store %arg3[%swap3A_94, %swap3A_95, %swap3A_96], %swap3A_99 {strides = array<i32>} : memref<1x16x256xi32, #tpu.memory_space<vmem>>, vector<1x1x256xi32>,
    %swap3A_100 = arith.constant 0 : index
    %swap3A_101 = arith.constant 1 : index
    %swap3A_102 = arith.constant 0 : index
    %swap3A_103 = vector.load %arg4[%swap3A_100, %swap3A_101, %swap3A_102] : memref<1x16x256xi32, #tpu.memory_space<vmem>>, vector<1x1x256xi32>
    %swap3A_104 = vector.shape_cast %swap3A_103 : vector<1x1x256xi32> to vector<1x256xi32>
    %swap3A_105 = vector.shape_cast %broadcast_in_dim3A_87 : vector<1x256xi32> to vector<1x1x256xi32>
    tpu.vector_store %arg4[%swap3A_100, %swap3A_101, %swap3A_102], %swap3A_105 {strides = array<i32>} : memref<1x16x256xi32, #tpu.memory_space<vmem>>, vector<1x1x256xi32>,
    %gt3A_106 = vector.broadcast %broadcast_in_dim3A_87 : vector<1x256xi32> to vector<512x256xi32>
    %gt3A_107 = arith.cmpi sgt, %max3A_36, %gt3A_106 : vector<512x256xi32>
    %jit3A_108 = arith.constant 2147483647 : i32
    %broadcast_in_dim3A_109 = vector.broadcast %jit3A_108 : i32 to vector<512x256xi32>
    %select_n3A_110 = arith.select %gt3A_107, %max3A_36, %broadcast_in_dim3A_109 : vector<512x256xi1>, vector<512x256xi32>
    %gt3A_111 = vector.broadcast %broadcast_in_dim3A_87 : vector<1x256xi32> to vector<512x256xi32>
    %gt3A_112 = arith.cmpi sgt, %max3A_38, %gt3A_111 : vector<512x256xi32>
    %select_n3A_113 = arith.select %gt3A_112, %max3A_38, %select_n3A_110 : vector<512x256xi1>, vector<512x256xi32>
    %gt3A_114 = vector.broadcast %broadcast_in_dim3A_87 : vector<1x256xi32> to vector<512x256xi32>
    %gt3A_115 = arith.cmpi sgt, %min3A_37, %gt3A_114 : vector<512x256xi32>
    %select_n3A_116 = arith.select %gt3A_115, %min3A_37, %select_n3A_113 : vector<512x256xi1>, vector<512x256xi32>
    %gt3A_117 = vector.broadcast %broadcast_in_dim3A_87 : vector<1x256xi32> to vector<512x256xi32>
    %gt3A_118 = arith.cmpi sgt, %min3A_33, %gt3A_117 : vector<512x256xi32>
    %select_n3A_119 = arith.select %gt3A_118, %min3A_33, %select_n3A_116 : vector<512x256xi1>, vector<512x256xi32>
    %reduce_min3A_120 = arith.constant dense<2147483647> : vector<256xi32>
    %reduce_min3A_121 = vector.multi_reduction <minsi>, %select_n3A_119, %reduce_min3A_120 [0] : vector<512x256xi32> to vector<256xi32>
    %broadcast_in_dim3A_122 = vector.shape_cast %reduce_min3A_121 : vector<256xi32> to vector<1x256xi32>
    %and3A_123 = arith.constant 2047 : i32
    %and3A_124 = vector.broadcast %and3A_123 : i32 to vector<1x256xi32>
    %and3A_125 = arith.andi %broadcast_in_dim3A_122, %and3A_124 : vector<1x256xi32>
    %add3A_126 = arith.constant 4096 : i32
    %add3A_127 = vector.broadcast %add3A_126 : i32 to vector<1x256xi32>
    %add3A_128 = arith.addi %and3A_125, %add3A_127 : vector<1x256xi32>
    %swap3A_129 = arith.constant 0 : index
    %swap3A_130 = arith.constant 2 : index
    %swap3A_131 = arith.constant 0 : index
    %swap3A_132 = vector.load %arg3[%swap3A_129, %swap3A_130, %swap3A_131] : memref<1x16x256xi32, #tpu.memory_space<vmem>>, vector<1x1x256xi32>
    %swap3A_133 = vector.shape_cast %swap3A_132 : vector<1x1x256xi32> to vector<1x256xi32>
    %swap3A_134 = vector.shape_cast %add3A_128 : vector<1x256xi32> to vector<1x1x256xi32>
    tpu.vector_store %arg3[%swap3A_129, %swap3A_130, %swap3A_131], %swap3A_134 {strides = array<i32>} : memref<1x16x256xi32, #tpu.memory_space<vmem>>, vector<1x1x256xi32>,
    %swap3A_135 = arith.constant 0 : index
    %swap3A_136 = arith.constant 2 : index
    %swap3A_137 = arith.constant 0 : index
    %swap3A_138 = vector.load %arg4[%swap3A_135, %swap3A_136, %swap3A_137] : memref<1x16x256xi32, #tpu.memory_space<vmem>>, vector<1x1x256xi32>
    %swap3A_139 = vector.shape_cast %swap3A_138 : vector<1x1x256xi32> to vector<1x256xi32>
    %swap3A_140 = vector.shape_cast %broadcast_in_dim3A_122 : vector<1x256xi32> to vector<1x1x256xi32>
    tpu.vector_store %arg4[%swap3A_135, %swap3A_136, %swap3A_137], %swap3A_140 {strides = array<i32>} : memref<1x16x256xi32, #tpu.memory_space<vmem>>, vector<1x1x256xi32>,
    %gt3A_141 = vector.broadcast %broadcast_in_dim3A_122 : vector<1x256xi32> to vector<512x256xi32>
    %gt3A_142 = arith.cmpi sgt, %max3A_36, %gt3A_141 : vector<512x256xi32>
    %jit3A_143 = arith.constant 2147483647 : i32
    %broadcast_in_dim3A_144 = vector.broadcast %jit3A_143 : i32 to vector<512x256xi32>
    %select_n3A_145 = arith.select %gt3A_142, %max3A_36, %broadcast_in_dim3A_144 : vector<512x256xi1>, vector<512x256xi32>
    %gt3A_146 = vector.broadcast %broadcast_in_dim3A_122 : vector<1x256xi32> to vector<512x256xi32>
    %gt3A_147 = arith.cmpi sgt, %max3A_38, %gt3A_146 : vector<512x256xi32>
    %select_n3A_148 = arith.select %gt3A_147, %max3A_38, %select_n3A_145 : vector<512x256xi1>, vector<512x256xi32>
    %gt3A_149 = vector.broadcast %broadcast_in_dim3A_122 : vector<1x256xi32> to vector<512x256xi32>
    %gt3A_150 = arith.cmpi sgt, %min3A_37, %gt3A_149 : vector<512x256xi32>
    %select_n3A_151 = arith.select %gt3A_150, %min3A_37, %select_n3A_148 : vector<512x256xi1>, vector<512x256xi32>
    %gt3A_152 = vector.broadcast %broadcast_in_dim3A_122 : vector<1x256xi32> to vector<512x256xi32>
    %gt3A_153 = arith.cmpi sgt, %min3A_33, %gt3A_152 : vector<512x256xi32>
    %select_n3A_154 = arith.select %gt3A_153, %min3A_33, %select_n3A_151 : vector<512x256xi1>, vector<512x256xi32>
    %reduce_min3A_155 = arith.constant dense<2147483647> : vector<256xi32>
    %reduce_min3A_156 = vector.multi_reduction <minsi>, %select_n3A_154, %reduce_min3A_155 [0] : vector<512x256xi32> to vector<256xi32>
    %broadcast_in_dim3A_157 = vector.shape_cast %reduce_min3A_156 : vector<256xi32> to vector<1x256xi32>
    %and3A_158 = arith.constant 2047 : i32
    %and3A_159 = vector.broadcast %and3A_158 : i32 to vector<1x256xi32>
    %and3A_160 = arith.andi %broadcast_in_dim3A_157, %and3A_159 : vector<1x256xi32>
    %add3A_161 = arith.constant 4096 : i32
    %add3A_162 = vector.broadcast %add3A_161 : i32 to vector<1x256xi32>
    %add3A_163 = arith.addi %and3A_160, %add3A_162 : vector<1x256xi32>
    %swap3A_164 = arith.constant 0 : index
    %swap3A_165 = arith.constant 3 : index
    %swap3A_166 = arith.constant 0 : index
    %swap3A_167 = vector.load %arg3[%swap3A_164, %swap3A_165, %swap3A_166] : memref<1x16x256xi32, #tpu.memory_space<vmem>>, vector<1x1x256xi32>
    %swap3A_168 = vector.shape_cast %swap3A_167 : vector<1x1x256xi32> to vector<1x256xi32>
    %swap3A_169 = vector.shape_cast %add3A_163 : vector<1x256xi32> to vector<1x1x256xi32>
    tpu.vector_store %arg3[%swap3A_164, %swap3A_165, %swap3A_166], %swap3A_169 {strides = array<i32>} : memref<1x16x256xi32, #tpu.memory_space<vmem>>, vector<1x1x256xi32>,
    %swap3A_170 = arith.constant 0 : index
    %swap3A_171 = arith.constant 3 : index
    %swap3A_172 = arith.constant 0 : index
    %swap3A_173 = vector.load %arg4[%swap3A_170, %swap3A_171, %swap3A_172] : memref<1x16x256xi32, #tpu.memory_space<vmem>>, vector<1x1x256xi32>
    %swap3A_174 = vector.shape_cast %swap3A_173 : vector<1x1x256xi32> to vector<1x256xi32>
    %swap3A_175 = vector.shape_cast %broadcast_in_dim3A_157 : vector<1x256xi32> to vector<1x1x256xi32>
    tpu.vector_store %arg4[%swap3A_170, %swap3A_171, %swap3A_172], %swap3A_175 {strides = array<i32>} : memref<1x16x256xi32, #tpu.memory_space<vmem>>, vector<1x1x256xi32>,
    %gt3A_176 = vector.broadcast %broadcast_in_dim3A_157 : vector<1x256xi32> to vector<512x256xi32>
    %gt3A_177 = arith.cmpi sgt, %max3A_36, %gt3A_176 : vector<512x256xi32>
    %jit3A_178 = arith.constant 2147483647 : i32
    %broadcast_in_dim3A_179 = vector.broadcast %jit3A_178 : i32 to vector<512x256xi32>
    %select_n3A_180 = arith.select %gt3A_177, %max3A_36, %broadcast_in_dim3A_179 : vector<512x256xi1>, vector<512x256xi32>
    %gt3A_181 = vector.broadcast %broadcast_in_dim3A_157 : vector<1x256xi32> to vector<512x256xi32>
    %gt3A_182 = arith.cmpi sgt, %max3A_38, %gt3A_181 : vector<512x256xi32>
    %select_n3A_183 = arith.select %gt3A_182, %max3A_38, %select_n3A_180 : vector<512x256xi1>, vector<512x256xi32>
    %gt3A_184 = vector.broadcast %broadcast_in_dim3A_157 : vector<1x256xi32> to vector<512x256xi32>
    %gt3A_185 = arith.cmpi sgt, %min3A_37, %gt3A_184 : vector<512x256xi32>
    %select_n3A_186 = arith.select %gt3A_185, %min3A_37, %select_n3A_183 : vector<512x256xi1>, vector<512x256xi32>
    %gt3A_187 = vector.broadcast %broadcast_in_dim3A_157 : vector<1x256xi32> to vector<512x256xi32>
    %gt3A_188 = arith.cmpi sgt, %min3A_33, %gt3A_187 : vector<512x256xi32>
    %select_n3A_189 = arith.select %gt3A_188, %min3A_33, %select_n3A_186 : vector<512x256xi1>, vector<512x256xi32>
    %reduce_min3A_190 = arith.constant dense<2147483647> : vector<256xi32>
    %reduce_min3A_191 = vector.multi_reduction <minsi>, %select_n3A_189, %reduce_min3A_190 [0] : vector<512x256xi32> to vector<256xi32>
    %broadcast_in_dim3A_192 = vector.shape_cast %reduce_min3A_191 : vector<256xi32> to vector<1x256xi32>
    %and3A_193 = arith.constant 2047 : i32
    %and3A_194 = vector.broadcast %and3A_193 : i32 to vector<1x256xi32>
    %and3A_195 = arith.andi %broadcast_in_dim3A_192, %and3A_194 : vector<1x256xi32>
    %add3A_196 = arith.constant 4096 : i32
    %add3A_197 = vector.broadcast %add3A_196 : i32 to vector<1x256xi32>
    %add3A_198 = arith.addi %and3A_195, %add3A_197 : vector<1x256xi32>
    %swap3A_199 = arith.constant 0 : index
    %swap3A_200 = arith.constant 4 : index
    %swap3A_201 = arith.constant 0 : index
    %swap3A_202 = vector.load %arg3[%swap3A_199, %swap3A_200, %swap3A_201] : memref<1x16x256xi32, #tpu.memory_space<vmem>>, vector<1x1x256xi32>
    %swap3A_203 = vector.shape_cast %swap3A_202 : vector<1x1x256xi32> to vector<1x256xi32>
    %swap3A_204 = vector.shape_cast %add3A_198 : vector<1x256xi32> to vector<1x1x256xi32>
    tpu.vector_store %arg3[%swap3A_199, %swap3A_200, %swap3A_201], %swap3A_204 {strides = array<i32>} : memref<1x16x256xi32, #tpu.memory_space<vmem>>, vector<1x1x256xi32>,
    %swap3A_205 = arith.constant 0 : index
    %swap3A_206 = arith.constant 4 : index
    %swap3A_207 = arith.constant 0 : index
    %swap3A_208 = vector.load %arg4[%swap3A_205, %swap3A_206, %swap3A_207] : memref<1x16x256xi32, #tpu.memory_space<vmem>>, vector<1x1x256xi32>
    %swap3A_209 = vector.shape_cast %swap3A_208 : vector<1x1x256xi32> to vector<1x256xi32>
    %swap3A_210 = vector.shape_cast %broadcast_in_dim3A_192 : vector<1x256xi32> to vector<1x1x256xi32>
    tpu.vector_store %arg4[%swap3A_205, %swap3A_206, %swap3A_207], %swap3A_210 {strides = array<i32>} : memref<1x16x256xi32, #tpu.memory_space<vmem>>, vector<1x1x256xi32>,
    %gt3A_211 = vector.broadcast %broadcast_in_dim3A_192 : vector<1x256xi32> to vector<512x256xi32>
    %gt3A_212 = arith.cmpi sgt, %max3A_36, %gt3A_211 : vector<512x256xi32>
    %jit3A_213 = arith.constant 2147483647 : i32
    %broadcast_in_dim3A_214 = vector.broadcast %jit3A_213 : i32 to vector<512x256xi32>
    %select_n3A_215 = arith.select %gt3A_212, %max3A_36, %broadcast_in_dim3A_214 : vector<512x256xi1>, vector<512x256xi32>
    %gt3A_216 = vector.broadcast %broadcast_in_dim3A_192 : vector<1x256xi32> to vector<512x256xi32>
    %gt3A_217 = arith.cmpi sgt, %max3A_38, %gt3A_216 : vector<512x256xi32>
    %select_n3A_218 = arith.select %gt3A_217, %max3A_38, %select_n3A_215 : vector<512x256xi1>, vector<512x256xi32>
    %gt3A_219 = vector.broadcast %broadcast_in_dim3A_192 : vector<1x256xi32> to vector<512x256xi32>
    %gt3A_220 = arith.cmpi sgt, %min3A_37, %gt3A_219 : vector<512x256xi32>
    %select_n3A_221 = arith.select %gt3A_220, %min3A_37, %select_n3A_218 : vector<512x256xi1>, vector<512x256xi32>
    %gt3A_222 = vector.broadcast %broadcast_in_dim3A_192 : vector<1x256xi32> to vector<512x256xi32>
    %gt3A_223 = arith.cmpi sgt, %min3A_33, %gt3A_222 : vector<512x256xi32>
    %select_n3A_224 = arith.select %gt3A_223, %min3A_33, %select_n3A_221 : vector<512x256xi1>, vector<512x256xi32>
    %reduce_min3A_225 = arith.constant dense<2147483647> : vector<256xi32>
    %reduce_min3A_226 = vector.multi_reduction <minsi>, %select_n3A_224, %reduce_min3A_225 [0] : vector<512x256xi32> to vector<256xi32>
    %broadcast_in_dim3A_227 = vector.shape_cast %reduce_min3A_226 : vector<256xi32> to vector<1x256xi32>
    %and3A_228 = arith.constant 2047 : i32
    %and3A_229 = vector.broadcast %and3A_228 : i32 to vector<1x256xi32>
    %and3A_230 = arith.andi %broadcast_in_dim3A_227, %and3A_229 : vector<1x256xi32>
    %add3A_231 = arith.constant 4096 : i32
    %add3A_232 = vector.broadcast %add3A_231 : i32 to vector<1x256xi32>
    %add3A_233 = arith.addi %and3A_230, %add3A_232 : vector<1x256xi32>
    %swap3A_234 = arith.constant 0 : index
    %swap3A_235 = arith.constant 5 : index
    %swap3A_236 = arith.constant 0 : index
    %swap3A_237 = vector.load %arg3[%swap3A_234, %swap3A_235, %swap3A_236] : memref<1x16x256xi32, #tpu.memory_space<vmem>>, vector<1x1x256xi32>
    %swap3A_238 = vector.shape_cast %swap3A_237 : vector<1x1x256xi32> to vector<1x256xi32>
    %swap3A_239 = vector.shape_cast %add3A_233 : vector<1x256xi32> to vector<1x1x256xi32>
    tpu.vector_store %arg3[%swap3A_234, %swap3A_235, %swap3A_236], %swap3A_239 {strides = array<i32>} : memref<1x16x256xi32, #tpu.memory_space<vmem>>, vector<1x1x256xi32>,
    %swap3A_240 = arith.constant 0 : index
    %swap3A_241 = arith.constant 5 : index
    %swap3A_242 = arith.constant 0 : index
    %swap3A_243 = vector.load %arg4[%swap3A_240, %swap3A_241, %swap3A_242] : memref<1x16x256xi32, #tpu.memory_space<vmem>>, vector<1x1x256xi32>
    %swap3A_244 = vector.shape_cast %swap3A_243 : vector<1x1x256xi32> to vector<1x256xi32>
    %swap3A_245 = vector.shape_cast %broadcast_in_dim3A_227 : vector<1x256xi32> to vector<1x1x256xi32>
    tpu.vector_store %arg4[%swap3A_240, %swap3A_241, %swap3A_242], %swap3A_245 {strides = array<i32>} : memref<1x16x256xi32, #tpu.memory_space<vmem>>, vector<1x1x256xi32>,
    %gt3A_246 = vector.broadcast %broadcast_in_dim3A_227 : vector<1x256xi32> to vector<512x256xi32>
    %gt3A_247 = arith.cmpi sgt, %max3A_36, %gt3A_246 : vector<512x256xi32>
    %jit3A_248 = arith.constant 2147483647 : i32
    %broadcast_in_dim3A_249 = vector.broadcast %jit3A_248 : i32 to vector<512x256xi32>
    %select_n3A_250 = arith.select %gt3A_247, %max3A_36, %broadcast_in_dim3A_249 : vector<512x256xi1>, vector<512x256xi32>
    %gt3A_251 = vector.broadcast %broadcast_in_dim3A_227 : vector<1x256xi32> to vector<512x256xi32>
    %gt3A_252 = arith.cmpi sgt, %max3A_38, %gt3A_251 : vector<512x256xi32>
    %select_n3A_253 = arith.select %gt3A_252, %max3A_38, %select_n3A_250 : vector<512x256xi1>, vector<512x256xi32>
    %gt3A_254 = vector.broadcast %broadcast_in_dim3A_227 : vector<1x256xi32> to vector<512x256xi32>
    %gt3A_255 = arith.cmpi sgt, %min3A_37, %gt3A_254 : vector<512x256xi32>
    %select_n3A_256 = arith.select %gt3A_255, %min3A_37, %select_n3A_253 : vector<512x256xi1>, vector<512x256xi32>
    %gt3A_257 = vector.broadcast %broadcast_in_dim3A_227 : vector<1x256xi32> to vector<512x256xi32>
    %gt3A_258 = arith.cmpi sgt, %min3A_33, %gt3A_257 : vector<512x256xi32>
    %select_n3A_259 = arith.select %gt3A_258, %min3A_33, %select_n3A_256 : vector<512x256xi1>, vector<512x256xi32>
    %reduce_min3A_260 = arith.constant dense<2147483647> : vector<256xi32>
    %reduce_min3A_261 = vector.multi_reduction <minsi>, %select_n3A_259, %reduce_min3A_260 [0] : vector<512x256xi32> to vector<256xi32>
    %broadcast_in_dim3A_262 = vector.shape_cast %reduce_min3A_261 : vector<256xi32> to vector<1x256xi32>
    %and3A_263 = arith.constant 2047 : i32
    %and3A_264 = vector.broadcast %and3A_263 : i32 to vector<1x256xi32>
    %and3A_265 = arith.andi %broadcast_in_dim3A_262, %and3A_264 : vector<1x256xi32>
    %add3A_266 = arith.constant 4096 : i32
    %add3A_267 = vector.broadcast %add3A_266 : i32 to vector<1x256xi32>
    %add3A_268 = arith.addi %and3A_265, %add3A_267 : vector<1x256xi32>
    %swap3A_269 = arith.constant 0 : index
    %swap3A_270 = arith.constant 6 : index
    %swap3A_271 = arith.constant 0 : index
    %swap3A_272 = vector.load %arg3[%swap3A_269, %swap3A_270, %swap3A_271] : memref<1x16x256xi32, #tpu.memory_space<vmem>>, vector<1x1x256xi32>
    %swap3A_273 = vector.shape_cast %swap3A_272 : vector<1x1x256xi32> to vector<1x256xi32>
    %swap3A_274 = vector.shape_cast %add3A_268 : vector<1x256xi32> to vector<1x1x256xi32>
    tpu.vector_store %arg3[%swap3A_269, %swap3A_270, %swap3A_271], %swap3A_274 {strides = array<i32>} : memref<1x16x256xi32, #tpu.memory_space<vmem>>, vector<1x1x256xi32>,
    %swap3A_275 = arith.constant 0 : index
    %swap3A_276 = arith.constant 6 : index
    %swap3A_277 = arith.constant 0 : index
    %swap3A_278 = vector.load %arg4[%swap3A_275, %swap3A_276, %swap3A_277] : memref<1x16x256xi32, #tpu.memory_space<vmem>>, vector<1x1x256xi32>
    %swap3A_279 = vector.shape_cast %swap3A_278 : vector<1x1x256xi32> to vector<1x256xi32>
    %swap3A_280 = vector.shape_cast %broadcast_in_dim3A_262 : vector<1x256xi32> to vector<1x1x256xi32>
    tpu.vector_store %arg4[%swap3A_275, %swap3A_276, %swap3A_277], %swap3A_280 {strides = array<i32>} : memref<1x16x256xi32, #tpu.memory_space<vmem>>, vector<1x1x256xi32>,
    %gt3A_281 = vector.broadcast %broadcast_in_dim3A_262 : vector<1x256xi32> to vector<512x256xi32>
    %gt3A_282 = arith.cmpi sgt, %max3A_36, %gt3A_281 : vector<512x256xi32>
    %jit3A_283 = arith.constant 2147483647 : i32
    %broadcast_in_dim3A_284 = vector.broadcast %jit3A_283 : i32 to vector<512x256xi32>
    %select_n3A_285 = arith.select %gt3A_282, %max3A_36, %broadcast_in_dim3A_284 : vector<512x256xi1>, vector<512x256xi32>
    %gt3A_286 = vector.broadcast %broadcast_in_dim3A_262 : vector<1x256xi32> to vector<512x256xi32>
    %gt3A_287 = arith.cmpi sgt, %max3A_38, %gt3A_286 : vector<512x256xi32>
    %select_n3A_288 = arith.select %gt3A_287, %max3A_38, %select_n3A_285 : vector<512x256xi1>, vector<512x256xi32>
    %gt3A_289 = vector.broadcast %broadcast_in_dim3A_262 : vector<1x256xi32> to vector<512x256xi32>
    %gt3A_290 = arith.cmpi sgt, %min3A_37, %gt3A_289 : vector<512x256xi32>
    %select_n3A_291 = arith.select %gt3A_290, %min3A_37, %select_n3A_288 : vector<512x256xi1>, vector<512x256xi32>
    %gt3A_292 = vector.broadcast %broadcast_in_dim3A_262 : vector<1x256xi32> to vector<512x256xi32>
    %gt3A_293 = arith.cmpi sgt, %min3A_33, %gt3A_292 : vector<512x256xi32>
    %select_n3A_294 = arith.select %gt3A_293, %min3A_33, %select_n3A_291 : vector<512x256xi1>, vector<512x256xi32>
    %reduce_min3A_295 = arith.constant dense<2147483647> : vector<256xi32>
    %reduce_min3A_296 = vector.multi_reduction <minsi>, %select_n3A_294, %reduce_min3A_295 [0] : vector<512x256xi32> to vector<256xi32>
    %broadcast_in_dim3A_297 = vector.shape_cast %reduce_min3A_296 : vector<256xi32> to vector<1x256xi32>
    %and3A_298 = arith.constant 2047 : i32
    %and3A_299 = vector.broadcast %and3A_298 : i32 to vector<1x256xi32>
    %and3A_300 = arith.andi %broadcast_in_dim3A_297, %and3A_299 : vector<1x256xi32>
    %add3A_301 = arith.constant 4096 : i32
    %add3A_302 = vector.broadcast %add3A_301 : i32 to vector<1x256xi32>
    %add3A_303 = arith.addi %and3A_300, %add3A_302 : vector<1x256xi32>
    %swap3A_304 = arith.constant 0 : index
    %swap3A_305 = arith.constant 7 : index
    %swap3A_306 = arith.constant 0 : index
    %swap3A_307 = vector.load %arg3[%swap3A_304, %swap3A_305, %swap3A_306] : memref<1x16x256xi32, #tpu.memory_space<vmem>>, vector<1x1x256xi32>
    %swap3A_308 = vector.shape_cast %swap3A_307 : vector<1x1x256xi32> to vector<1x256xi32>
    %swap3A_309 = vector.shape_cast %add3A_303 : vector<1x256xi32> to vector<1x1x256xi32>
    tpu.vector_store %arg3[%swap3A_304, %swap3A_305, %swap3A_306], %swap3A_309 {strides = array<i32>} : memref<1x16x256xi32, #tpu.memory_space<vmem>>, vector<1x1x256xi32>,
    %swap3A_310 = arith.constant 0 : index
    %swap3A_311 = arith.constant 7 : index
    %swap3A_312 = arith.constant 0 : index
    %swap3A_313 = vector.load %arg4[%swap3A_310, %swap3A_311, %swap3A_312] : memref<1x16x256xi32, #tpu.memory_space<vmem>>, vector<1x1x256xi32>
    %swap3A_314 = vector.shape_cast %swap3A_313 : vector<1x1x256xi32> to vector<1x256xi32>
    %swap3A_315 = vector.shape_cast %broadcast_in_dim3A_297 : vector<1x256xi32> to vector<1x1x256xi32>
    tpu.vector_store %arg4[%swap3A_310, %swap3A_311, %swap3A_312], %swap3A_315 {strides = array<i32>} : memref<1x16x256xi32, #tpu.memory_space<vmem>>, vector<1x1x256xi32>,
    %gt3A_316 = vector.broadcast %broadcast_in_dim3A_297 : vector<1x256xi32> to vector<512x256xi32>
    %gt3A_317 = arith.cmpi sgt, %max3A_36, %gt3A_316 : vector<512x256xi32>
    %jit3A_318 = arith.constant 2147483647 : i32
    %broadcast_in_dim3A_319 = vector.broadcast %jit3A_318 : i32 to vector<512x256xi32>
    %select_n3A_320 = arith.select %gt3A_317, %max3A_36, %broadcast_in_dim3A_319 : vector<512x256xi1>, vector<512x256xi32>
    %gt3A_321 = vector.broadcast %broadcast_in_dim3A_297 : vector<1x256xi32> to vector<512x256xi32>
    %gt3A_322 = arith.cmpi sgt, %max3A_38, %gt3A_321 : vector<512x256xi32>
    %select_n3A_323 = arith.select %gt3A_322, %max3A_38, %select_n3A_320 : vector<512x256xi1>, vector<512x256xi32>
    %gt3A_324 = vector.broadcast %broadcast_in_dim3A_297 : vector<1x256xi32> to vector<512x256xi32>
    %gt3A_325 = arith.cmpi sgt, %min3A_37, %gt3A_324 : vector<512x256xi32>
    %select_n3A_326 = arith.select %gt3A_325, %min3A_37, %select_n3A_323 : vector<512x256xi1>, vector<512x256xi32>
    %gt3A_327 = vector.broadcast %broadcast_in_dim3A_297 : vector<1x256xi32> to vector<512x256xi32>
    %gt3A_328 = arith.cmpi sgt, %min3A_33, %gt3A_327 : vector<512x256xi32>
    %select_n3A_329 = arith.select %gt3A_328, %min3A_33, %select_n3A_326 : vector<512x256xi1>, vector<512x256xi32>
    %reduce_min3A_330 = arith.constant dense<2147483647> : vector<256xi32>
    %reduce_min3A_331 = vector.multi_reduction <minsi>, %select_n3A_329, %reduce_min3A_330 [0] : vector<512x256xi32> to vector<256xi32>
    %broadcast_in_dim3A_332 = vector.shape_cast %reduce_min3A_331 : vector<256xi32> to vector<1x256xi32>
    %and3A_333 = arith.constant 2047 : i32
    %and3A_334 = vector.broadcast %and3A_333 : i32 to vector<1x256xi32>
    %and3A_335 = arith.andi %broadcast_in_dim3A_332, %and3A_334 : vector<1x256xi32>
    %add3A_336 = arith.constant 4096 : i32
    %add3A_337 = vector.broadcast %add3A_336 : i32 to vector<1x256xi32>
    %add3A_338 = arith.addi %and3A_335, %add3A_337 : vector<1x256xi32>
    %swap3A_339 = arith.constant 0 : index
    %swap3A_340 = arith.constant 8 : index
    %swap3A_341 = arith.constant 0 : index
    %swap3A_342 = vector.load %arg3[%swap3A_339, %swap3A_340, %swap3A_341] : memref<1x16x256xi32, #tpu.memory_space<vmem>>, vector<1x1x256xi32>
    %swap3A_343 = vector.shape_cast %swap3A_342 : vector<1x1x256xi32> to vector<1x256xi32>
    %swap3A_344 = vector.shape_cast %add3A_338 : vector<1x256xi32> to vector<1x1x256xi32>
    tpu.vector_store %arg3[%swap3A_339, %swap3A_340, %swap3A_341], %swap3A_344 {strides = array<i32>} : memref<1x16x256xi32, #tpu.memory_space<vmem>>, vector<1x1x256xi32>,
    %swap3A_345 = arith.constant 0 : index
    %swap3A_346 = arith.constant 8 : index
    %swap3A_347 = arith.constant 0 : index
    %swap3A_348 = vector.load %arg4[%swap3A_345, %swap3A_346, %swap3A_347] : memref<1x16x256xi32, #tpu.memory_space<vmem>>, vector<1x1x256xi32>
    %swap3A_349 = vector.shape_cast %swap3A_348 : vector<1x1x256xi32> to vector<1x256xi32>
    %swap3A_350 = vector.shape_cast %broadcast_in_dim3A_332 : vector<1x256xi32> to vector<1x1x256xi32>
    tpu.vector_store %arg4[%swap3A_345, %swap3A_346, %swap3A_347], %swap3A_350 {strides = array<i32>} : memref<1x16x256xi32, #tpu.memory_space<vmem>>, vector<1x1x256xi32>,
    %gt3A_351 = vector.broadcast %broadcast_in_dim3A_332 : vector<1x256xi32> to vector<512x256xi32>
    %gt3A_352 = arith.cmpi sgt, %max3A_36, %gt3A_351 : vector<512x256xi32>
    %jit3A_353 = arith.constant 2147483647 : i32
    %broadcast_in_dim3A_354 = vector.broadcast %jit3A_353 : i32 to vector<512x256xi32>
    %select_n3A_355 = arith.select %gt3A_352, %max3A_36, %broadcast_in_dim3A_354 : vector<512x256xi1>, vector<512x256xi32>
    %gt3A_356 = vector.broadcast %broadcast_in_dim3A_332 : vector<1x256xi32> to vector<512x256xi32>
    %gt3A_357 = arith.cmpi sgt, %max3A_38, %gt3A_356 : vector<512x256xi32>
    %select_n3A_358 = arith.select %gt3A_357, %max3A_38, %select_n3A_355 : vector<512x256xi1>, vector<512x256xi32>
    %gt3A_359 = vector.broadcast %broadcast_in_dim3A_332 : vector<1x256xi32> to vector<512x256xi32>
    %gt3A_360 = arith.cmpi sgt, %min3A_37, %gt3A_359 : vector<512x256xi32>
    %select_n3A_361 = arith.select %gt3A_360, %min3A_37, %select_n3A_358 : vector<512x256xi1>, vector<512x256xi32>
    %gt3A_362 = vector.broadcast %broadcast_in_dim3A_332 : vector<1x256xi32> to vector<512x256xi32>
    %gt3A_363 = arith.cmpi sgt, %min3A_33, %gt3A_362 : vector<512x256xi32>
    %select_n3A_364 = arith.select %gt3A_363, %min3A_33, %select_n3A_361 : vector<512x256xi1>, vector<512x256xi32>
    %reduce_min3A_365 = arith.constant dense<2147483647> : vector<256xi32>
    %reduce_min3A_366 = vector.multi_reduction <minsi>, %select_n3A_364, %reduce_min3A_365 [0] : vector<512x256xi32> to vector<256xi32>
    %broadcast_in_dim3A_367 = vector.shape_cast %reduce_min3A_366 : vector<256xi32> to vector<1x256xi32>
    %and3A_368 = arith.constant 2047 : i32
    %and3A_369 = vector.broadcast %and3A_368 : i32 to vector<1x256xi32>
    %and3A_370 = arith.andi %broadcast_in_dim3A_367, %and3A_369 : vector<1x256xi32>
    %add3A_371 = arith.constant 4096 : i32
    %add3A_372 = vector.broadcast %add3A_371 : i32 to vector<1x256xi32>
    %add3A_373 = arith.addi %and3A_370, %add3A_372 : vector<1x256xi32>
    %swap3A_374 = arith.constant 0 : index
    %swap3A_375 = arith.constant 9 : index
    %swap3A_376 = arith.constant 0 : index
    %swap3A_377 = vector.load %arg3[%swap3A_374, %swap3A_375, %swap3A_376] : memref<1x16x256xi32, #tpu.memory_space<vmem>>, vector<1x1x256xi32>
    %swap3A_378 = vector.shape_cast %swap3A_377 : vector<1x1x256xi32> to vector<1x256xi32>
    %swap3A_379 = vector.shape_cast %add3A_373 : vector<1x256xi32> to vector<1x1x256xi32>
    tpu.vector_store %arg3[%swap3A_374, %swap3A_375, %swap3A_376], %swap3A_379 {strides = array<i32>} : memref<1x16x256xi32, #tpu.memory_space<vmem>>, vector<1x1x256xi32>,
    %swap3A_380 = arith.constant 0 : index
    %swap3A_381 = arith.constant 9 : index
    %swap3A_382 = arith.constant 0 : index
    %swap3A_383 = vector.load %arg4[%swap3A_380, %swap3A_381, %swap3A_382] : memref<1x16x256xi32, #tpu.memory_space<vmem>>, vector<1x1x256xi32>
    %swap3A_384 = vector.shape_cast %swap3A_383 : vector<1x1x256xi32> to vector<1x256xi32>
    %swap3A_385 = vector.shape_cast %broadcast_in_dim3A_367 : vector<1x256xi32> to vector<1x1x256xi32>
    tpu.vector_store %arg4[%swap3A_380, %swap3A_381, %swap3A_382], %swap3A_385 {strides = array<i32>} : memref<1x16x256xi32, #tpu.memory_space<vmem>>, vector<1x1x256xi32>,
    %gt3A_386 = vector.broadcast %broadcast_in_dim3A_367 : vector<1x256xi32> to vector<512x256xi32>
    %gt3A_387 = arith.cmpi sgt, %max3A_36, %gt3A_386 : vector<512x256xi32>
    %jit3A_388 = arith.constant 2147483647 : i32
    %broadcast_in_dim3A_389 = vector.broadcast %jit3A_388 : i32 to vector<512x256xi32>
    %select_n3A_390 = arith.select %gt3A_387, %max3A_36, %broadcast_in_dim3A_389 : vector<512x256xi1>, vector<512x256xi32>
    %gt3A_391 = vector.broadcast %broadcast_in_dim3A_367 : vector<1x256xi32> to vector<512x256xi32>
    %gt3A_392 = arith.cmpi sgt, %max3A_38, %gt3A_391 : vector<512x256xi32>
    %select_n3A_393 = arith.select %gt3A_392, %max3A_38, %select_n3A_390 : vector<512x256xi1>, vector<512x256xi32>
    %gt3A_394 = vector.broadcast %broadcast_in_dim3A_367 : vector<1x256xi32> to vector<512x256xi32>
    %gt3A_395 = arith.cmpi sgt, %min3A_37, %gt3A_394 : vector<512x256xi32>
    %select_n3A_396 = arith.select %gt3A_395, %min3A_37, %select_n3A_393 : vector<512x256xi1>, vector<512x256xi32>
    %gt3A_397 = vector.broadcast %broadcast_in_dim3A_367 : vector<1x256xi32> to vector<512x256xi32>
    %gt3A_398 = arith.cmpi sgt, %min3A_33, %gt3A_397 : vector<512x256xi32>
    %select_n3A_399 = arith.select %gt3A_398, %min3A_33, %select_n3A_396 : vector<512x256xi1>, vector<512x256xi32>
    %reduce_min3A_400 = arith.constant dense<2147483647> : vector<256xi32>
    %reduce_min3A_401 = vector.multi_reduction <minsi>, %select_n3A_399, %reduce_min3A_400 [0] : vector<512x256xi32> to vector<256xi32>
    %broadcast_in_dim3A_402 = vector.shape_cast %reduce_min3A_401 : vector<256xi32> to vector<1x256xi32>
    %and3A_403 = arith.constant 2047 : i32
    %and3A_404 = vector.broadcast %and3A_403 : i32 to vector<1x256xi32>
    %and3A_405 = arith.andi %broadcast_in_dim3A_402, %and3A_404 : vector<1x256xi32>
    %add3A_406 = arith.constant 4096 : i32
    %add3A_407 = vector.broadcast %add3A_406 : i32 to vector<1x256xi32>
    %add3A_408 = arith.addi %and3A_405, %add3A_407 : vector<1x256xi32>
    %swap3A_409 = arith.constant 0 : index
    %swap3A_410 = arith.constant 10 : index
    %swap3A_411 = arith.constant 0 : index
    %swap3A_412 = vector.load %arg3[%swap3A_409, %swap3A_410, %swap3A_411] : memref<1x16x256xi32, #tpu.memory_space<vmem>>, vector<1x1x256xi32>
    %swap3A_413 = vector.shape_cast %swap3A_412 : vector<1x1x256xi32> to vector<1x256xi32>
    %swap3A_414 = vector.shape_cast %add3A_408 : vector<1x256xi32> to vector<1x1x256xi32>
    tpu.vector_store %arg3[%swap3A_409, %swap3A_410, %swap3A_411], %swap3A_414 {strides = array<i32>} : memref<1x16x256xi32, #tpu.memory_space<vmem>>, vector<1x1x256xi32>,
    %swap3A_415 = arith.constant 0 : index
    %swap3A_416 = arith.constant 10 : index
    %swap3A_417 = arith.constant 0 : index
    %swap3A_418 = vector.load %arg4[%swap3A_415, %swap3A_416, %swap3A_417] : memref<1x16x256xi32, #tpu.memory_space<vmem>>, vector<1x1x256xi32>
    %swap3A_419 = vector.shape_cast %swap3A_418 : vector<1x1x256xi32> to vector<1x256xi32>
    %swap3A_420 = vector.shape_cast %broadcast_in_dim3A_402 : vector<1x256xi32> to vector<1x1x256xi32>
    tpu.vector_store %arg4[%swap3A_415, %swap3A_416, %swap3A_417], %swap3A_420 {strides = array<i32>} : memref<1x16x256xi32, #tpu.memory_space<vmem>>, vector<1x1x256xi32>,
    %gt3A_421 = vector.broadcast %broadcast_in_dim3A_402 : vector<1x256xi32> to vector<512x256xi32>
    %gt3A_422 = arith.cmpi sgt, %max3A_36, %gt3A_421 : vector<512x256xi32>
    %jit3A_423 = arith.constant 2147483647 : i32
    %broadcast_in_dim3A_424 = vector.broadcast %jit3A_423 : i32 to vector<512x256xi32>
    %select_n3A_425 = arith.select %gt3A_422, %max3A_36, %broadcast_in_dim3A_424 : vector<512x256xi1>, vector<512x256xi32>
    %gt3A_426 = vector.broadcast %broadcast_in_dim3A_402 : vector<1x256xi32> to vector<512x256xi32>
    %gt3A_427 = arith.cmpi sgt, %max3A_38, %gt3A_426 : vector<512x256xi32>
    %select_n3A_428 = arith.select %gt3A_427, %max3A_38, %select_n3A_425 : vector<512x256xi1>, vector<512x256xi32>
    %gt3A_429 = vector.broadcast %broadcast_in_dim3A_402 : vector<1x256xi32> to vector<512x256xi32>
    %gt3A_430 = arith.cmpi sgt, %min3A_37, %gt3A_429 : vector<512x256xi32>
    %select_n3A_431 = arith.select %gt3A_430, %min3A_37, %select_n3A_428 : vector<512x256xi1>, vector<512x256xi32>
    %gt3A_432 = vector.broadcast %broadcast_in_dim3A_402 : vector<1x256xi32> to vector<512x256xi32>
    %gt3A_433 = arith.cmpi sgt, %min3A_33, %gt3A_432 : vector<512x256xi32>
    %select_n3A_434 = arith.select %gt3A_433, %min3A_33, %select_n3A_431 : vector<512x256xi1>, vector<512x256xi32>
    %reduce_min3A_435 = arith.constant dense<2147483647> : vector<256xi32>
    %reduce_min3A_436 = vector.multi_reduction <minsi>, %select_n3A_434, %reduce_min3A_435 [0] : vector<512x256xi32> to vector<256xi32>
    %broadcast_in_dim3A_437 = vector.shape_cast %reduce_min3A_436 : vector<256xi32> to vector<1x256xi32>
    %and3A_438 = arith.constant 2047 : i32
    %and3A_439 = vector.broadcast %and3A_438 : i32 to vector<1x256xi32>
    %and3A_440 = arith.andi %broadcast_in_dim3A_437, %and3A_439 : vector<1x256xi32>
    %add3A_441 = arith.constant 4096 : i32
    %add3A_442 = vector.broadcast %add3A_441 : i32 to vector<1x256xi32>
    %add3A_443 = arith.addi %and3A_440, %add3A_442 : vector<1x256xi32>
    %swap3A_444 = arith.constant 0 : index
    %swap3A_445 = arith.constant 11 : index
    %swap3A_446 = arith.constant 0 : index
    %swap3A_447 = vector.load %arg3[%swap3A_444, %swap3A_445, %swap3A_446] : memref<1x16x256xi32, #tpu.memory_space<vmem>>, vector<1x1x256xi32>
    %swap3A_448 = vector.shape_cast %swap3A_447 : vector<1x1x256xi32> to vector<1x256xi32>
    %swap3A_449 = vector.shape_cast %add3A_443 : vector<1x256xi32> to vector<1x1x256xi32>
    tpu.vector_store %arg3[%swap3A_444, %swap3A_445, %swap3A_446], %swap3A_449 {strides = array<i32>} : memref<1x16x256xi32, #tpu.memory_space<vmem>>, vector<1x1x256xi32>,
    %swap3A_450 = arith.constant 0 : index
    %swap3A_451 = arith.constant 11 : index
    %swap3A_452 = arith.constant 0 : index
    %swap3A_453 = vector.load %arg4[%swap3A_450, %swap3A_451, %swap3A_452] : memref<1x16x256xi32, #tpu.memory_space<vmem>>, vector<1x1x256xi32>
    %swap3A_454 = vector.shape_cast %swap3A_453 : vector<1x1x256xi32> to vector<1x256xi32>
    %swap3A_455 = vector.shape_cast %broadcast_in_dim3A_437 : vector<1x256xi32> to vector<1x1x256xi32>
    tpu.vector_store %arg4[%swap3A_450, %swap3A_451, %swap3A_452], %swap3A_455 {strides = array<i32>} : memref<1x16x256xi32, #tpu.memory_space<vmem>>, vector<1x1x256xi32>,
    %gt3A_456 = vector.broadcast %broadcast_in_dim3A_437 : vector<1x256xi32> to vector<512x256xi32>
    %gt3A_457 = arith.cmpi sgt, %max3A_36, %gt3A_456 : vector<512x256xi32>
    %jit3A_458 = arith.constant 2147483647 : i32
    %broadcast_in_dim3A_459 = vector.broadcast %jit3A_458 : i32 to vector<512x256xi32>
    %select_n3A_460 = arith.select %gt3A_457, %max3A_36, %broadcast_in_dim3A_459 : vector<512x256xi1>, vector<512x256xi32>
    %gt3A_461 = vector.broadcast %broadcast_in_dim3A_437 : vector<1x256xi32> to vector<512x256xi32>
    %gt3A_462 = arith.cmpi sgt, %max3A_38, %gt3A_461 : vector<512x256xi32>
    %select_n3A_463 = arith.select %gt3A_462, %max3A_38, %select_n3A_460 : vector<512x256xi1>, vector<512x256xi32>
    %gt3A_464 = vector.broadcast %broadcast_in_dim3A_437 : vector<1x256xi32> to vector<512x256xi32>
    %gt3A_465 = arith.cmpi sgt, %min3A_37, %gt3A_464 : vector<512x256xi32>
    %select_n3A_466 = arith.select %gt3A_465, %min3A_37, %select_n3A_463 : vector<512x256xi1>, vector<512x256xi32>
    %gt3A_467 = vector.broadcast %broadcast_in_dim3A_437 : vector<1x256xi32> to vector<512x256xi32>
    %gt3A_468 = arith.cmpi sgt, %min3A_33, %gt3A_467 : vector<512x256xi32>
    %select_n3A_469 = arith.select %gt3A_468, %min3A_33, %select_n3A_466 : vector<512x256xi1>, vector<512x256xi32>
    %reduce_min3A_470 = arith.constant dense<2147483647> : vector<256xi32>
    %reduce_min3A_471 = vector.multi_reduction <minsi>, %select_n3A_469, %reduce_min3A_470 [0] : vector<512x256xi32> to vector<256xi32>
    %broadcast_in_dim3A_472 = vector.shape_cast %reduce_min3A_471 : vector<256xi32> to vector<1x256xi32>
    %and3A_473 = arith.constant 2047 : i32
    %and3A_474 = vector.broadcast %and3A_473 : i32 to vector<1x256xi32>
    %and3A_475 = arith.andi %broadcast_in_dim3A_472, %and3A_474 : vector<1x256xi32>
    %add3A_476 = arith.constant 4096 : i32
    %add3A_477 = vector.broadcast %add3A_476 : i32 to vector<1x256xi32>
    %add3A_478 = arith.addi %and3A_475, %add3A_477 : vector<1x256xi32>
    %swap3A_479 = arith.constant 0 : index
    %swap3A_480 = arith.constant 12 : index
    %swap3A_481 = arith.constant 0 : index
    %swap3A_482 = vector.load %arg3[%swap3A_479, %swap3A_480, %swap3A_481] : memref<1x16x256xi32, #tpu.memory_space<vmem>>, vector<1x1x256xi32>
    %swap3A_483 = vector.shape_cast %swap3A_482 : vector<1x1x256xi32> to vector<1x256xi32>
    %swap3A_484 = vector.shape_cast %add3A_478 : vector<1x256xi32> to vector<1x1x256xi32>
    tpu.vector_store %arg3[%swap3A_479, %swap3A_480, %swap3A_481], %swap3A_484 {strides = array<i32>} : memref<1x16x256xi32, #tpu.memory_space<vmem>>, vector<1x1x256xi32>,
    %swap3A_485 = arith.constant 0 : index
    %swap3A_486 = arith.constant 12 : index
    %swap3A_487 = arith.constant 0 : index
    %swap3A_488 = vector.load %arg4[%swap3A_485, %swap3A_486, %swap3A_487] : memref<1x16x256xi32, #tpu.memory_space<vmem>>, vector<1x1x256xi32>
    %swap3A_489 = vector.shape_cast %swap3A_488 : vector<1x1x256xi32> to vector<1x256xi32>
    %swap3A_490 = vector.shape_cast %broadcast_in_dim3A_472 : vector<1x256xi32> to vector<1x1x256xi32>
    tpu.vector_store %arg4[%swap3A_485, %swap3A_486, %swap3A_487], %swap3A_490 {strides = array<i32>} : memref<1x16x256xi32, #tpu.memory_space<vmem>>, vector<1x1x256xi32>,
    %gt3A_491 = vector.broadcast %broadcast_in_dim3A_472 : vector<1x256xi32> to vector<512x256xi32>
    %gt3A_492 = arith.cmpi sgt, %max3A_36, %gt3A_491 : vector<512x256xi32>
    %jit3A_493 = arith.constant 2147483647 : i32
    %broadcast_in_dim3A_494 = vector.broadcast %jit3A_493 : i32 to vector<512x256xi32>
    %select_n3A_495 = arith.select %gt3A_492, %max3A_36, %broadcast_in_dim3A_494 : vector<512x256xi1>, vector<512x256xi32>
    %gt3A_496 = vector.broadcast %broadcast_in_dim3A_472 : vector<1x256xi32> to vector<512x256xi32>
    %gt3A_497 = arith.cmpi sgt, %max3A_38, %gt3A_496 : vector<512x256xi32>
    %select_n3A_498 = arith.select %gt3A_497, %max3A_38, %select_n3A_495 : vector<512x256xi1>, vector<512x256xi32>
    %gt3A_499 = vector.broadcast %broadcast_in_dim3A_472 : vector<1x256xi32> to vector<512x256xi32>
    %gt3A_500 = arith.cmpi sgt, %min3A_37, %gt3A_499 : vector<512x256xi32>
    %select_n3A_501 = arith.select %gt3A_500, %min3A_37, %select_n3A_498 : vector<512x256xi1>, vector<512x256xi32>
    %gt3A_502 = vector.broadcast %broadcast_in_dim3A_472 : vector<1x256xi32> to vector<512x256xi32>
    %gt3A_503 = arith.cmpi sgt, %min3A_33, %gt3A_502 : vector<512x256xi32>
    %select_n3A_504 = arith.select %gt3A_503, %min3A_33, %select_n3A_501 : vector<512x256xi1>, vector<512x256xi32>
    %reduce_min3A_505 = arith.constant dense<2147483647> : vector<256xi32>
    %reduce_min3A_506 = vector.multi_reduction <minsi>, %select_n3A_504, %reduce_min3A_505 [0] : vector<512x256xi32> to vector<256xi32>
    %broadcast_in_dim3A_507 = vector.shape_cast %reduce_min3A_506 : vector<256xi32> to vector<1x256xi32>
    %and3A_508 = arith.constant 2047 : i32
    %and3A_509 = vector.broadcast %and3A_508 : i32 to vector<1x256xi32>
    %and3A_510 = arith.andi %broadcast_in_dim3A_507, %and3A_509 : vector<1x256xi32>
    %add3A_511 = arith.constant 4096 : i32
    %add3A_512 = vector.broadcast %add3A_511 : i32 to vector<1x256xi32>
    %add3A_513 = arith.addi %and3A_510, %add3A_512 : vector<1x256xi32>
    %swap3A_514 = arith.constant 0 : index
    %swap3A_515 = arith.constant 13 : index
    %swap3A_516 = arith.constant 0 : index
    %swap3A_517 = vector.load %arg3[%swap3A_514, %swap3A_515, %swap3A_516] : memref<1x16x256xi32, #tpu.memory_space<vmem>>, vector<1x1x256xi32>
    %swap3A_518 = vector.shape_cast %swap3A_517 : vector<1x1x256xi32> to vector<1x256xi32>
    %swap3A_519 = vector.shape_cast %add3A_513 : vector<1x256xi32> to vector<1x1x256xi32>
    tpu.vector_store %arg3[%swap3A_514, %swap3A_515, %swap3A_516], %swap3A_519 {strides = array<i32>} : memref<1x16x256xi32, #tpu.memory_space<vmem>>, vector<1x1x256xi32>,
    %swap3A_520 = arith.constant 0 : index
    %swap3A_521 = arith.constant 13 : index
    %swap3A_522 = arith.constant 0 : index
    %swap3A_523 = vector.load %arg4[%swap3A_520, %swap3A_521, %swap3A_522] : memref<1x16x256xi32, #tpu.memory_space<vmem>>, vector<1x1x256xi32>
    %swap3A_524 = vector.shape_cast %swap3A_523 : vector<1x1x256xi32> to vector<1x256xi32>
    %swap3A_525 = vector.shape_cast %broadcast_in_dim3A_507 : vector<1x256xi32> to vector<1x1x256xi32>
    tpu.vector_store %arg4[%swap3A_520, %swap3A_521, %swap3A_522], %swap3A_525 {strides = array<i32>} : memref<1x16x256xi32, #tpu.memory_space<vmem>>, vector<1x1x256xi32>,
    %gt3A_526 = vector.broadcast %broadcast_in_dim3A_507 : vector<1x256xi32> to vector<512x256xi32>
    %gt3A_527 = arith.cmpi sgt, %max3A_36, %gt3A_526 : vector<512x256xi32>
    %jit3A_528 = arith.constant 2147483647 : i32
    %broadcast_in_dim3A_529 = vector.broadcast %jit3A_528 : i32 to vector<512x256xi32>
    %select_n3A_530 = arith.select %gt3A_527, %max3A_36, %broadcast_in_dim3A_529 : vector<512x256xi1>, vector<512x256xi32>
    %gt3A_531 = vector.broadcast %broadcast_in_dim3A_507 : vector<1x256xi32> to vector<512x256xi32>
    %gt3A_532 = arith.cmpi sgt, %max3A_38, %gt3A_531 : vector<512x256xi32>
    %select_n3A_533 = arith.select %gt3A_532, %max3A_38, %select_n3A_530 : vector<512x256xi1>, vector<512x256xi32>
    %gt3A_534 = vector.broadcast %broadcast_in_dim3A_507 : vector<1x256xi32> to vector<512x256xi32>
    %gt3A_535 = arith.cmpi sgt, %min3A_37, %gt3A_534 : vector<512x256xi32>
    %select_n3A_536 = arith.select %gt3A_535, %min3A_37, %select_n3A_533 : vector<512x256xi1>, vector<512x256xi32>
    %gt3A_537 = vector.broadcast %broadcast_in_dim3A_507 : vector<1x256xi32> to vector<512x256xi32>
    %gt3A_538 = arith.cmpi sgt, %min3A_33, %gt3A_537 : vector<512x256xi32>
    %select_n3A_539 = arith.select %gt3A_538, %min3A_33, %select_n3A_536 : vector<512x256xi1>, vector<512x256xi32>
    %reduce_min3A_540 = arith.constant dense<2147483647> : vector<256xi32>
    %reduce_min3A_541 = vector.multi_reduction <minsi>, %select_n3A_539, %reduce_min3A_540 [0] : vector<512x256xi32> to vector<256xi32>
    %broadcast_in_dim3A_542 = vector.shape_cast %reduce_min3A_541 : vector<256xi32> to vector<1x256xi32>
    %and3A_543 = arith.constant 2047 : i32
    %and3A_544 = vector.broadcast %and3A_543 : i32 to vector<1x256xi32>
    %and3A_545 = arith.andi %broadcast_in_dim3A_542, %and3A_544 : vector<1x256xi32>
    %add3A_546 = arith.constant 4096 : i32
    %add3A_547 = vector.broadcast %add3A_546 : i32 to vector<1x256xi32>
    %add3A_548 = arith.addi %and3A_545, %add3A_547 : vector<1x256xi32>
    %swap3A_549 = arith.constant 0 : index
    %swap3A_550 = arith.constant 14 : index
    %swap3A_551 = arith.constant 0 : index
    %swap3A_552 = vector.load %arg3[%swap3A_549, %swap3A_550, %swap3A_551] : memref<1x16x256xi32, #tpu.memory_space<vmem>>, vector<1x1x256xi32>
    %swap3A_553 = vector.shape_cast %swap3A_552 : vector<1x1x256xi32> to vector<1x256xi32>
    %swap3A_554 = vector.shape_cast %add3A_548 : vector<1x256xi32> to vector<1x1x256xi32>
    tpu.vector_store %arg3[%swap3A_549, %swap3A_550, %swap3A_551], %swap3A_554 {strides = array<i32>} : memref<1x16x256xi32, #tpu.memory_space<vmem>>, vector<1x1x256xi32>,
    %swap3A_555 = arith.constant 0 : index
    %swap3A_556 = arith.constant 14 : index
    %swap3A_557 = arith.constant 0 : index
    %swap3A_558 = vector.load %arg4[%swap3A_555, %swap3A_556, %swap3A_557] : memref<1x16x256xi32, #tpu.memory_space<vmem>>, vector<1x1x256xi32>
    %swap3A_559 = vector.shape_cast %swap3A_558 : vector<1x1x256xi32> to vector<1x256xi32>
    %swap3A_560 = vector.shape_cast %broadcast_in_dim3A_542 : vector<1x256xi32> to vector<1x1x256xi32>
    tpu.vector_store %arg4[%swap3A_555, %swap3A_556, %swap3A_557], %swap3A_560 {strides = array<i32>} : memref<1x16x256xi32, #tpu.memory_space<vmem>>, vector<1x1x256xi32>,
    %gt3A_561 = vector.broadcast %broadcast_in_dim3A_542 : vector<1x256xi32> to vector<512x256xi32>
    %gt3A_562 = arith.cmpi sgt, %max3A_36, %gt3A_561 : vector<512x256xi32>
    %jit3A_563 = arith.constant 2147483647 : i32
    %broadcast_in_dim3A_564 = vector.broadcast %jit3A_563 : i32 to vector<512x256xi32>
    %select_n3A_565 = arith.select %gt3A_562, %max3A_36, %broadcast_in_dim3A_564 : vector<512x256xi1>, vector<512x256xi32>
    %gt3A_566 = vector.broadcast %broadcast_in_dim3A_542 : vector<1x256xi32> to vector<512x256xi32>
    %gt3A_567 = arith.cmpi sgt, %max3A_38, %gt3A_566 : vector<512x256xi32>
    %select_n3A_568 = arith.select %gt3A_567, %max3A_38, %select_n3A_565 : vector<512x256xi1>, vector<512x256xi32>
    %gt3A_569 = vector.broadcast %broadcast_in_dim3A_542 : vector<1x256xi32> to vector<512x256xi32>
    %gt3A_570 = arith.cmpi sgt, %min3A_37, %gt3A_569 : vector<512x256xi32>
    %select_n3A_571 = arith.select %gt3A_570, %min3A_37, %select_n3A_568 : vector<512x256xi1>, vector<512x256xi32>
    %gt3A_572 = vector.broadcast %broadcast_in_dim3A_542 : vector<1x256xi32> to vector<512x256xi32>
    %gt3A_573 = arith.cmpi sgt, %min3A_33, %gt3A_572 : vector<512x256xi32>
    %select_n3A_574 = arith.select %gt3A_573, %min3A_33, %select_n3A_571 : vector<512x256xi1>, vector<512x256xi32>
    %reduce_min3A_575 = arith.constant dense<2147483647> : vector<256xi32>
    %reduce_min3A_576 = vector.multi_reduction <minsi>, %select_n3A_574, %reduce_min3A_575 [0] : vector<512x256xi32> to vector<256xi32>
    %broadcast_in_dim3A_577 = vector.shape_cast %reduce_min3A_576 : vector<256xi32> to vector<1x256xi32>
    %and3A_578 = arith.constant 2047 : i32
    %and3A_579 = vector.broadcast %and3A_578 : i32 to vector<1x256xi32>
    %and3A_580 = arith.andi %broadcast_in_dim3A_577, %and3A_579 : vector<1x256xi32>
    %add3A_581 = arith.constant 4096 : i32
    %add3A_582 = vector.broadcast %add3A_581 : i32 to vector<1x256xi32>
    %add3A_583 = arith.addi %and3A_580, %add3A_582 : vector<1x256xi32>
    %swap3A_584 = arith.constant 0 : index
    %swap3A_585 = arith.constant 15 : index
    %swap3A_586 = arith.constant 0 : index
    %swap3A_587 = vector.load %arg3[%swap3A_584, %swap3A_585, %swap3A_586] : memref<1x16x256xi32, #tpu.memory_space<vmem>>, vector<1x1x256xi32>
    %swap3A_588 = vector.shape_cast %swap3A_587 : vector<1x1x256xi32> to vector<1x256xi32>
    %swap3A_589 = vector.shape_cast %add3A_583 : vector<1x256xi32> to vector<1x1x256xi32>
    tpu.vector_store %arg3[%swap3A_584, %swap3A_585, %swap3A_586], %swap3A_589 {strides = array<i32>} : memref<1x16x256xi32, #tpu.memory_space<vmem>>, vector<1x1x256xi32>,
    %swap3A_590 = arith.constant 0 : index
    %swap3A_591 = arith.constant 15 : index
    %swap3A_592 = arith.constant 0 : index
    %swap3A_593 = vector.load %arg4[%swap3A_590, %swap3A_591, %swap3A_592] : memref<1x16x256xi32, #tpu.memory_space<vmem>>, vector<1x1x256xi32>
    %swap3A_594 = vector.shape_cast %swap3A_593 : vector<1x1x256xi32> to vector<1x256xi32>
    %swap3A_595 = vector.shape_cast %broadcast_in_dim3A_577 : vector<1x256xi32> to vector<1x1x256xi32>
    tpu.vector_store %arg4[%swap3A_590, %swap3A_591, %swap3A_592], %swap3A_595 {strides = array<i32>} : memref<1x16x256xi32, #tpu.memory_space<vmem>>, vector<1x1x256xi32>,
    return
  }
  func.func @transform_0(%arg0: i32) -> (i32, i32, i32) {
    %c0_i32 = arith.constant 0 : i32
    %c0_i32_0 = arith.constant 0 : i32
    %c0_i32_1 = arith.constant 0 : i32
    return %c0_i32, %c0_i32_0, %arg0 : i32, i32, i32
  }
  func.func @transform_1(%arg0: i32) -> (i32, i32, i32) {
    %c0_i32 = arith.constant 0 : i32
    %c0_i32_0 = arith.constant 0 : i32
    %c0_i32_1 = arith.constant 0 : i32
    %c0_i32_2 = arith.constant 0 : i32
    return %c0_i32, %c0_i32_0, %c0_i32_1 : i32, i32, i32
  }
  func.func @transform_2(%arg0: i32) -> (i32, i32, i32) {
    %c0_i32 = arith.constant 0 : i32
    %c0_i32_0 = arith.constant 0 : i32
    %c0_i32_1 = arith.constant 0 : i32
    return %arg0, %c0_i32, %c0_i32_0 : i32, i32, i32
  }
  func.func @transform_3(%arg0: i32) -> (i32, i32, i32) {
    %c0_i32 = arith.constant 0 : i32
    %c0_i32_0 = arith.constant 0 : i32
    %c0_i32_1 = arith.constant 0 : i32
    return %arg0, %c0_i32, %c0_i32_0 : i32, i32, i32
  }
}

module attributes {stable_mosaic.version = 14 : i64} {
  func.func @_knn_body(%arg0: i32, %arg1: memref<1x8x256xf32, #tpu.memory_space<vmem>>, %arg2: memref<1x2048x8xf32, #tpu.memory_space<vmem>>, %arg3: memref<1x16x256xi32, #tpu.memory_space<vmem>>, %arg4: memref<1x16x256xi32, #tpu.memory_space<vmem>>) attributes {dimension_semantics = [#tpu.dimension_semantics<arbitrary>], iteration_bounds = array<i64: 8>, scalar_prefetch = 0 : i64, scratch_operands = 0 : i64, tpu.core_type = #tpu.core_type<tc>, window_params = [{transform_indices = @transform_0, window_bounds = array<i64: 1, 8, 256>}, {pipeline_mode = #tpu.pipeline_mode<synchronous>, transform_indices = @transform_1, window_bounds = array<i64: 1, 2048, 8>}, {transform_indices = @transform_2, window_bounds = array<i64: 1, 16, 256>}, {transform_indices = @transform_3, window_bounds = array<i64: 1, 16, 256>}]} {
    %get3A = arith.constant 0 : index
    %get3A_0 = arith.constant 0 : index
    %get3A_1 = arith.constant 0 : index
    %get3A_2 = vector.load %arg1[%get3A, %get3A_0, %get3A_1] : memref<1x8x256xf32, #tpu.memory_space<vmem>>, vector<1x8x256xf32>
    %get3A_3 = vector.shape_cast %get3A_2 : vector<1x8x256xf32> to vector<8x256xf32>
    %get3A_4 = arith.constant 0 : index
    %get3A_5 = arith.constant 0 : index
    %get3A_6 = arith.constant 0 : index
    %get3A_7 = vector.load %arg2[%get3A_4, %get3A_5, %get3A_6] : memref<1x2048x8xf32, #tpu.memory_space<vmem>>, vector<1x2048x8xf32>
    %get3A_8 = vector.shape_cast %get3A_7 : vector<1x2048x8xf32> to vector<2048x8xf32>
    %mul3A = arith.mulf %get3A_3, %get3A_3 : vector<8x256xf32>
    %reduce_sum3A = arith.constant dense<0.000000e+00> : vector<256xf32>
    %reduce_sum3A_9 = vector.multi_reduction <add>, %mul3A, %reduce_sum3A [0] : vector<8x256xf32> to vector<256xf32>
    %broadcast_in_dim3A = vector.shape_cast %reduce_sum3A_9 : vector<256xf32> to vector<1x256xf32>
    %mul3A_10 = arith.mulf %get3A_8, %get3A_8 : vector<2048x8xf32>
    %reduce_sum3A_11 = arith.constant dense<0.000000e+00> : vector<2048xf32>
    %reduce_sum3A_12 = vector.multi_reduction <add>, %mul3A_10, %reduce_sum3A_11 [1] : vector<2048x8xf32> to vector<2048xf32>
    %broadcast_in_dim3A_13 = vector.shape_cast %reduce_sum3A_12 : vector<2048xf32> to vector<2048x1xf32>
    %convert_element_type3A = arith.truncf %get3A_8 : vector<2048x8xf32> to vector<2048x8xbf16>
    %convert_element_type3A_14 = arith.truncf %get3A_3 : vector<8x256xf32> to vector<8x256xbf16>
    %dot_general3A = arith.constant dense<0.000000e+00> : vector<2048x256xf32>
    %dot_general3A_15 = tpu.matmul %convert_element_type3A, %convert_element_type3A_14, %dot_general3A {dimension_numbers = #tpu.dot_dimension_numbers<[1], [0], [0], [1], [0, 0, 1, 1], [], []>, transpose_lhs_hint = false} : vector<2048x8xbf16>, vector<8x256xbf16>, vector<2048x256xf32> -> vector<2048x256xf32>
    %add3A = vector.broadcast %broadcast_in_dim3A_13 : vector<2048x1xf32> to vector<2048x256xf32>
    %add3A_16 = vector.broadcast %broadcast_in_dim3A : vector<1x256xf32> to vector<2048x256xf32>
    %add3A_17 = arith.addf %add3A, %add3A_16 : vector<2048x256xf32>
    %mul3A_18 = arith.constant 2.000000e+00 : f32
    %mul3A_19 = vector.broadcast %mul3A_18 : f32 to vector<2048x256xf32>
    %mul3A_20 = arith.mulf %mul3A_19, %dot_general3A_15 : vector<2048x256xf32>
    %sub3A = arith.subf %add3A_17, %mul3A_20 : vector<2048x256xf32>
    %bitcast_convert_type3A = tpu.bitcast %sub3A : vector<2048x256xf32> -> vector<2048x256xi32>
    %iota3A = tpu.iota {dimensions = array<i32: 0>} : vector<2048x256xi32>
    %shift_right_arithmetic3A = arith.constant 31 : i32
    %shift_right_arithmetic3A_21 = vector.broadcast %shift_right_arithmetic3A : i32 to vector<2048x256xi32>
    %shift_right_arithmetic3A_22 = arith.shrsi %bitcast_convert_type3A, %shift_right_arithmetic3A_21 : vector<2048x256xi32>
    %and3A = arith.constant 2147483647 : i32
    %and3A_23 = vector.broadcast %and3A : i32 to vector<2048x256xi32>
    %and3A_24 = arith.andi %shift_right_arithmetic3A_22, %and3A_23 : vector<2048x256xi32>
    %xor3A = arith.xori %bitcast_convert_type3A, %and3A_24 : vector<2048x256xi32>
    %and3A_25 = arith.constant -2048 : i32
    %and3A_26 = vector.broadcast %and3A_25 : i32 to vector<2048x256xi32>
    %and3A_27 = arith.andi %xor3A, %and3A_26 : vector<2048x256xi32>
    %or3A = arith.ori %and3A_27, %iota3A : vector<2048x256xi32>
    %slice3A = vector.extract_strided_slice %or3A {offsets = [0, 0], sizes = [512, 256], strides = [1, 1]} : vector<2048x256xi32> to vector<512x256xi32>
    %slice3A_28 = vector.extract_strided_slice %or3A {offsets = [512, 0], sizes = [512, 256], strides = [1, 1]} : vector<2048x256xi32> to vector<512x256xi32>
    %slice3A_29 = vector.extract_strided_slice %or3A {offsets = [1024, 0], sizes = [512, 256], strides = [1, 1]} : vector<2048x256xi32> to vector<512x256xi32>
    %slice3A_30 = vector.extract_strided_slice %or3A {offsets = [1536, 0], sizes = [512, 256], strides = [1, 1]} : vector<2048x256xi32> to vector<512x256xi32>
    %min3A = arith.minsi %slice3A, %slice3A_28 : vector<512x256xi32>
    %max3A = arith.maxsi %slice3A, %slice3A_28 : vector<512x256xi32>
    %min3A_31 = arith.minsi %slice3A_29, %slice3A_30 : vector<512x256xi32>
    %max3A_32 = arith.maxsi %slice3A_29, %slice3A_30 : vector<512x256xi32>
    %min3A_33 = arith.minsi %min3A, %min3A_31 : vector<512x256xi32>
    %max3A_34 = arith.maxsi %min3A, %min3A_31 : vector<512x256xi32>
    %min3A_35 = arith.minsi %max3A, %max3A_32 : vector<512x256xi32>
    %max3A_36 = arith.maxsi %max3A, %max3A_32 : vector<512x256xi32>
    %min3A_37 = arith.minsi %min3A_35, %max3A_34 : vector<512x256xi32>
    %max3A_38 = arith.maxsi %min3A_35, %max3A_34 : vector<512x256xi32>
    %broadcast_in_dim3A_39 = arith.constant -2147483648 : i32
    %broadcast_in_dim3A_40 = vector.broadcast %broadcast_in_dim3A_39 : i32 to vector<1x256xi32>
    %gt3A = vector.broadcast %broadcast_in_dim3A_40 : vector<1x256xi32> to vector<512x256xi32>
    %gt3A_41 = arith.cmpi sgt, %max3A_36, %gt3A : vector<512x256xi32>
    %jit3A = arith.constant 2147483647 : i32
    %broadcast_in_dim3A_42 = vector.broadcast %jit3A : i32 to vector<512x256xi32>
    %select_n3A = arith.select %gt3A_41, %max3A_36, %broadcast_in_dim3A_42 : vector<512x256xi1>, vector<512x256xi32>
    %gt3A_43 = vector.broadcast %broadcast_in_dim3A_40 : vector<1x256xi32> to vector<512x256xi32>
    %gt3A_44 = arith.cmpi sgt, %max3A_38, %gt3A_43 : vector<512x256xi32>
    %select_n3A_45 = arith.select %gt3A_44, %max3A_38, %select_n3A : vector<512x256xi1>, vector<512x256xi32>
    %gt3A_46 = vector.broadcast %broadcast_in_dim3A_40 : vector<1x256xi32> to vector<512x256xi32>
    %gt3A_47 = arith.cmpi sgt, %min3A_37, %gt3A_46 : vector<512x256xi32>
    %select_n3A_48 = arith.select %gt3A_47, %min3A_37, %select_n3A_45 : vector<512x256xi1>, vector<512x256xi32>
    %gt3A_49 = vector.broadcast %broadcast_in_dim3A_40 : vector<1x256xi32> to vector<512x256xi32>
    %gt3A_50 = arith.cmpi sgt, %min3A_33, %gt3A_49 : vector<512x256xi32>
    %select_n3A_51 = arith.select %gt3A_50, %min3A_33, %select_n3A_48 : vector<512x256xi1>, vector<512x256xi32>
    %reduce_min3A = arith.constant dense<2147483647> : vector<256xi32>
    %reduce_min3A_52 = vector.multi_reduction <minsi>, %select_n3A_51, %reduce_min3A [0] : vector<512x256xi32> to vector<256xi32>
    %broadcast_in_dim3A_53 = vector.shape_cast %reduce_min3A_52 : vector<256xi32> to vector<1x256xi32>
    %and3A_54 = arith.constant 2047 : i32
    %and3A_55 = vector.broadcast %and3A_54 : i32 to vector<1x256xi32>
    %and3A_56 = arith.andi %broadcast_in_dim3A_53, %and3A_55 : vector<1x256xi32>
    %add3A_57 = arith.constant 6144 : i32
    %add3A_58 = vector.broadcast %add3A_57 : i32 to vector<1x256xi32>
    %add3A_59 = arith.addi %and3A_56, %add3A_58 : vector<1x256xi32>
    %swap3A = arith.constant 0 : index
    %swap3A_60 = arith.constant 0 : index
    %swap3A_61 = arith.constant 0 : index
    %swap3A_62 = vector.load %arg3[%swap3A, %swap3A_60, %swap3A_61] : memref<1x16x256xi32, #tpu.memory_space<vmem>>, vector<1x1x256xi32>
    %swap3A_63 = vector.shape_cast %swap3A_62 : vector<1x1x256xi32> to vector<1x256xi32>
    %swap3A_64 = vector.shape_cast %add3A_59 : vector<1x256xi32> to vector<1x1x256xi32>
    tpu.vector_store %arg3[%swap3A, %swap3A_60, %swap3A_61], %swap3A_64 {strides = array<i32>} : memref<1x16x256xi32, #tpu.memory_space<vmem>>, vector<1x1x256xi32>,
    %swap3A_65 = arith.constant 0 : index
    %swap3A_66 = arith.constant 0 : index
    %swap3A_67 = arith.constant 0 : index
    %swap3A_68 = vector.load %arg4[%swap3A_65, %swap3A_66, %swap3A_67] : memref<1x16x256xi32, #tpu.memory_space<vmem>>, vector<1x1x256xi32>
    %swap3A_69 = vector.shape_cast %swap3A_68 : vector<1x1x256xi32> to vector<1x256xi32>
    %swap3A_70 = vector.shape_cast %broadcast_in_dim3A_53 : vector<1x256xi32> to vector<1x1x256xi32>
    tpu.vector_store %arg4[%swap3A_65, %swap3A_66, %swap3A_67], %swap3A_70 {strides = array<i32>} : memref<1x16x256xi32, #tpu.memory_space<vmem>>, vector<1x1x256xi32>,
    %gt3A_71 = vector.broadcast %broadcast_in_dim3A_53 : vector<1x256xi32> to vector<512x256xi32>
    %gt3A_72 = arith.cmpi sgt, %max3A_36, %gt3A_71 : vector<512x256xi32>
    %jit3A_73 = arith.constant 2147483647 : i32
    %broadcast_in_dim3A_74 = vector.broadcast %jit3A_73 : i32 to vector<512x256xi32>
    %select_n3A_75 = arith.select %gt3A_72, %max3A_36, %broadcast_in_dim3A_74 : vector<512x256xi1>, vector<512x256xi32>
    %gt3A_76 = vector.broadcast %broadcast_in_dim3A_53 : vector<1x256xi32> to vector<512x256xi32>
    %gt3A_77 = arith.cmpi sgt, %max3A_38, %gt3A_76 : vector<512x256xi32>
    %select_n3A_78 = arith.select %gt3A_77, %max3A_38, %select_n3A_75 : vector<512x256xi1>, vector<512x256xi32>
    %gt3A_79 = vector.broadcast %broadcast_in_dim3A_53 : vector<1x256xi32> to vector<512x256xi32>
    %gt3A_80 = arith.cmpi sgt, %min3A_37, %gt3A_79 : vector<512x256xi32>
    %select_n3A_81 = arith.select %gt3A_80, %min3A_37, %select_n3A_78 : vector<512x256xi1>, vector<512x256xi32>
    %gt3A_82 = vector.broadcast %broadcast_in_dim3A_53 : vector<1x256xi32> to vector<512x256xi32>
    %gt3A_83 = arith.cmpi sgt, %min3A_33, %gt3A_82 : vector<512x256xi32>
    %select_n3A_84 = arith.select %gt3A_83, %min3A_33, %select_n3A_81 : vector<512x256xi1>, vector<512x256xi32>
    %reduce_min3A_85 = arith.constant dense<2147483647> : vector<256xi32>
    %reduce_min3A_86 = vector.multi_reduction <minsi>, %select_n3A_84, %reduce_min3A_85 [0] : vector<512x256xi32> to vector<256xi32>
    %broadcast_in_dim3A_87 = vector.shape_cast %reduce_min3A_86 : vector<256xi32> to vector<1x256xi32>
    %and3A_88 = arith.constant 2047 : i32
    %and3A_89 = vector.broadcast %and3A_88 : i32 to vector<1x256xi32>
    %and3A_90 = arith.andi %broadcast_in_dim3A_87, %and3A_89 : vector<1x256xi32>
    %add3A_91 = arith.constant 6144 : i32
    %add3A_92 = vector.broadcast %add3A_91 : i32 to vector<1x256xi32>
    %add3A_93 = arith.addi %and3A_90, %add3A_92 : vector<1x256xi32>
    %swap3A_94 = arith.constant 0 : index
    %swap3A_95 = arith.constant 1 : index
    %swap3A_96 = arith.constant 0 : index
    %swap3A_97 = vector.load %arg3[%swap3A_94, %swap3A_95, %swap3A_96] : memref<1x16x256xi32, #tpu.memory_space<vmem>>, vector<1x1x256xi32>
    %swap3A_98 = vector.shape_cast %swap3A_97 : vector<1x1x256xi32> to vector<1x256xi32>
    %swap3A_99 = vector.shape_cast %add3A_93 : vector<1x256xi32> to vector<1x1x256xi32>
    tpu.vector_store %arg3[%swap3A_94, %swap3A_95, %swap3A_96], %swap3A_99 {strides = array<i32>} : memref<1x16x256xi32, #tpu.memory_space<vmem>>, vector<1x1x256xi32>,
    %swap3A_100 = arith.constant 0 : index
    %swap3A_101 = arith.constant 1 : index
    %swap3A_102 = arith.constant 0 : index
    %swap3A_103 = vector.load %arg4[%swap3A_100, %swap3A_101, %swap3A_102] : memref<1x16x256xi32, #tpu.memory_space<vmem>>, vector<1x1x256xi32>
    %swap3A_104 = vector.shape_cast %swap3A_103 : vector<1x1x256xi32> to vector<1x256xi32>
    %swap3A_105 = vector.shape_cast %broadcast_in_dim3A_87 : vector<1x256xi32> to vector<1x1x256xi32>
    tpu.vector_store %arg4[%swap3A_100, %swap3A_101, %swap3A_102], %swap3A_105 {strides = array<i32>} : memref<1x16x256xi32, #tpu.memory_space<vmem>>, vector<1x1x256xi32>,
    %gt3A_106 = vector.broadcast %broadcast_in_dim3A_87 : vector<1x256xi32> to vector<512x256xi32>
    %gt3A_107 = arith.cmpi sgt, %max3A_36, %gt3A_106 : vector<512x256xi32>
    %jit3A_108 = arith.constant 2147483647 : i32
    %broadcast_in_dim3A_109 = vector.broadcast %jit3A_108 : i32 to vector<512x256xi32>
    %select_n3A_110 = arith.select %gt3A_107, %max3A_36, %broadcast_in_dim3A_109 : vector<512x256xi1>, vector<512x256xi32>
    %gt3A_111 = vector.broadcast %broadcast_in_dim3A_87 : vector<1x256xi32> to vector<512x256xi32>
    %gt3A_112 = arith.cmpi sgt, %max3A_38, %gt3A_111 : vector<512x256xi32>
    %select_n3A_113 = arith.select %gt3A_112, %max3A_38, %select_n3A_110 : vector<512x256xi1>, vector<512x256xi32>
    %gt3A_114 = vector.broadcast %broadcast_in_dim3A_87 : vector<1x256xi32> to vector<512x256xi32>
    %gt3A_115 = arith.cmpi sgt, %min3A_37, %gt3A_114 : vector<512x256xi32>
    %select_n3A_116 = arith.select %gt3A_115, %min3A_37, %select_n3A_113 : vector<512x256xi1>, vector<512x256xi32>
    %gt3A_117 = vector.broadcast %broadcast_in_dim3A_87 : vector<1x256xi32> to vector<512x256xi32>
    %gt3A_118 = arith.cmpi sgt, %min3A_33, %gt3A_117 : vector<512x256xi32>
    %select_n3A_119 = arith.select %gt3A_118, %min3A_33, %select_n3A_116 : vector<512x256xi1>, vector<512x256xi32>
    %reduce_min3A_120 = arith.constant dense<2147483647> : vector<256xi32>
    %reduce_min3A_121 = vector.multi_reduction <minsi>, %select_n3A_119, %reduce_min3A_120 [0] : vector<512x256xi32> to vector<256xi32>
    %broadcast_in_dim3A_122 = vector.shape_cast %reduce_min3A_121 : vector<256xi32> to vector<1x256xi32>
    %and3A_123 = arith.constant 2047 : i32
    %and3A_124 = vector.broadcast %and3A_123 : i32 to vector<1x256xi32>
    %and3A_125 = arith.andi %broadcast_in_dim3A_122, %and3A_124 : vector<1x256xi32>
    %add3A_126 = arith.constant 6144 : i32
    %add3A_127 = vector.broadcast %add3A_126 : i32 to vector<1x256xi32>
    %add3A_128 = arith.addi %and3A_125, %add3A_127 : vector<1x256xi32>
    %swap3A_129 = arith.constant 0 : index
    %swap3A_130 = arith.constant 2 : index
    %swap3A_131 = arith.constant 0 : index
    %swap3A_132 = vector.load %arg3[%swap3A_129, %swap3A_130, %swap3A_131] : memref<1x16x256xi32, #tpu.memory_space<vmem>>, vector<1x1x256xi32>
    %swap3A_133 = vector.shape_cast %swap3A_132 : vector<1x1x256xi32> to vector<1x256xi32>
    %swap3A_134 = vector.shape_cast %add3A_128 : vector<1x256xi32> to vector<1x1x256xi32>
    tpu.vector_store %arg3[%swap3A_129, %swap3A_130, %swap3A_131], %swap3A_134 {strides = array<i32>} : memref<1x16x256xi32, #tpu.memory_space<vmem>>, vector<1x1x256xi32>,
    %swap3A_135 = arith.constant 0 : index
    %swap3A_136 = arith.constant 2 : index
    %swap3A_137 = arith.constant 0 : index
    %swap3A_138 = vector.load %arg4[%swap3A_135, %swap3A_136, %swap3A_137] : memref<1x16x256xi32, #tpu.memory_space<vmem>>, vector<1x1x256xi32>
    %swap3A_139 = vector.shape_cast %swap3A_138 : vector<1x1x256xi32> to vector<1x256xi32>
    %swap3A_140 = vector.shape_cast %broadcast_in_dim3A_122 : vector<1x256xi32> to vector<1x1x256xi32>
    tpu.vector_store %arg4[%swap3A_135, %swap3A_136, %swap3A_137], %swap3A_140 {strides = array<i32>} : memref<1x16x256xi32, #tpu.memory_space<vmem>>, vector<1x1x256xi32>,
    %gt3A_141 = vector.broadcast %broadcast_in_dim3A_122 : vector<1x256xi32> to vector<512x256xi32>
    %gt3A_142 = arith.cmpi sgt, %max3A_36, %gt3A_141 : vector<512x256xi32>
    %jit3A_143 = arith.constant 2147483647 : i32
    %broadcast_in_dim3A_144 = vector.broadcast %jit3A_143 : i32 to vector<512x256xi32>
    %select_n3A_145 = arith.select %gt3A_142, %max3A_36, %broadcast_in_dim3A_144 : vector<512x256xi1>, vector<512x256xi32>
    %gt3A_146 = vector.broadcast %broadcast_in_dim3A_122 : vector<1x256xi32> to vector<512x256xi32>
    %gt3A_147 = arith.cmpi sgt, %max3A_38, %gt3A_146 : vector<512x256xi32>
    %select_n3A_148 = arith.select %gt3A_147, %max3A_38, %select_n3A_145 : vector<512x256xi1>, vector<512x256xi32>
    %gt3A_149 = vector.broadcast %broadcast_in_dim3A_122 : vector<1x256xi32> to vector<512x256xi32>
    %gt3A_150 = arith.cmpi sgt, %min3A_37, %gt3A_149 : vector<512x256xi32>
    %select_n3A_151 = arith.select %gt3A_150, %min3A_37, %select_n3A_148 : vector<512x256xi1>, vector<512x256xi32>
    %gt3A_152 = vector.broadcast %broadcast_in_dim3A_122 : vector<1x256xi32> to vector<512x256xi32>
    %gt3A_153 = arith.cmpi sgt, %min3A_33, %gt3A_152 : vector<512x256xi32>
    %select_n3A_154 = arith.select %gt3A_153, %min3A_33, %select_n3A_151 : vector<512x256xi1>, vector<512x256xi32>
    %reduce_min3A_155 = arith.constant dense<2147483647> : vector<256xi32>
    %reduce_min3A_156 = vector.multi_reduction <minsi>, %select_n3A_154, %reduce_min3A_155 [0] : vector<512x256xi32> to vector<256xi32>
    %broadcast_in_dim3A_157 = vector.shape_cast %reduce_min3A_156 : vector<256xi32> to vector<1x256xi32>
    %and3A_158 = arith.constant 2047 : i32
    %and3A_159 = vector.broadcast %and3A_158 : i32 to vector<1x256xi32>
    %and3A_160 = arith.andi %broadcast_in_dim3A_157, %and3A_159 : vector<1x256xi32>
    %add3A_161 = arith.constant 6144 : i32
    %add3A_162 = vector.broadcast %add3A_161 : i32 to vector<1x256xi32>
    %add3A_163 = arith.addi %and3A_160, %add3A_162 : vector<1x256xi32>
    %swap3A_164 = arith.constant 0 : index
    %swap3A_165 = arith.constant 3 : index
    %swap3A_166 = arith.constant 0 : index
    %swap3A_167 = vector.load %arg3[%swap3A_164, %swap3A_165, %swap3A_166] : memref<1x16x256xi32, #tpu.memory_space<vmem>>, vector<1x1x256xi32>
    %swap3A_168 = vector.shape_cast %swap3A_167 : vector<1x1x256xi32> to vector<1x256xi32>
    %swap3A_169 = vector.shape_cast %add3A_163 : vector<1x256xi32> to vector<1x1x256xi32>
    tpu.vector_store %arg3[%swap3A_164, %swap3A_165, %swap3A_166], %swap3A_169 {strides = array<i32>} : memref<1x16x256xi32, #tpu.memory_space<vmem>>, vector<1x1x256xi32>,
    %swap3A_170 = arith.constant 0 : index
    %swap3A_171 = arith.constant 3 : index
    %swap3A_172 = arith.constant 0 : index
    %swap3A_173 = vector.load %arg4[%swap3A_170, %swap3A_171, %swap3A_172] : memref<1x16x256xi32, #tpu.memory_space<vmem>>, vector<1x1x256xi32>
    %swap3A_174 = vector.shape_cast %swap3A_173 : vector<1x1x256xi32> to vector<1x256xi32>
    %swap3A_175 = vector.shape_cast %broadcast_in_dim3A_157 : vector<1x256xi32> to vector<1x1x256xi32>
    tpu.vector_store %arg4[%swap3A_170, %swap3A_171, %swap3A_172], %swap3A_175 {strides = array<i32>} : memref<1x16x256xi32, #tpu.memory_space<vmem>>, vector<1x1x256xi32>,
    %gt3A_176 = vector.broadcast %broadcast_in_dim3A_157 : vector<1x256xi32> to vector<512x256xi32>
    %gt3A_177 = arith.cmpi sgt, %max3A_36, %gt3A_176 : vector<512x256xi32>
    %jit3A_178 = arith.constant 2147483647 : i32
    %broadcast_in_dim3A_179 = vector.broadcast %jit3A_178 : i32 to vector<512x256xi32>
    %select_n3A_180 = arith.select %gt3A_177, %max3A_36, %broadcast_in_dim3A_179 : vector<512x256xi1>, vector<512x256xi32>
    %gt3A_181 = vector.broadcast %broadcast_in_dim3A_157 : vector<1x256xi32> to vector<512x256xi32>
    %gt3A_182 = arith.cmpi sgt, %max3A_38, %gt3A_181 : vector<512x256xi32>
    %select_n3A_183 = arith.select %gt3A_182, %max3A_38, %select_n3A_180 : vector<512x256xi1>, vector<512x256xi32>
    %gt3A_184 = vector.broadcast %broadcast_in_dim3A_157 : vector<1x256xi32> to vector<512x256xi32>
    %gt3A_185 = arith.cmpi sgt, %min3A_37, %gt3A_184 : vector<512x256xi32>
    %select_n3A_186 = arith.select %gt3A_185, %min3A_37, %select_n3A_183 : vector<512x256xi1>, vector<512x256xi32>
    %gt3A_187 = vector.broadcast %broadcast_in_dim3A_157 : vector<1x256xi32> to vector<512x256xi32>
    %gt3A_188 = arith.cmpi sgt, %min3A_33, %gt3A_187 : vector<512x256xi32>
    %select_n3A_189 = arith.select %gt3A_188, %min3A_33, %select_n3A_186 : vector<512x256xi1>, vector<512x256xi32>
    %reduce_min3A_190 = arith.constant dense<2147483647> : vector<256xi32>
    %reduce_min3A_191 = vector.multi_reduction <minsi>, %select_n3A_189, %reduce_min3A_190 [0] : vector<512x256xi32> to vector<256xi32>
    %broadcast_in_dim3A_192 = vector.shape_cast %reduce_min3A_191 : vector<256xi32> to vector<1x256xi32>
    %and3A_193 = arith.constant 2047 : i32
    %and3A_194 = vector.broadcast %and3A_193 : i32 to vector<1x256xi32>
    %and3A_195 = arith.andi %broadcast_in_dim3A_192, %and3A_194 : vector<1x256xi32>
    %add3A_196 = arith.constant 6144 : i32
    %add3A_197 = vector.broadcast %add3A_196 : i32 to vector<1x256xi32>
    %add3A_198 = arith.addi %and3A_195, %add3A_197 : vector<1x256xi32>
    %swap3A_199 = arith.constant 0 : index
    %swap3A_200 = arith.constant 4 : index
    %swap3A_201 = arith.constant 0 : index
    %swap3A_202 = vector.load %arg3[%swap3A_199, %swap3A_200, %swap3A_201] : memref<1x16x256xi32, #tpu.memory_space<vmem>>, vector<1x1x256xi32>
    %swap3A_203 = vector.shape_cast %swap3A_202 : vector<1x1x256xi32> to vector<1x256xi32>
    %swap3A_204 = vector.shape_cast %add3A_198 : vector<1x256xi32> to vector<1x1x256xi32>
    tpu.vector_store %arg3[%swap3A_199, %swap3A_200, %swap3A_201], %swap3A_204 {strides = array<i32>} : memref<1x16x256xi32, #tpu.memory_space<vmem>>, vector<1x1x256xi32>,
    %swap3A_205 = arith.constant 0 : index
    %swap3A_206 = arith.constant 4 : index
    %swap3A_207 = arith.constant 0 : index
    %swap3A_208 = vector.load %arg4[%swap3A_205, %swap3A_206, %swap3A_207] : memref<1x16x256xi32, #tpu.memory_space<vmem>>, vector<1x1x256xi32>
    %swap3A_209 = vector.shape_cast %swap3A_208 : vector<1x1x256xi32> to vector<1x256xi32>
    %swap3A_210 = vector.shape_cast %broadcast_in_dim3A_192 : vector<1x256xi32> to vector<1x1x256xi32>
    tpu.vector_store %arg4[%swap3A_205, %swap3A_206, %swap3A_207], %swap3A_210 {strides = array<i32>} : memref<1x16x256xi32, #tpu.memory_space<vmem>>, vector<1x1x256xi32>,
    %gt3A_211 = vector.broadcast %broadcast_in_dim3A_192 : vector<1x256xi32> to vector<512x256xi32>
    %gt3A_212 = arith.cmpi sgt, %max3A_36, %gt3A_211 : vector<512x256xi32>
    %jit3A_213 = arith.constant 2147483647 : i32
    %broadcast_in_dim3A_214 = vector.broadcast %jit3A_213 : i32 to vector<512x256xi32>
    %select_n3A_215 = arith.select %gt3A_212, %max3A_36, %broadcast_in_dim3A_214 : vector<512x256xi1>, vector<512x256xi32>
    %gt3A_216 = vector.broadcast %broadcast_in_dim3A_192 : vector<1x256xi32> to vector<512x256xi32>
    %gt3A_217 = arith.cmpi sgt, %max3A_38, %gt3A_216 : vector<512x256xi32>
    %select_n3A_218 = arith.select %gt3A_217, %max3A_38, %select_n3A_215 : vector<512x256xi1>, vector<512x256xi32>
    %gt3A_219 = vector.broadcast %broadcast_in_dim3A_192 : vector<1x256xi32> to vector<512x256xi32>
    %gt3A_220 = arith.cmpi sgt, %min3A_37, %gt3A_219 : vector<512x256xi32>
    %select_n3A_221 = arith.select %gt3A_220, %min3A_37, %select_n3A_218 : vector<512x256xi1>, vector<512x256xi32>
    %gt3A_222 = vector.broadcast %broadcast_in_dim3A_192 : vector<1x256xi32> to vector<512x256xi32>
    %gt3A_223 = arith.cmpi sgt, %min3A_33, %gt3A_222 : vector<512x256xi32>
    %select_n3A_224 = arith.select %gt3A_223, %min3A_33, %select_n3A_221 : vector<512x256xi1>, vector<512x256xi32>
    %reduce_min3A_225 = arith.constant dense<2147483647> : vector<256xi32>
    %reduce_min3A_226 = vector.multi_reduction <minsi>, %select_n3A_224, %reduce_min3A_225 [0] : vector<512x256xi32> to vector<256xi32>
    %broadcast_in_dim3A_227 = vector.shape_cast %reduce_min3A_226 : vector<256xi32> to vector<1x256xi32>
    %and3A_228 = arith.constant 2047 : i32
    %and3A_229 = vector.broadcast %and3A_228 : i32 to vector<1x256xi32>
    %and3A_230 = arith.andi %broadcast_in_dim3A_227, %and3A_229 : vector<1x256xi32>
    %add3A_231 = arith.constant 6144 : i32
    %add3A_232 = vector.broadcast %add3A_231 : i32 to vector<1x256xi32>
    %add3A_233 = arith.addi %and3A_230, %add3A_232 : vector<1x256xi32>
    %swap3A_234 = arith.constant 0 : index
    %swap3A_235 = arith.constant 5 : index
    %swap3A_236 = arith.constant 0 : index
    %swap3A_237 = vector.load %arg3[%swap3A_234, %swap3A_235, %swap3A_236] : memref<1x16x256xi32, #tpu.memory_space<vmem>>, vector<1x1x256xi32>
    %swap3A_238 = vector.shape_cast %swap3A_237 : vector<1x1x256xi32> to vector<1x256xi32>
    %swap3A_239 = vector.shape_cast %add3A_233 : vector<1x256xi32> to vector<1x1x256xi32>
    tpu.vector_store %arg3[%swap3A_234, %swap3A_235, %swap3A_236], %swap3A_239 {strides = array<i32>} : memref<1x16x256xi32, #tpu.memory_space<vmem>>, vector<1x1x256xi32>,
    %swap3A_240 = arith.constant 0 : index
    %swap3A_241 = arith.constant 5 : index
    %swap3A_242 = arith.constant 0 : index
    %swap3A_243 = vector.load %arg4[%swap3A_240, %swap3A_241, %swap3A_242] : memref<1x16x256xi32, #tpu.memory_space<vmem>>, vector<1x1x256xi32>
    %swap3A_244 = vector.shape_cast %swap3A_243 : vector<1x1x256xi32> to vector<1x256xi32>
    %swap3A_245 = vector.shape_cast %broadcast_in_dim3A_227 : vector<1x256xi32> to vector<1x1x256xi32>
    tpu.vector_store %arg4[%swap3A_240, %swap3A_241, %swap3A_242], %swap3A_245 {strides = array<i32>} : memref<1x16x256xi32, #tpu.memory_space<vmem>>, vector<1x1x256xi32>,
    %gt3A_246 = vector.broadcast %broadcast_in_dim3A_227 : vector<1x256xi32> to vector<512x256xi32>
    %gt3A_247 = arith.cmpi sgt, %max3A_36, %gt3A_246 : vector<512x256xi32>
    %jit3A_248 = arith.constant 2147483647 : i32
    %broadcast_in_dim3A_249 = vector.broadcast %jit3A_248 : i32 to vector<512x256xi32>
    %select_n3A_250 = arith.select %gt3A_247, %max3A_36, %broadcast_in_dim3A_249 : vector<512x256xi1>, vector<512x256xi32>
    %gt3A_251 = vector.broadcast %broadcast_in_dim3A_227 : vector<1x256xi32> to vector<512x256xi32>
    %gt3A_252 = arith.cmpi sgt, %max3A_38, %gt3A_251 : vector<512x256xi32>
    %select_n3A_253 = arith.select %gt3A_252, %max3A_38, %select_n3A_250 : vector<512x256xi1>, vector<512x256xi32>
    %gt3A_254 = vector.broadcast %broadcast_in_dim3A_227 : vector<1x256xi32> to vector<512x256xi32>
    %gt3A_255 = arith.cmpi sgt, %min3A_37, %gt3A_254 : vector<512x256xi32>
    %select_n3A_256 = arith.select %gt3A_255, %min3A_37, %select_n3A_253 : vector<512x256xi1>, vector<512x256xi32>
    %gt3A_257 = vector.broadcast %broadcast_in_dim3A_227 : vector<1x256xi32> to vector<512x256xi32>
    %gt3A_258 = arith.cmpi sgt, %min3A_33, %gt3A_257 : vector<512x256xi32>
    %select_n3A_259 = arith.select %gt3A_258, %min3A_33, %select_n3A_256 : vector<512x256xi1>, vector<512x256xi32>
    %reduce_min3A_260 = arith.constant dense<2147483647> : vector<256xi32>
    %reduce_min3A_261 = vector.multi_reduction <minsi>, %select_n3A_259, %reduce_min3A_260 [0] : vector<512x256xi32> to vector<256xi32>
    %broadcast_in_dim3A_262 = vector.shape_cast %reduce_min3A_261 : vector<256xi32> to vector<1x256xi32>
    %and3A_263 = arith.constant 2047 : i32
    %and3A_264 = vector.broadcast %and3A_263 : i32 to vector<1x256xi32>
    %and3A_265 = arith.andi %broadcast_in_dim3A_262, %and3A_264 : vector<1x256xi32>
    %add3A_266 = arith.constant 6144 : i32
    %add3A_267 = vector.broadcast %add3A_266 : i32 to vector<1x256xi32>
    %add3A_268 = arith.addi %and3A_265, %add3A_267 : vector<1x256xi32>
    %swap3A_269 = arith.constant 0 : index
    %swap3A_270 = arith.constant 6 : index
    %swap3A_271 = arith.constant 0 : index
    %swap3A_272 = vector.load %arg3[%swap3A_269, %swap3A_270, %swap3A_271] : memref<1x16x256xi32, #tpu.memory_space<vmem>>, vector<1x1x256xi32>
    %swap3A_273 = vector.shape_cast %swap3A_272 : vector<1x1x256xi32> to vector<1x256xi32>
    %swap3A_274 = vector.shape_cast %add3A_268 : vector<1x256xi32> to vector<1x1x256xi32>
    tpu.vector_store %arg3[%swap3A_269, %swap3A_270, %swap3A_271], %swap3A_274 {strides = array<i32>} : memref<1x16x256xi32, #tpu.memory_space<vmem>>, vector<1x1x256xi32>,
    %swap3A_275 = arith.constant 0 : index
    %swap3A_276 = arith.constant 6 : index
    %swap3A_277 = arith.constant 0 : index
    %swap3A_278 = vector.load %arg4[%swap3A_275, %swap3A_276, %swap3A_277] : memref<1x16x256xi32, #tpu.memory_space<vmem>>, vector<1x1x256xi32>
    %swap3A_279 = vector.shape_cast %swap3A_278 : vector<1x1x256xi32> to vector<1x256xi32>
    %swap3A_280 = vector.shape_cast %broadcast_in_dim3A_262 : vector<1x256xi32> to vector<1x1x256xi32>
    tpu.vector_store %arg4[%swap3A_275, %swap3A_276, %swap3A_277], %swap3A_280 {strides = array<i32>} : memref<1x16x256xi32, #tpu.memory_space<vmem>>, vector<1x1x256xi32>,
    %gt3A_281 = vector.broadcast %broadcast_in_dim3A_262 : vector<1x256xi32> to vector<512x256xi32>
    %gt3A_282 = arith.cmpi sgt, %max3A_36, %gt3A_281 : vector<512x256xi32>
    %jit3A_283 = arith.constant 2147483647 : i32
    %broadcast_in_dim3A_284 = vector.broadcast %jit3A_283 : i32 to vector<512x256xi32>
    %select_n3A_285 = arith.select %gt3A_282, %max3A_36, %broadcast_in_dim3A_284 : vector<512x256xi1>, vector<512x256xi32>
    %gt3A_286 = vector.broadcast %broadcast_in_dim3A_262 : vector<1x256xi32> to vector<512x256xi32>
    %gt3A_287 = arith.cmpi sgt, %max3A_38, %gt3A_286 : vector<512x256xi32>
    %select_n3A_288 = arith.select %gt3A_287, %max3A_38, %select_n3A_285 : vector<512x256xi1>, vector<512x256xi32>
    %gt3A_289 = vector.broadcast %broadcast_in_dim3A_262 : vector<1x256xi32> to vector<512x256xi32>
    %gt3A_290 = arith.cmpi sgt, %min3A_37, %gt3A_289 : vector<512x256xi32>
    %select_n3A_291 = arith.select %gt3A_290, %min3A_37, %select_n3A_288 : vector<512x256xi1>, vector<512x256xi32>
    %gt3A_292 = vector.broadcast %broadcast_in_dim3A_262 : vector<1x256xi32> to vector<512x256xi32>
    %gt3A_293 = arith.cmpi sgt, %min3A_33, %gt3A_292 : vector<512x256xi32>
    %select_n3A_294 = arith.select %gt3A_293, %min3A_33, %select_n3A_291 : vector<512x256xi1>, vector<512x256xi32>
    %reduce_min3A_295 = arith.constant dense<2147483647> : vector<256xi32>
    %reduce_min3A_296 = vector.multi_reduction <minsi>, %select_n3A_294, %reduce_min3A_295 [0] : vector<512x256xi32> to vector<256xi32>
    %broadcast_in_dim3A_297 = vector.shape_cast %reduce_min3A_296 : vector<256xi32> to vector<1x256xi32>
    %and3A_298 = arith.constant 2047 : i32
    %and3A_299 = vector.broadcast %and3A_298 : i32 to vector<1x256xi32>
    %and3A_300 = arith.andi %broadcast_in_dim3A_297, %and3A_299 : vector<1x256xi32>
    %add3A_301 = arith.constant 6144 : i32
    %add3A_302 = vector.broadcast %add3A_301 : i32 to vector<1x256xi32>
    %add3A_303 = arith.addi %and3A_300, %add3A_302 : vector<1x256xi32>
    %swap3A_304 = arith.constant 0 : index
    %swap3A_305 = arith.constant 7 : index
    %swap3A_306 = arith.constant 0 : index
    %swap3A_307 = vector.load %arg3[%swap3A_304, %swap3A_305, %swap3A_306] : memref<1x16x256xi32, #tpu.memory_space<vmem>>, vector<1x1x256xi32>
    %swap3A_308 = vector.shape_cast %swap3A_307 : vector<1x1x256xi32> to vector<1x256xi32>
    %swap3A_309 = vector.shape_cast %add3A_303 : vector<1x256xi32> to vector<1x1x256xi32>
    tpu.vector_store %arg3[%swap3A_304, %swap3A_305, %swap3A_306], %swap3A_309 {strides = array<i32>} : memref<1x16x256xi32, #tpu.memory_space<vmem>>, vector<1x1x256xi32>,
    %swap3A_310 = arith.constant 0 : index
    %swap3A_311 = arith.constant 7 : index
    %swap3A_312 = arith.constant 0 : index
    %swap3A_313 = vector.load %arg4[%swap3A_310, %swap3A_311, %swap3A_312] : memref<1x16x256xi32, #tpu.memory_space<vmem>>, vector<1x1x256xi32>
    %swap3A_314 = vector.shape_cast %swap3A_313 : vector<1x1x256xi32> to vector<1x256xi32>
    %swap3A_315 = vector.shape_cast %broadcast_in_dim3A_297 : vector<1x256xi32> to vector<1x1x256xi32>
    tpu.vector_store %arg4[%swap3A_310, %swap3A_311, %swap3A_312], %swap3A_315 {strides = array<i32>} : memref<1x16x256xi32, #tpu.memory_space<vmem>>, vector<1x1x256xi32>,
    %gt3A_316 = vector.broadcast %broadcast_in_dim3A_297 : vector<1x256xi32> to vector<512x256xi32>
    %gt3A_317 = arith.cmpi sgt, %max3A_36, %gt3A_316 : vector<512x256xi32>
    %jit3A_318 = arith.constant 2147483647 : i32
    %broadcast_in_dim3A_319 = vector.broadcast %jit3A_318 : i32 to vector<512x256xi32>
    %select_n3A_320 = arith.select %gt3A_317, %max3A_36, %broadcast_in_dim3A_319 : vector<512x256xi1>, vector<512x256xi32>
    %gt3A_321 = vector.broadcast %broadcast_in_dim3A_297 : vector<1x256xi32> to vector<512x256xi32>
    %gt3A_322 = arith.cmpi sgt, %max3A_38, %gt3A_321 : vector<512x256xi32>
    %select_n3A_323 = arith.select %gt3A_322, %max3A_38, %select_n3A_320 : vector<512x256xi1>, vector<512x256xi32>
    %gt3A_324 = vector.broadcast %broadcast_in_dim3A_297 : vector<1x256xi32> to vector<512x256xi32>
    %gt3A_325 = arith.cmpi sgt, %min3A_37, %gt3A_324 : vector<512x256xi32>
    %select_n3A_326 = arith.select %gt3A_325, %min3A_37, %select_n3A_323 : vector<512x256xi1>, vector<512x256xi32>
    %gt3A_327 = vector.broadcast %broadcast_in_dim3A_297 : vector<1x256xi32> to vector<512x256xi32>
    %gt3A_328 = arith.cmpi sgt, %min3A_33, %gt3A_327 : vector<512x256xi32>
    %select_n3A_329 = arith.select %gt3A_328, %min3A_33, %select_n3A_326 : vector<512x256xi1>, vector<512x256xi32>
    %reduce_min3A_330 = arith.constant dense<2147483647> : vector<256xi32>
    %reduce_min3A_331 = vector.multi_reduction <minsi>, %select_n3A_329, %reduce_min3A_330 [0] : vector<512x256xi32> to vector<256xi32>
    %broadcast_in_dim3A_332 = vector.shape_cast %reduce_min3A_331 : vector<256xi32> to vector<1x256xi32>
    %and3A_333 = arith.constant 2047 : i32
    %and3A_334 = vector.broadcast %and3A_333 : i32 to vector<1x256xi32>
    %and3A_335 = arith.andi %broadcast_in_dim3A_332, %and3A_334 : vector<1x256xi32>
    %add3A_336 = arith.constant 6144 : i32
    %add3A_337 = vector.broadcast %add3A_336 : i32 to vector<1x256xi32>
    %add3A_338 = arith.addi %and3A_335, %add3A_337 : vector<1x256xi32>
    %swap3A_339 = arith.constant 0 : index
    %swap3A_340 = arith.constant 8 : index
    %swap3A_341 = arith.constant 0 : index
    %swap3A_342 = vector.load %arg3[%swap3A_339, %swap3A_340, %swap3A_341] : memref<1x16x256xi32, #tpu.memory_space<vmem>>, vector<1x1x256xi32>
    %swap3A_343 = vector.shape_cast %swap3A_342 : vector<1x1x256xi32> to vector<1x256xi32>
    %swap3A_344 = vector.shape_cast %add3A_338 : vector<1x256xi32> to vector<1x1x256xi32>
    tpu.vector_store %arg3[%swap3A_339, %swap3A_340, %swap3A_341], %swap3A_344 {strides = array<i32>} : memref<1x16x256xi32, #tpu.memory_space<vmem>>, vector<1x1x256xi32>,
    %swap3A_345 = arith.constant 0 : index
    %swap3A_346 = arith.constant 8 : index
    %swap3A_347 = arith.constant 0 : index
    %swap3A_348 = vector.load %arg4[%swap3A_345, %swap3A_346, %swap3A_347] : memref<1x16x256xi32, #tpu.memory_space<vmem>>, vector<1x1x256xi32>
    %swap3A_349 = vector.shape_cast %swap3A_348 : vector<1x1x256xi32> to vector<1x256xi32>
    %swap3A_350 = vector.shape_cast %broadcast_in_dim3A_332 : vector<1x256xi32> to vector<1x1x256xi32>
    tpu.vector_store %arg4[%swap3A_345, %swap3A_346, %swap3A_347], %swap3A_350 {strides = array<i32>} : memref<1x16x256xi32, #tpu.memory_space<vmem>>, vector<1x1x256xi32>,
    %gt3A_351 = vector.broadcast %broadcast_in_dim3A_332 : vector<1x256xi32> to vector<512x256xi32>
    %gt3A_352 = arith.cmpi sgt, %max3A_36, %gt3A_351 : vector<512x256xi32>
    %jit3A_353 = arith.constant 2147483647 : i32
    %broadcast_in_dim3A_354 = vector.broadcast %jit3A_353 : i32 to vector<512x256xi32>
    %select_n3A_355 = arith.select %gt3A_352, %max3A_36, %broadcast_in_dim3A_354 : vector<512x256xi1>, vector<512x256xi32>
    %gt3A_356 = vector.broadcast %broadcast_in_dim3A_332 : vector<1x256xi32> to vector<512x256xi32>
    %gt3A_357 = arith.cmpi sgt, %max3A_38, %gt3A_356 : vector<512x256xi32>
    %select_n3A_358 = arith.select %gt3A_357, %max3A_38, %select_n3A_355 : vector<512x256xi1>, vector<512x256xi32>
    %gt3A_359 = vector.broadcast %broadcast_in_dim3A_332 : vector<1x256xi32> to vector<512x256xi32>
    %gt3A_360 = arith.cmpi sgt, %min3A_37, %gt3A_359 : vector<512x256xi32>
    %select_n3A_361 = arith.select %gt3A_360, %min3A_37, %select_n3A_358 : vector<512x256xi1>, vector<512x256xi32>
    %gt3A_362 = vector.broadcast %broadcast_in_dim3A_332 : vector<1x256xi32> to vector<512x256xi32>
    %gt3A_363 = arith.cmpi sgt, %min3A_33, %gt3A_362 : vector<512x256xi32>
    %select_n3A_364 = arith.select %gt3A_363, %min3A_33, %select_n3A_361 : vector<512x256xi1>, vector<512x256xi32>
    %reduce_min3A_365 = arith.constant dense<2147483647> : vector<256xi32>
    %reduce_min3A_366 = vector.multi_reduction <minsi>, %select_n3A_364, %reduce_min3A_365 [0] : vector<512x256xi32> to vector<256xi32>
    %broadcast_in_dim3A_367 = vector.shape_cast %reduce_min3A_366 : vector<256xi32> to vector<1x256xi32>
    %and3A_368 = arith.constant 2047 : i32
    %and3A_369 = vector.broadcast %and3A_368 : i32 to vector<1x256xi32>
    %and3A_370 = arith.andi %broadcast_in_dim3A_367, %and3A_369 : vector<1x256xi32>
    %add3A_371 = arith.constant 6144 : i32
    %add3A_372 = vector.broadcast %add3A_371 : i32 to vector<1x256xi32>
    %add3A_373 = arith.addi %and3A_370, %add3A_372 : vector<1x256xi32>
    %swap3A_374 = arith.constant 0 : index
    %swap3A_375 = arith.constant 9 : index
    %swap3A_376 = arith.constant 0 : index
    %swap3A_377 = vector.load %arg3[%swap3A_374, %swap3A_375, %swap3A_376] : memref<1x16x256xi32, #tpu.memory_space<vmem>>, vector<1x1x256xi32>
    %swap3A_378 = vector.shape_cast %swap3A_377 : vector<1x1x256xi32> to vector<1x256xi32>
    %swap3A_379 = vector.shape_cast %add3A_373 : vector<1x256xi32> to vector<1x1x256xi32>
    tpu.vector_store %arg3[%swap3A_374, %swap3A_375, %swap3A_376], %swap3A_379 {strides = array<i32>} : memref<1x16x256xi32, #tpu.memory_space<vmem>>, vector<1x1x256xi32>,
    %swap3A_380 = arith.constant 0 : index
    %swap3A_381 = arith.constant 9 : index
    %swap3A_382 = arith.constant 0 : index
    %swap3A_383 = vector.load %arg4[%swap3A_380, %swap3A_381, %swap3A_382] : memref<1x16x256xi32, #tpu.memory_space<vmem>>, vector<1x1x256xi32>
    %swap3A_384 = vector.shape_cast %swap3A_383 : vector<1x1x256xi32> to vector<1x256xi32>
    %swap3A_385 = vector.shape_cast %broadcast_in_dim3A_367 : vector<1x256xi32> to vector<1x1x256xi32>
    tpu.vector_store %arg4[%swap3A_380, %swap3A_381, %swap3A_382], %swap3A_385 {strides = array<i32>} : memref<1x16x256xi32, #tpu.memory_space<vmem>>, vector<1x1x256xi32>,
    %gt3A_386 = vector.broadcast %broadcast_in_dim3A_367 : vector<1x256xi32> to vector<512x256xi32>
    %gt3A_387 = arith.cmpi sgt, %max3A_36, %gt3A_386 : vector<512x256xi32>
    %jit3A_388 = arith.constant 2147483647 : i32
    %broadcast_in_dim3A_389 = vector.broadcast %jit3A_388 : i32 to vector<512x256xi32>
    %select_n3A_390 = arith.select %gt3A_387, %max3A_36, %broadcast_in_dim3A_389 : vector<512x256xi1>, vector<512x256xi32>
    %gt3A_391 = vector.broadcast %broadcast_in_dim3A_367 : vector<1x256xi32> to vector<512x256xi32>
    %gt3A_392 = arith.cmpi sgt, %max3A_38, %gt3A_391 : vector<512x256xi32>
    %select_n3A_393 = arith.select %gt3A_392, %max3A_38, %select_n3A_390 : vector<512x256xi1>, vector<512x256xi32>
    %gt3A_394 = vector.broadcast %broadcast_in_dim3A_367 : vector<1x256xi32> to vector<512x256xi32>
    %gt3A_395 = arith.cmpi sgt, %min3A_37, %gt3A_394 : vector<512x256xi32>
    %select_n3A_396 = arith.select %gt3A_395, %min3A_37, %select_n3A_393 : vector<512x256xi1>, vector<512x256xi32>
    %gt3A_397 = vector.broadcast %broadcast_in_dim3A_367 : vector<1x256xi32> to vector<512x256xi32>
    %gt3A_398 = arith.cmpi sgt, %min3A_33, %gt3A_397 : vector<512x256xi32>
    %select_n3A_399 = arith.select %gt3A_398, %min3A_33, %select_n3A_396 : vector<512x256xi1>, vector<512x256xi32>
    %reduce_min3A_400 = arith.constant dense<2147483647> : vector<256xi32>
    %reduce_min3A_401 = vector.multi_reduction <minsi>, %select_n3A_399, %reduce_min3A_400 [0] : vector<512x256xi32> to vector<256xi32>
    %broadcast_in_dim3A_402 = vector.shape_cast %reduce_min3A_401 : vector<256xi32> to vector<1x256xi32>
    %and3A_403 = arith.constant 2047 : i32
    %and3A_404 = vector.broadcast %and3A_403 : i32 to vector<1x256xi32>
    %and3A_405 = arith.andi %broadcast_in_dim3A_402, %and3A_404 : vector<1x256xi32>
    %add3A_406 = arith.constant 6144 : i32
    %add3A_407 = vector.broadcast %add3A_406 : i32 to vector<1x256xi32>
    %add3A_408 = arith.addi %and3A_405, %add3A_407 : vector<1x256xi32>
    %swap3A_409 = arith.constant 0 : index
    %swap3A_410 = arith.constant 10 : index
    %swap3A_411 = arith.constant 0 : index
    %swap3A_412 = vector.load %arg3[%swap3A_409, %swap3A_410, %swap3A_411] : memref<1x16x256xi32, #tpu.memory_space<vmem>>, vector<1x1x256xi32>
    %swap3A_413 = vector.shape_cast %swap3A_412 : vector<1x1x256xi32> to vector<1x256xi32>
    %swap3A_414 = vector.shape_cast %add3A_408 : vector<1x256xi32> to vector<1x1x256xi32>
    tpu.vector_store %arg3[%swap3A_409, %swap3A_410, %swap3A_411], %swap3A_414 {strides = array<i32>} : memref<1x16x256xi32, #tpu.memory_space<vmem>>, vector<1x1x256xi32>,
    %swap3A_415 = arith.constant 0 : index
    %swap3A_416 = arith.constant 10 : index
    %swap3A_417 = arith.constant 0 : index
    %swap3A_418 = vector.load %arg4[%swap3A_415, %swap3A_416, %swap3A_417] : memref<1x16x256xi32, #tpu.memory_space<vmem>>, vector<1x1x256xi32>
    %swap3A_419 = vector.shape_cast %swap3A_418 : vector<1x1x256xi32> to vector<1x256xi32>
    %swap3A_420 = vector.shape_cast %broadcast_in_dim3A_402 : vector<1x256xi32> to vector<1x1x256xi32>
    tpu.vector_store %arg4[%swap3A_415, %swap3A_416, %swap3A_417], %swap3A_420 {strides = array<i32>} : memref<1x16x256xi32, #tpu.memory_space<vmem>>, vector<1x1x256xi32>,
    %gt3A_421 = vector.broadcast %broadcast_in_dim3A_402 : vector<1x256xi32> to vector<512x256xi32>
    %gt3A_422 = arith.cmpi sgt, %max3A_36, %gt3A_421 : vector<512x256xi32>
    %jit3A_423 = arith.constant 2147483647 : i32
    %broadcast_in_dim3A_424 = vector.broadcast %jit3A_423 : i32 to vector<512x256xi32>
    %select_n3A_425 = arith.select %gt3A_422, %max3A_36, %broadcast_in_dim3A_424 : vector<512x256xi1>, vector<512x256xi32>
    %gt3A_426 = vector.broadcast %broadcast_in_dim3A_402 : vector<1x256xi32> to vector<512x256xi32>
    %gt3A_427 = arith.cmpi sgt, %max3A_38, %gt3A_426 : vector<512x256xi32>
    %select_n3A_428 = arith.select %gt3A_427, %max3A_38, %select_n3A_425 : vector<512x256xi1>, vector<512x256xi32>
    %gt3A_429 = vector.broadcast %broadcast_in_dim3A_402 : vector<1x256xi32> to vector<512x256xi32>
    %gt3A_430 = arith.cmpi sgt, %min3A_37, %gt3A_429 : vector<512x256xi32>
    %select_n3A_431 = arith.select %gt3A_430, %min3A_37, %select_n3A_428 : vector<512x256xi1>, vector<512x256xi32>
    %gt3A_432 = vector.broadcast %broadcast_in_dim3A_402 : vector<1x256xi32> to vector<512x256xi32>
    %gt3A_433 = arith.cmpi sgt, %min3A_33, %gt3A_432 : vector<512x256xi32>
    %select_n3A_434 = arith.select %gt3A_433, %min3A_33, %select_n3A_431 : vector<512x256xi1>, vector<512x256xi32>
    %reduce_min3A_435 = arith.constant dense<2147483647> : vector<256xi32>
    %reduce_min3A_436 = vector.multi_reduction <minsi>, %select_n3A_434, %reduce_min3A_435 [0] : vector<512x256xi32> to vector<256xi32>
    %broadcast_in_dim3A_437 = vector.shape_cast %reduce_min3A_436 : vector<256xi32> to vector<1x256xi32>
    %and3A_438 = arith.constant 2047 : i32
    %and3A_439 = vector.broadcast %and3A_438 : i32 to vector<1x256xi32>
    %and3A_440 = arith.andi %broadcast_in_dim3A_437, %and3A_439 : vector<1x256xi32>
    %add3A_441 = arith.constant 6144 : i32
    %add3A_442 = vector.broadcast %add3A_441 : i32 to vector<1x256xi32>
    %add3A_443 = arith.addi %and3A_440, %add3A_442 : vector<1x256xi32>
    %swap3A_444 = arith.constant 0 : index
    %swap3A_445 = arith.constant 11 : index
    %swap3A_446 = arith.constant 0 : index
    %swap3A_447 = vector.load %arg3[%swap3A_444, %swap3A_445, %swap3A_446] : memref<1x16x256xi32, #tpu.memory_space<vmem>>, vector<1x1x256xi32>
    %swap3A_448 = vector.shape_cast %swap3A_447 : vector<1x1x256xi32> to vector<1x256xi32>
    %swap3A_449 = vector.shape_cast %add3A_443 : vector<1x256xi32> to vector<1x1x256xi32>
    tpu.vector_store %arg3[%swap3A_444, %swap3A_445, %swap3A_446], %swap3A_449 {strides = array<i32>} : memref<1x16x256xi32, #tpu.memory_space<vmem>>, vector<1x1x256xi32>,
    %swap3A_450 = arith.constant 0 : index
    %swap3A_451 = arith.constant 11 : index
    %swap3A_452 = arith.constant 0 : index
    %swap3A_453 = vector.load %arg4[%swap3A_450, %swap3A_451, %swap3A_452] : memref<1x16x256xi32, #tpu.memory_space<vmem>>, vector<1x1x256xi32>
    %swap3A_454 = vector.shape_cast %swap3A_453 : vector<1x1x256xi32> to vector<1x256xi32>
    %swap3A_455 = vector.shape_cast %broadcast_in_dim3A_437 : vector<1x256xi32> to vector<1x1x256xi32>
    tpu.vector_store %arg4[%swap3A_450, %swap3A_451, %swap3A_452], %swap3A_455 {strides = array<i32>} : memref<1x16x256xi32, #tpu.memory_space<vmem>>, vector<1x1x256xi32>,
    %gt3A_456 = vector.broadcast %broadcast_in_dim3A_437 : vector<1x256xi32> to vector<512x256xi32>
    %gt3A_457 = arith.cmpi sgt, %max3A_36, %gt3A_456 : vector<512x256xi32>
    %jit3A_458 = arith.constant 2147483647 : i32
    %broadcast_in_dim3A_459 = vector.broadcast %jit3A_458 : i32 to vector<512x256xi32>
    %select_n3A_460 = arith.select %gt3A_457, %max3A_36, %broadcast_in_dim3A_459 : vector<512x256xi1>, vector<512x256xi32>
    %gt3A_461 = vector.broadcast %broadcast_in_dim3A_437 : vector<1x256xi32> to vector<512x256xi32>
    %gt3A_462 = arith.cmpi sgt, %max3A_38, %gt3A_461 : vector<512x256xi32>
    %select_n3A_463 = arith.select %gt3A_462, %max3A_38, %select_n3A_460 : vector<512x256xi1>, vector<512x256xi32>
    %gt3A_464 = vector.broadcast %broadcast_in_dim3A_437 : vector<1x256xi32> to vector<512x256xi32>
    %gt3A_465 = arith.cmpi sgt, %min3A_37, %gt3A_464 : vector<512x256xi32>
    %select_n3A_466 = arith.select %gt3A_465, %min3A_37, %select_n3A_463 : vector<512x256xi1>, vector<512x256xi32>
    %gt3A_467 = vector.broadcast %broadcast_in_dim3A_437 : vector<1x256xi32> to vector<512x256xi32>
    %gt3A_468 = arith.cmpi sgt, %min3A_33, %gt3A_467 : vector<512x256xi32>
    %select_n3A_469 = arith.select %gt3A_468, %min3A_33, %select_n3A_466 : vector<512x256xi1>, vector<512x256xi32>
    %reduce_min3A_470 = arith.constant dense<2147483647> : vector<256xi32>
    %reduce_min3A_471 = vector.multi_reduction <minsi>, %select_n3A_469, %reduce_min3A_470 [0] : vector<512x256xi32> to vector<256xi32>
    %broadcast_in_dim3A_472 = vector.shape_cast %reduce_min3A_471 : vector<256xi32> to vector<1x256xi32>
    %and3A_473 = arith.constant 2047 : i32
    %and3A_474 = vector.broadcast %and3A_473 : i32 to vector<1x256xi32>
    %and3A_475 = arith.andi %broadcast_in_dim3A_472, %and3A_474 : vector<1x256xi32>
    %add3A_476 = arith.constant 6144 : i32
    %add3A_477 = vector.broadcast %add3A_476 : i32 to vector<1x256xi32>
    %add3A_478 = arith.addi %and3A_475, %add3A_477 : vector<1x256xi32>
    %swap3A_479 = arith.constant 0 : index
    %swap3A_480 = arith.constant 12 : index
    %swap3A_481 = arith.constant 0 : index
    %swap3A_482 = vector.load %arg3[%swap3A_479, %swap3A_480, %swap3A_481] : memref<1x16x256xi32, #tpu.memory_space<vmem>>, vector<1x1x256xi32>
    %swap3A_483 = vector.shape_cast %swap3A_482 : vector<1x1x256xi32> to vector<1x256xi32>
    %swap3A_484 = vector.shape_cast %add3A_478 : vector<1x256xi32> to vector<1x1x256xi32>
    tpu.vector_store %arg3[%swap3A_479, %swap3A_480, %swap3A_481], %swap3A_484 {strides = array<i32>} : memref<1x16x256xi32, #tpu.memory_space<vmem>>, vector<1x1x256xi32>,
    %swap3A_485 = arith.constant 0 : index
    %swap3A_486 = arith.constant 12 : index
    %swap3A_487 = arith.constant 0 : index
    %swap3A_488 = vector.load %arg4[%swap3A_485, %swap3A_486, %swap3A_487] : memref<1x16x256xi32, #tpu.memory_space<vmem>>, vector<1x1x256xi32>
    %swap3A_489 = vector.shape_cast %swap3A_488 : vector<1x1x256xi32> to vector<1x256xi32>
    %swap3A_490 = vector.shape_cast %broadcast_in_dim3A_472 : vector<1x256xi32> to vector<1x1x256xi32>
    tpu.vector_store %arg4[%swap3A_485, %swap3A_486, %swap3A_487], %swap3A_490 {strides = array<i32>} : memref<1x16x256xi32, #tpu.memory_space<vmem>>, vector<1x1x256xi32>,
    %gt3A_491 = vector.broadcast %broadcast_in_dim3A_472 : vector<1x256xi32> to vector<512x256xi32>
    %gt3A_492 = arith.cmpi sgt, %max3A_36, %gt3A_491 : vector<512x256xi32>
    %jit3A_493 = arith.constant 2147483647 : i32
    %broadcast_in_dim3A_494 = vector.broadcast %jit3A_493 : i32 to vector<512x256xi32>
    %select_n3A_495 = arith.select %gt3A_492, %max3A_36, %broadcast_in_dim3A_494 : vector<512x256xi1>, vector<512x256xi32>
    %gt3A_496 = vector.broadcast %broadcast_in_dim3A_472 : vector<1x256xi32> to vector<512x256xi32>
    %gt3A_497 = arith.cmpi sgt, %max3A_38, %gt3A_496 : vector<512x256xi32>
    %select_n3A_498 = arith.select %gt3A_497, %max3A_38, %select_n3A_495 : vector<512x256xi1>, vector<512x256xi32>
    %gt3A_499 = vector.broadcast %broadcast_in_dim3A_472 : vector<1x256xi32> to vector<512x256xi32>
    %gt3A_500 = arith.cmpi sgt, %min3A_37, %gt3A_499 : vector<512x256xi32>
    %select_n3A_501 = arith.select %gt3A_500, %min3A_37, %select_n3A_498 : vector<512x256xi1>, vector<512x256xi32>
    %gt3A_502 = vector.broadcast %broadcast_in_dim3A_472 : vector<1x256xi32> to vector<512x256xi32>
    %gt3A_503 = arith.cmpi sgt, %min3A_33, %gt3A_502 : vector<512x256xi32>
    %select_n3A_504 = arith.select %gt3A_503, %min3A_33, %select_n3A_501 : vector<512x256xi1>, vector<512x256xi32>
    %reduce_min3A_505 = arith.constant dense<2147483647> : vector<256xi32>
    %reduce_min3A_506 = vector.multi_reduction <minsi>, %select_n3A_504, %reduce_min3A_505 [0] : vector<512x256xi32> to vector<256xi32>
    %broadcast_in_dim3A_507 = vector.shape_cast %reduce_min3A_506 : vector<256xi32> to vector<1x256xi32>
    %and3A_508 = arith.constant 2047 : i32
    %and3A_509 = vector.broadcast %and3A_508 : i32 to vector<1x256xi32>
    %and3A_510 = arith.andi %broadcast_in_dim3A_507, %and3A_509 : vector<1x256xi32>
    %add3A_511 = arith.constant 6144 : i32
    %add3A_512 = vector.broadcast %add3A_511 : i32 to vector<1x256xi32>
    %add3A_513 = arith.addi %and3A_510, %add3A_512 : vector<1x256xi32>
    %swap3A_514 = arith.constant 0 : index
    %swap3A_515 = arith.constant 13 : index
    %swap3A_516 = arith.constant 0 : index
    %swap3A_517 = vector.load %arg3[%swap3A_514, %swap3A_515, %swap3A_516] : memref<1x16x256xi32, #tpu.memory_space<vmem>>, vector<1x1x256xi32>
    %swap3A_518 = vector.shape_cast %swap3A_517 : vector<1x1x256xi32> to vector<1x256xi32>
    %swap3A_519 = vector.shape_cast %add3A_513 : vector<1x256xi32> to vector<1x1x256xi32>
    tpu.vector_store %arg3[%swap3A_514, %swap3A_515, %swap3A_516], %swap3A_519 {strides = array<i32>} : memref<1x16x256xi32, #tpu.memory_space<vmem>>, vector<1x1x256xi32>,
    %swap3A_520 = arith.constant 0 : index
    %swap3A_521 = arith.constant 13 : index
    %swap3A_522 = arith.constant 0 : index
    %swap3A_523 = vector.load %arg4[%swap3A_520, %swap3A_521, %swap3A_522] : memref<1x16x256xi32, #tpu.memory_space<vmem>>, vector<1x1x256xi32>
    %swap3A_524 = vector.shape_cast %swap3A_523 : vector<1x1x256xi32> to vector<1x256xi32>
    %swap3A_525 = vector.shape_cast %broadcast_in_dim3A_507 : vector<1x256xi32> to vector<1x1x256xi32>
    tpu.vector_store %arg4[%swap3A_520, %swap3A_521, %swap3A_522], %swap3A_525 {strides = array<i32>} : memref<1x16x256xi32, #tpu.memory_space<vmem>>, vector<1x1x256xi32>,
    %gt3A_526 = vector.broadcast %broadcast_in_dim3A_507 : vector<1x256xi32> to vector<512x256xi32>
    %gt3A_527 = arith.cmpi sgt, %max3A_36, %gt3A_526 : vector<512x256xi32>
    %jit3A_528 = arith.constant 2147483647 : i32
    %broadcast_in_dim3A_529 = vector.broadcast %jit3A_528 : i32 to vector<512x256xi32>
    %select_n3A_530 = arith.select %gt3A_527, %max3A_36, %broadcast_in_dim3A_529 : vector<512x256xi1>, vector<512x256xi32>
    %gt3A_531 = vector.broadcast %broadcast_in_dim3A_507 : vector<1x256xi32> to vector<512x256xi32>
    %gt3A_532 = arith.cmpi sgt, %max3A_38, %gt3A_531 : vector<512x256xi32>
    %select_n3A_533 = arith.select %gt3A_532, %max3A_38, %select_n3A_530 : vector<512x256xi1>, vector<512x256xi32>
    %gt3A_534 = vector.broadcast %broadcast_in_dim3A_507 : vector<1x256xi32> to vector<512x256xi32>
    %gt3A_535 = arith.cmpi sgt, %min3A_37, %gt3A_534 : vector<512x256xi32>
    %select_n3A_536 = arith.select %gt3A_535, %min3A_37, %select_n3A_533 : vector<512x256xi1>, vector<512x256xi32>
    %gt3A_537 = vector.broadcast %broadcast_in_dim3A_507 : vector<1x256xi32> to vector<512x256xi32>
    %gt3A_538 = arith.cmpi sgt, %min3A_33, %gt3A_537 : vector<512x256xi32>
    %select_n3A_539 = arith.select %gt3A_538, %min3A_33, %select_n3A_536 : vector<512x256xi1>, vector<512x256xi32>
    %reduce_min3A_540 = arith.constant dense<2147483647> : vector<256xi32>
    %reduce_min3A_541 = vector.multi_reduction <minsi>, %select_n3A_539, %reduce_min3A_540 [0] : vector<512x256xi32> to vector<256xi32>
    %broadcast_in_dim3A_542 = vector.shape_cast %reduce_min3A_541 : vector<256xi32> to vector<1x256xi32>
    %and3A_543 = arith.constant 2047 : i32
    %and3A_544 = vector.broadcast %and3A_543 : i32 to vector<1x256xi32>
    %and3A_545 = arith.andi %broadcast_in_dim3A_542, %and3A_544 : vector<1x256xi32>
    %add3A_546 = arith.constant 6144 : i32
    %add3A_547 = vector.broadcast %add3A_546 : i32 to vector<1x256xi32>
    %add3A_548 = arith.addi %and3A_545, %add3A_547 : vector<1x256xi32>
    %swap3A_549 = arith.constant 0 : index
    %swap3A_550 = arith.constant 14 : index
    %swap3A_551 = arith.constant 0 : index
    %swap3A_552 = vector.load %arg3[%swap3A_549, %swap3A_550, %swap3A_551] : memref<1x16x256xi32, #tpu.memory_space<vmem>>, vector<1x1x256xi32>
    %swap3A_553 = vector.shape_cast %swap3A_552 : vector<1x1x256xi32> to vector<1x256xi32>
    %swap3A_554 = vector.shape_cast %add3A_548 : vector<1x256xi32> to vector<1x1x256xi32>
    tpu.vector_store %arg3[%swap3A_549, %swap3A_550, %swap3A_551], %swap3A_554 {strides = array<i32>} : memref<1x16x256xi32, #tpu.memory_space<vmem>>, vector<1x1x256xi32>,
    %swap3A_555 = arith.constant 0 : index
    %swap3A_556 = arith.constant 14 : index
    %swap3A_557 = arith.constant 0 : index
    %swap3A_558 = vector.load %arg4[%swap3A_555, %swap3A_556, %swap3A_557] : memref<1x16x256xi32, #tpu.memory_space<vmem>>, vector<1x1x256xi32>
    %swap3A_559 = vector.shape_cast %swap3A_558 : vector<1x1x256xi32> to vector<1x256xi32>
    %swap3A_560 = vector.shape_cast %broadcast_in_dim3A_542 : vector<1x256xi32> to vector<1x1x256xi32>
    tpu.vector_store %arg4[%swap3A_555, %swap3A_556, %swap3A_557], %swap3A_560 {strides = array<i32>} : memref<1x16x256xi32, #tpu.memory_space<vmem>>, vector<1x1x256xi32>,
    %gt3A_561 = vector.broadcast %broadcast_in_dim3A_542 : vector<1x256xi32> to vector<512x256xi32>
    %gt3A_562 = arith.cmpi sgt, %max3A_36, %gt3A_561 : vector<512x256xi32>
    %jit3A_563 = arith.constant 2147483647 : i32
    %broadcast_in_dim3A_564 = vector.broadcast %jit3A_563 : i32 to vector<512x256xi32>
    %select_n3A_565 = arith.select %gt3A_562, %max3A_36, %broadcast_in_dim3A_564 : vector<512x256xi1>, vector<512x256xi32>
    %gt3A_566 = vector.broadcast %broadcast_in_dim3A_542 : vector<1x256xi32> to vector<512x256xi32>
    %gt3A_567 = arith.cmpi sgt, %max3A_38, %gt3A_566 : vector<512x256xi32>
    %select_n3A_568 = arith.select %gt3A_567, %max3A_38, %select_n3A_565 : vector<512x256xi1>, vector<512x256xi32>
    %gt3A_569 = vector.broadcast %broadcast_in_dim3A_542 : vector<1x256xi32> to vector<512x256xi32>
    %gt3A_570 = arith.cmpi sgt, %min3A_37, %gt3A_569 : vector<512x256xi32>
    %select_n3A_571 = arith.select %gt3A_570, %min3A_37, %select_n3A_568 : vector<512x256xi1>, vector<512x256xi32>
    %gt3A_572 = vector.broadcast %broadcast_in_dim3A_542 : vector<1x256xi32> to vector<512x256xi32>
    %gt3A_573 = arith.cmpi sgt, %min3A_33, %gt3A_572 : vector<512x256xi32>
    %select_n3A_574 = arith.select %gt3A_573, %min3A_33, %select_n3A_571 : vector<512x256xi1>, vector<512x256xi32>
    %reduce_min3A_575 = arith.constant dense<2147483647> : vector<256xi32>
    %reduce_min3A_576 = vector.multi_reduction <minsi>, %select_n3A_574, %reduce_min3A_575 [0] : vector<512x256xi32> to vector<256xi32>
    %broadcast_in_dim3A_577 = vector.shape_cast %reduce_min3A_576 : vector<256xi32> to vector<1x256xi32>
    %and3A_578 = arith.constant 2047 : i32
    %and3A_579 = vector.broadcast %and3A_578 : i32 to vector<1x256xi32>
    %and3A_580 = arith.andi %broadcast_in_dim3A_577, %and3A_579 : vector<1x256xi32>
    %add3A_581 = arith.constant 6144 : i32
    %add3A_582 = vector.broadcast %add3A_581 : i32 to vector<1x256xi32>
    %add3A_583 = arith.addi %and3A_580, %add3A_582 : vector<1x256xi32>
    %swap3A_584 = arith.constant 0 : index
    %swap3A_585 = arith.constant 15 : index
    %swap3A_586 = arith.constant 0 : index
    %swap3A_587 = vector.load %arg3[%swap3A_584, %swap3A_585, %swap3A_586] : memref<1x16x256xi32, #tpu.memory_space<vmem>>, vector<1x1x256xi32>
    %swap3A_588 = vector.shape_cast %swap3A_587 : vector<1x1x256xi32> to vector<1x256xi32>
    %swap3A_589 = vector.shape_cast %add3A_583 : vector<1x256xi32> to vector<1x1x256xi32>
    tpu.vector_store %arg3[%swap3A_584, %swap3A_585, %swap3A_586], %swap3A_589 {strides = array<i32>} : memref<1x16x256xi32, #tpu.memory_space<vmem>>, vector<1x1x256xi32>,
    %swap3A_590 = arith.constant 0 : index
    %swap3A_591 = arith.constant 15 : index
    %swap3A_592 = arith.constant 0 : index
    %swap3A_593 = vector.load %arg4[%swap3A_590, %swap3A_591, %swap3A_592] : memref<1x16x256xi32, #tpu.memory_space<vmem>>, vector<1x1x256xi32>
    %swap3A_594 = vector.shape_cast %swap3A_593 : vector<1x1x256xi32> to vector<1x256xi32>
    %swap3A_595 = vector.shape_cast %broadcast_in_dim3A_577 : vector<1x256xi32> to vector<1x1x256xi32>
    tpu.vector_store %arg4[%swap3A_590, %swap3A_591, %swap3A_592], %swap3A_595 {strides = array<i32>} : memref<1x16x256xi32, #tpu.memory_space<vmem>>, vector<1x1x256xi32>,
    return
  }
  func.func @transform_0(%arg0: i32) -> (i32, i32, i32) {
    %c0_i32 = arith.constant 0 : i32
    %c0_i32_0 = arith.constant 0 : i32
    %c0_i32_1 = arith.constant 0 : i32
    return %c0_i32, %c0_i32_0, %arg0 : i32, i32, i32
  }
  func.func @transform_1(%arg0: i32) -> (i32, i32, i32) {
    %c0_i32 = arith.constant 0 : i32
    %c0_i32_0 = arith.constant 0 : i32
    %c0_i32_1 = arith.constant 0 : i32
    %c0_i32_2 = arith.constant 0 : i32
    return %c0_i32, %c0_i32_0, %c0_i32_1 : i32, i32, i32
  }
  func.func @transform_2(%arg0: i32) -> (i32, i32, i32) {
    %c0_i32 = arith.constant 0 : i32
    %c0_i32_0 = arith.constant 0 : i32
    %c0_i32_1 = arith.constant 0 : i32
    return %arg0, %c0_i32, %c0_i32_0 : i32, i32, i32
  }
  func.func @transform_3(%arg0: i32) -> (i32, i32, i32) {
    %c0_i32 = arith.constant 0 : i32
    %c0_i32_0 = arith.constant 0 : i32
    %c0_i32_1 = arith.constant 0 : i32
    return %arg0, %c0_i32, %c0_i32_0 : i32, i32, i32
  }
}

module attributes {stable_mosaic.version = 14 : i64} {
  func.func @_mlp_body(%arg0: i32, %arg1: memref<4096x128xf32, #tpu.memory_space<vmem>>, %arg2: memref<256x72xbf16, #tpu.memory_space<vmem>>, %arg3: memref<1x8x256xf32, #tpu.memory_space<vmem>>, %arg4: memref<1x16x256xi32, #tpu.memory_space<vmem>>, %arg5: memref<72x128xbf16, #tpu.memory_space<vmem>>, %arg6: memref<128x128xbf16, #tpu.memory_space<vmem>>, %arg7: memref<128x256xbf16, #tpu.memory_space<vmem>>, %arg8: memref<1x128xf32, #tpu.memory_space<vmem>>, %arg9: memref<1x128xf32, #tpu.memory_space<vmem>>, %arg10: memref<1x256xf32, #tpu.memory_space<vmem>>, %arg11: memref<1x259x256xf32, #tpu.memory_space<vmem>>) attributes {dimension_semantics = [#tpu.dimension_semantics<arbitrary>], iteration_bounds = array<i64: 8>, scalar_prefetch = 0 : i64, scratch_operands = 0 : i64, tpu.core_type = #tpu.core_type<tc>, window_params = [{transform_indices = @transform_0, window_bounds = array<i64: 4096, 128>}, {transform_indices = @transform_1, window_bounds = array<i64: 256, 72>}, {transform_indices = @transform_2, window_bounds = array<i64: 1, 8, 256>}, {transform_indices = @transform_3, window_bounds = array<i64: 1, 16, 256>}, {pipeline_mode = #tpu.pipeline_mode<synchronous>, transform_indices = @transform_4, window_bounds = array<i64: 72, 128>}, {pipeline_mode = #tpu.pipeline_mode<synchronous>, transform_indices = @transform_5, window_bounds = array<i64: 128, 128>}, {pipeline_mode = #tpu.pipeline_mode<synchronous>, transform_indices = @transform_6, window_bounds = array<i64: 128, 256>}, {pipeline_mode = #tpu.pipeline_mode<synchronous>, transform_indices = @transform_7, window_bounds = array<i64: 1, 128>}, {pipeline_mode = #tpu.pipeline_mode<synchronous>, transform_indices = @transform_8, window_bounds = array<i64: 1, 128>}, {pipeline_mode = #tpu.pipeline_mode<synchronous>, transform_indices = @transform_9, window_bounds = array<i64: 1, 256>}, {transform_indices = @transform_10, window_bounds = array<i64: 1, 259, 256>}]} {
    %get3A = arith.constant 0 : index
    %get3A_0 = arith.constant 0 : index
    %get3A_1 = vector.load %arg1[%get3A, %get3A_0] : memref<4096x128xf32, #tpu.memory_space<vmem>>, vector<4096x128xf32>
    %get3A_2 = arith.constant 0 : index
    %get3A_3 = arith.constant 0 : index
    %get3A_4 = vector.load %arg2[%get3A_2, %get3A_3] : memref<256x72xbf16, #tpu.memory_space<vmem>>, vector<256x72xbf16>
    %get3A_5 = arith.constant 0 : index
    %get3A_6 = arith.constant 0 : index
    %get3A_7 = vector.load %arg5[%get3A_5, %get3A_6] : memref<72x128xbf16, #tpu.memory_space<vmem>>, vector<72x128xbf16>
    %dot_general3A = arith.constant dense<0.000000e+00> : vector<256x128xf32>
    %dot_general3A_8 = tpu.matmul %get3A_4, %get3A_7, %dot_general3A {dimension_numbers = #tpu.dot_dimension_numbers<[1], [0], [0], [1], [0, 0, 1, 1], [], []>, transpose_lhs_hint = false} : vector<256x72xbf16>, vector<72x128xbf16>, vector<256x128xf32> -> vector<256x128xf32>
    %get3A_9 = arith.constant 0 : index
    %get3A_10 = arith.constant 0 : index
    %get3A_11 = arith.constant 0 : index
    %get3A_12 = vector.load %arg4[%get3A_9, %get3A_10, %get3A_11] : memref<1x16x256xi32, #tpu.memory_space<vmem>>, vector<1x16x256xi32>
    %get3A_13 = vector.shape_cast %get3A_12 : vector<1x16x256xi32> to vector<16x256xi32>
    %transpose3A = tpu.transpose %get3A_13, [1, 0] : vector<16x256xi32> -> vector<256x16xi32>
    %get3A_14 = arith.constant 0 : index
    %get3A_15 = arith.constant 0 : index
    %get3A_16 = vector.load %arg8[%get3A_14, %get3A_15] : memref<1x128xf32, #tpu.memory_space<vmem>>, vector<1x128xf32>
    %slice3A = vector.extract_strided_slice %get3A_1 {offsets = [0, 0], sizes = [256, 128], strides = [1, 1]} : vector<4096x128xf32> to vector<256x128xf32>
    %add3A = arith.addf %slice3A, %dot_general3A_8 : vector<256x128xf32>
    %add3A_17 = vector.broadcast %get3A_16 : vector<1x128xf32> to vector<256x128xf32>
    %add3A_18 = arith.addf %add3A, %add3A_17 : vector<256x128xf32>
    %max3A = arith.constant 0.000000e+00 : f32
    %max3A_19 = vector.broadcast %max3A : f32 to vector<256x128xf32>
    %max3A_20 = arith.maximumf %add3A_18, %max3A_19 : vector<256x128xf32>
    %slice3A_21 = vector.extract_strided_slice %get3A_1 {offsets = [256, 0], sizes = [256, 128], strides = [1, 1]} : vector<4096x128xf32> to vector<256x128xf32>
    %add3A_22 = arith.addf %slice3A_21, %dot_general3A_8 : vector<256x128xf32>
    %add3A_23 = vector.broadcast %get3A_16 : vector<1x128xf32> to vector<256x128xf32>
    %add3A_24 = arith.addf %add3A_22, %add3A_23 : vector<256x128xf32>
    %max3A_25 = arith.constant 0.000000e+00 : f32
    %max3A_26 = vector.broadcast %max3A_25 : f32 to vector<256x128xf32>
    %max3A_27 = arith.maximumf %add3A_24, %max3A_26 : vector<256x128xf32>
    %slice3A_28 = vector.extract_strided_slice %get3A_1 {offsets = [512, 0], sizes = [256, 128], strides = [1, 1]} : vector<4096x128xf32> to vector<256x128xf32>
    %add3A_29 = arith.addf %slice3A_28, %dot_general3A_8 : vector<256x128xf32>
    %add3A_30 = vector.broadcast %get3A_16 : vector<1x128xf32> to vector<256x128xf32>
    %add3A_31 = arith.addf %add3A_29, %add3A_30 : vector<256x128xf32>
    %max3A_32 = arith.constant 0.000000e+00 : f32
    %max3A_33 = vector.broadcast %max3A_32 : f32 to vector<256x128xf32>
    %max3A_34 = arith.maximumf %add3A_31, %max3A_33 : vector<256x128xf32>
    %slice3A_35 = vector.extract_strided_slice %get3A_1 {offsets = [768, 0], sizes = [256, 128], strides = [1, 1]} : vector<4096x128xf32> to vector<256x128xf32>
    %add3A_36 = arith.addf %slice3A_35, %dot_general3A_8 : vector<256x128xf32>
    %add3A_37 = vector.broadcast %get3A_16 : vector<1x128xf32> to vector<256x128xf32>
    %add3A_38 = arith.addf %add3A_36, %add3A_37 : vector<256x128xf32>
    %max3A_39 = arith.constant 0.000000e+00 : f32
    %max3A_40 = vector.broadcast %max3A_39 : f32 to vector<256x128xf32>
    %max3A_41 = arith.maximumf %add3A_38, %max3A_40 : vector<256x128xf32>
    %slice3A_42 = vector.extract_strided_slice %get3A_1 {offsets = [1024, 0], sizes = [256, 128], strides = [1, 1]} : vector<4096x128xf32> to vector<256x128xf32>
    %add3A_43 = arith.addf %slice3A_42, %dot_general3A_8 : vector<256x128xf32>
    %add3A_44 = vector.broadcast %get3A_16 : vector<1x128xf32> to vector<256x128xf32>
    %add3A_45 = arith.addf %add3A_43, %add3A_44 : vector<256x128xf32>
    %max3A_46 = arith.constant 0.000000e+00 : f32
    %max3A_47 = vector.broadcast %max3A_46 : f32 to vector<256x128xf32>
    %max3A_48 = arith.maximumf %add3A_45, %max3A_47 : vector<256x128xf32>
    %slice3A_49 = vector.extract_strided_slice %get3A_1 {offsets = [1280, 0], sizes = [256, 128], strides = [1, 1]} : vector<4096x128xf32> to vector<256x128xf32>
    %add3A_50 = arith.addf %slice3A_49, %dot_general3A_8 : vector<256x128xf32>
    %add3A_51 = vector.broadcast %get3A_16 : vector<1x128xf32> to vector<256x128xf32>
    %add3A_52 = arith.addf %add3A_50, %add3A_51 : vector<256x128xf32>
    %max3A_53 = arith.constant 0.000000e+00 : f32
    %max3A_54 = vector.broadcast %max3A_53 : f32 to vector<256x128xf32>
    %max3A_55 = arith.maximumf %add3A_52, %max3A_54 : vector<256x128xf32>
    %slice3A_56 = vector.extract_strided_slice %get3A_1 {offsets = [1536, 0], sizes = [256, 128], strides = [1, 1]} : vector<4096x128xf32> to vector<256x128xf32>
    %add3A_57 = arith.addf %slice3A_56, %dot_general3A_8 : vector<256x128xf32>
    %add3A_58 = vector.broadcast %get3A_16 : vector<1x128xf32> to vector<256x128xf32>
    %add3A_59 = arith.addf %add3A_57, %add3A_58 : vector<256x128xf32>
    %max3A_60 = arith.constant 0.000000e+00 : f32
    %max3A_61 = vector.broadcast %max3A_60 : f32 to vector<256x128xf32>
    %max3A_62 = arith.maximumf %add3A_59, %max3A_61 : vector<256x128xf32>
    %slice3A_63 = vector.extract_strided_slice %get3A_1 {offsets = [1792, 0], sizes = [256, 128], strides = [1, 1]} : vector<4096x128xf32> to vector<256x128xf32>
    %add3A_64 = arith.addf %slice3A_63, %dot_general3A_8 : vector<256x128xf32>
    %add3A_65 = vector.broadcast %get3A_16 : vector<1x128xf32> to vector<256x128xf32>
    %add3A_66 = arith.addf %add3A_64, %add3A_65 : vector<256x128xf32>
    %max3A_67 = arith.constant 0.000000e+00 : f32
    %max3A_68 = vector.broadcast %max3A_67 : f32 to vector<256x128xf32>
    %max3A_69 = arith.maximumf %add3A_66, %max3A_68 : vector<256x128xf32>
    %slice3A_70 = vector.extract_strided_slice %get3A_1 {offsets = [2048, 0], sizes = [256, 128], strides = [1, 1]} : vector<4096x128xf32> to vector<256x128xf32>
    %add3A_71 = arith.addf %slice3A_70, %dot_general3A_8 : vector<256x128xf32>
    %add3A_72 = vector.broadcast %get3A_16 : vector<1x128xf32> to vector<256x128xf32>
    %add3A_73 = arith.addf %add3A_71, %add3A_72 : vector<256x128xf32>
    %max3A_74 = arith.constant 0.000000e+00 : f32
    %max3A_75 = vector.broadcast %max3A_74 : f32 to vector<256x128xf32>
    %max3A_76 = arith.maximumf %add3A_73, %max3A_75 : vector<256x128xf32>
    %slice3A_77 = vector.extract_strided_slice %get3A_1 {offsets = [2304, 0], sizes = [256, 128], strides = [1, 1]} : vector<4096x128xf32> to vector<256x128xf32>
    %add3A_78 = arith.addf %slice3A_77, %dot_general3A_8 : vector<256x128xf32>
    %add3A_79 = vector.broadcast %get3A_16 : vector<1x128xf32> to vector<256x128xf32>
    %add3A_80 = arith.addf %add3A_78, %add3A_79 : vector<256x128xf32>
    %max3A_81 = arith.constant 0.000000e+00 : f32
    %max3A_82 = vector.broadcast %max3A_81 : f32 to vector<256x128xf32>
    %max3A_83 = arith.maximumf %add3A_80, %max3A_82 : vector<256x128xf32>
    %slice3A_84 = vector.extract_strided_slice %get3A_1 {offsets = [2560, 0], sizes = [256, 128], strides = [1, 1]} : vector<4096x128xf32> to vector<256x128xf32>
    %add3A_85 = arith.addf %slice3A_84, %dot_general3A_8 : vector<256x128xf32>
    %add3A_86 = vector.broadcast %get3A_16 : vector<1x128xf32> to vector<256x128xf32>
    %add3A_87 = arith.addf %add3A_85, %add3A_86 : vector<256x128xf32>
    %max3A_88 = arith.constant 0.000000e+00 : f32
    %max3A_89 = vector.broadcast %max3A_88 : f32 to vector<256x128xf32>
    %max3A_90 = arith.maximumf %add3A_87, %max3A_89 : vector<256x128xf32>
    %slice3A_91 = vector.extract_strided_slice %get3A_1 {offsets = [2816, 0], sizes = [256, 128], strides = [1, 1]} : vector<4096x128xf32> to vector<256x128xf32>
    %add3A_92 = arith.addf %slice3A_91, %dot_general3A_8 : vector<256x128xf32>
    %add3A_93 = vector.broadcast %get3A_16 : vector<1x128xf32> to vector<256x128xf32>
    %add3A_94 = arith.addf %add3A_92, %add3A_93 : vector<256x128xf32>
    %max3A_95 = arith.constant 0.000000e+00 : f32
    %max3A_96 = vector.broadcast %max3A_95 : f32 to vector<256x128xf32>
    %max3A_97 = arith.maximumf %add3A_94, %max3A_96 : vector<256x128xf32>
    %slice3A_98 = vector.extract_strided_slice %get3A_1 {offsets = [3072, 0], sizes = [256, 128], strides = [1, 1]} : vector<4096x128xf32> to vector<256x128xf32>
    %add3A_99 = arith.addf %slice3A_98, %dot_general3A_8 : vector<256x128xf32>
    %add3A_100 = vector.broadcast %get3A_16 : vector<1x128xf32> to vector<256x128xf32>
    %add3A_101 = arith.addf %add3A_99, %add3A_100 : vector<256x128xf32>
    %max3A_102 = arith.constant 0.000000e+00 : f32
    %max3A_103 = vector.broadcast %max3A_102 : f32 to vector<256x128xf32>
    %max3A_104 = arith.maximumf %add3A_101, %max3A_103 : vector<256x128xf32>
    %slice3A_105 = vector.extract_strided_slice %get3A_1 {offsets = [3328, 0], sizes = [256, 128], strides = [1, 1]} : vector<4096x128xf32> to vector<256x128xf32>
    %add3A_106 = arith.addf %slice3A_105, %dot_general3A_8 : vector<256x128xf32>
    %add3A_107 = vector.broadcast %get3A_16 : vector<1x128xf32> to vector<256x128xf32>
    %add3A_108 = arith.addf %add3A_106, %add3A_107 : vector<256x128xf32>
    %max3A_109 = arith.constant 0.000000e+00 : f32
    %max3A_110 = vector.broadcast %max3A_109 : f32 to vector<256x128xf32>
    %max3A_111 = arith.maximumf %add3A_108, %max3A_110 : vector<256x128xf32>
    %slice3A_112 = vector.extract_strided_slice %get3A_1 {offsets = [3584, 0], sizes = [256, 128], strides = [1, 1]} : vector<4096x128xf32> to vector<256x128xf32>
    %add3A_113 = arith.addf %slice3A_112, %dot_general3A_8 : vector<256x128xf32>
    %add3A_114 = vector.broadcast %get3A_16 : vector<1x128xf32> to vector<256x128xf32>
    %add3A_115 = arith.addf %add3A_113, %add3A_114 : vector<256x128xf32>
    %max3A_116 = arith.constant 0.000000e+00 : f32
    %max3A_117 = vector.broadcast %max3A_116 : f32 to vector<256x128xf32>
    %max3A_118 = arith.maximumf %add3A_115, %max3A_117 : vector<256x128xf32>
    %slice3A_119 = vector.extract_strided_slice %get3A_1 {offsets = [3840, 0], sizes = [256, 128], strides = [1, 1]} : vector<4096x128xf32> to vector<256x128xf32>
    %add3A_120 = arith.addf %slice3A_119, %dot_general3A_8 : vector<256x128xf32>
    %add3A_121 = vector.broadcast %get3A_16 : vector<1x128xf32> to vector<256x128xf32>
    %add3A_122 = arith.addf %add3A_120, %add3A_121 : vector<256x128xf32>
    %max3A_123 = arith.constant 0.000000e+00 : f32
    %max3A_124 = vector.broadcast %max3A_123 : f32 to vector<256x128xf32>
    %max3A_125 = arith.maximumf %add3A_122, %max3A_124 : vector<256x128xf32>
    %concatenate3A = tpu.concatenate %max3A_20, %max3A_27, %max3A_34, %max3A_41, %max3A_48, %max3A_55, %max3A_62, %max3A_69, %max3A_76, %max3A_83, %max3A_90, %max3A_97, %max3A_104, %max3A_111, %max3A_118, %max3A_125 in 0 : vector<256x128xf32>, vector<256x128xf32>, vector<256x128xf32>, vector<256x128xf32>, vector<256x128xf32>, vector<256x128xf32>, vector<256x128xf32>, vector<256x128xf32>, vector<256x128xf32>, vector<256x128xf32>, vector<256x128xf32>, vector<256x128xf32>, vector<256x128xf32>, vector<256x128xf32>, vector<256x128xf32>, vector<256x128xf32> -> vector<4096x128xf32>
    %convert_element_type3A = arith.truncf %concatenate3A : vector<4096x128xf32> to vector<4096x128xbf16>
    %get3A_126 = arith.constant 0 : index
    %get3A_127 = arith.constant 0 : index
    %get3A_128 = vector.load %arg6[%get3A_126, %get3A_127] : memref<128x128xbf16, #tpu.memory_space<vmem>>, vector<128x128xbf16>
    %dot_general3A_129 = arith.constant dense<0.000000e+00> : vector<4096x128xf32>
    %dot_general3A_130 = tpu.matmul %convert_element_type3A, %get3A_128, %dot_general3A_129 {dimension_numbers = #tpu.dot_dimension_numbers<[1], [0], [0], [1], [0, 0, 1, 1], [], []>, transpose_lhs_hint = false} : vector<4096x128xbf16>, vector<128x128xbf16>, vector<4096x128xf32> -> vector<4096x128xf32>
    %get3A_131 = arith.constant 0 : index
    %get3A_132 = arith.constant 0 : index
    %get3A_133 = vector.load %arg9[%get3A_131, %get3A_132] : memref<1x128xf32, #tpu.memory_space<vmem>>, vector<1x128xf32>
    %add3A_134 = vector.broadcast %get3A_133 : vector<1x128xf32> to vector<4096x128xf32>
    %add3A_135 = arith.addf %dot_general3A_130, %add3A_134 : vector<4096x128xf32>
    %max3A_136 = arith.constant 0.000000e+00 : f32
    %max3A_137 = vector.broadcast %max3A_136 : f32 to vector<4096x128xf32>
    %max3A_138 = arith.maximumf %add3A_135, %max3A_137 : vector<4096x128xf32>
    %convert_element_type3A_139 = arith.truncf %max3A_138 : vector<4096x128xf32> to vector<4096x128xbf16>
    %get3A_140 = arith.constant 0 : index
    %get3A_141 = arith.constant 0 : index
    %get3A_142 = vector.load %arg7[%get3A_140, %get3A_141] : memref<128x256xbf16, #tpu.memory_space<vmem>>, vector<128x256xbf16>
    %dot_general3A_143 = arith.constant dense<0.000000e+00> : vector<4096x256xf32>
    %dot_general3A_144 = tpu.matmul %convert_element_type3A_139, %get3A_142, %dot_general3A_143 {dimension_numbers = #tpu.dot_dimension_numbers<[1], [0], [0], [1], [0, 0, 1, 1], [], []>, transpose_lhs_hint = false} : vector<4096x128xbf16>, vector<128x256xbf16>, vector<4096x256xf32> -> vector<4096x256xf32>
    %get3A_145 = arith.constant 0 : index
    %get3A_146 = arith.constant 0 : index
    %get3A_147 = vector.load %arg10[%get3A_145, %get3A_146] : memref<1x256xf32, #tpu.memory_space<vmem>>, vector<1x256xf32>
    %add3A_148 = vector.broadcast %get3A_147 : vector<1x256xf32> to vector<4096x256xf32>
    %add3A_149 = arith.addf %dot_general3A_144, %add3A_148 : vector<4096x256xf32>
    %max3A_150 = arith.constant 0.000000e+00 : f32
    %max3A_151 = vector.broadcast %max3A_150 : f32 to vector<4096x256xf32>
    %max3A_152 = arith.maximumf %add3A_149, %max3A_151 : vector<4096x256xf32>
    %broadcast_in_dim3A = arith.constant 0.000000e+00 : f32
    %broadcast_in_dim3A_153 = vector.broadcast %broadcast_in_dim3A : f32 to vector<256x256xf32>
    %slice3A_154 = vector.extract_strided_slice %transpose3A {offsets = [0, 0], sizes = [256, 1], strides = [1, 1]} : vector<256x16xi32> to vector<256x1xi32>
    %ge3A = arith.constant 1082130432 : i32
    %ge3A_155 = vector.broadcast %ge3A : i32 to vector<256x1xi32>
    %ge3A_156 = arith.cmpi sge, %slice3A_154, %ge3A_155 : vector<256x1xi32>
    %slice3A_157 = vector.extract_strided_slice %max3A_152 {offsets = [0, 0], sizes = [256, 256], strides = [1, 1]} : vector<4096x256xf32> to vector<256x256xf32>
    %jit3A = arith.constant 0.000000e+00 : f32
    %broadcast_in_dim3A_158 = vector.shape_cast %ge3A_156 : vector<256x1xi1> to vector<256x1xi1>
    %broadcast_in_dim3A_159 = vector.broadcast %broadcast_in_dim3A_158 : vector<256x1xi1> to vector<256x256xi1>
    %broadcast_in_dim3A_160 = vector.broadcast %jit3A : f32 to vector<256x256xf32>
    %select_n3A = arith.select %broadcast_in_dim3A_159, %broadcast_in_dim3A_160, %slice3A_157 : vector<256x256xi1>, vector<256x256xf32>
    %max3A_161 = arith.maximumf %broadcast_in_dim3A_153, %select_n3A : vector<256x256xf32>
    %slice3A_162 = vector.extract_strided_slice %transpose3A {offsets = [0, 1], sizes = [256, 1], strides = [1, 1]} : vector<256x16xi32> to vector<256x1xi32>
    %ge3A_163 = arith.constant 1082130432 : i32
    %ge3A_164 = vector.broadcast %ge3A_163 : i32 to vector<256x1xi32>
    %ge3A_165 = arith.cmpi sge, %slice3A_162, %ge3A_164 : vector<256x1xi32>
    %slice3A_166 = vector.extract_strided_slice %max3A_152 {offsets = [256, 0], sizes = [256, 256], strides = [1, 1]} : vector<4096x256xf32> to vector<256x256xf32>
    %jit3A_167 = arith.constant 0.000000e+00 : f32
    %broadcast_in_dim3A_168 = vector.shape_cast %ge3A_165 : vector<256x1xi1> to vector<256x1xi1>
    %broadcast_in_dim3A_169 = vector.broadcast %broadcast_in_dim3A_168 : vector<256x1xi1> to vector<256x256xi1>
    %broadcast_in_dim3A_170 = vector.broadcast %jit3A_167 : f32 to vector<256x256xf32>
    %select_n3A_171 = arith.select %broadcast_in_dim3A_169, %broadcast_in_dim3A_170, %slice3A_166 : vector<256x256xi1>, vector<256x256xf32>
    %max3A_172 = arith.maximumf %max3A_161, %select_n3A_171 : vector<256x256xf32>
    %slice3A_173 = vector.extract_strided_slice %transpose3A {offsets = [0, 2], sizes = [256, 1], strides = [1, 1]} : vector<256x16xi32> to vector<256x1xi32>
    %ge3A_174 = arith.constant 1082130432 : i32
    %ge3A_175 = vector.broadcast %ge3A_174 : i32 to vector<256x1xi32>
    %ge3A_176 = arith.cmpi sge, %slice3A_173, %ge3A_175 : vector<256x1xi32>
    %slice3A_177 = vector.extract_strided_slice %max3A_152 {offsets = [512, 0], sizes = [256, 256], strides = [1, 1]} : vector<4096x256xf32> to vector<256x256xf32>
    %jit3A_178 = arith.constant 0.000000e+00 : f32
    %broadcast_in_dim3A_179 = vector.shape_cast %ge3A_176 : vector<256x1xi1> to vector<256x1xi1>
    %broadcast_in_dim3A_180 = vector.broadcast %broadcast_in_dim3A_179 : vector<256x1xi1> to vector<256x256xi1>
    %broadcast_in_dim3A_181 = vector.broadcast %jit3A_178 : f32 to vector<256x256xf32>
    %select_n3A_182 = arith.select %broadcast_in_dim3A_180, %broadcast_in_dim3A_181, %slice3A_177 : vector<256x256xi1>, vector<256x256xf32>
    %max3A_183 = arith.maximumf %max3A_172, %select_n3A_182 : vector<256x256xf32>
    %slice3A_184 = vector.extract_strided_slice %transpose3A {offsets = [0, 3], sizes = [256, 1], strides = [1, 1]} : vector<256x16xi32> to vector<256x1xi32>
    %ge3A_185 = arith.constant 1082130432 : i32
    %ge3A_186 = vector.broadcast %ge3A_185 : i32 to vector<256x1xi32>
    %ge3A_187 = arith.cmpi sge, %slice3A_184, %ge3A_186 : vector<256x1xi32>
    %slice3A_188 = vector.extract_strided_slice %max3A_152 {offsets = [768, 0], sizes = [256, 256], strides = [1, 1]} : vector<4096x256xf32> to vector<256x256xf32>
    %jit3A_189 = arith.constant 0.000000e+00 : f32
    %broadcast_in_dim3A_190 = vector.shape_cast %ge3A_187 : vector<256x1xi1> to vector<256x1xi1>
    %broadcast_in_dim3A_191 = vector.broadcast %broadcast_in_dim3A_190 : vector<256x1xi1> to vector<256x256xi1>
    %broadcast_in_dim3A_192 = vector.broadcast %jit3A_189 : f32 to vector<256x256xf32>
    %select_n3A_193 = arith.select %broadcast_in_dim3A_191, %broadcast_in_dim3A_192, %slice3A_188 : vector<256x256xi1>, vector<256x256xf32>
    %max3A_194 = arith.maximumf %max3A_183, %select_n3A_193 : vector<256x256xf32>
    %slice3A_195 = vector.extract_strided_slice %transpose3A {offsets = [0, 4], sizes = [256, 1], strides = [1, 1]} : vector<256x16xi32> to vector<256x1xi32>
    %ge3A_196 = arith.constant 1082130432 : i32
    %ge3A_197 = vector.broadcast %ge3A_196 : i32 to vector<256x1xi32>
    %ge3A_198 = arith.cmpi sge, %slice3A_195, %ge3A_197 : vector<256x1xi32>
    %slice3A_199 = vector.extract_strided_slice %max3A_152 {offsets = [1024, 0], sizes = [256, 256], strides = [1, 1]} : vector<4096x256xf32> to vector<256x256xf32>
    %jit3A_200 = arith.constant 0.000000e+00 : f32
    %broadcast_in_dim3A_201 = vector.shape_cast %ge3A_198 : vector<256x1xi1> to vector<256x1xi1>
    %broadcast_in_dim3A_202 = vector.broadcast %broadcast_in_dim3A_201 : vector<256x1xi1> to vector<256x256xi1>
    %broadcast_in_dim3A_203 = vector.broadcast %jit3A_200 : f32 to vector<256x256xf32>
    %select_n3A_204 = arith.select %broadcast_in_dim3A_202, %broadcast_in_dim3A_203, %slice3A_199 : vector<256x256xi1>, vector<256x256xf32>
    %max3A_205 = arith.maximumf %max3A_194, %select_n3A_204 : vector<256x256xf32>
    %slice3A_206 = vector.extract_strided_slice %transpose3A {offsets = [0, 5], sizes = [256, 1], strides = [1, 1]} : vector<256x16xi32> to vector<256x1xi32>
    %ge3A_207 = arith.constant 1082130432 : i32
    %ge3A_208 = vector.broadcast %ge3A_207 : i32 to vector<256x1xi32>
    %ge3A_209 = arith.cmpi sge, %slice3A_206, %ge3A_208 : vector<256x1xi32>
    %slice3A_210 = vector.extract_strided_slice %max3A_152 {offsets = [1280, 0], sizes = [256, 256], strides = [1, 1]} : vector<4096x256xf32> to vector<256x256xf32>
    %jit3A_211 = arith.constant 0.000000e+00 : f32
    %broadcast_in_dim3A_212 = vector.shape_cast %ge3A_209 : vector<256x1xi1> to vector<256x1xi1>
    %broadcast_in_dim3A_213 = vector.broadcast %broadcast_in_dim3A_212 : vector<256x1xi1> to vector<256x256xi1>
    %broadcast_in_dim3A_214 = vector.broadcast %jit3A_211 : f32 to vector<256x256xf32>
    %select_n3A_215 = arith.select %broadcast_in_dim3A_213, %broadcast_in_dim3A_214, %slice3A_210 : vector<256x256xi1>, vector<256x256xf32>
    %max3A_216 = arith.maximumf %max3A_205, %select_n3A_215 : vector<256x256xf32>
    %slice3A_217 = vector.extract_strided_slice %transpose3A {offsets = [0, 6], sizes = [256, 1], strides = [1, 1]} : vector<256x16xi32> to vector<256x1xi32>
    %ge3A_218 = arith.constant 1082130432 : i32
    %ge3A_219 = vector.broadcast %ge3A_218 : i32 to vector<256x1xi32>
    %ge3A_220 = arith.cmpi sge, %slice3A_217, %ge3A_219 : vector<256x1xi32>
    %slice3A_221 = vector.extract_strided_slice %max3A_152 {offsets = [1536, 0], sizes = [256, 256], strides = [1, 1]} : vector<4096x256xf32> to vector<256x256xf32>
    %jit3A_222 = arith.constant 0.000000e+00 : f32
    %broadcast_in_dim3A_223 = vector.shape_cast %ge3A_220 : vector<256x1xi1> to vector<256x1xi1>
    %broadcast_in_dim3A_224 = vector.broadcast %broadcast_in_dim3A_223 : vector<256x1xi1> to vector<256x256xi1>
    %broadcast_in_dim3A_225 = vector.broadcast %jit3A_222 : f32 to vector<256x256xf32>
    %select_n3A_226 = arith.select %broadcast_in_dim3A_224, %broadcast_in_dim3A_225, %slice3A_221 : vector<256x256xi1>, vector<256x256xf32>
    %max3A_227 = arith.maximumf %max3A_216, %select_n3A_226 : vector<256x256xf32>
    %slice3A_228 = vector.extract_strided_slice %transpose3A {offsets = [0, 7], sizes = [256, 1], strides = [1, 1]} : vector<256x16xi32> to vector<256x1xi32>
    %ge3A_229 = arith.constant 1082130432 : i32
    %ge3A_230 = vector.broadcast %ge3A_229 : i32 to vector<256x1xi32>
    %ge3A_231 = arith.cmpi sge, %slice3A_228, %ge3A_230 : vector<256x1xi32>
    %slice3A_232 = vector.extract_strided_slice %max3A_152 {offsets = [1792, 0], sizes = [256, 256], strides = [1, 1]} : vector<4096x256xf32> to vector<256x256xf32>
    %jit3A_233 = arith.constant 0.000000e+00 : f32
    %broadcast_in_dim3A_234 = vector.shape_cast %ge3A_231 : vector<256x1xi1> to vector<256x1xi1>
    %broadcast_in_dim3A_235 = vector.broadcast %broadcast_in_dim3A_234 : vector<256x1xi1> to vector<256x256xi1>
    %broadcast_in_dim3A_236 = vector.broadcast %jit3A_233 : f32 to vector<256x256xf32>
    %select_n3A_237 = arith.select %broadcast_in_dim3A_235, %broadcast_in_dim3A_236, %slice3A_232 : vector<256x256xi1>, vector<256x256xf32>
    %max3A_238 = arith.maximumf %max3A_227, %select_n3A_237 : vector<256x256xf32>
    %slice3A_239 = vector.extract_strided_slice %transpose3A {offsets = [0, 8], sizes = [256, 1], strides = [1, 1]} : vector<256x16xi32> to vector<256x1xi32>
    %ge3A_240 = arith.constant 1082130432 : i32
    %ge3A_241 = vector.broadcast %ge3A_240 : i32 to vector<256x1xi32>
    %ge3A_242 = arith.cmpi sge, %slice3A_239, %ge3A_241 : vector<256x1xi32>
    %slice3A_243 = vector.extract_strided_slice %max3A_152 {offsets = [2048, 0], sizes = [256, 256], strides = [1, 1]} : vector<4096x256xf32> to vector<256x256xf32>
    %jit3A_244 = arith.constant 0.000000e+00 : f32
    %broadcast_in_dim3A_245 = vector.shape_cast %ge3A_242 : vector<256x1xi1> to vector<256x1xi1>
    %broadcast_in_dim3A_246 = vector.broadcast %broadcast_in_dim3A_245 : vector<256x1xi1> to vector<256x256xi1>
    %broadcast_in_dim3A_247 = vector.broadcast %jit3A_244 : f32 to vector<256x256xf32>
    %select_n3A_248 = arith.select %broadcast_in_dim3A_246, %broadcast_in_dim3A_247, %slice3A_243 : vector<256x256xi1>, vector<256x256xf32>
    %max3A_249 = arith.maximumf %max3A_238, %select_n3A_248 : vector<256x256xf32>
    %slice3A_250 = vector.extract_strided_slice %transpose3A {offsets = [0, 9], sizes = [256, 1], strides = [1, 1]} : vector<256x16xi32> to vector<256x1xi32>
    %ge3A_251 = arith.constant 1082130432 : i32
    %ge3A_252 = vector.broadcast %ge3A_251 : i32 to vector<256x1xi32>
    %ge3A_253 = arith.cmpi sge, %slice3A_250, %ge3A_252 : vector<256x1xi32>
    %slice3A_254 = vector.extract_strided_slice %max3A_152 {offsets = [2304, 0], sizes = [256, 256], strides = [1, 1]} : vector<4096x256xf32> to vector<256x256xf32>
    %jit3A_255 = arith.constant 0.000000e+00 : f32
    %broadcast_in_dim3A_256 = vector.shape_cast %ge3A_253 : vector<256x1xi1> to vector<256x1xi1>
    %broadcast_in_dim3A_257 = vector.broadcast %broadcast_in_dim3A_256 : vector<256x1xi1> to vector<256x256xi1>
    %broadcast_in_dim3A_258 = vector.broadcast %jit3A_255 : f32 to vector<256x256xf32>
    %select_n3A_259 = arith.select %broadcast_in_dim3A_257, %broadcast_in_dim3A_258, %slice3A_254 : vector<256x256xi1>, vector<256x256xf32>
    %max3A_260 = arith.maximumf %max3A_249, %select_n3A_259 : vector<256x256xf32>
    %slice3A_261 = vector.extract_strided_slice %transpose3A {offsets = [0, 10], sizes = [256, 1], strides = [1, 1]} : vector<256x16xi32> to vector<256x1xi32>
    %ge3A_262 = arith.constant 1082130432 : i32
    %ge3A_263 = vector.broadcast %ge3A_262 : i32 to vector<256x1xi32>
    %ge3A_264 = arith.cmpi sge, %slice3A_261, %ge3A_263 : vector<256x1xi32>
    %slice3A_265 = vector.extract_strided_slice %max3A_152 {offsets = [2560, 0], sizes = [256, 256], strides = [1, 1]} : vector<4096x256xf32> to vector<256x256xf32>
    %jit3A_266 = arith.constant 0.000000e+00 : f32
    %broadcast_in_dim3A_267 = vector.shape_cast %ge3A_264 : vector<256x1xi1> to vector<256x1xi1>
    %broadcast_in_dim3A_268 = vector.broadcast %broadcast_in_dim3A_267 : vector<256x1xi1> to vector<256x256xi1>
    %broadcast_in_dim3A_269 = vector.broadcast %jit3A_266 : f32 to vector<256x256xf32>
    %select_n3A_270 = arith.select %broadcast_in_dim3A_268, %broadcast_in_dim3A_269, %slice3A_265 : vector<256x256xi1>, vector<256x256xf32>
    %max3A_271 = arith.maximumf %max3A_260, %select_n3A_270 : vector<256x256xf32>
    %slice3A_272 = vector.extract_strided_slice %transpose3A {offsets = [0, 11], sizes = [256, 1], strides = [1, 1]} : vector<256x16xi32> to vector<256x1xi32>
    %ge3A_273 = arith.constant 1082130432 : i32
    %ge3A_274 = vector.broadcast %ge3A_273 : i32 to vector<256x1xi32>
    %ge3A_275 = arith.cmpi sge, %slice3A_272, %ge3A_274 : vector<256x1xi32>
    %slice3A_276 = vector.extract_strided_slice %max3A_152 {offsets = [2816, 0], sizes = [256, 256], strides = [1, 1]} : vector<4096x256xf32> to vector<256x256xf32>
    %jit3A_277 = arith.constant 0.000000e+00 : f32
    %broadcast_in_dim3A_278 = vector.shape_cast %ge3A_275 : vector<256x1xi1> to vector<256x1xi1>
    %broadcast_in_dim3A_279 = vector.broadcast %broadcast_in_dim3A_278 : vector<256x1xi1> to vector<256x256xi1>
    %broadcast_in_dim3A_280 = vector.broadcast %jit3A_277 : f32 to vector<256x256xf32>
    %select_n3A_281 = arith.select %broadcast_in_dim3A_279, %broadcast_in_dim3A_280, %slice3A_276 : vector<256x256xi1>, vector<256x256xf32>
    %max3A_282 = arith.maximumf %max3A_271, %select_n3A_281 : vector<256x256xf32>
    %slice3A_283 = vector.extract_strided_slice %transpose3A {offsets = [0, 12], sizes = [256, 1], strides = [1, 1]} : vector<256x16xi32> to vector<256x1xi32>
    %ge3A_284 = arith.constant 1082130432 : i32
    %ge3A_285 = vector.broadcast %ge3A_284 : i32 to vector<256x1xi32>
    %ge3A_286 = arith.cmpi sge, %slice3A_283, %ge3A_285 : vector<256x1xi32>
    %slice3A_287 = vector.extract_strided_slice %max3A_152 {offsets = [3072, 0], sizes = [256, 256], strides = [1, 1]} : vector<4096x256xf32> to vector<256x256xf32>
    %jit3A_288 = arith.constant 0.000000e+00 : f32
    %broadcast_in_dim3A_289 = vector.shape_cast %ge3A_286 : vector<256x1xi1> to vector<256x1xi1>
    %broadcast_in_dim3A_290 = vector.broadcast %broadcast_in_dim3A_289 : vector<256x1xi1> to vector<256x256xi1>
    %broadcast_in_dim3A_291 = vector.broadcast %jit3A_288 : f32 to vector<256x256xf32>
    %select_n3A_292 = arith.select %broadcast_in_dim3A_290, %broadcast_in_dim3A_291, %slice3A_287 : vector<256x256xi1>, vector<256x256xf32>
    %max3A_293 = arith.maximumf %max3A_282, %select_n3A_292 : vector<256x256xf32>
    %slice3A_294 = vector.extract_strided_slice %transpose3A {offsets = [0, 13], sizes = [256, 1], strides = [1, 1]} : vector<256x16xi32> to vector<256x1xi32>
    %ge3A_295 = arith.constant 1082130432 : i32
    %ge3A_296 = vector.broadcast %ge3A_295 : i32 to vector<256x1xi32>
    %ge3A_297 = arith.cmpi sge, %slice3A_294, %ge3A_296 : vector<256x1xi32>
    %slice3A_298 = vector.extract_strided_slice %max3A_152 {offsets = [3328, 0], sizes = [256, 256], strides = [1, 1]} : vector<4096x256xf32> to vector<256x256xf32>
    %jit3A_299 = arith.constant 0.000000e+00 : f32
    %broadcast_in_dim3A_300 = vector.shape_cast %ge3A_297 : vector<256x1xi1> to vector<256x1xi1>
    %broadcast_in_dim3A_301 = vector.broadcast %broadcast_in_dim3A_300 : vector<256x1xi1> to vector<256x256xi1>
    %broadcast_in_dim3A_302 = vector.broadcast %jit3A_299 : f32 to vector<256x256xf32>
    %select_n3A_303 = arith.select %broadcast_in_dim3A_301, %broadcast_in_dim3A_302, %slice3A_298 : vector<256x256xi1>, vector<256x256xf32>
    %max3A_304 = arith.maximumf %max3A_293, %select_n3A_303 : vector<256x256xf32>
    %slice3A_305 = vector.extract_strided_slice %transpose3A {offsets = [0, 14], sizes = [256, 1], strides = [1, 1]} : vector<256x16xi32> to vector<256x1xi32>
    %ge3A_306 = arith.constant 1082130432 : i32
    %ge3A_307 = vector.broadcast %ge3A_306 : i32 to vector<256x1xi32>
    %ge3A_308 = arith.cmpi sge, %slice3A_305, %ge3A_307 : vector<256x1xi32>
    %slice3A_309 = vector.extract_strided_slice %max3A_152 {offsets = [3584, 0], sizes = [256, 256], strides = [1, 1]} : vector<4096x256xf32> to vector<256x256xf32>
    %jit3A_310 = arith.constant 0.000000e+00 : f32
    %broadcast_in_dim3A_311 = vector.shape_cast %ge3A_308 : vector<256x1xi1> to vector<256x1xi1>
    %broadcast_in_dim3A_312 = vector.broadcast %broadcast_in_dim3A_311 : vector<256x1xi1> to vector<256x256xi1>
    %broadcast_in_dim3A_313 = vector.broadcast %jit3A_310 : f32 to vector<256x256xf32>
    %select_n3A_314 = arith.select %broadcast_in_dim3A_312, %broadcast_in_dim3A_313, %slice3A_309 : vector<256x256xi1>, vector<256x256xf32>
    %max3A_315 = arith.maximumf %max3A_304, %select_n3A_314 : vector<256x256xf32>
    %slice3A_316 = vector.extract_strided_slice %transpose3A {offsets = [0, 15], sizes = [256, 1], strides = [1, 1]} : vector<256x16xi32> to vector<256x1xi32>
    %ge3A_317 = arith.constant 1082130432 : i32
    %ge3A_318 = vector.broadcast %ge3A_317 : i32 to vector<256x1xi32>
    %ge3A_319 = arith.cmpi sge, %slice3A_316, %ge3A_318 : vector<256x1xi32>
    %slice3A_320 = vector.extract_strided_slice %max3A_152 {offsets = [3840, 0], sizes = [256, 256], strides = [1, 1]} : vector<4096x256xf32> to vector<256x256xf32>
    %jit3A_321 = arith.constant 0.000000e+00 : f32
    %broadcast_in_dim3A_322 = vector.shape_cast %ge3A_319 : vector<256x1xi1> to vector<256x1xi1>
    %broadcast_in_dim3A_323 = vector.broadcast %broadcast_in_dim3A_322 : vector<256x1xi1> to vector<256x256xi1>
    %broadcast_in_dim3A_324 = vector.broadcast %jit3A_321 : f32 to vector<256x256xf32>
    %select_n3A_325 = arith.select %broadcast_in_dim3A_323, %broadcast_in_dim3A_324, %slice3A_320 : vector<256x256xi1>, vector<256x256xf32>
    %max3A_326 = arith.maximumf %max3A_315, %select_n3A_325 : vector<256x256xf32>
    %get3A_327 = arith.constant 0 : index
    %get3A_328 = arith.constant 0 : index
    %get3A_329 = arith.constant 0 : index
    %get3A_330 = vector.load %arg3[%get3A_327, %get3A_328, %get3A_329] : memref<1x8x256xf32, #tpu.memory_space<vmem>>, vector<1x3x256xf32>
    %get3A_331 = vector.shape_cast %get3A_330 : vector<1x3x256xf32> to vector<3x256xf32>
    %swap3A = arith.constant 0 : index
    %swap3A_332 = arith.constant 0 : index
    %swap3A_333 = arith.constant 0 : index
    %swap3A_334 = vector.load %arg11[%swap3A, %swap3A_332, %swap3A_333] : memref<1x259x256xf32, #tpu.memory_space<vmem>>, vector<1x3x256xf32>
    %swap3A_335 = vector.shape_cast %swap3A_334 : vector<1x3x256xf32> to vector<3x256xf32>
    %swap3A_336 = vector.shape_cast %get3A_331 : vector<3x256xf32> to vector<1x3x256xf32>
    tpu.vector_store %arg11[%swap3A, %swap3A_332, %swap3A_333], %swap3A_336 {strides = array<i32>} : memref<1x259x256xf32, #tpu.memory_space<vmem>>, vector<1x3x256xf32>,
    %transpose3A_337 = tpu.transpose %max3A_326, [1, 0] : vector<256x256xf32> -> vector<256x256xf32>
    %swap3A_338 = arith.constant 0 : index
    %swap3A_339 = arith.constant 3 : index
    %swap3A_340 = arith.constant 0 : index
    %swap3A_341 = vector.load %arg11[%swap3A_338, %swap3A_339, %swap3A_340] : memref<1x259x256xf32, #tpu.memory_space<vmem>>, vector<1x256x256xf32>
    %swap3A_342 = vector.shape_cast %swap3A_341 : vector<1x256x256xf32> to vector<256x256xf32>
    %swap3A_343 = vector.shape_cast %transpose3A_337 : vector<256x256xf32> to vector<1x256x256xf32>
    tpu.vector_store %arg11[%swap3A_338, %swap3A_339, %swap3A_340], %swap3A_343 {strides = array<i32>} : memref<1x259x256xf32, #tpu.memory_space<vmem>>, vector<1x256x256xf32>,
    return
  }
  func.func @transform_0(%arg0: i32) -> (i32, i32) {
    %c0_i32 = arith.constant 0 : i32
    %c0_i32_0 = arith.constant 0 : i32
    return %arg0, %c0_i32 : i32, i32
  }
  func.func @transform_1(%arg0: i32) -> (i32, i32) {
    %c0_i32 = arith.constant 0 : i32
    %c0_i32_0 = arith.constant 0 : i32
    return %arg0, %c0_i32 : i32, i32
  }
  func.func @transform_2(%arg0: i32) -> (i32, i32, i32) {
    %c0_i32 = arith.constant 0 : i32
    %c0_i32_0 = arith.constant 0 : i32
    %c0_i32_1 = arith.constant 0 : i32
    return %c0_i32, %c0_i32_0, %arg0 : i32, i32, i32
  }
  func.func @transform_3(%arg0: i32) -> (i32, i32, i32) {
    %c0_i32 = arith.constant 0 : i32
    %c0_i32_0 = arith.constant 0 : i32
    %c0_i32_1 = arith.constant 0 : i32
    return %arg0, %c0_i32, %c0_i32_0 : i32, i32, i32
  }
  func.func @transform_4(%arg0: i32) -> (i32, i32) {
    %c0_i32 = arith.constant 0 : i32
    %c0_i32_0 = arith.constant 0 : i32
    %c0_i32_1 = arith.constant 0 : i32
    return %c0_i32, %c0_i32_0 : i32, i32
  }
  func.func @transform_5(%arg0: i32) -> (i32, i32) {
    %c0_i32 = arith.constant 0 : i32
    %c0_i32_0 = arith.constant 0 : i32
    %c0_i32_1 = arith.constant 0 : i32
    return %c0_i32, %c0_i32_0 : i32, i32
  }
  func.func @transform_6(%arg0: i32) -> (i32, i32) {
    %c0_i32 = arith.constant 0 : i32
    %c0_i32_0 = arith.constant 0 : i32
    %c0_i32_1 = arith.constant 0 : i32
    return %c0_i32, %c0_i32_0 : i32, i32
  }
  func.func @transform_7(%arg0: i32) -> (i32, i32) {
    %c0_i32 = arith.constant 0 : i32
    %c0_i32_0 = arith.constant 0 : i32
    %c0_i32_1 = arith.constant 0 : i32
    return %c0_i32, %c0_i32_0 : i32, i32
  }
  func.func @transform_8(%arg0: i32) -> (i32, i32) {
    %c0_i32 = arith.constant 0 : i32
    %c0_i32_0 = arith.constant 0 : i32
    %c0_i32_1 = arith.constant 0 : i32
    return %c0_i32, %c0_i32_0 : i32, i32
  }
  func.func @transform_9(%arg0: i32) -> (i32, i32) {
    %c0_i32 = arith.constant 0 : i32
    %c0_i32_0 = arith.constant 0 : i32
    %c0_i32_1 = arith.constant 0 : i32
    return %c0_i32, %c0_i32_0 : i32, i32
  }
  func.func @transform_10(%arg0: i32) -> (i32, i32, i32) {
    %c0_i32 = arith.constant 0 : i32
    %c0_i32_0 = arith.constant 0 : i32
    %c0_i32_1 = arith.constant 0 : i32
    return %c0_i32, %c0_i32_0, %arg0 : i32, i32, i32
  }
}

module attributes {stable_mosaic.version = 14 : i64} {
  func.func @_mlp_body(%arg0: i32, %arg1: memref<4x259x2048xf32, #tpu.memory_space<any>>, %arg2: memref<4096x128xf32, #tpu.memory_space<vmem>>, %arg3: memref<256x72xbf16, #tpu.memory_space<vmem>>, %arg4: memref<1x8x256xf32, #tpu.memory_space<vmem>>, %arg5: memref<1x16x256xi32, #tpu.memory_space<vmem>>, %arg6: memref<72x128xbf16, #tpu.memory_space<vmem>>, %arg7: memref<128x128xbf16, #tpu.memory_space<vmem>>, %arg8: memref<128x256xbf16, #tpu.memory_space<vmem>>, %arg9: memref<1x128xf32, #tpu.memory_space<vmem>>, %arg10: memref<1x128xf32, #tpu.memory_space<vmem>>, %arg11: memref<1x256xf32, #tpu.memory_space<vmem>>, %arg12: memref<1x259x256xf32, #tpu.memory_space<vmem>>) attributes {dimension_semantics = [#tpu.dimension_semantics<arbitrary>], iteration_bounds = array<i64: 8>, scalar_prefetch = 0 : i64, scratch_operands = 0 : i64, tpu.core_type = #tpu.core_type<tc>, window_params = [{}, {transform_indices = @transform_1, window_bounds = array<i64: 4096, 128>}, {transform_indices = @transform_2, window_bounds = array<i64: 256, 72>}, {transform_indices = @transform_3, window_bounds = array<i64: 1, 8, 256>}, {transform_indices = @transform_4, window_bounds = array<i64: 1, 16, 256>}, {pipeline_mode = #tpu.pipeline_mode<synchronous>, transform_indices = @transform_5, window_bounds = array<i64: 72, 128>}, {pipeline_mode = #tpu.pipeline_mode<synchronous>, transform_indices = @transform_6, window_bounds = array<i64: 128, 128>}, {pipeline_mode = #tpu.pipeline_mode<synchronous>, transform_indices = @transform_7, window_bounds = array<i64: 128, 256>}, {pipeline_mode = #tpu.pipeline_mode<synchronous>, transform_indices = @transform_8, window_bounds = array<i64: 1, 128>}, {pipeline_mode = #tpu.pipeline_mode<synchronous>, transform_indices = @transform_9, window_bounds = array<i64: 1, 128>}, {pipeline_mode = #tpu.pipeline_mode<synchronous>, transform_indices = @transform_10, window_bounds = array<i64: 1, 256>}, {transform_indices = @transform_11, window_bounds = array<i64: 1, 259, 256>}]} {
    %get3A = arith.constant 0 : index
    %get3A_0 = arith.constant 0 : index
    %get3A_1 = vector.load %arg2[%get3A, %get3A_0] : memref<4096x128xf32, #tpu.memory_space<vmem>>, vector<4096x128xf32>
    %get3A_2 = arith.constant 0 : index
    %get3A_3 = arith.constant 0 : index
    %get3A_4 = vector.load %arg3[%get3A_2, %get3A_3] : memref<256x72xbf16, #tpu.memory_space<vmem>>, vector<256x72xbf16>
    %get3A_5 = arith.constant 0 : index
    %get3A_6 = arith.constant 0 : index
    %get3A_7 = vector.load %arg6[%get3A_5, %get3A_6] : memref<72x128xbf16, #tpu.memory_space<vmem>>, vector<72x128xbf16>
    %dot_general3A = arith.constant dense<0.000000e+00> : vector<256x128xf32>
    %dot_general3A_8 = tpu.matmul %get3A_4, %get3A_7, %dot_general3A {dimension_numbers = #tpu.dot_dimension_numbers<[1], [0], [0], [1], [0, 0, 1, 1], [], []>, transpose_lhs_hint = false} : vector<256x72xbf16>, vector<72x128xbf16>, vector<256x128xf32> -> vector<256x128xf32>
    %get3A_9 = arith.constant 0 : index
    %get3A_10 = arith.constant 0 : index
    %get3A_11 = arith.constant 0 : index
    %get3A_12 = vector.load %arg5[%get3A_9, %get3A_10, %get3A_11] : memref<1x16x256xi32, #tpu.memory_space<vmem>>, vector<1x16x256xi32>
    %get3A_13 = vector.shape_cast %get3A_12 : vector<1x16x256xi32> to vector<16x256xi32>
    %transpose3A = tpu.transpose %get3A_13, [1, 0] : vector<16x256xi32> -> vector<256x16xi32>
    %get3A_14 = arith.constant 0 : index
    %get3A_15 = arith.constant 0 : index
    %get3A_16 = vector.load %arg9[%get3A_14, %get3A_15] : memref<1x128xf32, #tpu.memory_space<vmem>>, vector<1x128xf32>
    %slice3A = vector.extract_strided_slice %get3A_1 {offsets = [0, 0], sizes = [256, 128], strides = [1, 1]} : vector<4096x128xf32> to vector<256x128xf32>
    %add3A = arith.addf %slice3A, %dot_general3A_8 : vector<256x128xf32>
    %add3A_17 = vector.broadcast %get3A_16 : vector<1x128xf32> to vector<256x128xf32>
    %add3A_18 = arith.addf %add3A, %add3A_17 : vector<256x128xf32>
    %max3A = arith.constant 0.000000e+00 : f32
    %max3A_19 = vector.broadcast %max3A : f32 to vector<256x128xf32>
    %max3A_20 = arith.maximumf %add3A_18, %max3A_19 : vector<256x128xf32>
    %slice3A_21 = vector.extract_strided_slice %get3A_1 {offsets = [256, 0], sizes = [256, 128], strides = [1, 1]} : vector<4096x128xf32> to vector<256x128xf32>
    %add3A_22 = arith.addf %slice3A_21, %dot_general3A_8 : vector<256x128xf32>
    %add3A_23 = vector.broadcast %get3A_16 : vector<1x128xf32> to vector<256x128xf32>
    %add3A_24 = arith.addf %add3A_22, %add3A_23 : vector<256x128xf32>
    %max3A_25 = arith.constant 0.000000e+00 : f32
    %max3A_26 = vector.broadcast %max3A_25 : f32 to vector<256x128xf32>
    %max3A_27 = arith.maximumf %add3A_24, %max3A_26 : vector<256x128xf32>
    %slice3A_28 = vector.extract_strided_slice %get3A_1 {offsets = [512, 0], sizes = [256, 128], strides = [1, 1]} : vector<4096x128xf32> to vector<256x128xf32>
    %add3A_29 = arith.addf %slice3A_28, %dot_general3A_8 : vector<256x128xf32>
    %add3A_30 = vector.broadcast %get3A_16 : vector<1x128xf32> to vector<256x128xf32>
    %add3A_31 = arith.addf %add3A_29, %add3A_30 : vector<256x128xf32>
    %max3A_32 = arith.constant 0.000000e+00 : f32
    %max3A_33 = vector.broadcast %max3A_32 : f32 to vector<256x128xf32>
    %max3A_34 = arith.maximumf %add3A_31, %max3A_33 : vector<256x128xf32>
    %slice3A_35 = vector.extract_strided_slice %get3A_1 {offsets = [768, 0], sizes = [256, 128], strides = [1, 1]} : vector<4096x128xf32> to vector<256x128xf32>
    %add3A_36 = arith.addf %slice3A_35, %dot_general3A_8 : vector<256x128xf32>
    %add3A_37 = vector.broadcast %get3A_16 : vector<1x128xf32> to vector<256x128xf32>
    %add3A_38 = arith.addf %add3A_36, %add3A_37 : vector<256x128xf32>
    %max3A_39 = arith.constant 0.000000e+00 : f32
    %max3A_40 = vector.broadcast %max3A_39 : f32 to vector<256x128xf32>
    %max3A_41 = arith.maximumf %add3A_38, %max3A_40 : vector<256x128xf32>
    %slice3A_42 = vector.extract_strided_slice %get3A_1 {offsets = [1024, 0], sizes = [256, 128], strides = [1, 1]} : vector<4096x128xf32> to vector<256x128xf32>
    %add3A_43 = arith.addf %slice3A_42, %dot_general3A_8 : vector<256x128xf32>
    %add3A_44 = vector.broadcast %get3A_16 : vector<1x128xf32> to vector<256x128xf32>
    %add3A_45 = arith.addf %add3A_43, %add3A_44 : vector<256x128xf32>
    %max3A_46 = arith.constant 0.000000e+00 : f32
    %max3A_47 = vector.broadcast %max3A_46 : f32 to vector<256x128xf32>
    %max3A_48 = arith.maximumf %add3A_45, %max3A_47 : vector<256x128xf32>
    %slice3A_49 = vector.extract_strided_slice %get3A_1 {offsets = [1280, 0], sizes = [256, 128], strides = [1, 1]} : vector<4096x128xf32> to vector<256x128xf32>
    %add3A_50 = arith.addf %slice3A_49, %dot_general3A_8 : vector<256x128xf32>
    %add3A_51 = vector.broadcast %get3A_16 : vector<1x128xf32> to vector<256x128xf32>
    %add3A_52 = arith.addf %add3A_50, %add3A_51 : vector<256x128xf32>
    %max3A_53 = arith.constant 0.000000e+00 : f32
    %max3A_54 = vector.broadcast %max3A_53 : f32 to vector<256x128xf32>
    %max3A_55 = arith.maximumf %add3A_52, %max3A_54 : vector<256x128xf32>
    %slice3A_56 = vector.extract_strided_slice %get3A_1 {offsets = [1536, 0], sizes = [256, 128], strides = [1, 1]} : vector<4096x128xf32> to vector<256x128xf32>
    %add3A_57 = arith.addf %slice3A_56, %dot_general3A_8 : vector<256x128xf32>
    %add3A_58 = vector.broadcast %get3A_16 : vector<1x128xf32> to vector<256x128xf32>
    %add3A_59 = arith.addf %add3A_57, %add3A_58 : vector<256x128xf32>
    %max3A_60 = arith.constant 0.000000e+00 : f32
    %max3A_61 = vector.broadcast %max3A_60 : f32 to vector<256x128xf32>
    %max3A_62 = arith.maximumf %add3A_59, %max3A_61 : vector<256x128xf32>
    %slice3A_63 = vector.extract_strided_slice %get3A_1 {offsets = [1792, 0], sizes = [256, 128], strides = [1, 1]} : vector<4096x128xf32> to vector<256x128xf32>
    %add3A_64 = arith.addf %slice3A_63, %dot_general3A_8 : vector<256x128xf32>
    %add3A_65 = vector.broadcast %get3A_16 : vector<1x128xf32> to vector<256x128xf32>
    %add3A_66 = arith.addf %add3A_64, %add3A_65 : vector<256x128xf32>
    %max3A_67 = arith.constant 0.000000e+00 : f32
    %max3A_68 = vector.broadcast %max3A_67 : f32 to vector<256x128xf32>
    %max3A_69 = arith.maximumf %add3A_66, %max3A_68 : vector<256x128xf32>
    %slice3A_70 = vector.extract_strided_slice %get3A_1 {offsets = [2048, 0], sizes = [256, 128], strides = [1, 1]} : vector<4096x128xf32> to vector<256x128xf32>
    %add3A_71 = arith.addf %slice3A_70, %dot_general3A_8 : vector<256x128xf32>
    %add3A_72 = vector.broadcast %get3A_16 : vector<1x128xf32> to vector<256x128xf32>
    %add3A_73 = arith.addf %add3A_71, %add3A_72 : vector<256x128xf32>
    %max3A_74 = arith.constant 0.000000e+00 : f32
    %max3A_75 = vector.broadcast %max3A_74 : f32 to vector<256x128xf32>
    %max3A_76 = arith.maximumf %add3A_73, %max3A_75 : vector<256x128xf32>
    %slice3A_77 = vector.extract_strided_slice %get3A_1 {offsets = [2304, 0], sizes = [256, 128], strides = [1, 1]} : vector<4096x128xf32> to vector<256x128xf32>
    %add3A_78 = arith.addf %slice3A_77, %dot_general3A_8 : vector<256x128xf32>
    %add3A_79 = vector.broadcast %get3A_16 : vector<1x128xf32> to vector<256x128xf32>
    %add3A_80 = arith.addf %add3A_78, %add3A_79 : vector<256x128xf32>
    %max3A_81 = arith.constant 0.000000e+00 : f32
    %max3A_82 = vector.broadcast %max3A_81 : f32 to vector<256x128xf32>
    %max3A_83 = arith.maximumf %add3A_80, %max3A_82 : vector<256x128xf32>
    %slice3A_84 = vector.extract_strided_slice %get3A_1 {offsets = [2560, 0], sizes = [256, 128], strides = [1, 1]} : vector<4096x128xf32> to vector<256x128xf32>
    %add3A_85 = arith.addf %slice3A_84, %dot_general3A_8 : vector<256x128xf32>
    %add3A_86 = vector.broadcast %get3A_16 : vector<1x128xf32> to vector<256x128xf32>
    %add3A_87 = arith.addf %add3A_85, %add3A_86 : vector<256x128xf32>
    %max3A_88 = arith.constant 0.000000e+00 : f32
    %max3A_89 = vector.broadcast %max3A_88 : f32 to vector<256x128xf32>
    %max3A_90 = arith.maximumf %add3A_87, %max3A_89 : vector<256x128xf32>
    %slice3A_91 = vector.extract_strided_slice %get3A_1 {offsets = [2816, 0], sizes = [256, 128], strides = [1, 1]} : vector<4096x128xf32> to vector<256x128xf32>
    %add3A_92 = arith.addf %slice3A_91, %dot_general3A_8 : vector<256x128xf32>
    %add3A_93 = vector.broadcast %get3A_16 : vector<1x128xf32> to vector<256x128xf32>
    %add3A_94 = arith.addf %add3A_92, %add3A_93 : vector<256x128xf32>
    %max3A_95 = arith.constant 0.000000e+00 : f32
    %max3A_96 = vector.broadcast %max3A_95 : f32 to vector<256x128xf32>
    %max3A_97 = arith.maximumf %add3A_94, %max3A_96 : vector<256x128xf32>
    %slice3A_98 = vector.extract_strided_slice %get3A_1 {offsets = [3072, 0], sizes = [256, 128], strides = [1, 1]} : vector<4096x128xf32> to vector<256x128xf32>
    %add3A_99 = arith.addf %slice3A_98, %dot_general3A_8 : vector<256x128xf32>
    %add3A_100 = vector.broadcast %get3A_16 : vector<1x128xf32> to vector<256x128xf32>
    %add3A_101 = arith.addf %add3A_99, %add3A_100 : vector<256x128xf32>
    %max3A_102 = arith.constant 0.000000e+00 : f32
    %max3A_103 = vector.broadcast %max3A_102 : f32 to vector<256x128xf32>
    %max3A_104 = arith.maximumf %add3A_101, %max3A_103 : vector<256x128xf32>
    %slice3A_105 = vector.extract_strided_slice %get3A_1 {offsets = [3328, 0], sizes = [256, 128], strides = [1, 1]} : vector<4096x128xf32> to vector<256x128xf32>
    %add3A_106 = arith.addf %slice3A_105, %dot_general3A_8 : vector<256x128xf32>
    %add3A_107 = vector.broadcast %get3A_16 : vector<1x128xf32> to vector<256x128xf32>
    %add3A_108 = arith.addf %add3A_106, %add3A_107 : vector<256x128xf32>
    %max3A_109 = arith.constant 0.000000e+00 : f32
    %max3A_110 = vector.broadcast %max3A_109 : f32 to vector<256x128xf32>
    %max3A_111 = arith.maximumf %add3A_108, %max3A_110 : vector<256x128xf32>
    %slice3A_112 = vector.extract_strided_slice %get3A_1 {offsets = [3584, 0], sizes = [256, 128], strides = [1, 1]} : vector<4096x128xf32> to vector<256x128xf32>
    %add3A_113 = arith.addf %slice3A_112, %dot_general3A_8 : vector<256x128xf32>
    %add3A_114 = vector.broadcast %get3A_16 : vector<1x128xf32> to vector<256x128xf32>
    %add3A_115 = arith.addf %add3A_113, %add3A_114 : vector<256x128xf32>
    %max3A_116 = arith.constant 0.000000e+00 : f32
    %max3A_117 = vector.broadcast %max3A_116 : f32 to vector<256x128xf32>
    %max3A_118 = arith.maximumf %add3A_115, %max3A_117 : vector<256x128xf32>
    %slice3A_119 = vector.extract_strided_slice %get3A_1 {offsets = [3840, 0], sizes = [256, 128], strides = [1, 1]} : vector<4096x128xf32> to vector<256x128xf32>
    %add3A_120 = arith.addf %slice3A_119, %dot_general3A_8 : vector<256x128xf32>
    %add3A_121 = vector.broadcast %get3A_16 : vector<1x128xf32> to vector<256x128xf32>
    %add3A_122 = arith.addf %add3A_120, %add3A_121 : vector<256x128xf32>
    %max3A_123 = arith.constant 0.000000e+00 : f32
    %max3A_124 = vector.broadcast %max3A_123 : f32 to vector<256x128xf32>
    %max3A_125 = arith.maximumf %add3A_122, %max3A_124 : vector<256x128xf32>
    %concatenate3A = tpu.concatenate %max3A_20, %max3A_27, %max3A_34, %max3A_41, %max3A_48, %max3A_55, %max3A_62, %max3A_69, %max3A_76, %max3A_83, %max3A_90, %max3A_97, %max3A_104, %max3A_111, %max3A_118, %max3A_125 in 0 : vector<256x128xf32>, vector<256x128xf32>, vector<256x128xf32>, vector<256x128xf32>, vector<256x128xf32>, vector<256x128xf32>, vector<256x128xf32>, vector<256x128xf32>, vector<256x128xf32>, vector<256x128xf32>, vector<256x128xf32>, vector<256x128xf32>, vector<256x128xf32>, vector<256x128xf32>, vector<256x128xf32>, vector<256x128xf32> -> vector<4096x128xf32>
    %convert_element_type3A = arith.truncf %concatenate3A : vector<4096x128xf32> to vector<4096x128xbf16>
    %get3A_126 = arith.constant 0 : index
    %get3A_127 = arith.constant 0 : index
    %get3A_128 = vector.load %arg7[%get3A_126, %get3A_127] : memref<128x128xbf16, #tpu.memory_space<vmem>>, vector<128x128xbf16>
    %dot_general3A_129 = arith.constant dense<0.000000e+00> : vector<4096x128xf32>
    %dot_general3A_130 = tpu.matmul %convert_element_type3A, %get3A_128, %dot_general3A_129 {dimension_numbers = #tpu.dot_dimension_numbers<[1], [0], [0], [1], [0, 0, 1, 1], [], []>, transpose_lhs_hint = false} : vector<4096x128xbf16>, vector<128x128xbf16>, vector<4096x128xf32> -> vector<4096x128xf32>
    %get3A_131 = arith.constant 0 : index
    %get3A_132 = arith.constant 0 : index
    %get3A_133 = vector.load %arg10[%get3A_131, %get3A_132] : memref<1x128xf32, #tpu.memory_space<vmem>>, vector<1x128xf32>
    %add3A_134 = vector.broadcast %get3A_133 : vector<1x128xf32> to vector<4096x128xf32>
    %add3A_135 = arith.addf %dot_general3A_130, %add3A_134 : vector<4096x128xf32>
    %max3A_136 = arith.constant 0.000000e+00 : f32
    %max3A_137 = vector.broadcast %max3A_136 : f32 to vector<4096x128xf32>
    %max3A_138 = arith.maximumf %add3A_135, %max3A_137 : vector<4096x128xf32>
    %convert_element_type3A_139 = arith.truncf %max3A_138 : vector<4096x128xf32> to vector<4096x128xbf16>
    %get3A_140 = arith.constant 0 : index
    %get3A_141 = arith.constant 0 : index
    %get3A_142 = vector.load %arg8[%get3A_140, %get3A_141] : memref<128x256xbf16, #tpu.memory_space<vmem>>, vector<128x256xbf16>
    %dot_general3A_143 = arith.constant dense<0.000000e+00> : vector<4096x256xf32>
    %dot_general3A_144 = tpu.matmul %convert_element_type3A_139, %get3A_142, %dot_general3A_143 {dimension_numbers = #tpu.dot_dimension_numbers<[1], [0], [0], [1], [0, 0, 1, 1], [], []>, transpose_lhs_hint = false} : vector<4096x128xbf16>, vector<128x256xbf16>, vector<4096x256xf32> -> vector<4096x256xf32>
    %get3A_145 = arith.constant 0 : index
    %get3A_146 = arith.constant 0 : index
    %get3A_147 = vector.load %arg11[%get3A_145, %get3A_146] : memref<1x256xf32, #tpu.memory_space<vmem>>, vector<1x256xf32>
    %add3A_148 = vector.broadcast %get3A_147 : vector<1x256xf32> to vector<4096x256xf32>
    %add3A_149 = arith.addf %dot_general3A_144, %add3A_148 : vector<4096x256xf32>
    %max3A_150 = arith.constant 0.000000e+00 : f32
    %max3A_151 = vector.broadcast %max3A_150 : f32 to vector<4096x256xf32>
    %max3A_152 = arith.maximumf %add3A_149, %max3A_151 : vector<4096x256xf32>
    %broadcast_in_dim3A = arith.constant 0.000000e+00 : f32
    %broadcast_in_dim3A_153 = vector.broadcast %broadcast_in_dim3A : f32 to vector<256x256xf32>
    %slice3A_154 = vector.extract_strided_slice %transpose3A {offsets = [0, 0], sizes = [256, 1], strides = [1, 1]} : vector<256x16xi32> to vector<256x1xi32>
    %ge3A = arith.constant 1082130432 : i32
    %ge3A_155 = vector.broadcast %ge3A : i32 to vector<256x1xi32>
    %ge3A_156 = arith.cmpi sge, %slice3A_154, %ge3A_155 : vector<256x1xi32>
    %slice3A_157 = vector.extract_strided_slice %max3A_152 {offsets = [0, 0], sizes = [256, 256], strides = [1, 1]} : vector<4096x256xf32> to vector<256x256xf32>
    %jit3A = arith.constant 0.000000e+00 : f32
    %broadcast_in_dim3A_158 = vector.shape_cast %ge3A_156 : vector<256x1xi1> to vector<256x1xi1>
    %broadcast_in_dim3A_159 = vector.broadcast %broadcast_in_dim3A_158 : vector<256x1xi1> to vector<256x256xi1>
    %broadcast_in_dim3A_160 = vector.broadcast %jit3A : f32 to vector<256x256xf32>
    %select_n3A = arith.select %broadcast_in_dim3A_159, %broadcast_in_dim3A_160, %slice3A_157 : vector<256x256xi1>, vector<256x256xf32>
    %max3A_161 = arith.maximumf %broadcast_in_dim3A_153, %select_n3A : vector<256x256xf32>
    %slice3A_162 = vector.extract_strided_slice %transpose3A {offsets = [0, 1], sizes = [256, 1], strides = [1, 1]} : vector<256x16xi32> to vector<256x1xi32>
    %ge3A_163 = arith.constant 1082130432 : i32
    %ge3A_164 = vector.broadcast %ge3A_163 : i32 to vector<256x1xi32>
    %ge3A_165 = arith.cmpi sge, %slice3A_162, %ge3A_164 : vector<256x1xi32>
    %slice3A_166 = vector.extract_strided_slice %max3A_152 {offsets = [256, 0], sizes = [256, 256], strides = [1, 1]} : vector<4096x256xf32> to vector<256x256xf32>
    %jit3A_167 = arith.constant 0.000000e+00 : f32
    %broadcast_in_dim3A_168 = vector.shape_cast %ge3A_165 : vector<256x1xi1> to vector<256x1xi1>
    %broadcast_in_dim3A_169 = vector.broadcast %broadcast_in_dim3A_168 : vector<256x1xi1> to vector<256x256xi1>
    %broadcast_in_dim3A_170 = vector.broadcast %jit3A_167 : f32 to vector<256x256xf32>
    %select_n3A_171 = arith.select %broadcast_in_dim3A_169, %broadcast_in_dim3A_170, %slice3A_166 : vector<256x256xi1>, vector<256x256xf32>
    %max3A_172 = arith.maximumf %max3A_161, %select_n3A_171 : vector<256x256xf32>
    %slice3A_173 = vector.extract_strided_slice %transpose3A {offsets = [0, 2], sizes = [256, 1], strides = [1, 1]} : vector<256x16xi32> to vector<256x1xi32>
    %ge3A_174 = arith.constant 1082130432 : i32
    %ge3A_175 = vector.broadcast %ge3A_174 : i32 to vector<256x1xi32>
    %ge3A_176 = arith.cmpi sge, %slice3A_173, %ge3A_175 : vector<256x1xi32>
    %slice3A_177 = vector.extract_strided_slice %max3A_152 {offsets = [512, 0], sizes = [256, 256], strides = [1, 1]} : vector<4096x256xf32> to vector<256x256xf32>
    %jit3A_178 = arith.constant 0.000000e+00 : f32
    %broadcast_in_dim3A_179 = vector.shape_cast %ge3A_176 : vector<256x1xi1> to vector<256x1xi1>
    %broadcast_in_dim3A_180 = vector.broadcast %broadcast_in_dim3A_179 : vector<256x1xi1> to vector<256x256xi1>
    %broadcast_in_dim3A_181 = vector.broadcast %jit3A_178 : f32 to vector<256x256xf32>
    %select_n3A_182 = arith.select %broadcast_in_dim3A_180, %broadcast_in_dim3A_181, %slice3A_177 : vector<256x256xi1>, vector<256x256xf32>
    %max3A_183 = arith.maximumf %max3A_172, %select_n3A_182 : vector<256x256xf32>
    %slice3A_184 = vector.extract_strided_slice %transpose3A {offsets = [0, 3], sizes = [256, 1], strides = [1, 1]} : vector<256x16xi32> to vector<256x1xi32>
    %ge3A_185 = arith.constant 1082130432 : i32
    %ge3A_186 = vector.broadcast %ge3A_185 : i32 to vector<256x1xi32>
    %ge3A_187 = arith.cmpi sge, %slice3A_184, %ge3A_186 : vector<256x1xi32>
    %slice3A_188 = vector.extract_strided_slice %max3A_152 {offsets = [768, 0], sizes = [256, 256], strides = [1, 1]} : vector<4096x256xf32> to vector<256x256xf32>
    %jit3A_189 = arith.constant 0.000000e+00 : f32
    %broadcast_in_dim3A_190 = vector.shape_cast %ge3A_187 : vector<256x1xi1> to vector<256x1xi1>
    %broadcast_in_dim3A_191 = vector.broadcast %broadcast_in_dim3A_190 : vector<256x1xi1> to vector<256x256xi1>
    %broadcast_in_dim3A_192 = vector.broadcast %jit3A_189 : f32 to vector<256x256xf32>
    %select_n3A_193 = arith.select %broadcast_in_dim3A_191, %broadcast_in_dim3A_192, %slice3A_188 : vector<256x256xi1>, vector<256x256xf32>
    %max3A_194 = arith.maximumf %max3A_183, %select_n3A_193 : vector<256x256xf32>
    %slice3A_195 = vector.extract_strided_slice %transpose3A {offsets = [0, 4], sizes = [256, 1], strides = [1, 1]} : vector<256x16xi32> to vector<256x1xi32>
    %ge3A_196 = arith.constant 1082130432 : i32
    %ge3A_197 = vector.broadcast %ge3A_196 : i32 to vector<256x1xi32>
    %ge3A_198 = arith.cmpi sge, %slice3A_195, %ge3A_197 : vector<256x1xi32>
    %slice3A_199 = vector.extract_strided_slice %max3A_152 {offsets = [1024, 0], sizes = [256, 256], strides = [1, 1]} : vector<4096x256xf32> to vector<256x256xf32>
    %jit3A_200 = arith.constant 0.000000e+00 : f32
    %broadcast_in_dim3A_201 = vector.shape_cast %ge3A_198 : vector<256x1xi1> to vector<256x1xi1>
    %broadcast_in_dim3A_202 = vector.broadcast %broadcast_in_dim3A_201 : vector<256x1xi1> to vector<256x256xi1>
    %broadcast_in_dim3A_203 = vector.broadcast %jit3A_200 : f32 to vector<256x256xf32>
    %select_n3A_204 = arith.select %broadcast_in_dim3A_202, %broadcast_in_dim3A_203, %slice3A_199 : vector<256x256xi1>, vector<256x256xf32>
    %max3A_205 = arith.maximumf %max3A_194, %select_n3A_204 : vector<256x256xf32>
    %slice3A_206 = vector.extract_strided_slice %transpose3A {offsets = [0, 5], sizes = [256, 1], strides = [1, 1]} : vector<256x16xi32> to vector<256x1xi32>
    %ge3A_207 = arith.constant 1082130432 : i32
    %ge3A_208 = vector.broadcast %ge3A_207 : i32 to vector<256x1xi32>
    %ge3A_209 = arith.cmpi sge, %slice3A_206, %ge3A_208 : vector<256x1xi32>
    %slice3A_210 = vector.extract_strided_slice %max3A_152 {offsets = [1280, 0], sizes = [256, 256], strides = [1, 1]} : vector<4096x256xf32> to vector<256x256xf32>
    %jit3A_211 = arith.constant 0.000000e+00 : f32
    %broadcast_in_dim3A_212 = vector.shape_cast %ge3A_209 : vector<256x1xi1> to vector<256x1xi1>
    %broadcast_in_dim3A_213 = vector.broadcast %broadcast_in_dim3A_212 : vector<256x1xi1> to vector<256x256xi1>
    %broadcast_in_dim3A_214 = vector.broadcast %jit3A_211 : f32 to vector<256x256xf32>
    %select_n3A_215 = arith.select %broadcast_in_dim3A_213, %broadcast_in_dim3A_214, %slice3A_210 : vector<256x256xi1>, vector<256x256xf32>
    %max3A_216 = arith.maximumf %max3A_205, %select_n3A_215 : vector<256x256xf32>
    %slice3A_217 = vector.extract_strided_slice %transpose3A {offsets = [0, 6], sizes = [256, 1], strides = [1, 1]} : vector<256x16xi32> to vector<256x1xi32>
    %ge3A_218 = arith.constant 1082130432 : i32
    %ge3A_219 = vector.broadcast %ge3A_218 : i32 to vector<256x1xi32>
    %ge3A_220 = arith.cmpi sge, %slice3A_217, %ge3A_219 : vector<256x1xi32>
    %slice3A_221 = vector.extract_strided_slice %max3A_152 {offsets = [1536, 0], sizes = [256, 256], strides = [1, 1]} : vector<4096x256xf32> to vector<256x256xf32>
    %jit3A_222 = arith.constant 0.000000e+00 : f32
    %broadcast_in_dim3A_223 = vector.shape_cast %ge3A_220 : vector<256x1xi1> to vector<256x1xi1>
    %broadcast_in_dim3A_224 = vector.broadcast %broadcast_in_dim3A_223 : vector<256x1xi1> to vector<256x256xi1>
    %broadcast_in_dim3A_225 = vector.broadcast %jit3A_222 : f32 to vector<256x256xf32>
    %select_n3A_226 = arith.select %broadcast_in_dim3A_224, %broadcast_in_dim3A_225, %slice3A_221 : vector<256x256xi1>, vector<256x256xf32>
    %max3A_227 = arith.maximumf %max3A_216, %select_n3A_226 : vector<256x256xf32>
    %slice3A_228 = vector.extract_strided_slice %transpose3A {offsets = [0, 7], sizes = [256, 1], strides = [1, 1]} : vector<256x16xi32> to vector<256x1xi32>
    %ge3A_229 = arith.constant 1082130432 : i32
    %ge3A_230 = vector.broadcast %ge3A_229 : i32 to vector<256x1xi32>
    %ge3A_231 = arith.cmpi sge, %slice3A_228, %ge3A_230 : vector<256x1xi32>
    %slice3A_232 = vector.extract_strided_slice %max3A_152 {offsets = [1792, 0], sizes = [256, 256], strides = [1, 1]} : vector<4096x256xf32> to vector<256x256xf32>
    %jit3A_233 = arith.constant 0.000000e+00 : f32
    %broadcast_in_dim3A_234 = vector.shape_cast %ge3A_231 : vector<256x1xi1> to vector<256x1xi1>
    %broadcast_in_dim3A_235 = vector.broadcast %broadcast_in_dim3A_234 : vector<256x1xi1> to vector<256x256xi1>
    %broadcast_in_dim3A_236 = vector.broadcast %jit3A_233 : f32 to vector<256x256xf32>
    %select_n3A_237 = arith.select %broadcast_in_dim3A_235, %broadcast_in_dim3A_236, %slice3A_232 : vector<256x256xi1>, vector<256x256xf32>
    %max3A_238 = arith.maximumf %max3A_227, %select_n3A_237 : vector<256x256xf32>
    %slice3A_239 = vector.extract_strided_slice %transpose3A {offsets = [0, 8], sizes = [256, 1], strides = [1, 1]} : vector<256x16xi32> to vector<256x1xi32>
    %ge3A_240 = arith.constant 1082130432 : i32
    %ge3A_241 = vector.broadcast %ge3A_240 : i32 to vector<256x1xi32>
    %ge3A_242 = arith.cmpi sge, %slice3A_239, %ge3A_241 : vector<256x1xi32>
    %slice3A_243 = vector.extract_strided_slice %max3A_152 {offsets = [2048, 0], sizes = [256, 256], strides = [1, 1]} : vector<4096x256xf32> to vector<256x256xf32>
    %jit3A_244 = arith.constant 0.000000e+00 : f32
    %broadcast_in_dim3A_245 = vector.shape_cast %ge3A_242 : vector<256x1xi1> to vector<256x1xi1>
    %broadcast_in_dim3A_246 = vector.broadcast %broadcast_in_dim3A_245 : vector<256x1xi1> to vector<256x256xi1>
    %broadcast_in_dim3A_247 = vector.broadcast %jit3A_244 : f32 to vector<256x256xf32>
    %select_n3A_248 = arith.select %broadcast_in_dim3A_246, %broadcast_in_dim3A_247, %slice3A_243 : vector<256x256xi1>, vector<256x256xf32>
    %max3A_249 = arith.maximumf %max3A_238, %select_n3A_248 : vector<256x256xf32>
    %slice3A_250 = vector.extract_strided_slice %transpose3A {offsets = [0, 9], sizes = [256, 1], strides = [1, 1]} : vector<256x16xi32> to vector<256x1xi32>
    %ge3A_251 = arith.constant 1082130432 : i32
    %ge3A_252 = vector.broadcast %ge3A_251 : i32 to vector<256x1xi32>
    %ge3A_253 = arith.cmpi sge, %slice3A_250, %ge3A_252 : vector<256x1xi32>
    %slice3A_254 = vector.extract_strided_slice %max3A_152 {offsets = [2304, 0], sizes = [256, 256], strides = [1, 1]} : vector<4096x256xf32> to vector<256x256xf32>
    %jit3A_255 = arith.constant 0.000000e+00 : f32
    %broadcast_in_dim3A_256 = vector.shape_cast %ge3A_253 : vector<256x1xi1> to vector<256x1xi1>
    %broadcast_in_dim3A_257 = vector.broadcast %broadcast_in_dim3A_256 : vector<256x1xi1> to vector<256x256xi1>
    %broadcast_in_dim3A_258 = vector.broadcast %jit3A_255 : f32 to vector<256x256xf32>
    %select_n3A_259 = arith.select %broadcast_in_dim3A_257, %broadcast_in_dim3A_258, %slice3A_254 : vector<256x256xi1>, vector<256x256xf32>
    %max3A_260 = arith.maximumf %max3A_249, %select_n3A_259 : vector<256x256xf32>
    %slice3A_261 = vector.extract_strided_slice %transpose3A {offsets = [0, 10], sizes = [256, 1], strides = [1, 1]} : vector<256x16xi32> to vector<256x1xi32>
    %ge3A_262 = arith.constant 1082130432 : i32
    %ge3A_263 = vector.broadcast %ge3A_262 : i32 to vector<256x1xi32>
    %ge3A_264 = arith.cmpi sge, %slice3A_261, %ge3A_263 : vector<256x1xi32>
    %slice3A_265 = vector.extract_strided_slice %max3A_152 {offsets = [2560, 0], sizes = [256, 256], strides = [1, 1]} : vector<4096x256xf32> to vector<256x256xf32>
    %jit3A_266 = arith.constant 0.000000e+00 : f32
    %broadcast_in_dim3A_267 = vector.shape_cast %ge3A_264 : vector<256x1xi1> to vector<256x1xi1>
    %broadcast_in_dim3A_268 = vector.broadcast %broadcast_in_dim3A_267 : vector<256x1xi1> to vector<256x256xi1>
    %broadcast_in_dim3A_269 = vector.broadcast %jit3A_266 : f32 to vector<256x256xf32>
    %select_n3A_270 = arith.select %broadcast_in_dim3A_268, %broadcast_in_dim3A_269, %slice3A_265 : vector<256x256xi1>, vector<256x256xf32>
    %max3A_271 = arith.maximumf %max3A_260, %select_n3A_270 : vector<256x256xf32>
    %slice3A_272 = vector.extract_strided_slice %transpose3A {offsets = [0, 11], sizes = [256, 1], strides = [1, 1]} : vector<256x16xi32> to vector<256x1xi32>
    %ge3A_273 = arith.constant 1082130432 : i32
    %ge3A_274 = vector.broadcast %ge3A_273 : i32 to vector<256x1xi32>
    %ge3A_275 = arith.cmpi sge, %slice3A_272, %ge3A_274 : vector<256x1xi32>
    %slice3A_276 = vector.extract_strided_slice %max3A_152 {offsets = [2816, 0], sizes = [256, 256], strides = [1, 1]} : vector<4096x256xf32> to vector<256x256xf32>
    %jit3A_277 = arith.constant 0.000000e+00 : f32
    %broadcast_in_dim3A_278 = vector.shape_cast %ge3A_275 : vector<256x1xi1> to vector<256x1xi1>
    %broadcast_in_dim3A_279 = vector.broadcast %broadcast_in_dim3A_278 : vector<256x1xi1> to vector<256x256xi1>
    %broadcast_in_dim3A_280 = vector.broadcast %jit3A_277 : f32 to vector<256x256xf32>
    %select_n3A_281 = arith.select %broadcast_in_dim3A_279, %broadcast_in_dim3A_280, %slice3A_276 : vector<256x256xi1>, vector<256x256xf32>
    %max3A_282 = arith.maximumf %max3A_271, %select_n3A_281 : vector<256x256xf32>
    %slice3A_283 = vector.extract_strided_slice %transpose3A {offsets = [0, 12], sizes = [256, 1], strides = [1, 1]} : vector<256x16xi32> to vector<256x1xi32>
    %ge3A_284 = arith.constant 1082130432 : i32
    %ge3A_285 = vector.broadcast %ge3A_284 : i32 to vector<256x1xi32>
    %ge3A_286 = arith.cmpi sge, %slice3A_283, %ge3A_285 : vector<256x1xi32>
    %slice3A_287 = vector.extract_strided_slice %max3A_152 {offsets = [3072, 0], sizes = [256, 256], strides = [1, 1]} : vector<4096x256xf32> to vector<256x256xf32>
    %jit3A_288 = arith.constant 0.000000e+00 : f32
    %broadcast_in_dim3A_289 = vector.shape_cast %ge3A_286 : vector<256x1xi1> to vector<256x1xi1>
    %broadcast_in_dim3A_290 = vector.broadcast %broadcast_in_dim3A_289 : vector<256x1xi1> to vector<256x256xi1>
    %broadcast_in_dim3A_291 = vector.broadcast %jit3A_288 : f32 to vector<256x256xf32>
    %select_n3A_292 = arith.select %broadcast_in_dim3A_290, %broadcast_in_dim3A_291, %slice3A_287 : vector<256x256xi1>, vector<256x256xf32>
    %max3A_293 = arith.maximumf %max3A_282, %select_n3A_292 : vector<256x256xf32>
    %slice3A_294 = vector.extract_strided_slice %transpose3A {offsets = [0, 13], sizes = [256, 1], strides = [1, 1]} : vector<256x16xi32> to vector<256x1xi32>
    %ge3A_295 = arith.constant 1082130432 : i32
    %ge3A_296 = vector.broadcast %ge3A_295 : i32 to vector<256x1xi32>
    %ge3A_297 = arith.cmpi sge, %slice3A_294, %ge3A_296 : vector<256x1xi32>
    %slice3A_298 = vector.extract_strided_slice %max3A_152 {offsets = [3328, 0], sizes = [256, 256], strides = [1, 1]} : vector<4096x256xf32> to vector<256x256xf32>
    %jit3A_299 = arith.constant 0.000000e+00 : f32
    %broadcast_in_dim3A_300 = vector.shape_cast %ge3A_297 : vector<256x1xi1> to vector<256x1xi1>
    %broadcast_in_dim3A_301 = vector.broadcast %broadcast_in_dim3A_300 : vector<256x1xi1> to vector<256x256xi1>
    %broadcast_in_dim3A_302 = vector.broadcast %jit3A_299 : f32 to vector<256x256xf32>
    %select_n3A_303 = arith.select %broadcast_in_dim3A_301, %broadcast_in_dim3A_302, %slice3A_298 : vector<256x256xi1>, vector<256x256xf32>
    %max3A_304 = arith.maximumf %max3A_293, %select_n3A_303 : vector<256x256xf32>
    %slice3A_305 = vector.extract_strided_slice %transpose3A {offsets = [0, 14], sizes = [256, 1], strides = [1, 1]} : vector<256x16xi32> to vector<256x1xi32>
    %ge3A_306 = arith.constant 1082130432 : i32
    %ge3A_307 = vector.broadcast %ge3A_306 : i32 to vector<256x1xi32>
    %ge3A_308 = arith.cmpi sge, %slice3A_305, %ge3A_307 : vector<256x1xi32>
    %slice3A_309 = vector.extract_strided_slice %max3A_152 {offsets = [3584, 0], sizes = [256, 256], strides = [1, 1]} : vector<4096x256xf32> to vector<256x256xf32>
    %jit3A_310 = arith.constant 0.000000e+00 : f32
    %broadcast_in_dim3A_311 = vector.shape_cast %ge3A_308 : vector<256x1xi1> to vector<256x1xi1>
    %broadcast_in_dim3A_312 = vector.broadcast %broadcast_in_dim3A_311 : vector<256x1xi1> to vector<256x256xi1>
    %broadcast_in_dim3A_313 = vector.broadcast %jit3A_310 : f32 to vector<256x256xf32>
    %select_n3A_314 = arith.select %broadcast_in_dim3A_312, %broadcast_in_dim3A_313, %slice3A_309 : vector<256x256xi1>, vector<256x256xf32>
    %max3A_315 = arith.maximumf %max3A_304, %select_n3A_314 : vector<256x256xf32>
    %slice3A_316 = vector.extract_strided_slice %transpose3A {offsets = [0, 15], sizes = [256, 1], strides = [1, 1]} : vector<256x16xi32> to vector<256x1xi32>
    %ge3A_317 = arith.constant 1082130432 : i32
    %ge3A_318 = vector.broadcast %ge3A_317 : i32 to vector<256x1xi32>
    %ge3A_319 = arith.cmpi sge, %slice3A_316, %ge3A_318 : vector<256x1xi32>
    %slice3A_320 = vector.extract_strided_slice %max3A_152 {offsets = [3840, 0], sizes = [256, 256], strides = [1, 1]} : vector<4096x256xf32> to vector<256x256xf32>
    %jit3A_321 = arith.constant 0.000000e+00 : f32
    %broadcast_in_dim3A_322 = vector.shape_cast %ge3A_319 : vector<256x1xi1> to vector<256x1xi1>
    %broadcast_in_dim3A_323 = vector.broadcast %broadcast_in_dim3A_322 : vector<256x1xi1> to vector<256x256xi1>
    %broadcast_in_dim3A_324 = vector.broadcast %jit3A_321 : f32 to vector<256x256xf32>
    %select_n3A_325 = arith.select %broadcast_in_dim3A_323, %broadcast_in_dim3A_324, %slice3A_320 : vector<256x256xi1>, vector<256x256xf32>
    %max3A_326 = arith.maximumf %max3A_315, %select_n3A_325 : vector<256x256xf32>
    %get3A_327 = arith.constant 0 : index
    %get3A_328 = arith.constant 0 : index
    %get3A_329 = arith.constant 0 : index
    %get3A_330 = vector.load %arg4[%get3A_327, %get3A_328, %get3A_329] : memref<1x8x256xf32, #tpu.memory_space<vmem>>, vector<1x3x256xf32>
    %get3A_331 = vector.shape_cast %get3A_330 : vector<1x3x256xf32> to vector<3x256xf32>
    %swap3A = arith.constant 0 : index
    %swap3A_332 = arith.constant 0 : index
    %swap3A_333 = arith.constant 0 : index
    %swap3A_334 = vector.load %arg12[%swap3A, %swap3A_332, %swap3A_333] : memref<1x259x256xf32, #tpu.memory_space<vmem>>, vector<1x3x256xf32>
    %swap3A_335 = vector.shape_cast %swap3A_334 : vector<1x3x256xf32> to vector<3x256xf32>
    %swap3A_336 = vector.shape_cast %get3A_331 : vector<3x256xf32> to vector<1x3x256xf32>
    tpu.vector_store %arg12[%swap3A, %swap3A_332, %swap3A_333], %swap3A_336 {strides = array<i32>} : memref<1x259x256xf32, #tpu.memory_space<vmem>>, vector<1x3x256xf32>,
    %transpose3A_337 = tpu.transpose %max3A_326, [1, 0] : vector<256x256xf32> -> vector<256x256xf32>
    %swap3A_338 = arith.constant 0 : index
    %swap3A_339 = arith.constant 3 : index
    %swap3A_340 = arith.constant 0 : index
    %swap3A_341 = vector.load %arg12[%swap3A_338, %swap3A_339, %swap3A_340] : memref<1x259x256xf32, #tpu.memory_space<vmem>>, vector<1x256x256xf32>
    %swap3A_342 = vector.shape_cast %swap3A_341 : vector<1x256x256xf32> to vector<256x256xf32>
    %swap3A_343 = vector.shape_cast %transpose3A_337 : vector<256x256xf32> to vector<1x256x256xf32>
    tpu.vector_store %arg12[%swap3A_338, %swap3A_339, %swap3A_340], %swap3A_343 {strides = array<i32>} : memref<1x259x256xf32, #tpu.memory_space<vmem>>, vector<1x256x256xf32>,
    return
  }
  func.func @transform_1(%arg0: i32) -> (i32, i32) {
    %c0_i32 = arith.constant 0 : i32
    %c0_i32_0 = arith.constant 0 : i32
    return %arg0, %c0_i32 : i32, i32
  }
  func.func @transform_2(%arg0: i32) -> (i32, i32) {
    %c0_i32 = arith.constant 0 : i32
    %c0_i32_0 = arith.constant 0 : i32
    return %arg0, %c0_i32 : i32, i32
  }
  func.func @transform_3(%arg0: i32) -> (i32, i32, i32) {
    %c0_i32 = arith.constant 0 : i32
    %c0_i32_0 = arith.constant 0 : i32
    %c0_i32_1 = arith.constant 0 : i32
    return %c0_i32, %c0_i32_0, %arg0 : i32, i32, i32
  }
  func.func @transform_4(%arg0: i32) -> (i32, i32, i32) {
    %c0_i32 = arith.constant 0 : i32
    %c0_i32_0 = arith.constant 0 : i32
    %c0_i32_1 = arith.constant 0 : i32
    return %arg0, %c0_i32, %c0_i32_0 : i32, i32, i32
  }
  func.func @transform_5(%arg0: i32) -> (i32, i32) {
    %c0_i32 = arith.constant 0 : i32
    %c0_i32_0 = arith.constant 0 : i32
    %c0_i32_1 = arith.constant 0 : i32
    return %c0_i32, %c0_i32_0 : i32, i32
  }
  func.func @transform_6(%arg0: i32) -> (i32, i32) {
    %c0_i32 = arith.constant 0 : i32
    %c0_i32_0 = arith.constant 0 : i32
    %c0_i32_1 = arith.constant 0 : i32
    return %c0_i32, %c0_i32_0 : i32, i32
  }
  func.func @transform_7(%arg0: i32) -> (i32, i32) {
    %c0_i32 = arith.constant 0 : i32
    %c0_i32_0 = arith.constant 0 : i32
    %c0_i32_1 = arith.constant 0 : i32
    return %c0_i32, %c0_i32_0 : i32, i32
  }
  func.func @transform_8(%arg0: i32) -> (i32, i32) {
    %c0_i32 = arith.constant 0 : i32
    %c0_i32_0 = arith.constant 0 : i32
    %c0_i32_1 = arith.constant 0 : i32
    return %c0_i32, %c0_i32_0 : i32, i32
  }
  func.func @transform_9(%arg0: i32) -> (i32, i32) {
    %c0_i32 = arith.constant 0 : i32
    %c0_i32_0 = arith.constant 0 : i32
    %c0_i32_1 = arith.constant 0 : i32
    return %c0_i32, %c0_i32_0 : i32, i32
  }
  func.func @transform_10(%arg0: i32) -> (i32, i32) {
    %c0_i32 = arith.constant 0 : i32
    %c0_i32_0 = arith.constant 0 : i32
    %c0_i32_1 = arith.constant 0 : i32
    return %c0_i32, %c0_i32_0 : i32, i32
  }
  func.func @transform_11(%arg0: i32) -> (i32, i32, i32) {
    %c1_i32 = arith.constant 1 : i32
    %c0_i32 = arith.constant 0 : i32
    %c0_i32_0 = arith.constant 0 : i32
    return %c1_i32, %c0_i32, %arg0 : i32, i32, i32
  }
}

module attributes {stable_mosaic.version = 14 : i64} {
  func.func @_mlp_body(%arg0: i32, %arg1: memref<4x259x2048xf32, #tpu.memory_space<any>>, %arg2: memref<4096x128xf32, #tpu.memory_space<vmem>>, %arg3: memref<256x72xbf16, #tpu.memory_space<vmem>>, %arg4: memref<1x8x256xf32, #tpu.memory_space<vmem>>, %arg5: memref<1x16x256xi32, #tpu.memory_space<vmem>>, %arg6: memref<72x128xbf16, #tpu.memory_space<vmem>>, %arg7: memref<128x128xbf16, #tpu.memory_space<vmem>>, %arg8: memref<128x256xbf16, #tpu.memory_space<vmem>>, %arg9: memref<1x128xf32, #tpu.memory_space<vmem>>, %arg10: memref<1x128xf32, #tpu.memory_space<vmem>>, %arg11: memref<1x256xf32, #tpu.memory_space<vmem>>, %arg12: memref<1x259x256xf32, #tpu.memory_space<vmem>>) attributes {dimension_semantics = [#tpu.dimension_semantics<arbitrary>], iteration_bounds = array<i64: 8>, scalar_prefetch = 0 : i64, scratch_operands = 0 : i64, tpu.core_type = #tpu.core_type<tc>, window_params = [{}, {transform_indices = @transform_1, window_bounds = array<i64: 4096, 128>}, {transform_indices = @transform_2, window_bounds = array<i64: 256, 72>}, {transform_indices = @transform_3, window_bounds = array<i64: 1, 8, 256>}, {transform_indices = @transform_4, window_bounds = array<i64: 1, 16, 256>}, {pipeline_mode = #tpu.pipeline_mode<synchronous>, transform_indices = @transform_5, window_bounds = array<i64: 72, 128>}, {pipeline_mode = #tpu.pipeline_mode<synchronous>, transform_indices = @transform_6, window_bounds = array<i64: 128, 128>}, {pipeline_mode = #tpu.pipeline_mode<synchronous>, transform_indices = @transform_7, window_bounds = array<i64: 128, 256>}, {pipeline_mode = #tpu.pipeline_mode<synchronous>, transform_indices = @transform_8, window_bounds = array<i64: 1, 128>}, {pipeline_mode = #tpu.pipeline_mode<synchronous>, transform_indices = @transform_9, window_bounds = array<i64: 1, 128>}, {pipeline_mode = #tpu.pipeline_mode<synchronous>, transform_indices = @transform_10, window_bounds = array<i64: 1, 256>}, {transform_indices = @transform_11, window_bounds = array<i64: 1, 259, 256>}]} {
    %get3A = arith.constant 0 : index
    %get3A_0 = arith.constant 0 : index
    %get3A_1 = vector.load %arg2[%get3A, %get3A_0] : memref<4096x128xf32, #tpu.memory_space<vmem>>, vector<4096x128xf32>
    %get3A_2 = arith.constant 0 : index
    %get3A_3 = arith.constant 0 : index
    %get3A_4 = vector.load %arg3[%get3A_2, %get3A_3] : memref<256x72xbf16, #tpu.memory_space<vmem>>, vector<256x72xbf16>
    %get3A_5 = arith.constant 0 : index
    %get3A_6 = arith.constant 0 : index
    %get3A_7 = vector.load %arg6[%get3A_5, %get3A_6] : memref<72x128xbf16, #tpu.memory_space<vmem>>, vector<72x128xbf16>
    %dot_general3A = arith.constant dense<0.000000e+00> : vector<256x128xf32>
    %dot_general3A_8 = tpu.matmul %get3A_4, %get3A_7, %dot_general3A {dimension_numbers = #tpu.dot_dimension_numbers<[1], [0], [0], [1], [0, 0, 1, 1], [], []>, transpose_lhs_hint = false} : vector<256x72xbf16>, vector<72x128xbf16>, vector<256x128xf32> -> vector<256x128xf32>
    %get3A_9 = arith.constant 0 : index
    %get3A_10 = arith.constant 0 : index
    %get3A_11 = arith.constant 0 : index
    %get3A_12 = vector.load %arg5[%get3A_9, %get3A_10, %get3A_11] : memref<1x16x256xi32, #tpu.memory_space<vmem>>, vector<1x16x256xi32>
    %get3A_13 = vector.shape_cast %get3A_12 : vector<1x16x256xi32> to vector<16x256xi32>
    %transpose3A = tpu.transpose %get3A_13, [1, 0] : vector<16x256xi32> -> vector<256x16xi32>
    %get3A_14 = arith.constant 0 : index
    %get3A_15 = arith.constant 0 : index
    %get3A_16 = vector.load %arg9[%get3A_14, %get3A_15] : memref<1x128xf32, #tpu.memory_space<vmem>>, vector<1x128xf32>
    %slice3A = vector.extract_strided_slice %get3A_1 {offsets = [0, 0], sizes = [256, 128], strides = [1, 1]} : vector<4096x128xf32> to vector<256x128xf32>
    %add3A = arith.addf %slice3A, %dot_general3A_8 : vector<256x128xf32>
    %add3A_17 = vector.broadcast %get3A_16 : vector<1x128xf32> to vector<256x128xf32>
    %add3A_18 = arith.addf %add3A, %add3A_17 : vector<256x128xf32>
    %max3A = arith.constant 0.000000e+00 : f32
    %max3A_19 = vector.broadcast %max3A : f32 to vector<256x128xf32>
    %max3A_20 = arith.maximumf %add3A_18, %max3A_19 : vector<256x128xf32>
    %slice3A_21 = vector.extract_strided_slice %get3A_1 {offsets = [256, 0], sizes = [256, 128], strides = [1, 1]} : vector<4096x128xf32> to vector<256x128xf32>
    %add3A_22 = arith.addf %slice3A_21, %dot_general3A_8 : vector<256x128xf32>
    %add3A_23 = vector.broadcast %get3A_16 : vector<1x128xf32> to vector<256x128xf32>
    %add3A_24 = arith.addf %add3A_22, %add3A_23 : vector<256x128xf32>
    %max3A_25 = arith.constant 0.000000e+00 : f32
    %max3A_26 = vector.broadcast %max3A_25 : f32 to vector<256x128xf32>
    %max3A_27 = arith.maximumf %add3A_24, %max3A_26 : vector<256x128xf32>
    %slice3A_28 = vector.extract_strided_slice %get3A_1 {offsets = [512, 0], sizes = [256, 128], strides = [1, 1]} : vector<4096x128xf32> to vector<256x128xf32>
    %add3A_29 = arith.addf %slice3A_28, %dot_general3A_8 : vector<256x128xf32>
    %add3A_30 = vector.broadcast %get3A_16 : vector<1x128xf32> to vector<256x128xf32>
    %add3A_31 = arith.addf %add3A_29, %add3A_30 : vector<256x128xf32>
    %max3A_32 = arith.constant 0.000000e+00 : f32
    %max3A_33 = vector.broadcast %max3A_32 : f32 to vector<256x128xf32>
    %max3A_34 = arith.maximumf %add3A_31, %max3A_33 : vector<256x128xf32>
    %slice3A_35 = vector.extract_strided_slice %get3A_1 {offsets = [768, 0], sizes = [256, 128], strides = [1, 1]} : vector<4096x128xf32> to vector<256x128xf32>
    %add3A_36 = arith.addf %slice3A_35, %dot_general3A_8 : vector<256x128xf32>
    %add3A_37 = vector.broadcast %get3A_16 : vector<1x128xf32> to vector<256x128xf32>
    %add3A_38 = arith.addf %add3A_36, %add3A_37 : vector<256x128xf32>
    %max3A_39 = arith.constant 0.000000e+00 : f32
    %max3A_40 = vector.broadcast %max3A_39 : f32 to vector<256x128xf32>
    %max3A_41 = arith.maximumf %add3A_38, %max3A_40 : vector<256x128xf32>
    %slice3A_42 = vector.extract_strided_slice %get3A_1 {offsets = [1024, 0], sizes = [256, 128], strides = [1, 1]} : vector<4096x128xf32> to vector<256x128xf32>
    %add3A_43 = arith.addf %slice3A_42, %dot_general3A_8 : vector<256x128xf32>
    %add3A_44 = vector.broadcast %get3A_16 : vector<1x128xf32> to vector<256x128xf32>
    %add3A_45 = arith.addf %add3A_43, %add3A_44 : vector<256x128xf32>
    %max3A_46 = arith.constant 0.000000e+00 : f32
    %max3A_47 = vector.broadcast %max3A_46 : f32 to vector<256x128xf32>
    %max3A_48 = arith.maximumf %add3A_45, %max3A_47 : vector<256x128xf32>
    %slice3A_49 = vector.extract_strided_slice %get3A_1 {offsets = [1280, 0], sizes = [256, 128], strides = [1, 1]} : vector<4096x128xf32> to vector<256x128xf32>
    %add3A_50 = arith.addf %slice3A_49, %dot_general3A_8 : vector<256x128xf32>
    %add3A_51 = vector.broadcast %get3A_16 : vector<1x128xf32> to vector<256x128xf32>
    %add3A_52 = arith.addf %add3A_50, %add3A_51 : vector<256x128xf32>
    %max3A_53 = arith.constant 0.000000e+00 : f32
    %max3A_54 = vector.broadcast %max3A_53 : f32 to vector<256x128xf32>
    %max3A_55 = arith.maximumf %add3A_52, %max3A_54 : vector<256x128xf32>
    %slice3A_56 = vector.extract_strided_slice %get3A_1 {offsets = [1536, 0], sizes = [256, 128], strides = [1, 1]} : vector<4096x128xf32> to vector<256x128xf32>
    %add3A_57 = arith.addf %slice3A_56, %dot_general3A_8 : vector<256x128xf32>
    %add3A_58 = vector.broadcast %get3A_16 : vector<1x128xf32> to vector<256x128xf32>
    %add3A_59 = arith.addf %add3A_57, %add3A_58 : vector<256x128xf32>
    %max3A_60 = arith.constant 0.000000e+00 : f32
    %max3A_61 = vector.broadcast %max3A_60 : f32 to vector<256x128xf32>
    %max3A_62 = arith.maximumf %add3A_59, %max3A_61 : vector<256x128xf32>
    %slice3A_63 = vector.extract_strided_slice %get3A_1 {offsets = [1792, 0], sizes = [256, 128], strides = [1, 1]} : vector<4096x128xf32> to vector<256x128xf32>
    %add3A_64 = arith.addf %slice3A_63, %dot_general3A_8 : vector<256x128xf32>
    %add3A_65 = vector.broadcast %get3A_16 : vector<1x128xf32> to vector<256x128xf32>
    %add3A_66 = arith.addf %add3A_64, %add3A_65 : vector<256x128xf32>
    %max3A_67 = arith.constant 0.000000e+00 : f32
    %max3A_68 = vector.broadcast %max3A_67 : f32 to vector<256x128xf32>
    %max3A_69 = arith.maximumf %add3A_66, %max3A_68 : vector<256x128xf32>
    %slice3A_70 = vector.extract_strided_slice %get3A_1 {offsets = [2048, 0], sizes = [256, 128], strides = [1, 1]} : vector<4096x128xf32> to vector<256x128xf32>
    %add3A_71 = arith.addf %slice3A_70, %dot_general3A_8 : vector<256x128xf32>
    %add3A_72 = vector.broadcast %get3A_16 : vector<1x128xf32> to vector<256x128xf32>
    %add3A_73 = arith.addf %add3A_71, %add3A_72 : vector<256x128xf32>
    %max3A_74 = arith.constant 0.000000e+00 : f32
    %max3A_75 = vector.broadcast %max3A_74 : f32 to vector<256x128xf32>
    %max3A_76 = arith.maximumf %add3A_73, %max3A_75 : vector<256x128xf32>
    %slice3A_77 = vector.extract_strided_slice %get3A_1 {offsets = [2304, 0], sizes = [256, 128], strides = [1, 1]} : vector<4096x128xf32> to vector<256x128xf32>
    %add3A_78 = arith.addf %slice3A_77, %dot_general3A_8 : vector<256x128xf32>
    %add3A_79 = vector.broadcast %get3A_16 : vector<1x128xf32> to vector<256x128xf32>
    %add3A_80 = arith.addf %add3A_78, %add3A_79 : vector<256x128xf32>
    %max3A_81 = arith.constant 0.000000e+00 : f32
    %max3A_82 = vector.broadcast %max3A_81 : f32 to vector<256x128xf32>
    %max3A_83 = arith.maximumf %add3A_80, %max3A_82 : vector<256x128xf32>
    %slice3A_84 = vector.extract_strided_slice %get3A_1 {offsets = [2560, 0], sizes = [256, 128], strides = [1, 1]} : vector<4096x128xf32> to vector<256x128xf32>
    %add3A_85 = arith.addf %slice3A_84, %dot_general3A_8 : vector<256x128xf32>
    %add3A_86 = vector.broadcast %get3A_16 : vector<1x128xf32> to vector<256x128xf32>
    %add3A_87 = arith.addf %add3A_85, %add3A_86 : vector<256x128xf32>
    %max3A_88 = arith.constant 0.000000e+00 : f32
    %max3A_89 = vector.broadcast %max3A_88 : f32 to vector<256x128xf32>
    %max3A_90 = arith.maximumf %add3A_87, %max3A_89 : vector<256x128xf32>
    %slice3A_91 = vector.extract_strided_slice %get3A_1 {offsets = [2816, 0], sizes = [256, 128], strides = [1, 1]} : vector<4096x128xf32> to vector<256x128xf32>
    %add3A_92 = arith.addf %slice3A_91, %dot_general3A_8 : vector<256x128xf32>
    %add3A_93 = vector.broadcast %get3A_16 : vector<1x128xf32> to vector<256x128xf32>
    %add3A_94 = arith.addf %add3A_92, %add3A_93 : vector<256x128xf32>
    %max3A_95 = arith.constant 0.000000e+00 : f32
    %max3A_96 = vector.broadcast %max3A_95 : f32 to vector<256x128xf32>
    %max3A_97 = arith.maximumf %add3A_94, %max3A_96 : vector<256x128xf32>
    %slice3A_98 = vector.extract_strided_slice %get3A_1 {offsets = [3072, 0], sizes = [256, 128], strides = [1, 1]} : vector<4096x128xf32> to vector<256x128xf32>
    %add3A_99 = arith.addf %slice3A_98, %dot_general3A_8 : vector<256x128xf32>
    %add3A_100 = vector.broadcast %get3A_16 : vector<1x128xf32> to vector<256x128xf32>
    %add3A_101 = arith.addf %add3A_99, %add3A_100 : vector<256x128xf32>
    %max3A_102 = arith.constant 0.000000e+00 : f32
    %max3A_103 = vector.broadcast %max3A_102 : f32 to vector<256x128xf32>
    %max3A_104 = arith.maximumf %add3A_101, %max3A_103 : vector<256x128xf32>
    %slice3A_105 = vector.extract_strided_slice %get3A_1 {offsets = [3328, 0], sizes = [256, 128], strides = [1, 1]} : vector<4096x128xf32> to vector<256x128xf32>
    %add3A_106 = arith.addf %slice3A_105, %dot_general3A_8 : vector<256x128xf32>
    %add3A_107 = vector.broadcast %get3A_16 : vector<1x128xf32> to vector<256x128xf32>
    %add3A_108 = arith.addf %add3A_106, %add3A_107 : vector<256x128xf32>
    %max3A_109 = arith.constant 0.000000e+00 : f32
    %max3A_110 = vector.broadcast %max3A_109 : f32 to vector<256x128xf32>
    %max3A_111 = arith.maximumf %add3A_108, %max3A_110 : vector<256x128xf32>
    %slice3A_112 = vector.extract_strided_slice %get3A_1 {offsets = [3584, 0], sizes = [256, 128], strides = [1, 1]} : vector<4096x128xf32> to vector<256x128xf32>
    %add3A_113 = arith.addf %slice3A_112, %dot_general3A_8 : vector<256x128xf32>
    %add3A_114 = vector.broadcast %get3A_16 : vector<1x128xf32> to vector<256x128xf32>
    %add3A_115 = arith.addf %add3A_113, %add3A_114 : vector<256x128xf32>
    %max3A_116 = arith.constant 0.000000e+00 : f32
    %max3A_117 = vector.broadcast %max3A_116 : f32 to vector<256x128xf32>
    %max3A_118 = arith.maximumf %add3A_115, %max3A_117 : vector<256x128xf32>
    %slice3A_119 = vector.extract_strided_slice %get3A_1 {offsets = [3840, 0], sizes = [256, 128], strides = [1, 1]} : vector<4096x128xf32> to vector<256x128xf32>
    %add3A_120 = arith.addf %slice3A_119, %dot_general3A_8 : vector<256x128xf32>
    %add3A_121 = vector.broadcast %get3A_16 : vector<1x128xf32> to vector<256x128xf32>
    %add3A_122 = arith.addf %add3A_120, %add3A_121 : vector<256x128xf32>
    %max3A_123 = arith.constant 0.000000e+00 : f32
    %max3A_124 = vector.broadcast %max3A_123 : f32 to vector<256x128xf32>
    %max3A_125 = arith.maximumf %add3A_122, %max3A_124 : vector<256x128xf32>
    %concatenate3A = tpu.concatenate %max3A_20, %max3A_27, %max3A_34, %max3A_41, %max3A_48, %max3A_55, %max3A_62, %max3A_69, %max3A_76, %max3A_83, %max3A_90, %max3A_97, %max3A_104, %max3A_111, %max3A_118, %max3A_125 in 0 : vector<256x128xf32>, vector<256x128xf32>, vector<256x128xf32>, vector<256x128xf32>, vector<256x128xf32>, vector<256x128xf32>, vector<256x128xf32>, vector<256x128xf32>, vector<256x128xf32>, vector<256x128xf32>, vector<256x128xf32>, vector<256x128xf32>, vector<256x128xf32>, vector<256x128xf32>, vector<256x128xf32>, vector<256x128xf32> -> vector<4096x128xf32>
    %convert_element_type3A = arith.truncf %concatenate3A : vector<4096x128xf32> to vector<4096x128xbf16>
    %get3A_126 = arith.constant 0 : index
    %get3A_127 = arith.constant 0 : index
    %get3A_128 = vector.load %arg7[%get3A_126, %get3A_127] : memref<128x128xbf16, #tpu.memory_space<vmem>>, vector<128x128xbf16>
    %dot_general3A_129 = arith.constant dense<0.000000e+00> : vector<4096x128xf32>
    %dot_general3A_130 = tpu.matmul %convert_element_type3A, %get3A_128, %dot_general3A_129 {dimension_numbers = #tpu.dot_dimension_numbers<[1], [0], [0], [1], [0, 0, 1, 1], [], []>, transpose_lhs_hint = false} : vector<4096x128xbf16>, vector<128x128xbf16>, vector<4096x128xf32> -> vector<4096x128xf32>
    %get3A_131 = arith.constant 0 : index
    %get3A_132 = arith.constant 0 : index
    %get3A_133 = vector.load %arg10[%get3A_131, %get3A_132] : memref<1x128xf32, #tpu.memory_space<vmem>>, vector<1x128xf32>
    %add3A_134 = vector.broadcast %get3A_133 : vector<1x128xf32> to vector<4096x128xf32>
    %add3A_135 = arith.addf %dot_general3A_130, %add3A_134 : vector<4096x128xf32>
    %max3A_136 = arith.constant 0.000000e+00 : f32
    %max3A_137 = vector.broadcast %max3A_136 : f32 to vector<4096x128xf32>
    %max3A_138 = arith.maximumf %add3A_135, %max3A_137 : vector<4096x128xf32>
    %convert_element_type3A_139 = arith.truncf %max3A_138 : vector<4096x128xf32> to vector<4096x128xbf16>
    %get3A_140 = arith.constant 0 : index
    %get3A_141 = arith.constant 0 : index
    %get3A_142 = vector.load %arg8[%get3A_140, %get3A_141] : memref<128x256xbf16, #tpu.memory_space<vmem>>, vector<128x256xbf16>
    %dot_general3A_143 = arith.constant dense<0.000000e+00> : vector<4096x256xf32>
    %dot_general3A_144 = tpu.matmul %convert_element_type3A_139, %get3A_142, %dot_general3A_143 {dimension_numbers = #tpu.dot_dimension_numbers<[1], [0], [0], [1], [0, 0, 1, 1], [], []>, transpose_lhs_hint = false} : vector<4096x128xbf16>, vector<128x256xbf16>, vector<4096x256xf32> -> vector<4096x256xf32>
    %get3A_145 = arith.constant 0 : index
    %get3A_146 = arith.constant 0 : index
    %get3A_147 = vector.load %arg11[%get3A_145, %get3A_146] : memref<1x256xf32, #tpu.memory_space<vmem>>, vector<1x256xf32>
    %add3A_148 = vector.broadcast %get3A_147 : vector<1x256xf32> to vector<4096x256xf32>
    %add3A_149 = arith.addf %dot_general3A_144, %add3A_148 : vector<4096x256xf32>
    %max3A_150 = arith.constant 0.000000e+00 : f32
    %max3A_151 = vector.broadcast %max3A_150 : f32 to vector<4096x256xf32>
    %max3A_152 = arith.maximumf %add3A_149, %max3A_151 : vector<4096x256xf32>
    %broadcast_in_dim3A = arith.constant 0.000000e+00 : f32
    %broadcast_in_dim3A_153 = vector.broadcast %broadcast_in_dim3A : f32 to vector<256x256xf32>
    %slice3A_154 = vector.extract_strided_slice %transpose3A {offsets = [0, 0], sizes = [256, 1], strides = [1, 1]} : vector<256x16xi32> to vector<256x1xi32>
    %ge3A = arith.constant 1082130432 : i32
    %ge3A_155 = vector.broadcast %ge3A : i32 to vector<256x1xi32>
    %ge3A_156 = arith.cmpi sge, %slice3A_154, %ge3A_155 : vector<256x1xi32>
    %slice3A_157 = vector.extract_strided_slice %max3A_152 {offsets = [0, 0], sizes = [256, 256], strides = [1, 1]} : vector<4096x256xf32> to vector<256x256xf32>
    %jit3A = arith.constant 0.000000e+00 : f32
    %broadcast_in_dim3A_158 = vector.shape_cast %ge3A_156 : vector<256x1xi1> to vector<256x1xi1>
    %broadcast_in_dim3A_159 = vector.broadcast %broadcast_in_dim3A_158 : vector<256x1xi1> to vector<256x256xi1>
    %broadcast_in_dim3A_160 = vector.broadcast %jit3A : f32 to vector<256x256xf32>
    %select_n3A = arith.select %broadcast_in_dim3A_159, %broadcast_in_dim3A_160, %slice3A_157 : vector<256x256xi1>, vector<256x256xf32>
    %max3A_161 = arith.maximumf %broadcast_in_dim3A_153, %select_n3A : vector<256x256xf32>
    %slice3A_162 = vector.extract_strided_slice %transpose3A {offsets = [0, 1], sizes = [256, 1], strides = [1, 1]} : vector<256x16xi32> to vector<256x1xi32>
    %ge3A_163 = arith.constant 1082130432 : i32
    %ge3A_164 = vector.broadcast %ge3A_163 : i32 to vector<256x1xi32>
    %ge3A_165 = arith.cmpi sge, %slice3A_162, %ge3A_164 : vector<256x1xi32>
    %slice3A_166 = vector.extract_strided_slice %max3A_152 {offsets = [256, 0], sizes = [256, 256], strides = [1, 1]} : vector<4096x256xf32> to vector<256x256xf32>
    %jit3A_167 = arith.constant 0.000000e+00 : f32
    %broadcast_in_dim3A_168 = vector.shape_cast %ge3A_165 : vector<256x1xi1> to vector<256x1xi1>
    %broadcast_in_dim3A_169 = vector.broadcast %broadcast_in_dim3A_168 : vector<256x1xi1> to vector<256x256xi1>
    %broadcast_in_dim3A_170 = vector.broadcast %jit3A_167 : f32 to vector<256x256xf32>
    %select_n3A_171 = arith.select %broadcast_in_dim3A_169, %broadcast_in_dim3A_170, %slice3A_166 : vector<256x256xi1>, vector<256x256xf32>
    %max3A_172 = arith.maximumf %max3A_161, %select_n3A_171 : vector<256x256xf32>
    %slice3A_173 = vector.extract_strided_slice %transpose3A {offsets = [0, 2], sizes = [256, 1], strides = [1, 1]} : vector<256x16xi32> to vector<256x1xi32>
    %ge3A_174 = arith.constant 1082130432 : i32
    %ge3A_175 = vector.broadcast %ge3A_174 : i32 to vector<256x1xi32>
    %ge3A_176 = arith.cmpi sge, %slice3A_173, %ge3A_175 : vector<256x1xi32>
    %slice3A_177 = vector.extract_strided_slice %max3A_152 {offsets = [512, 0], sizes = [256, 256], strides = [1, 1]} : vector<4096x256xf32> to vector<256x256xf32>
    %jit3A_178 = arith.constant 0.000000e+00 : f32
    %broadcast_in_dim3A_179 = vector.shape_cast %ge3A_176 : vector<256x1xi1> to vector<256x1xi1>
    %broadcast_in_dim3A_180 = vector.broadcast %broadcast_in_dim3A_179 : vector<256x1xi1> to vector<256x256xi1>
    %broadcast_in_dim3A_181 = vector.broadcast %jit3A_178 : f32 to vector<256x256xf32>
    %select_n3A_182 = arith.select %broadcast_in_dim3A_180, %broadcast_in_dim3A_181, %slice3A_177 : vector<256x256xi1>, vector<256x256xf32>
    %max3A_183 = arith.maximumf %max3A_172, %select_n3A_182 : vector<256x256xf32>
    %slice3A_184 = vector.extract_strided_slice %transpose3A {offsets = [0, 3], sizes = [256, 1], strides = [1, 1]} : vector<256x16xi32> to vector<256x1xi32>
    %ge3A_185 = arith.constant 1082130432 : i32
    %ge3A_186 = vector.broadcast %ge3A_185 : i32 to vector<256x1xi32>
    %ge3A_187 = arith.cmpi sge, %slice3A_184, %ge3A_186 : vector<256x1xi32>
    %slice3A_188 = vector.extract_strided_slice %max3A_152 {offsets = [768, 0], sizes = [256, 256], strides = [1, 1]} : vector<4096x256xf32> to vector<256x256xf32>
    %jit3A_189 = arith.constant 0.000000e+00 : f32
    %broadcast_in_dim3A_190 = vector.shape_cast %ge3A_187 : vector<256x1xi1> to vector<256x1xi1>
    %broadcast_in_dim3A_191 = vector.broadcast %broadcast_in_dim3A_190 : vector<256x1xi1> to vector<256x256xi1>
    %broadcast_in_dim3A_192 = vector.broadcast %jit3A_189 : f32 to vector<256x256xf32>
    %select_n3A_193 = arith.select %broadcast_in_dim3A_191, %broadcast_in_dim3A_192, %slice3A_188 : vector<256x256xi1>, vector<256x256xf32>
    %max3A_194 = arith.maximumf %max3A_183, %select_n3A_193 : vector<256x256xf32>
    %slice3A_195 = vector.extract_strided_slice %transpose3A {offsets = [0, 4], sizes = [256, 1], strides = [1, 1]} : vector<256x16xi32> to vector<256x1xi32>
    %ge3A_196 = arith.constant 1082130432 : i32
    %ge3A_197 = vector.broadcast %ge3A_196 : i32 to vector<256x1xi32>
    %ge3A_198 = arith.cmpi sge, %slice3A_195, %ge3A_197 : vector<256x1xi32>
    %slice3A_199 = vector.extract_strided_slice %max3A_152 {offsets = [1024, 0], sizes = [256, 256], strides = [1, 1]} : vector<4096x256xf32> to vector<256x256xf32>
    %jit3A_200 = arith.constant 0.000000e+00 : f32
    %broadcast_in_dim3A_201 = vector.shape_cast %ge3A_198 : vector<256x1xi1> to vector<256x1xi1>
    %broadcast_in_dim3A_202 = vector.broadcast %broadcast_in_dim3A_201 : vector<256x1xi1> to vector<256x256xi1>
    %broadcast_in_dim3A_203 = vector.broadcast %jit3A_200 : f32 to vector<256x256xf32>
    %select_n3A_204 = arith.select %broadcast_in_dim3A_202, %broadcast_in_dim3A_203, %slice3A_199 : vector<256x256xi1>, vector<256x256xf32>
    %max3A_205 = arith.maximumf %max3A_194, %select_n3A_204 : vector<256x256xf32>
    %slice3A_206 = vector.extract_strided_slice %transpose3A {offsets = [0, 5], sizes = [256, 1], strides = [1, 1]} : vector<256x16xi32> to vector<256x1xi32>
    %ge3A_207 = arith.constant 1082130432 : i32
    %ge3A_208 = vector.broadcast %ge3A_207 : i32 to vector<256x1xi32>
    %ge3A_209 = arith.cmpi sge, %slice3A_206, %ge3A_208 : vector<256x1xi32>
    %slice3A_210 = vector.extract_strided_slice %max3A_152 {offsets = [1280, 0], sizes = [256, 256], strides = [1, 1]} : vector<4096x256xf32> to vector<256x256xf32>
    %jit3A_211 = arith.constant 0.000000e+00 : f32
    %broadcast_in_dim3A_212 = vector.shape_cast %ge3A_209 : vector<256x1xi1> to vector<256x1xi1>
    %broadcast_in_dim3A_213 = vector.broadcast %broadcast_in_dim3A_212 : vector<256x1xi1> to vector<256x256xi1>
    %broadcast_in_dim3A_214 = vector.broadcast %jit3A_211 : f32 to vector<256x256xf32>
    %select_n3A_215 = arith.select %broadcast_in_dim3A_213, %broadcast_in_dim3A_214, %slice3A_210 : vector<256x256xi1>, vector<256x256xf32>
    %max3A_216 = arith.maximumf %max3A_205, %select_n3A_215 : vector<256x256xf32>
    %slice3A_217 = vector.extract_strided_slice %transpose3A {offsets = [0, 6], sizes = [256, 1], strides = [1, 1]} : vector<256x16xi32> to vector<256x1xi32>
    %ge3A_218 = arith.constant 1082130432 : i32
    %ge3A_219 = vector.broadcast %ge3A_218 : i32 to vector<256x1xi32>
    %ge3A_220 = arith.cmpi sge, %slice3A_217, %ge3A_219 : vector<256x1xi32>
    %slice3A_221 = vector.extract_strided_slice %max3A_152 {offsets = [1536, 0], sizes = [256, 256], strides = [1, 1]} : vector<4096x256xf32> to vector<256x256xf32>
    %jit3A_222 = arith.constant 0.000000e+00 : f32
    %broadcast_in_dim3A_223 = vector.shape_cast %ge3A_220 : vector<256x1xi1> to vector<256x1xi1>
    %broadcast_in_dim3A_224 = vector.broadcast %broadcast_in_dim3A_223 : vector<256x1xi1> to vector<256x256xi1>
    %broadcast_in_dim3A_225 = vector.broadcast %jit3A_222 : f32 to vector<256x256xf32>
    %select_n3A_226 = arith.select %broadcast_in_dim3A_224, %broadcast_in_dim3A_225, %slice3A_221 : vector<256x256xi1>, vector<256x256xf32>
    %max3A_227 = arith.maximumf %max3A_216, %select_n3A_226 : vector<256x256xf32>
    %slice3A_228 = vector.extract_strided_slice %transpose3A {offsets = [0, 7], sizes = [256, 1], strides = [1, 1]} : vector<256x16xi32> to vector<256x1xi32>
    %ge3A_229 = arith.constant 1082130432 : i32
    %ge3A_230 = vector.broadcast %ge3A_229 : i32 to vector<256x1xi32>
    %ge3A_231 = arith.cmpi sge, %slice3A_228, %ge3A_230 : vector<256x1xi32>
    %slice3A_232 = vector.extract_strided_slice %max3A_152 {offsets = [1792, 0], sizes = [256, 256], strides = [1, 1]} : vector<4096x256xf32> to vector<256x256xf32>
    %jit3A_233 = arith.constant 0.000000e+00 : f32
    %broadcast_in_dim3A_234 = vector.shape_cast %ge3A_231 : vector<256x1xi1> to vector<256x1xi1>
    %broadcast_in_dim3A_235 = vector.broadcast %broadcast_in_dim3A_234 : vector<256x1xi1> to vector<256x256xi1>
    %broadcast_in_dim3A_236 = vector.broadcast %jit3A_233 : f32 to vector<256x256xf32>
    %select_n3A_237 = arith.select %broadcast_in_dim3A_235, %broadcast_in_dim3A_236, %slice3A_232 : vector<256x256xi1>, vector<256x256xf32>
    %max3A_238 = arith.maximumf %max3A_227, %select_n3A_237 : vector<256x256xf32>
    %slice3A_239 = vector.extract_strided_slice %transpose3A {offsets = [0, 8], sizes = [256, 1], strides = [1, 1]} : vector<256x16xi32> to vector<256x1xi32>
    %ge3A_240 = arith.constant 1082130432 : i32
    %ge3A_241 = vector.broadcast %ge3A_240 : i32 to vector<256x1xi32>
    %ge3A_242 = arith.cmpi sge, %slice3A_239, %ge3A_241 : vector<256x1xi32>
    %slice3A_243 = vector.extract_strided_slice %max3A_152 {offsets = [2048, 0], sizes = [256, 256], strides = [1, 1]} : vector<4096x256xf32> to vector<256x256xf32>
    %jit3A_244 = arith.constant 0.000000e+00 : f32
    %broadcast_in_dim3A_245 = vector.shape_cast %ge3A_242 : vector<256x1xi1> to vector<256x1xi1>
    %broadcast_in_dim3A_246 = vector.broadcast %broadcast_in_dim3A_245 : vector<256x1xi1> to vector<256x256xi1>
    %broadcast_in_dim3A_247 = vector.broadcast %jit3A_244 : f32 to vector<256x256xf32>
    %select_n3A_248 = arith.select %broadcast_in_dim3A_246, %broadcast_in_dim3A_247, %slice3A_243 : vector<256x256xi1>, vector<256x256xf32>
    %max3A_249 = arith.maximumf %max3A_238, %select_n3A_248 : vector<256x256xf32>
    %slice3A_250 = vector.extract_strided_slice %transpose3A {offsets = [0, 9], sizes = [256, 1], strides = [1, 1]} : vector<256x16xi32> to vector<256x1xi32>
    %ge3A_251 = arith.constant 1082130432 : i32
    %ge3A_252 = vector.broadcast %ge3A_251 : i32 to vector<256x1xi32>
    %ge3A_253 = arith.cmpi sge, %slice3A_250, %ge3A_252 : vector<256x1xi32>
    %slice3A_254 = vector.extract_strided_slice %max3A_152 {offsets = [2304, 0], sizes = [256, 256], strides = [1, 1]} : vector<4096x256xf32> to vector<256x256xf32>
    %jit3A_255 = arith.constant 0.000000e+00 : f32
    %broadcast_in_dim3A_256 = vector.shape_cast %ge3A_253 : vector<256x1xi1> to vector<256x1xi1>
    %broadcast_in_dim3A_257 = vector.broadcast %broadcast_in_dim3A_256 : vector<256x1xi1> to vector<256x256xi1>
    %broadcast_in_dim3A_258 = vector.broadcast %jit3A_255 : f32 to vector<256x256xf32>
    %select_n3A_259 = arith.select %broadcast_in_dim3A_257, %broadcast_in_dim3A_258, %slice3A_254 : vector<256x256xi1>, vector<256x256xf32>
    %max3A_260 = arith.maximumf %max3A_249, %select_n3A_259 : vector<256x256xf32>
    %slice3A_261 = vector.extract_strided_slice %transpose3A {offsets = [0, 10], sizes = [256, 1], strides = [1, 1]} : vector<256x16xi32> to vector<256x1xi32>
    %ge3A_262 = arith.constant 1082130432 : i32
    %ge3A_263 = vector.broadcast %ge3A_262 : i32 to vector<256x1xi32>
    %ge3A_264 = arith.cmpi sge, %slice3A_261, %ge3A_263 : vector<256x1xi32>
    %slice3A_265 = vector.extract_strided_slice %max3A_152 {offsets = [2560, 0], sizes = [256, 256], strides = [1, 1]} : vector<4096x256xf32> to vector<256x256xf32>
    %jit3A_266 = arith.constant 0.000000e+00 : f32
    %broadcast_in_dim3A_267 = vector.shape_cast %ge3A_264 : vector<256x1xi1> to vector<256x1xi1>
    %broadcast_in_dim3A_268 = vector.broadcast %broadcast_in_dim3A_267 : vector<256x1xi1> to vector<256x256xi1>
    %broadcast_in_dim3A_269 = vector.broadcast %jit3A_266 : f32 to vector<256x256xf32>
    %select_n3A_270 = arith.select %broadcast_in_dim3A_268, %broadcast_in_dim3A_269, %slice3A_265 : vector<256x256xi1>, vector<256x256xf32>
    %max3A_271 = arith.maximumf %max3A_260, %select_n3A_270 : vector<256x256xf32>
    %slice3A_272 = vector.extract_strided_slice %transpose3A {offsets = [0, 11], sizes = [256, 1], strides = [1, 1]} : vector<256x16xi32> to vector<256x1xi32>
    %ge3A_273 = arith.constant 1082130432 : i32
    %ge3A_274 = vector.broadcast %ge3A_273 : i32 to vector<256x1xi32>
    %ge3A_275 = arith.cmpi sge, %slice3A_272, %ge3A_274 : vector<256x1xi32>
    %slice3A_276 = vector.extract_strided_slice %max3A_152 {offsets = [2816, 0], sizes = [256, 256], strides = [1, 1]} : vector<4096x256xf32> to vector<256x256xf32>
    %jit3A_277 = arith.constant 0.000000e+00 : f32
    %broadcast_in_dim3A_278 = vector.shape_cast %ge3A_275 : vector<256x1xi1> to vector<256x1xi1>
    %broadcast_in_dim3A_279 = vector.broadcast %broadcast_in_dim3A_278 : vector<256x1xi1> to vector<256x256xi1>
    %broadcast_in_dim3A_280 = vector.broadcast %jit3A_277 : f32 to vector<256x256xf32>
    %select_n3A_281 = arith.select %broadcast_in_dim3A_279, %broadcast_in_dim3A_280, %slice3A_276 : vector<256x256xi1>, vector<256x256xf32>
    %max3A_282 = arith.maximumf %max3A_271, %select_n3A_281 : vector<256x256xf32>
    %slice3A_283 = vector.extract_strided_slice %transpose3A {offsets = [0, 12], sizes = [256, 1], strides = [1, 1]} : vector<256x16xi32> to vector<256x1xi32>
    %ge3A_284 = arith.constant 1082130432 : i32
    %ge3A_285 = vector.broadcast %ge3A_284 : i32 to vector<256x1xi32>
    %ge3A_286 = arith.cmpi sge, %slice3A_283, %ge3A_285 : vector<256x1xi32>
    %slice3A_287 = vector.extract_strided_slice %max3A_152 {offsets = [3072, 0], sizes = [256, 256], strides = [1, 1]} : vector<4096x256xf32> to vector<256x256xf32>
    %jit3A_288 = arith.constant 0.000000e+00 : f32
    %broadcast_in_dim3A_289 = vector.shape_cast %ge3A_286 : vector<256x1xi1> to vector<256x1xi1>
    %broadcast_in_dim3A_290 = vector.broadcast %broadcast_in_dim3A_289 : vector<256x1xi1> to vector<256x256xi1>
    %broadcast_in_dim3A_291 = vector.broadcast %jit3A_288 : f32 to vector<256x256xf32>
    %select_n3A_292 = arith.select %broadcast_in_dim3A_290, %broadcast_in_dim3A_291, %slice3A_287 : vector<256x256xi1>, vector<256x256xf32>
    %max3A_293 = arith.maximumf %max3A_282, %select_n3A_292 : vector<256x256xf32>
    %slice3A_294 = vector.extract_strided_slice %transpose3A {offsets = [0, 13], sizes = [256, 1], strides = [1, 1]} : vector<256x16xi32> to vector<256x1xi32>
    %ge3A_295 = arith.constant 1082130432 : i32
    %ge3A_296 = vector.broadcast %ge3A_295 : i32 to vector<256x1xi32>
    %ge3A_297 = arith.cmpi sge, %slice3A_294, %ge3A_296 : vector<256x1xi32>
    %slice3A_298 = vector.extract_strided_slice %max3A_152 {offsets = [3328, 0], sizes = [256, 256], strides = [1, 1]} : vector<4096x256xf32> to vector<256x256xf32>
    %jit3A_299 = arith.constant 0.000000e+00 : f32
    %broadcast_in_dim3A_300 = vector.shape_cast %ge3A_297 : vector<256x1xi1> to vector<256x1xi1>
    %broadcast_in_dim3A_301 = vector.broadcast %broadcast_in_dim3A_300 : vector<256x1xi1> to vector<256x256xi1>
    %broadcast_in_dim3A_302 = vector.broadcast %jit3A_299 : f32 to vector<256x256xf32>
    %select_n3A_303 = arith.select %broadcast_in_dim3A_301, %broadcast_in_dim3A_302, %slice3A_298 : vector<256x256xi1>, vector<256x256xf32>
    %max3A_304 = arith.maximumf %max3A_293, %select_n3A_303 : vector<256x256xf32>
    %slice3A_305 = vector.extract_strided_slice %transpose3A {offsets = [0, 14], sizes = [256, 1], strides = [1, 1]} : vector<256x16xi32> to vector<256x1xi32>
    %ge3A_306 = arith.constant 1082130432 : i32
    %ge3A_307 = vector.broadcast %ge3A_306 : i32 to vector<256x1xi32>
    %ge3A_308 = arith.cmpi sge, %slice3A_305, %ge3A_307 : vector<256x1xi32>
    %slice3A_309 = vector.extract_strided_slice %max3A_152 {offsets = [3584, 0], sizes = [256, 256], strides = [1, 1]} : vector<4096x256xf32> to vector<256x256xf32>
    %jit3A_310 = arith.constant 0.000000e+00 : f32
    %broadcast_in_dim3A_311 = vector.shape_cast %ge3A_308 : vector<256x1xi1> to vector<256x1xi1>
    %broadcast_in_dim3A_312 = vector.broadcast %broadcast_in_dim3A_311 : vector<256x1xi1> to vector<256x256xi1>
    %broadcast_in_dim3A_313 = vector.broadcast %jit3A_310 : f32 to vector<256x256xf32>
    %select_n3A_314 = arith.select %broadcast_in_dim3A_312, %broadcast_in_dim3A_313, %slice3A_309 : vector<256x256xi1>, vector<256x256xf32>
    %max3A_315 = arith.maximumf %max3A_304, %select_n3A_314 : vector<256x256xf32>
    %slice3A_316 = vector.extract_strided_slice %transpose3A {offsets = [0, 15], sizes = [256, 1], strides = [1, 1]} : vector<256x16xi32> to vector<256x1xi32>
    %ge3A_317 = arith.constant 1082130432 : i32
    %ge3A_318 = vector.broadcast %ge3A_317 : i32 to vector<256x1xi32>
    %ge3A_319 = arith.cmpi sge, %slice3A_316, %ge3A_318 : vector<256x1xi32>
    %slice3A_320 = vector.extract_strided_slice %max3A_152 {offsets = [3840, 0], sizes = [256, 256], strides = [1, 1]} : vector<4096x256xf32> to vector<256x256xf32>
    %jit3A_321 = arith.constant 0.000000e+00 : f32
    %broadcast_in_dim3A_322 = vector.shape_cast %ge3A_319 : vector<256x1xi1> to vector<256x1xi1>
    %broadcast_in_dim3A_323 = vector.broadcast %broadcast_in_dim3A_322 : vector<256x1xi1> to vector<256x256xi1>
    %broadcast_in_dim3A_324 = vector.broadcast %jit3A_321 : f32 to vector<256x256xf32>
    %select_n3A_325 = arith.select %broadcast_in_dim3A_323, %broadcast_in_dim3A_324, %slice3A_320 : vector<256x256xi1>, vector<256x256xf32>
    %max3A_326 = arith.maximumf %max3A_315, %select_n3A_325 : vector<256x256xf32>
    %get3A_327 = arith.constant 0 : index
    %get3A_328 = arith.constant 0 : index
    %get3A_329 = arith.constant 0 : index
    %get3A_330 = vector.load %arg4[%get3A_327, %get3A_328, %get3A_329] : memref<1x8x256xf32, #tpu.memory_space<vmem>>, vector<1x3x256xf32>
    %get3A_331 = vector.shape_cast %get3A_330 : vector<1x3x256xf32> to vector<3x256xf32>
    %swap3A = arith.constant 0 : index
    %swap3A_332 = arith.constant 0 : index
    %swap3A_333 = arith.constant 0 : index
    %swap3A_334 = vector.load %arg12[%swap3A, %swap3A_332, %swap3A_333] : memref<1x259x256xf32, #tpu.memory_space<vmem>>, vector<1x3x256xf32>
    %swap3A_335 = vector.shape_cast %swap3A_334 : vector<1x3x256xf32> to vector<3x256xf32>
    %swap3A_336 = vector.shape_cast %get3A_331 : vector<3x256xf32> to vector<1x3x256xf32>
    tpu.vector_store %arg12[%swap3A, %swap3A_332, %swap3A_333], %swap3A_336 {strides = array<i32>} : memref<1x259x256xf32, #tpu.memory_space<vmem>>, vector<1x3x256xf32>,
    %transpose3A_337 = tpu.transpose %max3A_326, [1, 0] : vector<256x256xf32> -> vector<256x256xf32>
    %swap3A_338 = arith.constant 0 : index
    %swap3A_339 = arith.constant 3 : index
    %swap3A_340 = arith.constant 0 : index
    %swap3A_341 = vector.load %arg12[%swap3A_338, %swap3A_339, %swap3A_340] : memref<1x259x256xf32, #tpu.memory_space<vmem>>, vector<1x256x256xf32>
    %swap3A_342 = vector.shape_cast %swap3A_341 : vector<1x256x256xf32> to vector<256x256xf32>
    %swap3A_343 = vector.shape_cast %transpose3A_337 : vector<256x256xf32> to vector<1x256x256xf32>
    tpu.vector_store %arg12[%swap3A_338, %swap3A_339, %swap3A_340], %swap3A_343 {strides = array<i32>} : memref<1x259x256xf32, #tpu.memory_space<vmem>>, vector<1x256x256xf32>,
    return
  }
  func.func @transform_1(%arg0: i32) -> (i32, i32) {
    %c0_i32 = arith.constant 0 : i32
    %c0_i32_0 = arith.constant 0 : i32
    return %arg0, %c0_i32 : i32, i32
  }
  func.func @transform_2(%arg0: i32) -> (i32, i32) {
    %c0_i32 = arith.constant 0 : i32
    %c0_i32_0 = arith.constant 0 : i32
    return %arg0, %c0_i32 : i32, i32
  }
  func.func @transform_3(%arg0: i32) -> (i32, i32, i32) {
    %c0_i32 = arith.constant 0 : i32
    %c0_i32_0 = arith.constant 0 : i32
    %c0_i32_1 = arith.constant 0 : i32
    return %c0_i32, %c0_i32_0, %arg0 : i32, i32, i32
  }
  func.func @transform_4(%arg0: i32) -> (i32, i32, i32) {
    %c0_i32 = arith.constant 0 : i32
    %c0_i32_0 = arith.constant 0 : i32
    %c0_i32_1 = arith.constant 0 : i32
    return %arg0, %c0_i32, %c0_i32_0 : i32, i32, i32
  }
  func.func @transform_5(%arg0: i32) -> (i32, i32) {
    %c0_i32 = arith.constant 0 : i32
    %c0_i32_0 = arith.constant 0 : i32
    %c0_i32_1 = arith.constant 0 : i32
    return %c0_i32, %c0_i32_0 : i32, i32
  }
  func.func @transform_6(%arg0: i32) -> (i32, i32) {
    %c0_i32 = arith.constant 0 : i32
    %c0_i32_0 = arith.constant 0 : i32
    %c0_i32_1 = arith.constant 0 : i32
    return %c0_i32, %c0_i32_0 : i32, i32
  }
  func.func @transform_7(%arg0: i32) -> (i32, i32) {
    %c0_i32 = arith.constant 0 : i32
    %c0_i32_0 = arith.constant 0 : i32
    %c0_i32_1 = arith.constant 0 : i32
    return %c0_i32, %c0_i32_0 : i32, i32
  }
  func.func @transform_8(%arg0: i32) -> (i32, i32) {
    %c0_i32 = arith.constant 0 : i32
    %c0_i32_0 = arith.constant 0 : i32
    %c0_i32_1 = arith.constant 0 : i32
    return %c0_i32, %c0_i32_0 : i32, i32
  }
  func.func @transform_9(%arg0: i32) -> (i32, i32) {
    %c0_i32 = arith.constant 0 : i32
    %c0_i32_0 = arith.constant 0 : i32
    %c0_i32_1 = arith.constant 0 : i32
    return %c0_i32, %c0_i32_0 : i32, i32
  }
  func.func @transform_10(%arg0: i32) -> (i32, i32) {
    %c0_i32 = arith.constant 0 : i32
    %c0_i32_0 = arith.constant 0 : i32
    %c0_i32_1 = arith.constant 0 : i32
    return %c0_i32, %c0_i32_0 : i32, i32
  }
  func.func @transform_11(%arg0: i32) -> (i32, i32, i32) {
    %c2_i32 = arith.constant 2 : i32
    %c0_i32 = arith.constant 0 : i32
    %c0_i32_0 = arith.constant 0 : i32
    return %c2_i32, %c0_i32, %arg0 : i32, i32, i32
  }
}

module attributes {stable_mosaic.version = 14 : i64} {
  func.func @_mlp_body(%arg0: i32, %arg1: memref<4x259x2048xf32, #tpu.memory_space<any>>, %arg2: memref<4096x128xf32, #tpu.memory_space<vmem>>, %arg3: memref<256x72xbf16, #tpu.memory_space<vmem>>, %arg4: memref<1x8x256xf32, #tpu.memory_space<vmem>>, %arg5: memref<1x16x256xi32, #tpu.memory_space<vmem>>, %arg6: memref<72x128xbf16, #tpu.memory_space<vmem>>, %arg7: memref<128x128xbf16, #tpu.memory_space<vmem>>, %arg8: memref<128x256xbf16, #tpu.memory_space<vmem>>, %arg9: memref<1x128xf32, #tpu.memory_space<vmem>>, %arg10: memref<1x128xf32, #tpu.memory_space<vmem>>, %arg11: memref<1x256xf32, #tpu.memory_space<vmem>>, %arg12: memref<1x259x256xf32, #tpu.memory_space<vmem>>) attributes {dimension_semantics = [#tpu.dimension_semantics<arbitrary>], iteration_bounds = array<i64: 8>, scalar_prefetch = 0 : i64, scratch_operands = 0 : i64, tpu.core_type = #tpu.core_type<tc>, window_params = [{}, {transform_indices = @transform_1, window_bounds = array<i64: 4096, 128>}, {transform_indices = @transform_2, window_bounds = array<i64: 256, 72>}, {transform_indices = @transform_3, window_bounds = array<i64: 1, 8, 256>}, {transform_indices = @transform_4, window_bounds = array<i64: 1, 16, 256>}, {pipeline_mode = #tpu.pipeline_mode<synchronous>, transform_indices = @transform_5, window_bounds = array<i64: 72, 128>}, {pipeline_mode = #tpu.pipeline_mode<synchronous>, transform_indices = @transform_6, window_bounds = array<i64: 128, 128>}, {pipeline_mode = #tpu.pipeline_mode<synchronous>, transform_indices = @transform_7, window_bounds = array<i64: 128, 256>}, {pipeline_mode = #tpu.pipeline_mode<synchronous>, transform_indices = @transform_8, window_bounds = array<i64: 1, 128>}, {pipeline_mode = #tpu.pipeline_mode<synchronous>, transform_indices = @transform_9, window_bounds = array<i64: 1, 128>}, {pipeline_mode = #tpu.pipeline_mode<synchronous>, transform_indices = @transform_10, window_bounds = array<i64: 1, 256>}, {transform_indices = @transform_11, window_bounds = array<i64: 1, 259, 256>}]} {
    %get3A = arith.constant 0 : index
    %get3A_0 = arith.constant 0 : index
    %get3A_1 = vector.load %arg2[%get3A, %get3A_0] : memref<4096x128xf32, #tpu.memory_space<vmem>>, vector<4096x128xf32>
    %get3A_2 = arith.constant 0 : index
    %get3A_3 = arith.constant 0 : index
    %get3A_4 = vector.load %arg3[%get3A_2, %get3A_3] : memref<256x72xbf16, #tpu.memory_space<vmem>>, vector<256x72xbf16>
    %get3A_5 = arith.constant 0 : index
    %get3A_6 = arith.constant 0 : index
    %get3A_7 = vector.load %arg6[%get3A_5, %get3A_6] : memref<72x128xbf16, #tpu.memory_space<vmem>>, vector<72x128xbf16>
    %dot_general3A = arith.constant dense<0.000000e+00> : vector<256x128xf32>
    %dot_general3A_8 = tpu.matmul %get3A_4, %get3A_7, %dot_general3A {dimension_numbers = #tpu.dot_dimension_numbers<[1], [0], [0], [1], [0, 0, 1, 1], [], []>, transpose_lhs_hint = false} : vector<256x72xbf16>, vector<72x128xbf16>, vector<256x128xf32> -> vector<256x128xf32>
    %get3A_9 = arith.constant 0 : index
    %get3A_10 = arith.constant 0 : index
    %get3A_11 = arith.constant 0 : index
    %get3A_12 = vector.load %arg5[%get3A_9, %get3A_10, %get3A_11] : memref<1x16x256xi32, #tpu.memory_space<vmem>>, vector<1x16x256xi32>
    %get3A_13 = vector.shape_cast %get3A_12 : vector<1x16x256xi32> to vector<16x256xi32>
    %transpose3A = tpu.transpose %get3A_13, [1, 0] : vector<16x256xi32> -> vector<256x16xi32>
    %get3A_14 = arith.constant 0 : index
    %get3A_15 = arith.constant 0 : index
    %get3A_16 = vector.load %arg9[%get3A_14, %get3A_15] : memref<1x128xf32, #tpu.memory_space<vmem>>, vector<1x128xf32>
    %slice3A = vector.extract_strided_slice %get3A_1 {offsets = [0, 0], sizes = [256, 128], strides = [1, 1]} : vector<4096x128xf32> to vector<256x128xf32>
    %add3A = arith.addf %slice3A, %dot_general3A_8 : vector<256x128xf32>
    %add3A_17 = vector.broadcast %get3A_16 : vector<1x128xf32> to vector<256x128xf32>
    %add3A_18 = arith.addf %add3A, %add3A_17 : vector<256x128xf32>
    %max3A = arith.constant 0.000000e+00 : f32
    %max3A_19 = vector.broadcast %max3A : f32 to vector<256x128xf32>
    %max3A_20 = arith.maximumf %add3A_18, %max3A_19 : vector<256x128xf32>
    %slice3A_21 = vector.extract_strided_slice %get3A_1 {offsets = [256, 0], sizes = [256, 128], strides = [1, 1]} : vector<4096x128xf32> to vector<256x128xf32>
    %add3A_22 = arith.addf %slice3A_21, %dot_general3A_8 : vector<256x128xf32>
    %add3A_23 = vector.broadcast %get3A_16 : vector<1x128xf32> to vector<256x128xf32>
    %add3A_24 = arith.addf %add3A_22, %add3A_23 : vector<256x128xf32>
    %max3A_25 = arith.constant 0.000000e+00 : f32
    %max3A_26 = vector.broadcast %max3A_25 : f32 to vector<256x128xf32>
    %max3A_27 = arith.maximumf %add3A_24, %max3A_26 : vector<256x128xf32>
    %slice3A_28 = vector.extract_strided_slice %get3A_1 {offsets = [512, 0], sizes = [256, 128], strides = [1, 1]} : vector<4096x128xf32> to vector<256x128xf32>
    %add3A_29 = arith.addf %slice3A_28, %dot_general3A_8 : vector<256x128xf32>
    %add3A_30 = vector.broadcast %get3A_16 : vector<1x128xf32> to vector<256x128xf32>
    %add3A_31 = arith.addf %add3A_29, %add3A_30 : vector<256x128xf32>
    %max3A_32 = arith.constant 0.000000e+00 : f32
    %max3A_33 = vector.broadcast %max3A_32 : f32 to vector<256x128xf32>
    %max3A_34 = arith.maximumf %add3A_31, %max3A_33 : vector<256x128xf32>
    %slice3A_35 = vector.extract_strided_slice %get3A_1 {offsets = [768, 0], sizes = [256, 128], strides = [1, 1]} : vector<4096x128xf32> to vector<256x128xf32>
    %add3A_36 = arith.addf %slice3A_35, %dot_general3A_8 : vector<256x128xf32>
    %add3A_37 = vector.broadcast %get3A_16 : vector<1x128xf32> to vector<256x128xf32>
    %add3A_38 = arith.addf %add3A_36, %add3A_37 : vector<256x128xf32>
    %max3A_39 = arith.constant 0.000000e+00 : f32
    %max3A_40 = vector.broadcast %max3A_39 : f32 to vector<256x128xf32>
    %max3A_41 = arith.maximumf %add3A_38, %max3A_40 : vector<256x128xf32>
    %slice3A_42 = vector.extract_strided_slice %get3A_1 {offsets = [1024, 0], sizes = [256, 128], strides = [1, 1]} : vector<4096x128xf32> to vector<256x128xf32>
    %add3A_43 = arith.addf %slice3A_42, %dot_general3A_8 : vector<256x128xf32>
    %add3A_44 = vector.broadcast %get3A_16 : vector<1x128xf32> to vector<256x128xf32>
    %add3A_45 = arith.addf %add3A_43, %add3A_44 : vector<256x128xf32>
    %max3A_46 = arith.constant 0.000000e+00 : f32
    %max3A_47 = vector.broadcast %max3A_46 : f32 to vector<256x128xf32>
    %max3A_48 = arith.maximumf %add3A_45, %max3A_47 : vector<256x128xf32>
    %slice3A_49 = vector.extract_strided_slice %get3A_1 {offsets = [1280, 0], sizes = [256, 128], strides = [1, 1]} : vector<4096x128xf32> to vector<256x128xf32>
    %add3A_50 = arith.addf %slice3A_49, %dot_general3A_8 : vector<256x128xf32>
    %add3A_51 = vector.broadcast %get3A_16 : vector<1x128xf32> to vector<256x128xf32>
    %add3A_52 = arith.addf %add3A_50, %add3A_51 : vector<256x128xf32>
    %max3A_53 = arith.constant 0.000000e+00 : f32
    %max3A_54 = vector.broadcast %max3A_53 : f32 to vector<256x128xf32>
    %max3A_55 = arith.maximumf %add3A_52, %max3A_54 : vector<256x128xf32>
    %slice3A_56 = vector.extract_strided_slice %get3A_1 {offsets = [1536, 0], sizes = [256, 128], strides = [1, 1]} : vector<4096x128xf32> to vector<256x128xf32>
    %add3A_57 = arith.addf %slice3A_56, %dot_general3A_8 : vector<256x128xf32>
    %add3A_58 = vector.broadcast %get3A_16 : vector<1x128xf32> to vector<256x128xf32>
    %add3A_59 = arith.addf %add3A_57, %add3A_58 : vector<256x128xf32>
    %max3A_60 = arith.constant 0.000000e+00 : f32
    %max3A_61 = vector.broadcast %max3A_60 : f32 to vector<256x128xf32>
    %max3A_62 = arith.maximumf %add3A_59, %max3A_61 : vector<256x128xf32>
    %slice3A_63 = vector.extract_strided_slice %get3A_1 {offsets = [1792, 0], sizes = [256, 128], strides = [1, 1]} : vector<4096x128xf32> to vector<256x128xf32>
    %add3A_64 = arith.addf %slice3A_63, %dot_general3A_8 : vector<256x128xf32>
    %add3A_65 = vector.broadcast %get3A_16 : vector<1x128xf32> to vector<256x128xf32>
    %add3A_66 = arith.addf %add3A_64, %add3A_65 : vector<256x128xf32>
    %max3A_67 = arith.constant 0.000000e+00 : f32
    %max3A_68 = vector.broadcast %max3A_67 : f32 to vector<256x128xf32>
    %max3A_69 = arith.maximumf %add3A_66, %max3A_68 : vector<256x128xf32>
    %slice3A_70 = vector.extract_strided_slice %get3A_1 {offsets = [2048, 0], sizes = [256, 128], strides = [1, 1]} : vector<4096x128xf32> to vector<256x128xf32>
    %add3A_71 = arith.addf %slice3A_70, %dot_general3A_8 : vector<256x128xf32>
    %add3A_72 = vector.broadcast %get3A_16 : vector<1x128xf32> to vector<256x128xf32>
    %add3A_73 = arith.addf %add3A_71, %add3A_72 : vector<256x128xf32>
    %max3A_74 = arith.constant 0.000000e+00 : f32
    %max3A_75 = vector.broadcast %max3A_74 : f32 to vector<256x128xf32>
    %max3A_76 = arith.maximumf %add3A_73, %max3A_75 : vector<256x128xf32>
    %slice3A_77 = vector.extract_strided_slice %get3A_1 {offsets = [2304, 0], sizes = [256, 128], strides = [1, 1]} : vector<4096x128xf32> to vector<256x128xf32>
    %add3A_78 = arith.addf %slice3A_77, %dot_general3A_8 : vector<256x128xf32>
    %add3A_79 = vector.broadcast %get3A_16 : vector<1x128xf32> to vector<256x128xf32>
    %add3A_80 = arith.addf %add3A_78, %add3A_79 : vector<256x128xf32>
    %max3A_81 = arith.constant 0.000000e+00 : f32
    %max3A_82 = vector.broadcast %max3A_81 : f32 to vector<256x128xf32>
    %max3A_83 = arith.maximumf %add3A_80, %max3A_82 : vector<256x128xf32>
    %slice3A_84 = vector.extract_strided_slice %get3A_1 {offsets = [2560, 0], sizes = [256, 128], strides = [1, 1]} : vector<4096x128xf32> to vector<256x128xf32>
    %add3A_85 = arith.addf %slice3A_84, %dot_general3A_8 : vector<256x128xf32>
    %add3A_86 = vector.broadcast %get3A_16 : vector<1x128xf32> to vector<256x128xf32>
    %add3A_87 = arith.addf %add3A_85, %add3A_86 : vector<256x128xf32>
    %max3A_88 = arith.constant 0.000000e+00 : f32
    %max3A_89 = vector.broadcast %max3A_88 : f32 to vector<256x128xf32>
    %max3A_90 = arith.maximumf %add3A_87, %max3A_89 : vector<256x128xf32>
    %slice3A_91 = vector.extract_strided_slice %get3A_1 {offsets = [2816, 0], sizes = [256, 128], strides = [1, 1]} : vector<4096x128xf32> to vector<256x128xf32>
    %add3A_92 = arith.addf %slice3A_91, %dot_general3A_8 : vector<256x128xf32>
    %add3A_93 = vector.broadcast %get3A_16 : vector<1x128xf32> to vector<256x128xf32>
    %add3A_94 = arith.addf %add3A_92, %add3A_93 : vector<256x128xf32>
    %max3A_95 = arith.constant 0.000000e+00 : f32
    %max3A_96 = vector.broadcast %max3A_95 : f32 to vector<256x128xf32>
    %max3A_97 = arith.maximumf %add3A_94, %max3A_96 : vector<256x128xf32>
    %slice3A_98 = vector.extract_strided_slice %get3A_1 {offsets = [3072, 0], sizes = [256, 128], strides = [1, 1]} : vector<4096x128xf32> to vector<256x128xf32>
    %add3A_99 = arith.addf %slice3A_98, %dot_general3A_8 : vector<256x128xf32>
    %add3A_100 = vector.broadcast %get3A_16 : vector<1x128xf32> to vector<256x128xf32>
    %add3A_101 = arith.addf %add3A_99, %add3A_100 : vector<256x128xf32>
    %max3A_102 = arith.constant 0.000000e+00 : f32
    %max3A_103 = vector.broadcast %max3A_102 : f32 to vector<256x128xf32>
    %max3A_104 = arith.maximumf %add3A_101, %max3A_103 : vector<256x128xf32>
    %slice3A_105 = vector.extract_strided_slice %get3A_1 {offsets = [3328, 0], sizes = [256, 128], strides = [1, 1]} : vector<4096x128xf32> to vector<256x128xf32>
    %add3A_106 = arith.addf %slice3A_105, %dot_general3A_8 : vector<256x128xf32>
    %add3A_107 = vector.broadcast %get3A_16 : vector<1x128xf32> to vector<256x128xf32>
    %add3A_108 = arith.addf %add3A_106, %add3A_107 : vector<256x128xf32>
    %max3A_109 = arith.constant 0.000000e+00 : f32
    %max3A_110 = vector.broadcast %max3A_109 : f32 to vector<256x128xf32>
    %max3A_111 = arith.maximumf %add3A_108, %max3A_110 : vector<256x128xf32>
    %slice3A_112 = vector.extract_strided_slice %get3A_1 {offsets = [3584, 0], sizes = [256, 128], strides = [1, 1]} : vector<4096x128xf32> to vector<256x128xf32>
    %add3A_113 = arith.addf %slice3A_112, %dot_general3A_8 : vector<256x128xf32>
    %add3A_114 = vector.broadcast %get3A_16 : vector<1x128xf32> to vector<256x128xf32>
    %add3A_115 = arith.addf %add3A_113, %add3A_114 : vector<256x128xf32>
    %max3A_116 = arith.constant 0.000000e+00 : f32
    %max3A_117 = vector.broadcast %max3A_116 : f32 to vector<256x128xf32>
    %max3A_118 = arith.maximumf %add3A_115, %max3A_117 : vector<256x128xf32>
    %slice3A_119 = vector.extract_strided_slice %get3A_1 {offsets = [3840, 0], sizes = [256, 128], strides = [1, 1]} : vector<4096x128xf32> to vector<256x128xf32>
    %add3A_120 = arith.addf %slice3A_119, %dot_general3A_8 : vector<256x128xf32>
    %add3A_121 = vector.broadcast %get3A_16 : vector<1x128xf32> to vector<256x128xf32>
    %add3A_122 = arith.addf %add3A_120, %add3A_121 : vector<256x128xf32>
    %max3A_123 = arith.constant 0.000000e+00 : f32
    %max3A_124 = vector.broadcast %max3A_123 : f32 to vector<256x128xf32>
    %max3A_125 = arith.maximumf %add3A_122, %max3A_124 : vector<256x128xf32>
    %concatenate3A = tpu.concatenate %max3A_20, %max3A_27, %max3A_34, %max3A_41, %max3A_48, %max3A_55, %max3A_62, %max3A_69, %max3A_76, %max3A_83, %max3A_90, %max3A_97, %max3A_104, %max3A_111, %max3A_118, %max3A_125 in 0 : vector<256x128xf32>, vector<256x128xf32>, vector<256x128xf32>, vector<256x128xf32>, vector<256x128xf32>, vector<256x128xf32>, vector<256x128xf32>, vector<256x128xf32>, vector<256x128xf32>, vector<256x128xf32>, vector<256x128xf32>, vector<256x128xf32>, vector<256x128xf32>, vector<256x128xf32>, vector<256x128xf32>, vector<256x128xf32> -> vector<4096x128xf32>
    %convert_element_type3A = arith.truncf %concatenate3A : vector<4096x128xf32> to vector<4096x128xbf16>
    %get3A_126 = arith.constant 0 : index
    %get3A_127 = arith.constant 0 : index
    %get3A_128 = vector.load %arg7[%get3A_126, %get3A_127] : memref<128x128xbf16, #tpu.memory_space<vmem>>, vector<128x128xbf16>
    %dot_general3A_129 = arith.constant dense<0.000000e+00> : vector<4096x128xf32>
    %dot_general3A_130 = tpu.matmul %convert_element_type3A, %get3A_128, %dot_general3A_129 {dimension_numbers = #tpu.dot_dimension_numbers<[1], [0], [0], [1], [0, 0, 1, 1], [], []>, transpose_lhs_hint = false} : vector<4096x128xbf16>, vector<128x128xbf16>, vector<4096x128xf32> -> vector<4096x128xf32>
    %get3A_131 = arith.constant 0 : index
    %get3A_132 = arith.constant 0 : index
    %get3A_133 = vector.load %arg10[%get3A_131, %get3A_132] : memref<1x128xf32, #tpu.memory_space<vmem>>, vector<1x128xf32>
    %add3A_134 = vector.broadcast %get3A_133 : vector<1x128xf32> to vector<4096x128xf32>
    %add3A_135 = arith.addf %dot_general3A_130, %add3A_134 : vector<4096x128xf32>
    %max3A_136 = arith.constant 0.000000e+00 : f32
    %max3A_137 = vector.broadcast %max3A_136 : f32 to vector<4096x128xf32>
    %max3A_138 = arith.maximumf %add3A_135, %max3A_137 : vector<4096x128xf32>
    %convert_element_type3A_139 = arith.truncf %max3A_138 : vector<4096x128xf32> to vector<4096x128xbf16>
    %get3A_140 = arith.constant 0 : index
    %get3A_141 = arith.constant 0 : index
    %get3A_142 = vector.load %arg8[%get3A_140, %get3A_141] : memref<128x256xbf16, #tpu.memory_space<vmem>>, vector<128x256xbf16>
    %dot_general3A_143 = arith.constant dense<0.000000e+00> : vector<4096x256xf32>
    %dot_general3A_144 = tpu.matmul %convert_element_type3A_139, %get3A_142, %dot_general3A_143 {dimension_numbers = #tpu.dot_dimension_numbers<[1], [0], [0], [1], [0, 0, 1, 1], [], []>, transpose_lhs_hint = false} : vector<4096x128xbf16>, vector<128x256xbf16>, vector<4096x256xf32> -> vector<4096x256xf32>
    %get3A_145 = arith.constant 0 : index
    %get3A_146 = arith.constant 0 : index
    %get3A_147 = vector.load %arg11[%get3A_145, %get3A_146] : memref<1x256xf32, #tpu.memory_space<vmem>>, vector<1x256xf32>
    %add3A_148 = vector.broadcast %get3A_147 : vector<1x256xf32> to vector<4096x256xf32>
    %add3A_149 = arith.addf %dot_general3A_144, %add3A_148 : vector<4096x256xf32>
    %max3A_150 = arith.constant 0.000000e+00 : f32
    %max3A_151 = vector.broadcast %max3A_150 : f32 to vector<4096x256xf32>
    %max3A_152 = arith.maximumf %add3A_149, %max3A_151 : vector<4096x256xf32>
    %broadcast_in_dim3A = arith.constant 0.000000e+00 : f32
    %broadcast_in_dim3A_153 = vector.broadcast %broadcast_in_dim3A : f32 to vector<256x256xf32>
    %slice3A_154 = vector.extract_strided_slice %transpose3A {offsets = [0, 0], sizes = [256, 1], strides = [1, 1]} : vector<256x16xi32> to vector<256x1xi32>
    %ge3A = arith.constant 1082130432 : i32
    %ge3A_155 = vector.broadcast %ge3A : i32 to vector<256x1xi32>
    %ge3A_156 = arith.cmpi sge, %slice3A_154, %ge3A_155 : vector<256x1xi32>
    %slice3A_157 = vector.extract_strided_slice %max3A_152 {offsets = [0, 0], sizes = [256, 256], strides = [1, 1]} : vector<4096x256xf32> to vector<256x256xf32>
    %jit3A = arith.constant 0.000000e+00 : f32
    %broadcast_in_dim3A_158 = vector.shape_cast %ge3A_156 : vector<256x1xi1> to vector<256x1xi1>
    %broadcast_in_dim3A_159 = vector.broadcast %broadcast_in_dim3A_158 : vector<256x1xi1> to vector<256x256xi1>
    %broadcast_in_dim3A_160 = vector.broadcast %jit3A : f32 to vector<256x256xf32>
    %select_n3A = arith.select %broadcast_in_dim3A_159, %broadcast_in_dim3A_160, %slice3A_157 : vector<256x256xi1>, vector<256x256xf32>
    %max3A_161 = arith.maximumf %broadcast_in_dim3A_153, %select_n3A : vector<256x256xf32>
    %slice3A_162 = vector.extract_strided_slice %transpose3A {offsets = [0, 1], sizes = [256, 1], strides = [1, 1]} : vector<256x16xi32> to vector<256x1xi32>
    %ge3A_163 = arith.constant 1082130432 : i32
    %ge3A_164 = vector.broadcast %ge3A_163 : i32 to vector<256x1xi32>
    %ge3A_165 = arith.cmpi sge, %slice3A_162, %ge3A_164 : vector<256x1xi32>
    %slice3A_166 = vector.extract_strided_slice %max3A_152 {offsets = [256, 0], sizes = [256, 256], strides = [1, 1]} : vector<4096x256xf32> to vector<256x256xf32>
    %jit3A_167 = arith.constant 0.000000e+00 : f32
    %broadcast_in_dim3A_168 = vector.shape_cast %ge3A_165 : vector<256x1xi1> to vector<256x1xi1>
    %broadcast_in_dim3A_169 = vector.broadcast %broadcast_in_dim3A_168 : vector<256x1xi1> to vector<256x256xi1>
    %broadcast_in_dim3A_170 = vector.broadcast %jit3A_167 : f32 to vector<256x256xf32>
    %select_n3A_171 = arith.select %broadcast_in_dim3A_169, %broadcast_in_dim3A_170, %slice3A_166 : vector<256x256xi1>, vector<256x256xf32>
    %max3A_172 = arith.maximumf %max3A_161, %select_n3A_171 : vector<256x256xf32>
    %slice3A_173 = vector.extract_strided_slice %transpose3A {offsets = [0, 2], sizes = [256, 1], strides = [1, 1]} : vector<256x16xi32> to vector<256x1xi32>
    %ge3A_174 = arith.constant 1082130432 : i32
    %ge3A_175 = vector.broadcast %ge3A_174 : i32 to vector<256x1xi32>
    %ge3A_176 = arith.cmpi sge, %slice3A_173, %ge3A_175 : vector<256x1xi32>
    %slice3A_177 = vector.extract_strided_slice %max3A_152 {offsets = [512, 0], sizes = [256, 256], strides = [1, 1]} : vector<4096x256xf32> to vector<256x256xf32>
    %jit3A_178 = arith.constant 0.000000e+00 : f32
    %broadcast_in_dim3A_179 = vector.shape_cast %ge3A_176 : vector<256x1xi1> to vector<256x1xi1>
    %broadcast_in_dim3A_180 = vector.broadcast %broadcast_in_dim3A_179 : vector<256x1xi1> to vector<256x256xi1>
    %broadcast_in_dim3A_181 = vector.broadcast %jit3A_178 : f32 to vector<256x256xf32>
    %select_n3A_182 = arith.select %broadcast_in_dim3A_180, %broadcast_in_dim3A_181, %slice3A_177 : vector<256x256xi1>, vector<256x256xf32>
    %max3A_183 = arith.maximumf %max3A_172, %select_n3A_182 : vector<256x256xf32>
    %slice3A_184 = vector.extract_strided_slice %transpose3A {offsets = [0, 3], sizes = [256, 1], strides = [1, 1]} : vector<256x16xi32> to vector<256x1xi32>
    %ge3A_185 = arith.constant 1082130432 : i32
    %ge3A_186 = vector.broadcast %ge3A_185 : i32 to vector<256x1xi32>
    %ge3A_187 = arith.cmpi sge, %slice3A_184, %ge3A_186 : vector<256x1xi32>
    %slice3A_188 = vector.extract_strided_slice %max3A_152 {offsets = [768, 0], sizes = [256, 256], strides = [1, 1]} : vector<4096x256xf32> to vector<256x256xf32>
    %jit3A_189 = arith.constant 0.000000e+00 : f32
    %broadcast_in_dim3A_190 = vector.shape_cast %ge3A_187 : vector<256x1xi1> to vector<256x1xi1>
    %broadcast_in_dim3A_191 = vector.broadcast %broadcast_in_dim3A_190 : vector<256x1xi1> to vector<256x256xi1>
    %broadcast_in_dim3A_192 = vector.broadcast %jit3A_189 : f32 to vector<256x256xf32>
    %select_n3A_193 = arith.select %broadcast_in_dim3A_191, %broadcast_in_dim3A_192, %slice3A_188 : vector<256x256xi1>, vector<256x256xf32>
    %max3A_194 = arith.maximumf %max3A_183, %select_n3A_193 : vector<256x256xf32>
    %slice3A_195 = vector.extract_strided_slice %transpose3A {offsets = [0, 4], sizes = [256, 1], strides = [1, 1]} : vector<256x16xi32> to vector<256x1xi32>
    %ge3A_196 = arith.constant 1082130432 : i32
    %ge3A_197 = vector.broadcast %ge3A_196 : i32 to vector<256x1xi32>
    %ge3A_198 = arith.cmpi sge, %slice3A_195, %ge3A_197 : vector<256x1xi32>
    %slice3A_199 = vector.extract_strided_slice %max3A_152 {offsets = [1024, 0], sizes = [256, 256], strides = [1, 1]} : vector<4096x256xf32> to vector<256x256xf32>
    %jit3A_200 = arith.constant 0.000000e+00 : f32
    %broadcast_in_dim3A_201 = vector.shape_cast %ge3A_198 : vector<256x1xi1> to vector<256x1xi1>
    %broadcast_in_dim3A_202 = vector.broadcast %broadcast_in_dim3A_201 : vector<256x1xi1> to vector<256x256xi1>
    %broadcast_in_dim3A_203 = vector.broadcast %jit3A_200 : f32 to vector<256x256xf32>
    %select_n3A_204 = arith.select %broadcast_in_dim3A_202, %broadcast_in_dim3A_203, %slice3A_199 : vector<256x256xi1>, vector<256x256xf32>
    %max3A_205 = arith.maximumf %max3A_194, %select_n3A_204 : vector<256x256xf32>
    %slice3A_206 = vector.extract_strided_slice %transpose3A {offsets = [0, 5], sizes = [256, 1], strides = [1, 1]} : vector<256x16xi32> to vector<256x1xi32>
    %ge3A_207 = arith.constant 1082130432 : i32
    %ge3A_208 = vector.broadcast %ge3A_207 : i32 to vector<256x1xi32>
    %ge3A_209 = arith.cmpi sge, %slice3A_206, %ge3A_208 : vector<256x1xi32>
    %slice3A_210 = vector.extract_strided_slice %max3A_152 {offsets = [1280, 0], sizes = [256, 256], strides = [1, 1]} : vector<4096x256xf32> to vector<256x256xf32>
    %jit3A_211 = arith.constant 0.000000e+00 : f32
    %broadcast_in_dim3A_212 = vector.shape_cast %ge3A_209 : vector<256x1xi1> to vector<256x1xi1>
    %broadcast_in_dim3A_213 = vector.broadcast %broadcast_in_dim3A_212 : vector<256x1xi1> to vector<256x256xi1>
    %broadcast_in_dim3A_214 = vector.broadcast %jit3A_211 : f32 to vector<256x256xf32>
    %select_n3A_215 = arith.select %broadcast_in_dim3A_213, %broadcast_in_dim3A_214, %slice3A_210 : vector<256x256xi1>, vector<256x256xf32>
    %max3A_216 = arith.maximumf %max3A_205, %select_n3A_215 : vector<256x256xf32>
    %slice3A_217 = vector.extract_strided_slice %transpose3A {offsets = [0, 6], sizes = [256, 1], strides = [1, 1]} : vector<256x16xi32> to vector<256x1xi32>
    %ge3A_218 = arith.constant 1082130432 : i32
    %ge3A_219 = vector.broadcast %ge3A_218 : i32 to vector<256x1xi32>
    %ge3A_220 = arith.cmpi sge, %slice3A_217, %ge3A_219 : vector<256x1xi32>
    %slice3A_221 = vector.extract_strided_slice %max3A_152 {offsets = [1536, 0], sizes = [256, 256], strides = [1, 1]} : vector<4096x256xf32> to vector<256x256xf32>
    %jit3A_222 = arith.constant 0.000000e+00 : f32
    %broadcast_in_dim3A_223 = vector.shape_cast %ge3A_220 : vector<256x1xi1> to vector<256x1xi1>
    %broadcast_in_dim3A_224 = vector.broadcast %broadcast_in_dim3A_223 : vector<256x1xi1> to vector<256x256xi1>
    %broadcast_in_dim3A_225 = vector.broadcast %jit3A_222 : f32 to vector<256x256xf32>
    %select_n3A_226 = arith.select %broadcast_in_dim3A_224, %broadcast_in_dim3A_225, %slice3A_221 : vector<256x256xi1>, vector<256x256xf32>
    %max3A_227 = arith.maximumf %max3A_216, %select_n3A_226 : vector<256x256xf32>
    %slice3A_228 = vector.extract_strided_slice %transpose3A {offsets = [0, 7], sizes = [256, 1], strides = [1, 1]} : vector<256x16xi32> to vector<256x1xi32>
    %ge3A_229 = arith.constant 1082130432 : i32
    %ge3A_230 = vector.broadcast %ge3A_229 : i32 to vector<256x1xi32>
    %ge3A_231 = arith.cmpi sge, %slice3A_228, %ge3A_230 : vector<256x1xi32>
    %slice3A_232 = vector.extract_strided_slice %max3A_152 {offsets = [1792, 0], sizes = [256, 256], strides = [1, 1]} : vector<4096x256xf32> to vector<256x256xf32>
    %jit3A_233 = arith.constant 0.000000e+00 : f32
    %broadcast_in_dim3A_234 = vector.shape_cast %ge3A_231 : vector<256x1xi1> to vector<256x1xi1>
    %broadcast_in_dim3A_235 = vector.broadcast %broadcast_in_dim3A_234 : vector<256x1xi1> to vector<256x256xi1>
    %broadcast_in_dim3A_236 = vector.broadcast %jit3A_233 : f32 to vector<256x256xf32>
    %select_n3A_237 = arith.select %broadcast_in_dim3A_235, %broadcast_in_dim3A_236, %slice3A_232 : vector<256x256xi1>, vector<256x256xf32>
    %max3A_238 = arith.maximumf %max3A_227, %select_n3A_237 : vector<256x256xf32>
    %slice3A_239 = vector.extract_strided_slice %transpose3A {offsets = [0, 8], sizes = [256, 1], strides = [1, 1]} : vector<256x16xi32> to vector<256x1xi32>
    %ge3A_240 = arith.constant 1082130432 : i32
    %ge3A_241 = vector.broadcast %ge3A_240 : i32 to vector<256x1xi32>
    %ge3A_242 = arith.cmpi sge, %slice3A_239, %ge3A_241 : vector<256x1xi32>
    %slice3A_243 = vector.extract_strided_slice %max3A_152 {offsets = [2048, 0], sizes = [256, 256], strides = [1, 1]} : vector<4096x256xf32> to vector<256x256xf32>
    %jit3A_244 = arith.constant 0.000000e+00 : f32
    %broadcast_in_dim3A_245 = vector.shape_cast %ge3A_242 : vector<256x1xi1> to vector<256x1xi1>
    %broadcast_in_dim3A_246 = vector.broadcast %broadcast_in_dim3A_245 : vector<256x1xi1> to vector<256x256xi1>
    %broadcast_in_dim3A_247 = vector.broadcast %jit3A_244 : f32 to vector<256x256xf32>
    %select_n3A_248 = arith.select %broadcast_in_dim3A_246, %broadcast_in_dim3A_247, %slice3A_243 : vector<256x256xi1>, vector<256x256xf32>
    %max3A_249 = arith.maximumf %max3A_238, %select_n3A_248 : vector<256x256xf32>
    %slice3A_250 = vector.extract_strided_slice %transpose3A {offsets = [0, 9], sizes = [256, 1], strides = [1, 1]} : vector<256x16xi32> to vector<256x1xi32>
    %ge3A_251 = arith.constant 1082130432 : i32
    %ge3A_252 = vector.broadcast %ge3A_251 : i32 to vector<256x1xi32>
    %ge3A_253 = arith.cmpi sge, %slice3A_250, %ge3A_252 : vector<256x1xi32>
    %slice3A_254 = vector.extract_strided_slice %max3A_152 {offsets = [2304, 0], sizes = [256, 256], strides = [1, 1]} : vector<4096x256xf32> to vector<256x256xf32>
    %jit3A_255 = arith.constant 0.000000e+00 : f32
    %broadcast_in_dim3A_256 = vector.shape_cast %ge3A_253 : vector<256x1xi1> to vector<256x1xi1>
    %broadcast_in_dim3A_257 = vector.broadcast %broadcast_in_dim3A_256 : vector<256x1xi1> to vector<256x256xi1>
    %broadcast_in_dim3A_258 = vector.broadcast %jit3A_255 : f32 to vector<256x256xf32>
    %select_n3A_259 = arith.select %broadcast_in_dim3A_257, %broadcast_in_dim3A_258, %slice3A_254 : vector<256x256xi1>, vector<256x256xf32>
    %max3A_260 = arith.maximumf %max3A_249, %select_n3A_259 : vector<256x256xf32>
    %slice3A_261 = vector.extract_strided_slice %transpose3A {offsets = [0, 10], sizes = [256, 1], strides = [1, 1]} : vector<256x16xi32> to vector<256x1xi32>
    %ge3A_262 = arith.constant 1082130432 : i32
    %ge3A_263 = vector.broadcast %ge3A_262 : i32 to vector<256x1xi32>
    %ge3A_264 = arith.cmpi sge, %slice3A_261, %ge3A_263 : vector<256x1xi32>
    %slice3A_265 = vector.extract_strided_slice %max3A_152 {offsets = [2560, 0], sizes = [256, 256], strides = [1, 1]} : vector<4096x256xf32> to vector<256x256xf32>
    %jit3A_266 = arith.constant 0.000000e+00 : f32
    %broadcast_in_dim3A_267 = vector.shape_cast %ge3A_264 : vector<256x1xi1> to vector<256x1xi1>
    %broadcast_in_dim3A_268 = vector.broadcast %broadcast_in_dim3A_267 : vector<256x1xi1> to vector<256x256xi1>
    %broadcast_in_dim3A_269 = vector.broadcast %jit3A_266 : f32 to vector<256x256xf32>
    %select_n3A_270 = arith.select %broadcast_in_dim3A_268, %broadcast_in_dim3A_269, %slice3A_265 : vector<256x256xi1>, vector<256x256xf32>
    %max3A_271 = arith.maximumf %max3A_260, %select_n3A_270 : vector<256x256xf32>
    %slice3A_272 = vector.extract_strided_slice %transpose3A {offsets = [0, 11], sizes = [256, 1], strides = [1, 1]} : vector<256x16xi32> to vector<256x1xi32>
    %ge3A_273 = arith.constant 1082130432 : i32
    %ge3A_274 = vector.broadcast %ge3A_273 : i32 to vector<256x1xi32>
    %ge3A_275 = arith.cmpi sge, %slice3A_272, %ge3A_274 : vector<256x1xi32>
    %slice3A_276 = vector.extract_strided_slice %max3A_152 {offsets = [2816, 0], sizes = [256, 256], strides = [1, 1]} : vector<4096x256xf32> to vector<256x256xf32>
    %jit3A_277 = arith.constant 0.000000e+00 : f32
    %broadcast_in_dim3A_278 = vector.shape_cast %ge3A_275 : vector<256x1xi1> to vector<256x1xi1>
    %broadcast_in_dim3A_279 = vector.broadcast %broadcast_in_dim3A_278 : vector<256x1xi1> to vector<256x256xi1>
    %broadcast_in_dim3A_280 = vector.broadcast %jit3A_277 : f32 to vector<256x256xf32>
    %select_n3A_281 = arith.select %broadcast_in_dim3A_279, %broadcast_in_dim3A_280, %slice3A_276 : vector<256x256xi1>, vector<256x256xf32>
    %max3A_282 = arith.maximumf %max3A_271, %select_n3A_281 : vector<256x256xf32>
    %slice3A_283 = vector.extract_strided_slice %transpose3A {offsets = [0, 12], sizes = [256, 1], strides = [1, 1]} : vector<256x16xi32> to vector<256x1xi32>
    %ge3A_284 = arith.constant 1082130432 : i32
    %ge3A_285 = vector.broadcast %ge3A_284 : i32 to vector<256x1xi32>
    %ge3A_286 = arith.cmpi sge, %slice3A_283, %ge3A_285 : vector<256x1xi32>
    %slice3A_287 = vector.extract_strided_slice %max3A_152 {offsets = [3072, 0], sizes = [256, 256], strides = [1, 1]} : vector<4096x256xf32> to vector<256x256xf32>
    %jit3A_288 = arith.constant 0.000000e+00 : f32
    %broadcast_in_dim3A_289 = vector.shape_cast %ge3A_286 : vector<256x1xi1> to vector<256x1xi1>
    %broadcast_in_dim3A_290 = vector.broadcast %broadcast_in_dim3A_289 : vector<256x1xi1> to vector<256x256xi1>
    %broadcast_in_dim3A_291 = vector.broadcast %jit3A_288 : f32 to vector<256x256xf32>
    %select_n3A_292 = arith.select %broadcast_in_dim3A_290, %broadcast_in_dim3A_291, %slice3A_287 : vector<256x256xi1>, vector<256x256xf32>
    %max3A_293 = arith.maximumf %max3A_282, %select_n3A_292 : vector<256x256xf32>
    %slice3A_294 = vector.extract_strided_slice %transpose3A {offsets = [0, 13], sizes = [256, 1], strides = [1, 1]} : vector<256x16xi32> to vector<256x1xi32>
    %ge3A_295 = arith.constant 1082130432 : i32
    %ge3A_296 = vector.broadcast %ge3A_295 : i32 to vector<256x1xi32>
    %ge3A_297 = arith.cmpi sge, %slice3A_294, %ge3A_296 : vector<256x1xi32>
    %slice3A_298 = vector.extract_strided_slice %max3A_152 {offsets = [3328, 0], sizes = [256, 256], strides = [1, 1]} : vector<4096x256xf32> to vector<256x256xf32>
    %jit3A_299 = arith.constant 0.000000e+00 : f32
    %broadcast_in_dim3A_300 = vector.shape_cast %ge3A_297 : vector<256x1xi1> to vector<256x1xi1>
    %broadcast_in_dim3A_301 = vector.broadcast %broadcast_in_dim3A_300 : vector<256x1xi1> to vector<256x256xi1>
    %broadcast_in_dim3A_302 = vector.broadcast %jit3A_299 : f32 to vector<256x256xf32>
    %select_n3A_303 = arith.select %broadcast_in_dim3A_301, %broadcast_in_dim3A_302, %slice3A_298 : vector<256x256xi1>, vector<256x256xf32>
    %max3A_304 = arith.maximumf %max3A_293, %select_n3A_303 : vector<256x256xf32>
    %slice3A_305 = vector.extract_strided_slice %transpose3A {offsets = [0, 14], sizes = [256, 1], strides = [1, 1]} : vector<256x16xi32> to vector<256x1xi32>
    %ge3A_306 = arith.constant 1082130432 : i32
    %ge3A_307 = vector.broadcast %ge3A_306 : i32 to vector<256x1xi32>
    %ge3A_308 = arith.cmpi sge, %slice3A_305, %ge3A_307 : vector<256x1xi32>
    %slice3A_309 = vector.extract_strided_slice %max3A_152 {offsets = [3584, 0], sizes = [256, 256], strides = [1, 1]} : vector<4096x256xf32> to vector<256x256xf32>
    %jit3A_310 = arith.constant 0.000000e+00 : f32
    %broadcast_in_dim3A_311 = vector.shape_cast %ge3A_308 : vector<256x1xi1> to vector<256x1xi1>
    %broadcast_in_dim3A_312 = vector.broadcast %broadcast_in_dim3A_311 : vector<256x1xi1> to vector<256x256xi1>
    %broadcast_in_dim3A_313 = vector.broadcast %jit3A_310 : f32 to vector<256x256xf32>
    %select_n3A_314 = arith.select %broadcast_in_dim3A_312, %broadcast_in_dim3A_313, %slice3A_309 : vector<256x256xi1>, vector<256x256xf32>
    %max3A_315 = arith.maximumf %max3A_304, %select_n3A_314 : vector<256x256xf32>
    %slice3A_316 = vector.extract_strided_slice %transpose3A {offsets = [0, 15], sizes = [256, 1], strides = [1, 1]} : vector<256x16xi32> to vector<256x1xi32>
    %ge3A_317 = arith.constant 1082130432 : i32
    %ge3A_318 = vector.broadcast %ge3A_317 : i32 to vector<256x1xi32>
    %ge3A_319 = arith.cmpi sge, %slice3A_316, %ge3A_318 : vector<256x1xi32>
    %slice3A_320 = vector.extract_strided_slice %max3A_152 {offsets = [3840, 0], sizes = [256, 256], strides = [1, 1]} : vector<4096x256xf32> to vector<256x256xf32>
    %jit3A_321 = arith.constant 0.000000e+00 : f32
    %broadcast_in_dim3A_322 = vector.shape_cast %ge3A_319 : vector<256x1xi1> to vector<256x1xi1>
    %broadcast_in_dim3A_323 = vector.broadcast %broadcast_in_dim3A_322 : vector<256x1xi1> to vector<256x256xi1>
    %broadcast_in_dim3A_324 = vector.broadcast %jit3A_321 : f32 to vector<256x256xf32>
    %select_n3A_325 = arith.select %broadcast_in_dim3A_323, %broadcast_in_dim3A_324, %slice3A_320 : vector<256x256xi1>, vector<256x256xf32>
    %max3A_326 = arith.maximumf %max3A_315, %select_n3A_325 : vector<256x256xf32>
    %get3A_327 = arith.constant 0 : index
    %get3A_328 = arith.constant 0 : index
    %get3A_329 = arith.constant 0 : index
    %get3A_330 = vector.load %arg4[%get3A_327, %get3A_328, %get3A_329] : memref<1x8x256xf32, #tpu.memory_space<vmem>>, vector<1x3x256xf32>
    %get3A_331 = vector.shape_cast %get3A_330 : vector<1x3x256xf32> to vector<3x256xf32>
    %swap3A = arith.constant 0 : index
    %swap3A_332 = arith.constant 0 : index
    %swap3A_333 = arith.constant 0 : index
    %swap3A_334 = vector.load %arg12[%swap3A, %swap3A_332, %swap3A_333] : memref<1x259x256xf32, #tpu.memory_space<vmem>>, vector<1x3x256xf32>
    %swap3A_335 = vector.shape_cast %swap3A_334 : vector<1x3x256xf32> to vector<3x256xf32>
    %swap3A_336 = vector.shape_cast %get3A_331 : vector<3x256xf32> to vector<1x3x256xf32>
    tpu.vector_store %arg12[%swap3A, %swap3A_332, %swap3A_333], %swap3A_336 {strides = array<i32>} : memref<1x259x256xf32, #tpu.memory_space<vmem>>, vector<1x3x256xf32>,
    %transpose3A_337 = tpu.transpose %max3A_326, [1, 0] : vector<256x256xf32> -> vector<256x256xf32>
    %swap3A_338 = arith.constant 0 : index
    %swap3A_339 = arith.constant 3 : index
    %swap3A_340 = arith.constant 0 : index
    %swap3A_341 = vector.load %arg12[%swap3A_338, %swap3A_339, %swap3A_340] : memref<1x259x256xf32, #tpu.memory_space<vmem>>, vector<1x256x256xf32>
    %swap3A_342 = vector.shape_cast %swap3A_341 : vector<1x256x256xf32> to vector<256x256xf32>
    %swap3A_343 = vector.shape_cast %transpose3A_337 : vector<256x256xf32> to vector<1x256x256xf32>
    tpu.vector_store %arg12[%swap3A_338, %swap3A_339, %swap3A_340], %swap3A_343 {strides = array<i32>} : memref<1x259x256xf32, #tpu.memory_space<vmem>>, vector<1x256x256xf32>,
    return
  }
  func.func @transform_1(%arg0: i32) -> (i32, i32) {
    %c0_i32 = arith.constant 0 : i32
    %c0_i32_0 = arith.constant 0 : i32
    return %arg0, %c0_i32 : i32, i32
  }
  func.func @transform_2(%arg0: i32) -> (i32, i32) {
    %c0_i32 = arith.constant 0 : i32
    %c0_i32_0 = arith.constant 0 : i32
    return %arg0, %c0_i32 : i32, i32
  }
  func.func @transform_3(%arg0: i32) -> (i32, i32, i32) {
    %c0_i32 = arith.constant 0 : i32
    %c0_i32_0 = arith.constant 0 : i32
    %c0_i32_1 = arith.constant 0 : i32
    return %c0_i32, %c0_i32_0, %arg0 : i32, i32, i32
  }
  func.func @transform_4(%arg0: i32) -> (i32, i32, i32) {
    %c0_i32 = arith.constant 0 : i32
    %c0_i32_0 = arith.constant 0 : i32
    %c0_i32_1 = arith.constant 0 : i32
    return %arg0, %c0_i32, %c0_i32_0 : i32, i32, i32
  }
  func.func @transform_5(%arg0: i32) -> (i32, i32) {
    %c0_i32 = arith.constant 0 : i32
    %c0_i32_0 = arith.constant 0 : i32
    %c0_i32_1 = arith.constant 0 : i32
    return %c0_i32, %c0_i32_0 : i32, i32
  }
  func.func @transform_6(%arg0: i32) -> (i32, i32) {
    %c0_i32 = arith.constant 0 : i32
    %c0_i32_0 = arith.constant 0 : i32
    %c0_i32_1 = arith.constant 0 : i32
    return %c0_i32, %c0_i32_0 : i32, i32
  }
  func.func @transform_7(%arg0: i32) -> (i32, i32) {
    %c0_i32 = arith.constant 0 : i32
    %c0_i32_0 = arith.constant 0 : i32
    %c0_i32_1 = arith.constant 0 : i32
    return %c0_i32, %c0_i32_0 : i32, i32
  }
  func.func @transform_8(%arg0: i32) -> (i32, i32) {
    %c0_i32 = arith.constant 0 : i32
    %c0_i32_0 = arith.constant 0 : i32
    %c0_i32_1 = arith.constant 0 : i32
    return %c0_i32, %c0_i32_0 : i32, i32
  }
  func.func @transform_9(%arg0: i32) -> (i32, i32) {
    %c0_i32 = arith.constant 0 : i32
    %c0_i32_0 = arith.constant 0 : i32
    %c0_i32_1 = arith.constant 0 : i32
    return %c0_i32, %c0_i32_0 : i32, i32
  }
  func.func @transform_10(%arg0: i32) -> (i32, i32) {
    %c0_i32 = arith.constant 0 : i32
    %c0_i32_0 = arith.constant 0 : i32
    %c0_i32_1 = arith.constant 0 : i32
    return %c0_i32, %c0_i32_0 : i32, i32
  }
  func.func @transform_11(%arg0: i32) -> (i32, i32, i32) {
    %c3_i32 = arith.constant 3 : i32
    %c0_i32 = arith.constant 0 : i32
    %c0_i32_0 = arith.constant 0 : i32
    return %c3_i32, %c0_i32, %arg0 : i32, i32, i32
  }
}

</mosaic_0001>

<sc_bundles>
// kernel: kernel.15.cloned.1.call-start
scs
__scs_entry_jumppad:
0x0: {  	(pc) =	sbr.rel $0x88, $3  }
0x1: {  	(tag) =	ssettag $0x0;
	lr =	simm.s32 $0x1  }
0x2: {  	[smem:$0x3F99] =	sst lr;
	_ =	strace $0xD0000000  }
0x3: {  	_ = 	snop  }
0x4: {  	_ = 	snop  }
0x5: {  	_ = 	snop  }
0x6: {  	_ = 	snop  }
0x7: {  	_ = 	snop  }
__scs_overlays_trampoline_lowered:
0x8: {  	[smem:$0x3FA8] =	sst s0  }
0x9: {  	[smem:$0x3FA9] =	sst s1  }
0xa: {  	[smem:$0x3FAA] =	sst s2  }
0xb: {  	[smem:$0x3FAB] =	sst s3  }
0xc: {  	[smem:$0x3FAC] =	sst s4  }
0xd: {  	[smem:$0x3FAD] =	sst s5  }
0xe: {  	[smem:$0x3FAE] =	sst s6  }
0xf: {  	[smem:$0x3FAF] =	sst s7  }
0x10: {  	[smem:$0x3FB0] =	sst s8  }
0x11: {  	[smem:$0x3FB1] =	sst s9;
	s0 =	simm.s32 @!p0 $0x0  }
0x12: {  	s1 =	sld [smem:$0x3F97];
	s0 =	simm.s32 @p0 $0x1  }
0x13: {  	[smem:$0x3FB2] =	sst s0;
	s0 =	simm.s32 @!p1 $0x0  }
0x14: {  	s2 =	sld [smem:$0x3F96];
	s0 =	simm.s32 @p1 $0x1  }
0x15: {  	[smem:$0x3FB3] =	sst s0;
	s0 =	simm.s32 @!p2 $0x0  }
0x16: {  	s3 =	sld [smem:$0x3FDB];
	s0 =	simm.s32 @p2 $0x1  }
0x17: {  	s4 =	simm.s32 $0x1BF5;
	[smem:$0x3FB5] =	sst s0  }
0x18: {  	s0 =	sld [smem:$0x3F98];
	_ =	swait.ge [sflag:s4], $0x0  }
0x19: {  	s7 =	sld [smem:$0x3F99]  }
0x1a: {  	s8 =	sadd.s32 $0xFFFFE003, lr  }
0x1b: {  	s9 =	sadd.s32 $0xFFFFFEF7, lr;
	s5 =	simm.s32 $0xFFFFFFFF;
	p2 =	slt.u32 s8, $0xFFFFF086  }
0x1c: {  	p1 =	slt.u32 s9, $0xF7A;
	s5 =	simm.s32 @!p2 $0x0  }
0x1d: {  	s5 =	simm.s32 @p1 $0x1;
	p0 =	seq.s32 s7, s2  }
0x1e: {  	s7 =	smul.u32 @!p0 $0xF7A, s2;
	p2 =	seq.s32 @!p0 s5, $0x0  }
0x1f: {  	s9 =	smul.u32 $0xF7A, s1;
	s8 =	simm.s32 @!p0 $0x1BF5;
	p2 =	por !p2, p0  }
0x20: {  	[sflag:s8] =	ssyncset.s32 @!p0 $0xFFFFF086;
	s6 =	sadd.s32 @!p0 s3, s7;
	s7 =	simm.s32 @!p0 $0x108  }
0x21: {  	s3 =	sadd.s32 s3, s9;
	s6 =	sadd.s32 @!p0 $0x88, s6;
	s7 =	simm.s32 @p2 $0x1082  }
0x22: {  	[simem:s7], [sflag:s8] =	dma.local @!p0 [hbm:s6], $0xF7A  }
0x23: {  	s9 =	sor.u32 $0xD0000000, s2;
	s6 =	simm.s32 $0x108;
	_ =	swait.ge @!p0 [sflag:s8], $0x0  }
0x24: {  	s3 =	sadd.s32 $0x88, s3;
	s6 =	simm.s32 @!p1 $0x1082;
	[sflag:s4] =	ssyncset.s32 $0xFFFFF086  }
0x25: {  	[simem:s6], [sflag:s4] =	dma.local [hbm:s3], $0xF7A  }
0x26: {  	[smem:$0x3F99] =	sst s1;
	(tag) =	ssettag s2;
	_ =	strace s9  }
0x27: {  	s1 =	sld [smem:$0x3FA9]  }
0x28: {  	s2 =	sld [smem:$0x3FAA]  }
0x29: {  	s4 =	sld [smem:$0x3FAC]  }
0x2a: {  	p0 =	seq.s32 s5, $0x0;
	s5 =	sld [smem:$0x3FAD]  }
0x2b: {  	s6 =	sld [smem:$0x3FAE]  }
0x2c: {  	s7 =	sld [smem:$0x3FAF]  }
0x2d: {  	s3 =	simm.s32 $0x108;
	s8 =	sld [smem:$0x3FB0]  }
0x2e: {  	s3 =	simm.s32 @!p0 $0x1082;
	s9 =	sld [smem:$0x3FB1]  }
0x2f: {  	lr =	sadd.s32 s0, s3;
	s0 =	sld [smem:$0x3FA8]  }
0x30: {  	s3 =	sld [smem:$0x3FAB]  }
0x31: {  	[smem:$0x3FB4] =	sst s10  }
0x32: {  	s10 =	sld [smem:$0x3FB2];
	_ =	sdelay $0x3  }
0x33: {  	p0 =	seq.s32 s10, $0x1;
	s10 =	sld [smem:$0x3FB4];
	_ =	sdelay $0x3  }
0x34: {  	[smem:$0x3FB4] =	sst s10  }
0x35: {  	s10 =	sld [smem:$0x3FB3];
	_ =	sdelay $0x3  }
0x36: {  	p1 =	seq.s32 s10, $0x1;
	s10 =	sld [smem:$0x3FB4];
	_ =	sdelay $0x3  }
0x37: {  	[smem:$0x3FB4] =	sst s10  }
0x38: {  	s10 =	sld [smem:$0x3FB5]  }
0x39: {  	_ = 	snop;
	(pc) =	sbr.ind lr, $3  }
0x3a: {  	_ = 	snop  }
0x3b: {  	_ = 	snop  }
0x3c: {  	p2 =	seq.s32 s10, $0x1;
	s10 =	sld [smem:$0x3FB4]  }
0x3d: {  	_ =	shalt  }
0x3e: {  	_ =	shalt  }
0x3f: {  	_ =	shalt  }
0x40: {  	_ =	shalt  }
0x41: {  	_ =	shalt  }
0x42: {  	_ =	shalt  }
0x43: {  	_ =	shalt  }
0x44: {  	_ =	shalt  }
0x45: {  	_ =	shalt  }
0x46: {  	_ =	shalt  }
0x47: {  	_ =	shalt  }
0x48: {  	_ =	shalt  }
0x49: {  	_ =	shalt  }
0x4a: {  	_ =	shalt  }
0x4b: {  	_ =	shalt  }
0x4c: {  	_ =	shalt  }
0x4d: {  	_ =	shalt  }
0x4e: {  	_ =	shalt  }
0x4f: {  	_ =	shalt  }
0x50: {  	_ =	shalt  }
0x51: {  	_ =	shalt  }
0x52: {  	_ =	shalt  }
0x53: {  	_ =	shalt  }
0x54: {  	_ =	shalt  }
0x55: {  	_ =	shalt  }
0x56: {  	_ =	shalt  }
0x57: {  	_ =	shalt  }
0x58: {  	_ =	shalt  }
0x59: {  	_ =	shalt  }
0x5a: {  	_ =	shalt  }
0x5b: {  	_ =	shalt  }
0x5c: {  	_ =	shalt  }
0x5d: {  	_ =	shalt  }
0x5e: {  	_ =	shalt  }
0x5f: {  	_ =	shalt  }
0x60: {  	_ =	shalt  }
0x61: {  	_ =	shalt  }
0x62: {  	_ =	shalt  }
0x63: {  	_ =	shalt  }
0x64: {  	_ =	shalt  }
0x65: {  	_ =	shalt  }
0x66: {  	_ =	shalt  }
0x67: {  	_ =	shalt  }
0x68: {  	_ =	shalt  }
0x69: {  	_ =	shalt  }
0x6a: {  	_ =	shalt  }
0x6b: {  	_ =	shalt  }
0x6c: {  	_ =	shalt  }
0x6d: {  	_ =	shalt  }
0x6e: {  	_ =	shalt  }
0x6f: {  	_ =	shalt  }
0x70: {  	_ =	shalt  }
0x71: {  	_ =	shalt  }
0x72: {  	_ =	shalt  }
0x73: {  	_ =	shalt  }
0x74: {  	_ =	shalt  }
0x75: {  	_ =	shalt  }
0x76: {  	_ =	shalt  }
0x77: {  	_ =	shalt  }
0x78: {  	_ =	shalt  }
0x79: {  	_ =	shalt  }
0x7a: {  	_ =	shalt  }
0x7b: {  	_ =	shalt  }
0x7c: {  	_ =	shalt  }
0x7d: {  	_ =	shalt  }
0x7e: {  	_ =	shalt  }
0x7f: {  	_ =	shalt  }
0x80: {  	_ =	shalt  }
0x81: {  	_ =	shalt  }
0x82: {  	_ =	shalt  }
0x83: {  	_ =	shalt  }
0x84: {  	_ =	shalt  }
0x85: {  	_ =	shalt  }
0x86: {  	_ =	shalt  }
0x87: {  	_ =	shalt  }
.Lfunc_end0:
.L_simem_size_0:
called_computation_lowered:
.L_overlay_start_0:
0x88: {  	s2 =	sld [smem:$0x3FD9]  }
0x89: {  	s3 =	sld [smem:$0x3FFE];
	_ =	sdelay $0x1  }
0x8a: {  	s1 =	srdreg.scid  }
0x8b: {  	s0 =	sand.u32 $0x1, s1  }
0x8c: {  	s17 =	sshll.u32 s0, $0xA;
	s2 =	sadd.s32 s3, s2  }
0x8d: {  	s2 =	sadd.s32 s2, s17  }
0x8e: {  	[smem:$0x3FC0] =	sst s2  }
0x8f: {  	_ = 	snop  }
0x90: {  	s2 =	sld [smem:$0x3FD0];
	(tm) =	ssettm $0x1  }
0x91: {  	s18 =	sld [smem:$0x3FFB];
	_ =	sdelay $0x3  }
0x92: {  	_ =	strace s18  }
0x93: {  	s3 =	sld [smem:$0x3FFC];
	_ =	sdelay $0x3  }
0x94: {  	_ =	strace s3  }
0x95: {  	s3 =	sld [smem:$0x3FFD];
	_ =	sdelay $0x3  }
0x96: {  	_ =	strace s3  }
0x97: {  	_ =	strace $0x8FFFFFFF  }
0x98: {  	s19 =	sld [smem:$0x3FDB];
	_ =	sdelay $0x1  }
0x99: {  	s4 =	simm.s32 $_scs_section_size  }
0x9a: {  	s5 =	simm.s32 $_size__tile_overlayer_lowered;
	s6 =	simm.s32 $_tile_overlayer_lowered  }
0x9b: {  	s22 =	simm.s32 $0x1BFF;
	s21 =	sshll.u32 s6, $0x1;
	s3 =	sadd.s32 s4, s19  }
0x9c: {  	s7 =	simm.s32 $0x0;
	s20 =	sshll.u32 s5, $0x1;
	s5 =	sadd.s32 s21, s3  }
0x9d: {  	[timem:s7], [sflag:s22] =	dma.local [hbm:s5], s20  }
0x9e: {  	_ =	swait.ge [sflag:s22], s20  }
0x9f: {  	s4 =	ssub.s32 $0x0, s20;
	[sflag:s22] =	ssyncset.done $0x0  }
0xa0: {  	[sflag:s22] =	ssyncadd.s32 s4;
	_ =	sdelay $0x1  }
0xa1: {  	s23 =	simm.s32 $0x1B8B  }
0xa2: {  	_ =	swait.ge [sflag:s23], $0x1  }
0xa3: {  	[sflag:s23] =	ssyncset.done $0x0  }
0xa4: {  	s25 =	simm.s32 $0x1B8E;
	s24 =	sld [smem:$0x3FFE];
	[sflag:s23] =	ssyncadd.s32 $0xFFFFFFFF  }
0xa5: {  	s26 =	simm.s32 $execute0_lowered;
	[smem:$0x3FD2] =	sst s25  }
0xa6: {  	s5 =	sshll.u32 s26, $0x1;
	_ =	strace $0x80000046;
	[dreg:$0x1] =	wrdreg $0xFFFFFFFF  }
0xa7: {  	s28 =	simm.s32 $_size_execute0_lowered;
	s3 =	sadd.s32 s3, s5;
	[dreg:$0x0] =	wrdreg $0x0  }
0xa8: {  	s5 =	sshll.u32 s28, $0x1;
	[dreg:$0x2] =	wrdreg s3  }
0xa9: {  	[dreg:$0x3] =	wrdreg s5  }
0xaa: {  	[dreg:$0x4] =	wrdreg $0xC0  }
0xab: {  	_ =	task [dreg:s7], $0x5FFFF  }
0xac: {  	[dreg:$0x1] =	wrdreg $0xFFFFFFFF  }
0xad: {  	[dreg:$0x0] =	wrdreg $0x60  }
0xae: {  	[dreg:$0x2] =	wrdreg s2  }
0xaf: {  	[dreg:$0x3] =	wrdreg s24  }
0xb0: {  	[dreg:$0x4] =	wrdreg $0x9  }
0xb1: {  	_ =	task.clear_ibuf [dreg:s7], $0x5FFFF;
	_ =	strace $0x90000046  }
0xb2: {  	s29 =	simm.s32 $0x9;
	_ =	strace $0x80000048  }
0xb3: {  	_ =	swait.ge [sflag:s29], $0x1  }
0xb4: {  	[sflag:s29] =	ssyncadd.s32 $0xFFFFFFFF  }
0xb5: {  	_ =	strace $0x90000048  }
0xb6: {  	_ =	sfence  }
0xb7: {  	s30 =	sld [smem:$0x0];
	_ =	sdelay $0x2  }
0xb8: {  	s31 =	sshll.u32 s1, $0xD;
	s1 =	sshrl.u32 s1, $0x2  }
0xb9: {  	s3 =	sand.u32 $0x4000, s31;
	s1 =	sadd.s32 s1, s30  }
0xba: {  	s0 =	sor.u32 s3, s0;
	s1 =	sshll.u32 s1, $0x11  }
0xbb: {  	s0 =	sor.u32 s1, s0  }
0xbc: {  	s0 =	sadd.s32 $0x8F2B, s0  }
0xbd: {  	[sflag:s0] =	ssyncadd.remote.s32 $0x1  }
0xbe: {  	_ =	sfence.sel $0xFFFF  }
0xbf: {  	[dreg:$0x0] =	wrdreg $0xFFFFFFFF;
	(pc) =	sbr.abs _section_cstart, $3  }
0xc0: {  	[dreg:$0x1] =	wrdreg $0xFFFFFFFF  }
0xc1: {  	_ =	task.clear_ibuf [dreg:s7], $0x2FFFF;
	_ =	strace $0x9FFFFFFF  }
0xc2: {  	(tm) =	ssettm $0x7FFFFFFF  }
0xc3: {  	_ =	shalt  }
tec
execute0_lowered:
.L_overlay_start_1:
0x0: {  	(tag) =	ssettag $0x1  }
0x1: {  	s1 =	srdreg.scid  }
0x2: {  	s0 =	stileid.u32;
	s16 =	sand.u32 $0x1, s1  }
0x3: {  	s2 =	rddreg [dreg:$0x0];
	s30 =	sshll.u32 s0, $0xB;
	s3 =	sshll.u32 s16, $0xA  }
0x4: {  	s10 =	rddreg [dreg:$0x1];
	s11 =	sor.u32 s3, s30  }
0x5: {  	s1 =	rddreg [dreg:$0x2];
	s3 =	simm.s32 $0x0;
	s4 =	sshrl.u32 s11, $0x3  }
0x6: {  	[smem:$0x7FF] =	sst s3;
	s4 =	sadd.s32 s4, s10  }
0x7: {  	_ =	strace $0x80000047;
	s5 =	sadd.s32 $0x3600, s4;
	s4 =	simm.s32 $0x3  }
0x8: {  	[tilespmem:s3], [sflag:$0x3] =	stream.linear.gather [hbm4b:s5+s3], $0x400, $0x38;
	[tilespmem:$0x10400] =	vst v63  }
0x9: {  	_ =	swait.ge [sflag:s4], $0x400  }
0xa: {  	[sflag:s4] =	ssyncset.done $0x0  }
0xb: {  	s6 =	simm.s32 $0x100;
	s7 =	simm.s32 $0x400;
	[sflag:s4] =	ssyncadd.s32 $0xFFFFFC00  }
0xc: {  	[tilespmem:s7], [sflag:$0x1] =	stream.indirect.gather [hbm4b:s2+s6], $0x80, s3, s6, $0xb8;
	[tilespmem:$0x10400] =	vst v63  }
0xd: {  	s8 =	simm.s32 $0x8400;
	s9 =	simm.s32 $0x1  }
0xe: {  	[tilespmem:s8], [sflag:$0x2] =	stream.indirect.gather [hbm4b:s2+s6], $0x80, s6, s6, $0xb8;
	[tilespmem:$0x10400] =	vst v63  }
0xf: {  	s11 =	sshll.u32 s11, $0x4;
	_ =	swait.ge [sflag:s9], $0x8000  }
0x10: {  	s17 =	sadd.s32 s11, s10;
	[sflag:s9] =	ssyncset.done $0x0  }
0x11: {  	s10 =	sadd.s32 $0x4600, s17;
	[sflag:s9] =	ssyncadd.s32 $0xFFFF8000  }
0x12: {  	[hbm4b:s10+s3] =	stream.linear.scatter [tilespmem:s7], [sflag:$0x3], $0x8000, $0x38;
	[tilespmem:$0x10400] =	vst v63  }
0x13: {  	_ =	swait.ge [sflag:s4], $0x8000  }
0x14: {  	[sflag:s4] =	ssyncset.done $0x0  }
0x15: {  	s12 =	simm.s32 $0x2;
	s11 =	simm.s32 $0x200;
	[sflag:s4] =	ssyncadd.s32 $0xFFFF8000  }
0x16: {  	[tilespmem:s7], [sflag:$0x1] =	stream.indirect.gather [hbm4b:s2+s6], $0x80, s11, s6, $0xb8;
	[tilespmem:$0x10400] =	vst v63  }
0x17: {  	_ =	swait.ge [sflag:s12], $0x8000  }
0x18: {  	[sflag:s12] =	ssyncset.done $0x0  }
0x19: {  	s13 =	sadd.s32 $0x5600, s17;
	[sflag:s12] =	ssyncadd.s32 $0xFFFF8000  }
0x1a: {  	[hbm4b:s13+s3] =	stream.linear.scatter [tilespmem:s8], [sflag:$0x3], $0x8000, $0x38;
	[tilespmem:$0x10400] =	vst v63  }
0x1b: {  	_ =	swait.ge [sflag:s4], $0x8000  }
0x1c: {  	[sflag:s4] =	ssyncset.done $0x0  }
0x1d: {  	s14 =	simm.s32 $0x300;
	[sflag:s4] =	ssyncadd.s32 $0xFFFF8000  }
0x1e: {  	[tilespmem:s8], [sflag:$0x2] =	stream.indirect.gather [hbm4b:s2+s6], $0x80, s14, s6, $0xb8;
	[tilespmem:$0x10400] =	vst v63  }
0x1f: {  	_ =	swait.ge [sflag:s9], $0x8000  }
0x20: {  	[sflag:s9] =	ssyncset.done $0x0  }
0x21: {  	s16 =	ssub.s32 $0x2, s16;
	s15 =	sadd.s32 $0x6600, s17;
	[sflag:s9] =	ssyncadd.s32 $0xFFFF8000  }
0x22: {  	[hbm4b:s15+s3] =	stream.linear.scatter [tilespmem:s7], [sflag:$0x3], $0x8000, $0x38;
	[tilespmem:$0x10400] =	vst v63  }
0x23: {  	s18 =	sshrl.u32 s16, $0x1;
	_ =	swait.ge [sflag:s4], $0x8000  }
0x24: {  	s18 =	ssub.s32 s16, s18;
	[sflag:s4] =	ssyncset.done $0x0  }
0x25: {  	s31 =	smax.u32 s18, $0x1;
	[sflag:s4] =	ssyncadd.s32 $0xFFFF8000  }
0x26: {  	p0 =	sne.s32 s31, $0x1;
	_ =	swait.ge [sflag:s12], $0x8000  }
.Ltmp0:
0x27: {  	[sflag:s12] =	ssyncset.done $0x0;
	(pc) =	sbr.rel @!p0 .LBB2_2-.Ltmp0, $4  }
0x28: {  	s16 =	sadd.s32 $0x7600, s17;
	[sflag:s12] =	ssyncadd.s32 $0xFFFF8000  }
0x29: {  	[hbm4b:s16+s3] =	stream.linear.scatter [tilespmem:s8], [sflag:$0x3], $0x8000, $0x38;
	[tilespmem:$0x10400] =	vst v63  }
0x2a: {  	_ =	swait.ge [sflag:s4], $0x8000  }
0x2b: {  	s17 =	sadd.s32 $0xFFFFFFFF, s31;
	[sflag:s4] =	ssyncset.done $0x0  }
.LBB2_1:
0x2c: {  	p0 =	sne.s32 s17, $0x1;
	s17 =	sadd.s32 $0xFFFFFFFF, s17;
	[sflag:s4] =	ssyncadd.s32 $0xFFFF8000  }
0x2d: {  	[tilespmem:s3], [sflag:$0x3] =	stream.linear.gather [hbm4b:s5+s3], $0x400, $0x38;
	[tilespmem:$0x10400] =	vst v63  }
0x2e: {  	_ =	swait.ge [sflag:s4], $0x400  }
0x2f: {  	[sflag:s4] =	ssyncset.done $0x0  }
0x30: {  	[sflag:s4] =	ssyncadd.s32 $0xFFFFFC00  }
0x31: {  	[tilespmem:s7], [sflag:$0x1] =	stream.indirect.gather [hbm4b:s2+s6], $0x80, s3, s6, $0xb8;
	[tilespmem:$0x10400] =	vst v63  }
0x32: {  	_ = 	snop  }
0x33: {  	[tilespmem:s8], [sflag:$0x2] =	stream.indirect.gather [hbm4b:s2+s6], $0x80, s6, s6, $0xb8;
	[tilespmem:$0x10400] =	vst v63  }
0x34: {  	_ =	swait.ge [sflag:s9], $0x8000  }
0x35: {  	[sflag:s9] =	ssyncset.done $0x0  }
0x36: {  	[sflag:s9] =	ssyncadd.s32 $0xFFFF8000  }
0x37: {  	[hbm4b:s10+s3] =	stream.linear.scatter [tilespmem:s7], [sflag:$0x3], $0x8000, $0x38;
	[tilespmem:$0x10400] =	vst v63  }
0x38: {  	_ =	swait.ge [sflag:s4], $0x8000  }
0x39: {  	[sflag:s4] =	ssyncset.done $0x0  }
0x3a: {  	[sflag:s4] =	ssyncadd.s32 $0xFFFF8000  }
0x3b: {  	[tilespmem:s7], [sflag:$0x1] =	stream.indirect.gather [hbm4b:s2+s6], $0x80, s11, s6, $0xb8;
	[tilespmem:$0x10400] =	vst v63  }
0x3c: {  	_ =	swait.ge [sflag:s12], $0x8000  }
0x3d: {  	[sflag:s12] =	ssyncset.done $0x0  }
0x3e: {  	[sflag:s12] =	ssyncadd.s32 $0xFFFF8000  }
0x3f: {  	[hbm4b:s13+s3] =	stream.linear.scatter [tilespmem:s8], [sflag:$0x3], $0x8000, $0x38;
	[tilespmem:$0x10400] =	vst v63  }
0x40: {  	_ =	swait.ge [sflag:s4], $0x8000  }
0x41: {  	[sflag:s4] =	ssyncset.done $0x0  }
0x42: {  	[sflag:s4] =	ssyncadd.s32 $0xFFFF8000  }
0x43: {  	[tilespmem:s8], [sflag:$0x2] =	stream.indirect.gather [hbm4b:s2+s6], $0x80, s14, s6, $0xb8;
	[tilespmem:$0x10400] =	vst v63  }
0x44: {  	_ =	swait.ge [sflag:s9], $0x8000  }
0x45: {  	[sflag:s9] =	ssyncset.done $0x0  }
0x46: {  	[sflag:s9] =	ssyncadd.s32 $0xFFFF8000  }
0x47: {  	[hbm4b:s15+s3] =	stream.linear.scatter [tilespmem:s7], [sflag:$0x3], $0x8000, $0x38;
	[tilespmem:$0x10400] =	vst v63  }
0x48: {  	_ =	swait.ge [sflag:s4], $0x8000  }
0x49: {  	[sflag:s4] =	ssyncset.done $0x0  }
0x4a: {  	[sflag:s4] =	ssyncadd.s32 $0xFFFF8000  }
0x4b: {  	_ =	swait.ge [sflag:s12], $0x8000  }
.Ltmp1:
0x4c: {  	[sflag:s12] =	ssyncset.done $0x0;
	(pc) =	sbr.rel @p0 .LBB2_1-.Ltmp1, $4  }
0x4d: {  	[sflag:s12] =	ssyncadd.s32 $0xFFFF8000  }
0x4e: {  	[hbm4b:s16+s3] =	stream.linear.scatter [tilespmem:s8], [sflag:$0x3], $0x8000, $0x38;
	[tilespmem:$0x10400] =	vst v63  }
0x4f: {  	_ =	swait.ge [sflag:s4], $0x8000  }
0x50: {  	[sflag:s4] =	ssyncset.done $0x0  }
.LBB2_2:
0x51: {  	[sflag:s4] =	ssyncadd.s32 $0xFFFF8000  }
0x52: {  	_ =	sfence.sel $0x180000  }
0x53: {  	[bflag:$0x0] =	sbarrier.arrive $0xFFFF  }
0x54: {  	p0 =	sne.s32 s0, $0x0;
	_ =	strace $0x90000047  }
0x55: {  	s0 =	sadd.s32 @!p0 $0x100000, s1;
	[bflag:$0x2] =	sbarrier.arrive $0xFFFF  }
0x56: {  	[sflag:s0] =	ssyncadd.tile.s32 @!p0 $0x1;
	_ =	shalt  }
.Lfunc_end2:
_tile_overlayer_lowered:
.L_overlay_start_2:
0x57: {  	(tag) =	ssettag $0x2  }
0x58: {  	s0 =	rddreg [dreg:$0x0];
	s2 =	stileid.u32  }
0x59: {  	s1 =	rddreg [dreg:$0x1];
	p0 =	sne.s32 s2, $0x0  }
0x5a: {  	s3 =	rddreg [dreg:$0x2];
	[bflag:$0x3] =	sbarrier.arrive $0xFFFF;
	s2 =	simm.s32 @!p0 $0x1C03  }
0x5b: {  	[timem:s3], [sflag:s2] =	dma.local @!p0 [hbm:s0], s1  }
0x5c: {  	s0 =	simm.s32 @!p0 $0x3  }
0x5d: {  	_ =	swait.ge @!p0 [sflag:s0], s1  }
0x5e: {  	s1 =	ssub.s32 @!p0 $0x0, s1;
	[sflag:s0] =	ssyncset.done @!p0 $0x0  }
0x5f: {  	[sflag:s0] =	ssyncadd.s32 @!p0 s1  }
0x60: {  	[bflag:$0x3] =	sbarrier.arrive $0xFFFF  }
0x61: {  	_ =	shalt  }

// kernel: kernel.18.cloned.1.call-start
scs
__scs_entry_jumppad:
0x0: {  	(pc) =	sbr.rel $0x88, $3  }
0x1: {  	(tag) =	ssettag $0x0;
	lr =	simm.s32 $0x1  }
0x2: {  	[smem:$0x3F99] =	sst lr;
	_ =	strace $0xD0000000  }
0x3: {  	_ = 	snop  }
0x4: {  	_ = 	snop  }
0x5: {  	_ = 	snop  }
0x6: {  	_ = 	snop  }
0x7: {  	_ = 	snop  }
__scs_overlays_trampoline_lowered:
0x8: {  	[smem:$0x3FA8] =	sst s0  }
0x9: {  	[smem:$0x3FA9] =	sst s1  }
0xa: {  	[smem:$0x3FAA] =	sst s2  }
0xb: {  	[smem:$0x3FAB] =	sst s3  }
0xc: {  	[smem:$0x3FAC] =	sst s4  }
0xd: {  	[smem:$0x3FAD] =	sst s5  }
0xe: {  	[smem:$0x3FAE] =	sst s6  }
0xf: {  	[smem:$0x3FAF] =	sst s7  }
0x10: {  	[smem:$0x3FB0] =	sst s8  }
0x11: {  	[smem:$0x3FB1] =	sst s9;
	s0 =	simm.s32 @!p0 $0x0  }
0x12: {  	s1 =	sld [smem:$0x3F97];
	s0 =	simm.s32 @p0 $0x1  }
0x13: {  	[smem:$0x3FB2] =	sst s0;
	s0 =	simm.s32 @!p1 $0x0  }
0x14: {  	s2 =	sld [smem:$0x3F96];
	s0 =	simm.s32 @p1 $0x1  }
0x15: {  	[smem:$0x3FB3] =	sst s0;
	s0 =	simm.s32 @!p2 $0x0  }
0x16: {  	s3 =	sld [smem:$0x3FDB];
	s0 =	simm.s32 @p2 $0x1  }
0x17: {  	s4 =	simm.s32 $0x1BF5;
	[smem:$0x3FB5] =	sst s0  }
0x18: {  	s0 =	sld [smem:$0x3F98];
	_ =	swait.ge [sflag:s4], $0x0  }
0x19: {  	s7 =	sld [smem:$0x3F99]  }
0x1a: {  	s8 =	sadd.s32 $0xFFFFE003, lr  }
0x1b: {  	s9 =	sadd.s32 $0xFFFFFEF7, lr;
	s5 =	simm.s32 $0xFFFFFFFF;
	p2 =	slt.u32 s8, $0xFFFFF086  }
0x1c: {  	p1 =	slt.u32 s9, $0xF7A;
	s5 =	simm.s32 @!p2 $0x0  }
0x1d: {  	s5 =	simm.s32 @p1 $0x1;
	p0 =	seq.s32 s7, s2  }
0x1e: {  	s7 =	smul.u32 @!p0 $0xF7A, s2;
	p2 =	seq.s32 @!p0 s5, $0x0  }
0x1f: {  	s9 =	smul.u32 $0xF7A, s1;
	s8 =	simm.s32 @!p0 $0x1BF5;
	p2 =	por !p2, p0  }
0x20: {  	[sflag:s8] =	ssyncset.s32 @!p0 $0xFFFFF086;
	s6 =	sadd.s32 @!p0 s3, s7;
	s7 =	simm.s32 @!p0 $0x108  }
0x21: {  	s3 =	sadd.s32 s3, s9;
	s6 =	sadd.s32 @!p0 $0x88, s6;
	s7 =	simm.s32 @p2 $0x1082  }
0x22: {  	[simem:s7], [sflag:s8] =	dma.local @!p0 [hbm:s6], $0xF7A  }
0x23: {  	s9 =	sor.u32 $0xD0000000, s2;
	s6 =	simm.s32 $0x108;
	_ =	swait.ge @!p0 [sflag:s8], $0x0  }
0x24: {  	s3 =	sadd.s32 $0x88, s3;
	s6 =	simm.s32 @!p1 $0x1082;
	[sflag:s4] =	ssyncset.s32 $0xFFFFF086  }
0x25: {  	[simem:s6], [sflag:s4] =	dma.local [hbm:s3], $0xF7A  }
0x26: {  	[smem:$0x3F99] =	sst s1;
	(tag) =	ssettag s2;
	_ =	strace s9  }
0x27: {  	s1 =	sld [smem:$0x3FA9]  }
0x28: {  	s2 =	sld [smem:$0x3FAA]  }
0x29: {  	s4 =	sld [smem:$0x3FAC]  }
0x2a: {  	p0 =	seq.s32 s5, $0x0;
	s5 =	sld [smem:$0x3FAD]  }
0x2b: {  	s6 =	sld [smem:$0x3FAE]  }
0x2c: {  	s7 =	sld [smem:$0x3FAF]  }
0x2d: {  	s3 =	simm.s32 $0x108;
	s8 =	sld [smem:$0x3FB0]  }
0x2e: {  	s3 =	simm.s32 @!p0 $0x1082;
	s9 =	sld [smem:$0x3FB1]  }
0x2f: {  	lr =	sadd.s32 s0, s3;
	s0 =	sld [smem:$0x3FA8]  }
0x30: {  	s3 =	sld [smem:$0x3FAB]  }
0x31: {  	[smem:$0x3FB4] =	sst s10  }
0x32: {  	s10 =	sld [smem:$0x3FB2];
	_ =	sdelay $0x3  }
0x33: {  	p0 =	seq.s32 s10, $0x1;
	s10 =	sld [smem:$0x3FB4];
	_ =	sdelay $0x3  }
0x34: {  	[smem:$0x3FB4] =	sst s10  }
0x35: {  	s10 =	sld [smem:$0x3FB3];
	_ =	sdelay $0x3  }
0x36: {  	p1 =	seq.s32 s10, $0x1;
	s10 =	sld [smem:$0x3FB4];
	_ =	sdelay $0x3  }
0x37: {  	[smem:$0x3FB4] =	sst s10  }
0x38: {  	s10 =	sld [smem:$0x3FB5]  }
0x39: {  	_ = 	snop;
	(pc) =	sbr.ind lr, $3  }
0x3a: {  	_ = 	snop  }
0x3b: {  	_ = 	snop  }
0x3c: {  	p2 =	seq.s32 s10, $0x1;
	s10 =	sld [smem:$0x3FB4]  }
0x3d: {  	_ =	shalt  }
0x3e: {  	_ =	shalt  }
0x3f: {  	_ =	shalt  }
0x40: {  	_ =	shalt  }
0x41: {  	_ =	shalt  }
0x42: {  	_ =	shalt  }
0x43: {  	_ =	shalt  }
0x44: {  	_ =	shalt  }
0x45: {  	_ =	shalt  }
0x46: {  	_ =	shalt  }
0x47: {  	_ =	shalt  }
0x48: {  	_ =	shalt  }
0x49: {  	_ =	shalt  }
0x4a: {  	_ =	shalt  }
0x4b: {  	_ =	shalt  }
0x4c: {  	_ =	shalt  }
0x4d: {  	_ =	shalt  }
0x4e: {  	_ =	shalt  }
0x4f: {  	_ =	shalt  }
0x50: {  	_ =	shalt  }
0x51: {  	_ =	shalt  }
0x52: {  	_ =	shalt  }
0x53: {  	_ =	shalt  }
0x54: {  	_ =	shalt  }
0x55: {  	_ =	shalt  }
0x56: {  	_ =	shalt  }
0x57: {  	_ =	shalt  }
0x58: {  	_ =	shalt  }
0x59: {  	_ =	shalt  }
0x5a: {  	_ =	shalt  }
0x5b: {  	_ =	shalt  }
0x5c: {  	_ =	shalt  }
0x5d: {  	_ =	shalt  }
0x5e: {  	_ =	shalt  }
0x5f: {  	_ =	shalt  }
0x60: {  	_ =	shalt  }
0x61: {  	_ =	shalt  }
0x62: {  	_ =	shalt  }
0x63: {  	_ =	shalt  }
0x64: {  	_ =	shalt  }
0x65: {  	_ =	shalt  }
0x66: {  	_ =	shalt  }
0x67: {  	_ =	shalt  }
0x68: {  	_ =	shalt  }
0x69: {  	_ =	shalt  }
0x6a: {  	_ =	shalt  }
0x6b: {  	_ =	shalt  }
0x6c: {  	_ =	shalt  }
0x6d: {  	_ =	shalt  }
0x6e: {  	_ =	shalt  }
0x6f: {  	_ =	shalt  }
0x70: {  	_ =	shalt  }
0x71: {  	_ =	shalt  }
0x72: {  	_ =	shalt  }
0x73: {  	_ =	shalt  }
0x74: {  	_ =	shalt  }
0x75: {  	_ =	shalt  }
0x76: {  	_ =	shalt  }
0x77: {  	_ =	shalt  }
0x78: {  	_ =	shalt  }
0x79: {  	_ =	shalt  }
0x7a: {  	_ =	shalt  }
0x7b: {  	_ =	shalt  }
0x7c: {  	_ =	shalt  }
0x7d: {  	_ =	shalt  }
0x7e: {  	_ =	shalt  }
0x7f: {  	_ =	shalt  }
0x80: {  	_ =	shalt  }
0x81: {  	_ =	shalt  }
0x82: {  	_ =	shalt  }
0x83: {  	_ =	shalt  }
0x84: {  	_ =	shalt  }
0x85: {  	_ =	shalt  }
0x86: {  	_ =	shalt  }
0x87: {  	_ =	shalt  }
.Lfunc_end0:
.L_simem_size_0:
called_computation.1_lowered:
.L_overlay_start_0:
0x88: {  	s2 =	sld [smem:$0x3FD9]  }
0x89: {  	s3 =	sld [smem:$0x3FFE];
	_ =	sdelay $0x1  }
0x8a: {  	s1 =	srdreg.scid  }
0x8b: {  	s0 =	sand.u32 $0x1, s1  }
0x8c: {  	s17 =	sshll.u32 s0, $0xA;
	s2 =	sadd.s32 s3, s2  }
0x8d: {  	s2 =	sadd.s32 s2, s17  }
0x8e: {  	[smem:$0x3FC0] =	sst s2  }
0x8f: {  	_ = 	snop  }
0x90: {  	s18 =	sld [smem:$0x3FD0];
	(tm) =	ssettm $0x1  }
0x91: {  	s19 =	sld [smem:$0x3FFB];
	_ =	sdelay $0x3  }
0x92: {  	_ =	strace s19  }
0x93: {  	s2 =	sld [smem:$0x3FFC];
	_ =	sdelay $0x3  }
0x94: {  	_ =	strace s2  }
0x95: {  	s2 =	sld [smem:$0x3FFD];
	_ =	sdelay $0x3  }
0x96: {  	_ =	strace s2  }
0x97: {  	_ =	strace $0x8FFFFFFF  }
0x98: {  	s20 =	sld [smem:$0x3FDB];
	_ =	sdelay $0x1  }
0x99: {  	s4 =	simm.s32 $_scs_section_size  }
0x9a: {  	s5 =	simm.s32 $_size__tile_overlayer_lowered;
	s6 =	simm.s32 $_tile_overlayer_lowered  }
0x9b: {  	s7 =	simm.s32 $0x1BFF;
	s21 =	sshll.u32 s6, $0x1;
	s4 =	sadd.s32 s4, s20  }
0x9c: {  	s22 =	simm.s32 $0x0;
	s5 =	sshll.u32 s5, $0x1;
	s6 =	sadd.s32 s21, s4  }
0x9d: {  	[timem:s22], [sflag:s7] =	dma.local [hbm:s6], s5  }
0x9e: {  	_ =	swait.ge [sflag:s7], s5  }
0x9f: {  	s5 =	ssub.s32 $0x0, s5;
	[sflag:s7] =	ssyncset.done $0x0  }
0xa0: {  	[sflag:s7] =	ssyncadd.s32 s5;
	_ =	sdelay $0x1  }
0xa1: {  	s23 =	simm.s32 $0x1B8B  }
0xa2: {  	_ =	swait.ge [sflag:s23], $0x1  }
0xa3: {  	[sflag:s23] =	ssyncset.done $0x0  }
0xa4: {  	[sflag:s23] =	ssyncadd.s32 $0xFFFFFFFF  }
0xa5: {  	s5 =	sld [smem:$0x0]  }
0xa6: {  	s6 =	sand.u32 $0xFFFFFFFE, s1  }
0xa7: {  	p0 =	sne.s32 s1, s6  }
0xa8: {  	s6 =	sshll.u32 @p0 s6, $0xE  }
0xa9: {  	s6 =	sadd.s32 @p0 $0x11B8D, s6;
	s7 =	sshll.u32 @p0 s5, $0x11  }
0xaa: {  	s6 =	sor.u32 @p0 s7, s6  }
0xab: {  	[sflag:s6] =	ssyncadd.remote.s32 @p0 $0x1;
	_ =	sdelay $0x1  }
0xac: {  	s6 =	simm.s32 @p0 $0x1B8D  }
0xad: {  	_ =	swait.eq @p0 [sflag:s6], $0x1  }
0xae: {  	[sflag:s6] =	ssyncadd.s32 @p0 $0xFFFFFFFF  }
0xaf: {  	s7 =	sshll.u32 @!p0 s1, $0xE  }
0xb0: {  	s7 =	sor.u32 @!p0 $0x4000, s7;
	s6 =	simm.s32 @!p0 $0x1B8D  }
0xb1: {  	s5 =	sshll.u32 @!p0 s5, $0x11;
	s7 =	sadd.s32 @!p0 $0x11B8D, s7;
	_ =	swait.eq @!p0 [sflag:s6], $0x1  }
0xb2: {  	s5 =	sor.u32 @!p0 s5, s7;
	[sflag:s6] =	ssyncadd.s32 @!p0 $0xFFFFFFFF  }
0xb3: {  	s25 =	simm.s32 $0x1B8E;
	s24 =	sld [smem:$0x3FFE];
	[sflag:s5] =	ssyncadd.remote.s32 @!p0 $0x1  }
0xb4: {  	s26 =	simm.s32 $execute0_lowered;
	[smem:$0x3FD2] =	sst s25  }
0xb5: {  	s6 =	sshll.u32 s26, $0x1;
	_ =	strace $0x80000049;
	[dreg:$0x1] =	wrdreg $0xFFFFFFFF  }
0xb6: {  	s28 =	simm.s32 $_size_execute0_lowered;
	s4 =	sadd.s32 s4, s6;
	[dreg:$0x0] =	wrdreg $0x0  }
0xb7: {  	s6 =	sshll.u32 s28, $0x1;
	[dreg:$0x2] =	wrdreg s4  }
0xb8: {  	[dreg:$0x3] =	wrdreg s6  }
0xb9: {  	[dreg:$0x4] =	wrdreg $0xC0  }
0xba: {  	_ =	task [dreg:s22], $0x5FFFF  }
0xbb: {  	[dreg:$0x1] =	wrdreg $0xFFFFFFFF  }
0xbc: {  	[dreg:$0x0] =	wrdreg $0x60  }
0xbd: {  	[dreg:$0x2] =	wrdreg s18  }
0xbe: {  	[dreg:$0x3] =	wrdreg s24  }
0xbf: {  	[dreg:$0x4] =	wrdreg $0xA  }
0xc0: {  	_ =	task.clear_ibuf [dreg:s22], $0x5FFFF;
	_ =	strace $0x90000049  }
0xc1: {  	s29 =	simm.s32 $0xA;
	_ =	strace $0x8000004B  }
0xc2: {  	_ =	swait.ge [sflag:s29], $0x1  }
0xc3: {  	[sflag:s29] =	ssyncadd.s32 $0xFFFFFFFF  }
0xc4: {  	_ =	strace $0x9000004B  }
0xc5: {  	_ =	sfence  }
0xc6: {  	s30 =	sld [smem:$0x0];
	_ =	sdelay $0x2  }
0xc7: {  	s31 =	sshll.u32 s1, $0xD;
	s1 =	sshrl.u32 s1, $0x2  }
0xc8: {  	s4 =	sand.u32 $0x4000, s31;
	s1 =	sadd.s32 s1, s30  }
0xc9: {  	s0 =	sor.u32 s4, s0;
	s1 =	sshll.u32 s1, $0x11  }
0xca: {  	s0 =	sor.u32 s1, s0  }
0xcb: {  	s0 =	sadd.s32 $0x8F2B, s0  }
0xcc: {  	[sflag:s0] =	ssyncadd.remote.s32 $0x1  }
0xcd: {  	_ =	sfence.sel $0xFFFF  }
0xce: {  	[dreg:$0x0] =	wrdreg $0xFFFFFFFF;
	(pc) =	sbr.abs _section_cstart, $3  }
0xcf: {  	[dreg:$0x1] =	wrdreg $0xFFFFFFFF  }
0xd0: {  	_ =	task.clear_ibuf [dreg:s22], $0x2FFFF;
	_ =	strace $0x9FFFFFFF  }
0xd1: {  	(tm) =	ssettm $0x7FFFFFFF  }
tec
execute0_lowered:
.L_overlay_start_1:
0x0: {  	(tag) =	ssettag $0x1  }
0x1: {  	s1 =	srdreg.scid  }
0x2: {  	s0 =	stileid.u32;
	s16 =	sand.u32 $0x1, s1  }
0x3: {  	s2 =	rddreg [dreg:$0x0];
	s30 =	sshll.u32 s0, $0xB;
	s3 =	sshll.u32 s16, $0xA  }
0x4: {  	s10 =	rddreg [dreg:$0x1];
	s11 =	sor.u32 s3, s30  }
0x5: {  	s1 =	rddreg [dreg:$0x2];
	s3 =	simm.s32 $0x0;
	s4 =	sshrl.u32 s11, $0x3  }
0x6: {  	[smem:$0x7FF] =	sst s3;
	s4 =	sadd.s32 s4, s10  }
0x7: {  	_ =	strace $0x8000004A;
	s5 =	sadd.s32 $0x84600, s4;
	s4 =	simm.s32 $0x3  }
0x8: {  	[tilespmem:s3], [sflag:$0x3] =	stream.linear.gather [hbm4b:s5+s3], $0x400, $0x38;
	[tilespmem:$0x10400] =	vst v63  }
0x9: {  	_ =	swait.ge [sflag:s4], $0x400  }
0xa: {  	[sflag:s4] =	ssyncset.done $0x0  }
0xb: {  	s6 =	simm.s32 $0x100;
	s7 =	simm.s32 $0x400;
	[sflag:s4] =	ssyncadd.s32 $0xFFFFFC00  }
0xc: {  	[tilespmem:s7], [sflag:$0x1] =	stream.indirect.gather [hbm4b:s2+s6], $0x80, s3, s6, $0xb8;
	[tilespmem:$0x10400] =	vst v63  }
0xd: {  	s8 =	simm.s32 $0x8400;
	s9 =	simm.s32 $0x1  }
0xe: {  	[tilespmem:s8], [sflag:$0x2] =	stream.indirect.gather [hbm4b:s2+s6], $0x80, s6, s6, $0xb8;
	[tilespmem:$0x10400] =	vst v63  }
0xf: {  	s11 =	sshll.u32 s11, $0x4;
	_ =	swait.ge [sflag:s9], $0x8000  }
0x10: {  	s17 =	sadd.s32 s11, s10;
	[sflag:s9] =	ssyncset.done $0x0  }
0x11: {  	s10 =	sadd.s32 $0x85600, s17;
	[sflag:s9] =	ssyncadd.s32 $0xFFFF8000  }
0x12: {  	[hbm4b:s10+s3] =	stream.linear.scatter [tilespmem:s7], [sflag:$0x3], $0x8000, $0x38;
	[tilespmem:$0x10400] =	vst v63  }
0x13: {  	_ =	swait.ge [sflag:s4], $0x8000  }
0x14: {  	[sflag:s4] =	ssyncset.done $0x0  }
0x15: {  	s12 =	simm.s32 $0x2;
	s11 =	simm.s32 $0x200;
	[sflag:s4] =	ssyncadd.s32 $0xFFFF8000  }
0x16: {  	[tilespmem:s7], [sflag:$0x1] =	stream.indirect.gather [hbm4b:s2+s6], $0x80, s11, s6, $0xb8;
	[tilespmem:$0x10400] =	vst v63  }
0x17: {  	_ =	swait.ge [sflag:s12], $0x8000  }
0x18: {  	[sflag:s12] =	ssyncset.done $0x0  }
0x19: {  	s13 =	sadd.s32 $0x86600, s17;
	[sflag:s12] =	ssyncadd.s32 $0xFFFF8000  }
0x1a: {  	[hbm4b:s13+s3] =	stream.linear.scatter [tilespmem:s8], [sflag:$0x3], $0x8000, $0x38;
	[tilespmem:$0x10400] =	vst v63  }
0x1b: {  	_ =	swait.ge [sflag:s4], $0x8000  }
0x1c: {  	[sflag:s4] =	ssyncset.done $0x0  }
0x1d: {  	s14 =	simm.s32 $0x300;
	[sflag:s4] =	ssyncadd.s32 $0xFFFF8000  }
0x1e: {  	[tilespmem:s8], [sflag:$0x2] =	stream.indirect.gather [hbm4b:s2+s6], $0x80, s14, s6, $0xb8;
	[tilespmem:$0x10400] =	vst v63  }
0x1f: {  	_ =	swait.ge [sflag:s9], $0x8000  }
0x20: {  	[sflag:s9] =	ssyncset.done $0x0  }
0x21: {  	s16 =	ssub.s32 $0x2, s16;
	s15 =	sadd.s32 $0x87600, s17;
	[sflag:s9] =	ssyncadd.s32 $0xFFFF8000  }
0x22: {  	[hbm4b:s15+s3] =	stream.linear.scatter [tilespmem:s7], [sflag:$0x3], $0x8000, $0x38;
	[tilespmem:$0x10400] =	vst v63  }
0x23: {  	s18 =	sshrl.u32 s16, $0x1;
	_ =	swait.ge [sflag:s4], $0x8000  }
0x24: {  	s18 =	ssub.s32 s16, s18;
	[sflag:s4] =	ssyncset.done $0x0  }
0x25: {  	s31 =	smax.u32 s18, $0x1;
	[sflag:s4] =	ssyncadd.s32 $0xFFFF8000  }
0x26: {  	p0 =	sne.s32 s31, $0x1;
	_ =	swait.ge [sflag:s12], $0x8000  }
.Ltmp0:
0x27: {  	[sflag:s12] =	ssyncset.done $0x0;
	(pc) =	sbr.rel @!p0 .LBB2_2-.Ltmp0, $4  }
0x28: {  	s16 =	sadd.s32 $0x88600, s17;
	[sflag:s12] =	ssyncadd.s32 $0xFFFF8000  }
0x29: {  	[hbm4b:s16+s3] =	stream.linear.scatter [tilespmem:s8], [sflag:$0x3], $0x8000, $0x38;
	[tilespmem:$0x10400] =	vst v63  }
0x2a: {  	_ =	swait.ge [sflag:s4], $0x8000  }
0x2b: {  	s17 =	sadd.s32 $0xFFFFFFFF, s31;
	[sflag:s4] =	ssyncset.done $0x0  }
.LBB2_1:
0x2c: {  	p0 =	sne.s32 s17, $0x1;
	s17 =	sadd.s32 $0xFFFFFFFF, s17;
	[sflag:s4] =	ssyncadd.s32 $0xFFFF8000  }
0x2d: {  	[tilespmem:s3], [sflag:$0x3] =	stream.linear.gather [hbm4b:s5+s3], $0x400, $0x38;
	[tilespmem:$0x10400] =	vst v63  }
0x2e: {  	_ =	swait.ge [sflag:s4], $0x400  }
0x2f: {  	[sflag:s4] =	ssyncset.done $0x0  }
0x30: {  	[sflag:s4] =	ssyncadd.s32 $0xFFFFFC00  }
0x31: {  	[tilespmem:s7], [sflag:$0x1] =	stream.indirect.gather [hbm4b:s2+s6], $0x80, s3, s6, $0xb8;
	[tilespmem:$0x10400] =	vst v63  }
0x32: {  	_ = 	snop  }
0x33: {  	[tilespmem:s8], [sflag:$0x2] =	stream.indirect.gather [hbm4b:s2+s6], $0x80, s6, s6, $0xb8;
	[tilespmem:$0x10400] =	vst v63  }
0x34: {  	_ =	swait.ge [sflag:s9], $0x8000  }
0x35: {  	[sflag:s9] =	ssyncset.done $0x0  }
0x36: {  	[sflag:s9] =	ssyncadd.s32 $0xFFFF8000  }
0x37: {  	[hbm4b:s10+s3] =	stream.linear.scatter [tilespmem:s7], [sflag:$0x3], $0x8000, $0x38;
	[tilespmem:$0x10400] =	vst v63  }
0x38: {  	_ =	swait.ge [sflag:s4], $0x8000  }
0x39: {  	[sflag:s4] =	ssyncset.done $0x0  }
0x3a: {  	[sflag:s4] =	ssyncadd.s32 $0xFFFF8000  }
0x3b: {  	[tilespmem:s7], [sflag:$0x1] =	stream.indirect.gather [hbm4b:s2+s6], $0x80, s11, s6, $0xb8;
	[tilespmem:$0x10400] =	vst v63  }
0x3c: {  	_ =	swait.ge [sflag:s12], $0x8000  }
0x3d: {  	[sflag:s12] =	ssyncset.done $0x0  }
0x3e: {  	[sflag:s12] =	ssyncadd.s32 $0xFFFF8000  }
0x3f: {  	[hbm4b:s13+s3] =	stream.linear.scatter [tilespmem:s8], [sflag:$0x3], $0x8000, $0x38;
	[tilespmem:$0x10400] =	vst v63  }
0x40: {  	_ =	swait.ge [sflag:s4], $0x8000  }
0x41: {  	[sflag:s4] =	ssyncset.done $0x0  }
0x42: {  	[sflag:s4] =	ssyncadd.s32 $0xFFFF8000  }
0x43: {  	[tilespmem:s8], [sflag:$0x2] =	stream.indirect.gather [hbm4b:s2+s6], $0x80, s14, s6, $0xb8;
	[tilespmem:$0x10400] =	vst v63  }
0x44: {  	_ =	swait.ge [sflag:s9], $0x8000  }
0x45: {  	[sflag:s9] =	ssyncset.done $0x0  }
0x46: {  	[sflag:s9] =	ssyncadd.s32 $0xFFFF8000  }
0x47: {  	[hbm4b:s15+s3] =	stream.linear.scatter [tilespmem:s7], [sflag:$0x3], $0x8000, $0x38;
	[tilespmem:$0x10400] =	vst v63  }
0x48: {  	_ =	swait.ge [sflag:s4], $0x8000  }
0x49: {  	[sflag:s4] =	ssyncset.done $0x0  }
0x4a: {  	[sflag:s4] =	ssyncadd.s32 $0xFFFF8000  }
0x4b: {  	_ =	swait.ge [sflag:s12], $0x8000  }
.Ltmp1:
0x4c: {  	[sflag:s12] =	ssyncset.done $0x0;
	(pc) =	sbr.rel @p0 .LBB2_1-.Ltmp1, $4  }
0x4d: {  	[sflag:s12] =	ssyncadd.s32 $0xFFFF8000  }
0x4e: {  	[hbm4b:s16+s3] =	stream.linear.scatter [tilespmem:s8], [sflag:$0x3], $0x8000, $0x38;
	[tilespmem:$0x10400] =	vst v63  }
0x4f: {  	_ =	swait.ge [sflag:s4], $0x8000  }
0x50: {  	[sflag:s4] =	ssyncset.done $0x0  }
.LBB2_2:
0x51: {  	[sflag:s4] =	ssyncadd.s32 $0xFFFF8000  }
0x52: {  	_ =	sfence.sel $0x180000  }
0x53: {  	[bflag:$0x0] =	sbarrier.arrive $0xFFFF  }
0x54: {  	p0 =	sne.s32 s0, $0x0;
	_ =	strace $0x9000004A  }
0x55: {  	s0 =	sadd.s32 @!p0 $0x100000, s1;
	[bflag:$0x2] =	sbarrier.arrive $0xFFFF  }
0x56: {  	[sflag:s0] =	ssyncadd.tile.s32 @!p0 $0x1;
	_ =	shalt  }
.Lfunc_end2:
_tile_overlayer_lowered:
.L_overlay_start_2:
0x57: {  	(tag) =	ssettag $0x2  }
0x58: {  	s0 =	rddreg [dreg:$0x0];
	s2 =	stileid.u32  }
0x59: {  	s1 =	rddreg [dreg:$0x1];
	p0 =	sne.s32 s2, $0x0  }
0x5a: {  	s3 =	rddreg [dreg:$0x2];
	[bflag:$0x3] =	sbarrier.arrive $0xFFFF;
	s2 =	simm.s32 @!p0 $0x1C03  }
0x5b: {  	[timem:s3], [sflag:s2] =	dma.local @!p0 [hbm:s0], s1  }
0x5c: {  	s0 =	simm.s32 @!p0 $0x3  }
0x5d: {  	_ =	swait.ge @!p0 [sflag:s0], s1  }
0x5e: {  	s1 =	ssub.s32 @!p0 $0x0, s1;
	[sflag:s0] =	ssyncset.done @!p0 $0x0  }
0x5f: {  	[sflag:s0] =	ssyncadd.s32 @!p0 s1  }
0x60: {  	[bflag:$0x3] =	sbarrier.arrive $0xFFFF  }
0x61: {  	_ =	shalt  }

// kernel: kernel.21.cloned.1.call-start
scs
__scs_entry_jumppad:
0x0: {  	(pc) =	sbr.rel $0x88, $3  }
0x1: {  	(tag) =	ssettag $0x0;
	lr =	simm.s32 $0x1  }
0x2: {  	[smem:$0x3F99] =	sst lr;
	_ =	strace $0xD0000000  }
0x3: {  	_ = 	snop  }
0x4: {  	_ = 	snop  }
0x5: {  	_ = 	snop  }
0x6: {  	_ = 	snop  }
0x7: {  	_ = 	snop  }
__scs_overlays_trampoline_lowered:
0x8: {  	[smem:$0x3FA8] =	sst s0  }
0x9: {  	[smem:$0x3FA9] =	sst s1  }
0xa: {  	[smem:$0x3FAA] =	sst s2  }
0xb: {  	[smem:$0x3FAB] =	sst s3  }
0xc: {  	[smem:$0x3FAC] =	sst s4  }
0xd: {  	[smem:$0x3FAD] =	sst s5  }
0xe: {  	[smem:$0x3FAE] =	sst s6  }
0xf: {  	[smem:$0x3FAF] =	sst s7  }
0x10: {  	[smem:$0x3FB0] =	sst s8  }
0x11: {  	[smem:$0x3FB1] =	sst s9;
	s0 =	simm.s32 @!p0 $0x0  }
0x12: {  	s1 =	sld [smem:$0x3F97];
	s0 =	simm.s32 @p0 $0x1  }
0x13: {  	[smem:$0x3FB2] =	sst s0;
	s0 =	simm.s32 @!p1 $0x0  }
0x14: {  	s2 =	sld [smem:$0x3F96];
	s0 =	simm.s32 @p1 $0x1  }
0x15: {  	[smem:$0x3FB3] =	sst s0;
	s0 =	simm.s32 @!p2 $0x0  }
0x16: {  	s3 =	sld [smem:$0x3FDB];
	s0 =	simm.s32 @p2 $0x1  }
0x17: {  	s4 =	simm.s32 $0x1BF5;
	[smem:$0x3FB5] =	sst s0  }
0x18: {  	s0 =	sld [smem:$0x3F98];
	_ =	swait.ge [sflag:s4], $0x0  }
0x19: {  	s7 =	sld [smem:$0x3F99]  }
0x1a: {  	s8 =	sadd.s32 $0xFFFFE003, lr  }
0x1b: {  	s9 =	sadd.s32 $0xFFFFFEF7, lr;
	s5 =	simm.s32 $0xFFFFFFFF;
	p2 =	slt.u32 s8, $0xFFFFF086  }
0x1c: {  	p1 =	slt.u32 s9, $0xF7A;
	s5 =	simm.s32 @!p2 $0x0  }
0x1d: {  	s5 =	simm.s32 @p1 $0x1;
	p0 =	seq.s32 s7, s2  }
0x1e: {  	s7 =	smul.u32 @!p0 $0xF7A, s2;
	p2 =	seq.s32 @!p0 s5, $0x0  }
0x1f: {  	s9 =	smul.u32 $0xF7A, s1;
	s8 =	simm.s32 @!p0 $0x1BF5;
	p2 =	por !p2, p0  }
0x20: {  	[sflag:s8] =	ssyncset.s32 @!p0 $0xFFFFF086;
	s6 =	sadd.s32 @!p0 s3, s7;
	s7 =	simm.s32 @!p0 $0x108  }
0x21: {  	s3 =	sadd.s32 s3, s9;
	s6 =	sadd.s32 @!p0 $0x88, s6;
	s7 =	simm.s32 @p2 $0x1082  }
0x22: {  	[simem:s7], [sflag:s8] =	dma.local @!p0 [hbm:s6], $0xF7A  }
0x23: {  	s9 =	sor.u32 $0xD0000000, s2;
	s6 =	simm.s32 $0x108;
	_ =	swait.ge @!p0 [sflag:s8], $0x0  }
0x24: {  	s3 =	sadd.s32 $0x88, s3;
	s6 =	simm.s32 @!p1 $0x1082;
	[sflag:s4] =	ssyncset.s32 $0xFFFFF086  }
0x25: {  	[simem:s6], [sflag:s4] =	dma.local [hbm:s3], $0xF7A  }
0x26: {  	[smem:$0x3F99] =	sst s1;
	(tag) =	ssettag s2;
	_ =	strace s9  }
0x27: {  	s1 =	sld [smem:$0x3FA9]  }
0x28: {  	s2 =	sld [smem:$0x3FAA]  }
0x29: {  	s4 =	sld [smem:$0x3FAC]  }
0x2a: {  	p0 =	seq.s32 s5, $0x0;
	s5 =	sld [smem:$0x3FAD]  }
0x2b: {  	s6 =	sld [smem:$0x3FAE]  }
0x2c: {  	s7 =	sld [smem:$0x3FAF]  }
0x2d: {  	s3 =	simm.s32 $0x108;
	s8 =	sld [smem:$0x3FB0]  }
0x2e: {  	s3 =	simm.s32 @!p0 $0x1082;
	s9 =	sld [smem:$0x3FB1]  }
0x2f: {  	lr =	sadd.s32 s0, s3;
	s0 =	sld [smem:$0x3FA8]  }
0x30: {  	s3 =	sld [smem:$0x3FAB]  }
0x31: {  	[smem:$0x3FB4] =	sst s10  }
0x32: {  	s10 =	sld [smem:$0x3FB2];
	_ =	sdelay $0x3  }
0x33: {  	p0 =	seq.s32 s10, $0x1;
	s10 =	sld [smem:$0x3FB4];
	_ =	sdelay $0x3  }
0x34: {  	[smem:$0x3FB4] =	sst s10  }
0x35: {  	s10 =	sld [smem:$0x3FB3];
	_ =	sdelay $0x3  }
0x36: {  	p1 =	seq.s32 s10, $0x1;
	s10 =	sld [smem:$0x3FB4];
	_ =	sdelay $0x3  }
0x37: {  	[smem:$0x3FB4] =	sst s10  }
0x38: {  	s10 =	sld [smem:$0x3FB5]  }
0x39: {  	_ = 	snop;
	(pc) =	sbr.ind lr, $3  }
0x3a: {  	_ = 	snop  }
0x3b: {  	_ = 	snop  }
0x3c: {  	p2 =	seq.s32 s10, $0x1;
	s10 =	sld [smem:$0x3FB4]  }
0x3d: {  	_ =	shalt  }
0x3e: {  	_ =	shalt  }
0x3f: {  	_ =	shalt  }
0x40: {  	_ =	shalt  }
0x41: {  	_ =	shalt  }
0x42: {  	_ =	shalt  }
0x43: {  	_ =	shalt  }
0x44: {  	_ =	shalt  }
0x45: {  	_ =	shalt  }
0x46: {  	_ =	shalt  }
0x47: {  	_ =	shalt  }
0x48: {  	_ =	shalt  }
0x49: {  	_ =	shalt  }
0x4a: {  	_ =	shalt  }
0x4b: {  	_ =	shalt  }
0x4c: {  	_ =	shalt  }
0x4d: {  	_ =	shalt  }
0x4e: {  	_ =	shalt  }
0x4f: {  	_ =	shalt  }
0x50: {  	_ =	shalt  }
0x51: {  	_ =	shalt  }
0x52: {  	_ =	shalt  }
0x53: {  	_ =	shalt  }
0x54: {  	_ =	shalt  }
0x55: {  	_ =	shalt  }
0x56: {  	_ =	shalt  }
0x57: {  	_ =	shalt  }
0x58: {  	_ =	shalt  }
0x59: {  	_ =	shalt  }
0x5a: {  	_ =	shalt  }
0x5b: {  	_ =	shalt  }
0x5c: {  	_ =	shalt  }
0x5d: {  	_ =	shalt  }
0x5e: {  	_ =	shalt  }
0x5f: {  	_ =	shalt  }
0x60: {  	_ =	shalt  }
0x61: {  	_ =	shalt  }
0x62: {  	_ =	shalt  }
0x63: {  	_ =	shalt  }
0x64: {  	_ =	shalt  }
0x65: {  	_ =	shalt  }
0x66: {  	_ =	shalt  }
0x67: {  	_ =	shalt  }
0x68: {  	_ =	shalt  }
0x69: {  	_ =	shalt  }
0x6a: {  	_ =	shalt  }
0x6b: {  	_ =	shalt  }
0x6c: {  	_ =	shalt  }
0x6d: {  	_ =	shalt  }
0x6e: {  	_ =	shalt  }
0x6f: {  	_ =	shalt  }
0x70: {  	_ =	shalt  }
0x71: {  	_ =	shalt  }
0x72: {  	_ =	shalt  }
0x73: {  	_ =	shalt  }
0x74: {  	_ =	shalt  }
0x75: {  	_ =	shalt  }
0x76: {  	_ =	shalt  }
0x77: {  	_ =	shalt  }
0x78: {  	_ =	shalt  }
0x79: {  	_ =	shalt  }
0x7a: {  	_ =	shalt  }
0x7b: {  	_ =	shalt  }
0x7c: {  	_ =	shalt  }
0x7d: {  	_ =	shalt  }
0x7e: {  	_ =	shalt  }
0x7f: {  	_ =	shalt  }
0x80: {  	_ =	shalt  }
0x81: {  	_ =	shalt  }
0x82: {  	_ =	shalt  }
0x83: {  	_ =	shalt  }
0x84: {  	_ =	shalt  }
0x85: {  	_ =	shalt  }
0x86: {  	_ =	shalt  }
0x87: {  	_ =	shalt  }
.Lfunc_end0:
.L_simem_size_0:
called_computation.2_lowered:
.L_overlay_start_0:
0x88: {  	s2 =	sld [smem:$0x3FD9]  }
0x89: {  	s3 =	sld [smem:$0x3FFE];
	_ =	sdelay $0x1  }
0x8a: {  	s1 =	srdreg.scid  }
0x8b: {  	s0 =	sand.u32 $0x1, s1  }
0x8c: {  	s17 =	sshll.u32 s0, $0xA;
	s2 =	sadd.s32 s3, s2  }
0x8d: {  	s2 =	sadd.s32 s2, s17  }
0x8e: {  	[smem:$0x3FC0] =	sst s2  }
0x8f: {  	_ = 	snop  }
0x90: {  	s18 =	sld [smem:$0x3FD0];
	(tm) =	ssettm $0x1  }
0x91: {  	s19 =	sld [smem:$0x3FFB];
	_ =	sdelay $0x3  }
0x92: {  	_ =	strace s19  }
0x93: {  	s2 =	sld [smem:$0x3FFC];
	_ =	sdelay $0x3  }
0x94: {  	_ =	strace s2  }
0x95: {  	s2 =	sld [smem:$0x3FFD];
	_ =	sdelay $0x3  }
0x96: {  	_ =	strace s2  }
0x97: {  	_ =	strace $0x8FFFFFFF  }
0x98: {  	s20 =	sld [smem:$0x3FDB];
	_ =	sdelay $0x1  }
0x99: {  	s4 =	simm.s32 $_scs_section_size  }
0x9a: {  	s5 =	simm.s32 $_size__tile_overlayer_lowered;
	s6 =	simm.s32 $_tile_overlayer_lowered  }
0x9b: {  	s7 =	simm.s32 $0x1BFF;
	s21 =	sshll.u32 s6, $0x1;
	s4 =	sadd.s32 s4, s20  }
0x9c: {  	s22 =	simm.s32 $0x0;
	s5 =	sshll.u32 s5, $0x1;
	s6 =	sadd.s32 s21, s4  }
0x9d: {  	[timem:s22], [sflag:s7] =	dma.local [hbm:s6], s5  }
0x9e: {  	_ =	swait.ge [sflag:s7], s5  }
0x9f: {  	s5 =	ssub.s32 $0x0, s5;
	[sflag:s7] =	ssyncset.done $0x0  }
0xa0: {  	[sflag:s7] =	ssyncadd.s32 s5;
	_ =	sdelay $0x1  }
0xa1: {  	s23 =	simm.s32 $0x1B8B  }
0xa2: {  	_ =	swait.ge [sflag:s23], $0x1  }
0xa3: {  	[sflag:s23] =	ssyncset.done $0x0  }
0xa4: {  	[sflag:s23] =	ssyncadd.s32 $0xFFFFFFFF  }
0xa5: {  	s5 =	sld [smem:$0x0]  }
0xa6: {  	s6 =	sand.u32 $0xFFFFFFFE, s1  }
0xa7: {  	p0 =	sne.s32 s1, s6  }
0xa8: {  	s6 =	sshll.u32 @p0 s6, $0xE  }
0xa9: {  	s6 =	sadd.s32 @p0 $0x11B8D, s6;
	s7 =	sshll.u32 @p0 s5, $0x11  }
0xaa: {  	s6 =	sor.u32 @p0 s7, s6  }
0xab: {  	[sflag:s6] =	ssyncadd.remote.s32 @p0 $0x1;
	_ =	sdelay $0x1  }
0xac: {  	s6 =	simm.s32 @p0 $0x1B8D  }
0xad: {  	_ =	swait.eq @p0 [sflag:s6], $0x1  }
0xae: {  	[sflag:s6] =	ssyncadd.s32 @p0 $0xFFFFFFFF  }
0xaf: {  	s7 =	sshll.u32 @!p0 s1, $0xE  }
0xb0: {  	s7 =	sor.u32 @!p0 $0x4000, s7;
	s6 =	simm.s32 @!p0 $0x1B8D  }
0xb1: {  	s5 =	sshll.u32 @!p0 s5, $0x11;
	s7 =	sadd.s32 @!p0 $0x11B8D, s7;
	_ =	swait.eq @!p0 [sflag:s6], $0x1  }
0xb2: {  	s5 =	sor.u32 @!p0 s5, s7;
	[sflag:s6] =	ssyncadd.s32 @!p0 $0xFFFFFFFF  }
0xb3: {  	s25 =	simm.s32 $0x1B8E;
	s24 =	sld [smem:$0x3FFE];
	[sflag:s5] =	ssyncadd.remote.s32 @!p0 $0x1  }
0xb4: {  	s26 =	simm.s32 $execute0_lowered;
	[smem:$0x3FD2] =	sst s25  }
0xb5: {  	s6 =	sshll.u32 s26, $0x1;
	_ =	strace $0x8000004C;
	[dreg:$0x1] =	wrdreg $0xFFFFFFFF  }
0xb6: {  	s28 =	simm.s32 $_size_execute0_lowered;
	s4 =	sadd.s32 s4, s6;
	[dreg:$0x0] =	wrdreg $0x0  }
0xb7: {  	s6 =	sshll.u32 s28, $0x1;
	[dreg:$0x2] =	wrdreg s4  }
0xb8: {  	[dreg:$0x3] =	wrdreg s6  }
0xb9: {  	[dreg:$0x4] =	wrdreg $0xC0  }
0xba: {  	_ =	task [dreg:s22], $0x5FFFF  }
0xbb: {  	[dreg:$0x1] =	wrdreg $0xFFFFFFFF  }
0xbc: {  	[dreg:$0x0] =	wrdreg $0x60  }
0xbd: {  	[dreg:$0x2] =	wrdreg s18  }
0xbe: {  	[dreg:$0x3] =	wrdreg s24  }
0xbf: {  	[dreg:$0x4] =	wrdreg $0xB  }
0xc0: {  	_ =	task.clear_ibuf [dreg:s22], $0x5FFFF;
	_ =	strace $0x9000004C  }
0xc1: {  	s29 =	simm.s32 $0xB;
	_ =	strace $0x8000004E  }
0xc2: {  	_ =	swait.ge [sflag:s29], $0x1  }
0xc3: {  	[sflag:s29] =	ssyncadd.s32 $0xFFFFFFFF  }
0xc4: {  	_ =	strace $0x9000004E  }
0xc5: {  	_ =	sfence  }
0xc6: {  	s30 =	sld [smem:$0x0];
	_ =	sdelay $0x2  }
0xc7: {  	s31 =	sshll.u32 s1, $0xD;
	s1 =	sshrl.u32 s1, $0x2  }
0xc8: {  	s4 =	sand.u32 $0x4000, s31;
	s1 =	sadd.s32 s1, s30  }
0xc9: {  	s0 =	sor.u32 s4, s0;
	s1 =	sshll.u32 s1, $0x11  }
0xca: {  	s0 =	sor.u32 s1, s0  }
0xcb: {  	s0 =	sadd.s32 $0x8F2B, s0  }
0xcc: {  	[sflag:s0] =	ssyncadd.remote.s32 $0x1  }
0xcd: {  	_ =	sfence.sel $0xFFFF  }
0xce: {  	[dreg:$0x0] =	wrdreg $0xFFFFFFFF;
	(pc) =	sbr.abs _section_cstart, $3  }
0xcf: {  	[dreg:$0x1] =	wrdreg $0xFFFFFFFF  }
0xd0: {  	_ =	task.clear_ibuf [dreg:s22], $0x2FFFF;
	_ =	strace $0x9FFFFFFF  }
0xd1: {  	(tm) =	ssettm $0x7FFFFFFF  }
tec
execute0_lowered:
.L_overlay_start_1:
0x0: {  	(tag) =	ssettag $0x1  }
0x1: {  	s1 =	srdreg.scid  }
0x2: {  	s0 =	stileid.u32;
	s16 =	sand.u32 $0x1, s1  }
0x3: {  	s2 =	rddreg [dreg:$0x0];
	s30 =	sshll.u32 s0, $0xB;
	s3 =	sshll.u32 s16, $0xA  }
0x4: {  	s10 =	rddreg [dreg:$0x1];
	s11 =	sor.u32 s3, s30  }
0x5: {  	s1 =	rddreg [dreg:$0x2];
	s3 =	simm.s32 $0x0;
	s4 =	sshrl.u32 s11, $0x3  }
0x6: {  	[smem:$0x7FF] =	sst s3;
	s4 =	sadd.s32 s4, s10  }
0x7: {  	_ =	strace $0x8000004D;
	s5 =	sadd.s32 $0x105600, s4;
	s4 =	simm.s32 $0x3  }
0x8: {  	[tilespmem:s3], [sflag:$0x3] =	stream.linear.gather [hbm4b:s5+s3], $0x400, $0x38;
	[tilespmem:$0x10400] =	vst v63  }
0x9: {  	_ =	swait.ge [sflag:s4], $0x400  }
0xa: {  	[sflag:s4] =	ssyncset.done $0x0  }
0xb: {  	s6 =	simm.s32 $0x100;
	s7 =	simm.s32 $0x400;
	[sflag:s4] =	ssyncadd.s32 $0xFFFFFC00  }
0xc: {  	[tilespmem:s7], [sflag:$0x1] =	stream.indirect.gather [hbm4b:s2+s6], $0x80, s3, s6, $0xb8;
	[tilespmem:$0x10400] =	vst v63  }
0xd: {  	s8 =	simm.s32 $0x8400;
	s9 =	simm.s32 $0x1  }
0xe: {  	[tilespmem:s8], [sflag:$0x2] =	stream.indirect.gather [hbm4b:s2+s6], $0x80, s6, s6, $0xb8;
	[tilespmem:$0x10400] =	vst v63  }
0xf: {  	s11 =	sshll.u32 s11, $0x4;
	_ =	swait.ge [sflag:s9], $0x8000  }
0x10: {  	s17 =	sadd.s32 s11, s10;
	[sflag:s9] =	ssyncset.done $0x0  }
0x11: {  	s10 =	sadd.s32 $0x106600, s17;
	[sflag:s9] =	ssyncadd.s32 $0xFFFF8000  }
0x12: {  	[hbm4b:s10+s3] =	stream.linear.scatter [tilespmem:s7], [sflag:$0x3], $0x8000, $0x38;
	[tilespmem:$0x10400] =	vst v63  }
0x13: {  	_ =	swait.ge [sflag:s4], $0x8000  }
0x14: {  	[sflag:s4] =	ssyncset.done $0x0  }
0x15: {  	s12 =	simm.s32 $0x2;
	s11 =	simm.s32 $0x200;
	[sflag:s4] =	ssyncadd.s32 $0xFFFF8000  }
0x16: {  	[tilespmem:s7], [sflag:$0x1] =	stream.indirect.gather [hbm4b:s2+s6], $0x80, s11, s6, $0xb8;
	[tilespmem:$0x10400] =	vst v63  }
0x17: {  	_ =	swait.ge [sflag:s12], $0x8000  }
0x18: {  	[sflag:s12] =	ssyncset.done $0x0  }
0x19: {  	s13 =	sadd.s32 $0x107600, s17;
	[sflag:s12] =	ssyncadd.s32 $0xFFFF8000  }
0x1a: {  	[hbm4b:s13+s3] =	stream.linear.scatter [tilespmem:s8], [sflag:$0x3], $0x8000, $0x38;
	[tilespmem:$0x10400] =	vst v63  }
0x1b: {  	_ =	swait.ge [sflag:s4], $0x8000  }
0x1c: {  	[sflag:s4] =	ssyncset.done $0x0  }
0x1d: {  	s14 =	simm.s32 $0x300;
	[sflag:s4] =	ssyncadd.s32 $0xFFFF8000  }
0x1e: {  	[tilespmem:s8], [sflag:$0x2] =	stream.indirect.gather [hbm4b:s2+s6], $0x80, s14, s6, $0xb8;
	[tilespmem:$0x10400] =	vst v63  }
0x1f: {  	_ =	swait.ge [sflag:s9], $0x8000  }
0x20: {  	[sflag:s9] =	ssyncset.done $0x0  }
0x21: {  	s16 =	ssub.s32 $0x2, s16;
	s15 =	sadd.s32 $0x108600, s17;
	[sflag:s9] =	ssyncadd.s32 $0xFFFF8000  }
0x22: {  	[hbm4b:s15+s3] =	stream.linear.scatter [tilespmem:s7], [sflag:$0x3], $0x8000, $0x38;
	[tilespmem:$0x10400] =	vst v63  }
0x23: {  	s18 =	sshrl.u32 s16, $0x1;
	_ =	swait.ge [sflag:s4], $0x8000  }
0x24: {  	s18 =	ssub.s32 s16, s18;
	[sflag:s4] =	ssyncset.done $0x0  }
0x25: {  	s31 =	smax.u32 s18, $0x1;
	[sflag:s4] =	ssyncadd.s32 $0xFFFF8000  }
0x26: {  	p0 =	sne.s32 s31, $0x1;
	_ =	swait.ge [sflag:s12], $0x8000  }
.Ltmp0:
0x27: {  	[sflag:s12] =	ssyncset.done $0x0;
	(pc) =	sbr.rel @!p0 .LBB2_2-.Ltmp0, $4  }
0x28: {  	s16 =	sadd.s32 $0x109600, s17;
	[sflag:s12] =	ssyncadd.s32 $0xFFFF8000  }
0x29: {  	[hbm4b:s16+s3] =	stream.linear.scatter [tilespmem:s8], [sflag:$0x3], $0x8000, $0x38;
	[tilespmem:$0x10400] =	vst v63  }
0x2a: {  	_ =	swait.ge [sflag:s4], $0x8000  }
0x2b: {  	s17 =	sadd.s32 $0xFFFFFFFF, s31;
	[sflag:s4] =	ssyncset.done $0x0  }
.LBB2_1:
0x2c: {  	p0 =	sne.s32 s17, $0x1;
	s17 =	sadd.s32 $0xFFFFFFFF, s17;
	[sflag:s4] =	ssyncadd.s32 $0xFFFF8000  }
0x2d: {  	[tilespmem:s3], [sflag:$0x3] =	stream.linear.gather [hbm4b:s5+s3], $0x400, $0x38;
	[tilespmem:$0x10400] =	vst v63  }
0x2e: {  	_ =	swait.ge [sflag:s4], $0x400  }
0x2f: {  	[sflag:s4] =	ssyncset.done $0x0  }
0x30: {  	[sflag:s4] =	ssyncadd.s32 $0xFFFFFC00  }
0x31: {  	[tilespmem:s7], [sflag:$0x1] =	stream.indirect.gather [hbm4b:s2+s6], $0x80, s3, s6, $0xb8;
	[tilespmem:$0x10400] =	vst v63  }
0x32: {  	_ = 	snop  }
0x33: {  	[tilespmem:s8], [sflag:$0x2] =	stream.indirect.gather [hbm4b:s2+s6], $0x80, s6, s6, $0xb8;
	[tilespmem:$0x10400] =	vst v63  }
0x34: {  	_ =	swait.ge [sflag:s9], $0x8000  }
0x35: {  	[sflag:s9] =	ssyncset.done $0x0  }
0x36: {  	[sflag:s9] =	ssyncadd.s32 $0xFFFF8000  }
0x37: {  	[hbm4b:s10+s3] =	stream.linear.scatter [tilespmem:s7], [sflag:$0x3], $0x8000, $0x38;
	[tilespmem:$0x10400] =	vst v63  }
0x38: {  	_ =	swait.ge [sflag:s4], $0x8000  }
0x39: {  	[sflag:s4] =	ssyncset.done $0x0  }
0x3a: {  	[sflag:s4] =	ssyncadd.s32 $0xFFFF8000  }
0x3b: {  	[tilespmem:s7], [sflag:$0x1] =	stream.indirect.gather [hbm4b:s2+s6], $0x80, s11, s6, $0xb8;
	[tilespmem:$0x10400] =	vst v63  }
0x3c: {  	_ =	swait.ge [sflag:s12], $0x8000  }
0x3d: {  	[sflag:s12] =	ssyncset.done $0x0  }
0x3e: {  	[sflag:s12] =	ssyncadd.s32 $0xFFFF8000  }
0x3f: {  	[hbm4b:s13+s3] =	stream.linear.scatter [tilespmem:s8], [sflag:$0x3], $0x8000, $0x38;
	[tilespmem:$0x10400] =	vst v63  }
0x40: {  	_ =	swait.ge [sflag:s4], $0x8000  }
0x41: {  	[sflag:s4] =	ssyncset.done $0x0  }
0x42: {  	[sflag:s4] =	ssyncadd.s32 $0xFFFF8000  }
0x43: {  	[tilespmem:s8], [sflag:$0x2] =	stream.indirect.gather [hbm4b:s2+s6], $0x80, s14, s6, $0xb8;
	[tilespmem:$0x10400] =	vst v63  }
0x44: {  	_ =	swait.ge [sflag:s9], $0x8000  }
0x45: {  	[sflag:s9] =	ssyncset.done $0x0  }
0x46: {  	[sflag:s9] =	ssyncadd.s32 $0xFFFF8000  }
0x47: {  	[hbm4b:s15+s3] =	stream.linear.scatter [tilespmem:s7], [sflag:$0x3], $0x8000, $0x38;
	[tilespmem:$0x10400] =	vst v63  }
0x48: {  	_ =	swait.ge [sflag:s4], $0x8000  }
0x49: {  	[sflag:s4] =	ssyncset.done $0x0  }
0x4a: {  	[sflag:s4] =	ssyncadd.s32 $0xFFFF8000  }
0x4b: {  	_ =	swait.ge [sflag:s12], $0x8000  }
.Ltmp1:
0x4c: {  	[sflag:s12] =	ssyncset.done $0x0;
	(pc) =	sbr.rel @p0 .LBB2_1-.Ltmp1, $4  }
0x4d: {  	[sflag:s12] =	ssyncadd.s32 $0xFFFF8000  }
0x4e: {  	[hbm4b:s16+s3] =	stream.linear.scatter [tilespmem:s8], [sflag:$0x3], $0x8000, $0x38;
	[tilespmem:$0x10400] =	vst v63  }
0x4f: {  	_ =	swait.ge [sflag:s4], $0x8000  }
0x50: {  	[sflag:s4] =	ssyncset.done $0x0  }
.LBB2_2:
0x51: {  	[sflag:s4] =	ssyncadd.s32 $0xFFFF8000  }
0x52: {  	_ =	sfence.sel $0x180000  }
0x53: {  	[bflag:$0x0] =	sbarrier.arrive $0xFFFF  }
0x54: {  	p0 =	sne.s32 s0, $0x0;
	_ =	strace $0x9000004D  }
0x55: {  	s0 =	sadd.s32 @!p0 $0x100000, s1;
	[bflag:$0x2] =	sbarrier.arrive $0xFFFF  }
0x56: {  	[sflag:s0] =	ssyncadd.tile.s32 @!p0 $0x1;
	_ =	shalt  }
.Lfunc_end2:
_tile_overlayer_lowered:
.L_overlay_start_2:
0x57: {  	(tag) =	ssettag $0x2  }
0x58: {  	s0 =	rddreg [dreg:$0x0];
	s2 =	stileid.u32  }
0x59: {  	s1 =	rddreg [dreg:$0x1];
	p0 =	sne.s32 s2, $0x0  }
0x5a: {  	s3 =	rddreg [dreg:$0x2];
	[bflag:$0x3] =	sbarrier.arrive $0xFFFF;
	s2 =	simm.s32 @!p0 $0x1C03  }
0x5b: {  	[timem:s3], [sflag:s2] =	dma.local @!p0 [hbm:s0], s1  }
0x5c: {  	s0 =	simm.s32 @!p0 $0x3  }
0x5d: {  	_ =	swait.ge @!p0 [sflag:s0], s1  }
0x5e: {  	s1 =	ssub.s32 @!p0 $0x0, s1;
	[sflag:s0] =	ssyncset.done @!p0 $0x0  }
0x5f: {  	[sflag:s0] =	ssyncadd.s32 @!p0 s1  }
0x60: {  	[bflag:$0x3] =	sbarrier.arrive $0xFFFF  }
0x61: {  	_ =	shalt  }

// kernel: kernel.24.cloned.1.call-start
scs
__scs_entry_jumppad:
0x0: {  	(pc) =	sbr.rel $0x88, $3  }
0x1: {  	(tag) =	ssettag $0x0;
	lr =	simm.s32 $0x1  }
0x2: {  	[smem:$0x3F99] =	sst lr;
	_ =	strace $0xD0000000  }
0x3: {  	_ = 	snop  }
0x4: {  	_ = 	snop  }
0x5: {  	_ = 	snop  }
0x6: {  	_ = 	snop  }
0x7: {  	_ = 	snop  }
__scs_overlays_trampoline_lowered:
0x8: {  	[smem:$0x3FA8] =	sst s0  }
0x9: {  	[smem:$0x3FA9] =	sst s1  }
0xa: {  	[smem:$0x3FAA] =	sst s2  }
0xb: {  	[smem:$0x3FAB] =	sst s3  }
0xc: {  	[smem:$0x3FAC] =	sst s4  }
0xd: {  	[smem:$0x3FAD] =	sst s5  }
0xe: {  	[smem:$0x3FAE] =	sst s6  }
0xf: {  	[smem:$0x3FAF] =	sst s7  }
0x10: {  	[smem:$0x3FB0] =	sst s8  }
0x11: {  	[smem:$0x3FB1] =	sst s9;
	s0 =	simm.s32 @!p0 $0x0  }
0x12: {  	s1 =	sld [smem:$0x3F97];
	s0 =	simm.s32 @p0 $0x1  }
0x13: {  	[smem:$0x3FB2] =	sst s0;
	s0 =	simm.s32 @!p1 $0x0  }
0x14: {  	s2 =	sld [smem:$0x3F96];
	s0 =	simm.s32 @p1 $0x1  }
0x15: {  	[smem:$0x3FB3] =	sst s0;
	s0 =	simm.s32 @!p2 $0x0  }
0x16: {  	s3 =	sld [smem:$0x3FDB];
	s0 =	simm.s32 @p2 $0x1  }
0x17: {  	s4 =	simm.s32 $0x1BF5;
	[smem:$0x3FB5] =	sst s0  }
0x18: {  	s0 =	sld [smem:$0x3F98];
	_ =	swait.ge [sflag:s4], $0x0  }
0x19: {  	s7 =	sld [smem:$0x3F99]  }
0x1a: {  	s8 =	sadd.s32 $0xFFFFE003, lr  }
0x1b: {  	s9 =	sadd.s32 $0xFFFFFEF7, lr;
	s5 =	simm.s32 $0xFFFFFFFF;
	p2 =	slt.u32 s8, $0xFFFFF086  }
0x1c: {  	p1 =	slt.u32 s9, $0xF7A;
	s5 =	simm.s32 @!p2 $0x0  }
0x1d: {  	s5 =	simm.s32 @p1 $0x1;
	p0 =	seq.s32 s7, s2  }
0x1e: {  	s7 =	smul.u32 @!p0 $0xF7A, s2;
	p2 =	seq.s32 @!p0 s5, $0x0  }
0x1f: {  	s9 =	smul.u32 $0xF7A, s1;
	s8 =	simm.s32 @!p0 $0x1BF5;
	p2 =	por !p2, p0  }
0x20: {  	[sflag:s8] =	ssyncset.s32 @!p0 $0xFFFFF086;
	s6 =	sadd.s32 @!p0 s3, s7;
	s7 =	simm.s32 @!p0 $0x108  }
0x21: {  	s3 =	sadd.s32 s3, s9;
	s6 =	sadd.s32 @!p0 $0x88, s6;
	s7 =	simm.s32 @p2 $0x1082  }
0x22: {  	[simem:s7], [sflag:s8] =	dma.local @!p0 [hbm:s6], $0xF7A  }
0x23: {  	s9 =	sor.u32 $0xD0000000, s2;
	s6 =	simm.s32 $0x108;
	_ =	swait.ge @!p0 [sflag:s8], $0x0  }
0x24: {  	s3 =	sadd.s32 $0x88, s3;
	s6 =	simm.s32 @!p1 $0x1082;
	[sflag:s4] =	ssyncset.s32 $0xFFFFF086  }
0x25: {  	[simem:s6], [sflag:s4] =	dma.local [hbm:s3], $0xF7A  }
0x26: {  	[smem:$0x3F99] =	sst s1;
	(tag) =	ssettag s2;
	_ =	strace s9  }
0x27: {  	s1 =	sld [smem:$0x3FA9]  }
0x28: {  	s2 =	sld [smem:$0x3FAA]  }
0x29: {  	s4 =	sld [smem:$0x3FAC]  }
0x2a: {  	p0 =	seq.s32 s5, $0x0;
	s5 =	sld [smem:$0x3FAD]  }
0x2b: {  	s6 =	sld [smem:$0x3FAE]  }
0x2c: {  	s7 =	sld [smem:$0x3FAF]  }
0x2d: {  	s3 =	simm.s32 $0x108;
	s8 =	sld [smem:$0x3FB0]  }
0x2e: {  	s3 =	simm.s32 @!p0 $0x1082;
	s9 =	sld [smem:$0x3FB1]  }
0x2f: {  	lr =	sadd.s32 s0, s3;
	s0 =	sld [smem:$0x3FA8]  }
0x30: {  	s3 =	sld [smem:$0x3FAB]  }
0x31: {  	[smem:$0x3FB4] =	sst s10  }
0x32: {  	s10 =	sld [smem:$0x3FB2];
	_ =	sdelay $0x3  }
0x33: {  	p0 =	seq.s32 s10, $0x1;
	s10 =	sld [smem:$0x3FB4];
	_ =	sdelay $0x3  }
0x34: {  	[smem:$0x3FB4] =	sst s10  }
0x35: {  	s10 =	sld [smem:$0x3FB3];
	_ =	sdelay $0x3  }
0x36: {  	p1 =	seq.s32 s10, $0x1;
	s10 =	sld [smem:$0x3FB4];
	_ =	sdelay $0x3  }
0x37: {  	[smem:$0x3FB4] =	sst s10  }
0x38: {  	s10 =	sld [smem:$0x3FB5]  }
0x39: {  	_ = 	snop;
	(pc) =	sbr.ind lr, $3  }
0x3a: {  	_ = 	snop  }
0x3b: {  	_ = 	snop  }
0x3c: {  	p2 =	seq.s32 s10, $0x1;
	s10 =	sld [smem:$0x3FB4]  }
0x3d: {  	_ =	shalt  }
0x3e: {  	_ =	shalt  }
0x3f: {  	_ =	shalt  }
0x40: {  	_ =	shalt  }
0x41: {  	_ =	shalt  }
0x42: {  	_ =	shalt  }
0x43: {  	_ =	shalt  }
0x44: {  	_ =	shalt  }
0x45: {  	_ =	shalt  }
0x46: {  	_ =	shalt  }
0x47: {  	_ =	shalt  }
0x48: {  	_ =	shalt  }
0x49: {  	_ =	shalt  }
0x4a: {  	_ =	shalt  }
0x4b: {  	_ =	shalt  }
0x4c: {  	_ =	shalt  }
0x4d: {  	_ =	shalt  }
0x4e: {  	_ =	shalt  }
0x4f: {  	_ =	shalt  }
0x50: {  	_ =	shalt  }
0x51: {  	_ =	shalt  }
0x52: {  	_ =	shalt  }
0x53: {  	_ =	shalt  }
0x54: {  	_ =	shalt  }
0x55: {  	_ =	shalt  }
0x56: {  	_ =	shalt  }
0x57: {  	_ =	shalt  }
0x58: {  	_ =	shalt  }
0x59: {  	_ =	shalt  }
0x5a: {  	_ =	shalt  }
0x5b: {  	_ =	shalt  }
0x5c: {  	_ =	shalt  }
0x5d: {  	_ =	shalt  }
0x5e: {  	_ =	shalt  }
0x5f: {  	_ =	shalt  }
0x60: {  	_ =	shalt  }
0x61: {  	_ =	shalt  }
0x62: {  	_ =	shalt  }
0x63: {  	_ =	shalt  }
0x64: {  	_ =	shalt  }
0x65: {  	_ =	shalt  }
0x66: {  	_ =	shalt  }
0x67: {  	_ =	shalt  }
0x68: {  	_ =	shalt  }
0x69: {  	_ =	shalt  }
0x6a: {  	_ =	shalt  }
0x6b: {  	_ =	shalt  }
0x6c: {  	_ =	shalt  }
0x6d: {  	_ =	shalt  }
0x6e: {  	_ =	shalt  }
0x6f: {  	_ =	shalt  }
0x70: {  	_ =	shalt  }
0x71: {  	_ =	shalt  }
0x72: {  	_ =	shalt  }
0x73: {  	_ =	shalt  }
0x74: {  	_ =	shalt  }
0x75: {  	_ =	shalt  }
0x76: {  	_ =	shalt  }
0x77: {  	_ =	shalt  }
0x78: {  	_ =	shalt  }
0x79: {  	_ =	shalt  }
0x7a: {  	_ =	shalt  }
0x7b: {  	_ =	shalt  }
0x7c: {  	_ =	shalt  }
0x7d: {  	_ =	shalt  }
0x7e: {  	_ =	shalt  }
0x7f: {  	_ =	shalt  }
0x80: {  	_ =	shalt  }
0x81: {  	_ =	shalt  }
0x82: {  	_ =	shalt  }
0x83: {  	_ =	shalt  }
0x84: {  	_ =	shalt  }
0x85: {  	_ =	shalt  }
0x86: {  	_ =	shalt  }
0x87: {  	_ =	shalt  }
.Lfunc_end0:
.L_simem_size_0:
called_computation.3_lowered:
.L_overlay_start_0:
0x88: {  	s2 =	sld [smem:$0x3FD9]  }
0x89: {  	s3 =	sld [smem:$0x3FFE];
	_ =	sdelay $0x1  }
0x8a: {  	s1 =	srdreg.scid  }
0x8b: {  	s0 =	sand.u32 $0x1, s1  }
0x8c: {  	s17 =	sshll.u32 s0, $0xA;
	s2 =	sadd.s32 s3, s2  }
0x8d: {  	s2 =	sadd.s32 s2, s17  }
0x8e: {  	[smem:$0x3FC0] =	sst s2  }
0x8f: {  	_ = 	snop  }
0x90: {  	s18 =	sld [smem:$0x3FD0];
	(tm) =	ssettm $0x1  }
0x91: {  	s19 =	sld [smem:$0x3FFB];
	_ =	sdelay $0x3  }
0x92: {  	_ =	strace s19  }
0x93: {  	s2 =	sld [smem:$0x3FFC];
	_ =	sdelay $0x3  }
0x94: {  	_ =	strace s2  }
0x95: {  	s2 =	sld [smem:$0x3FFD];
	_ =	sdelay $0x3  }
0x96: {  	_ =	strace s2  }
0x97: {  	_ =	strace $0x8FFFFFFF  }
0x98: {  	s20 =	sld [smem:$0x3FDB];
	_ =	sdelay $0x1  }
0x99: {  	s4 =	simm.s32 $_scs_section_size  }
0x9a: {  	s5 =	simm.s32 $_size__tile_overlayer_lowered;
	s6 =	simm.s32 $_tile_overlayer_lowered  }
0x9b: {  	s7 =	simm.s32 $0x1BFF;
	s21 =	sshll.u32 s6, $0x1;
	s4 =	sadd.s32 s4, s20  }
0x9c: {  	s22 =	simm.s32 $0x0;
	s5 =	sshll.u32 s5, $0x1;
	s6 =	sadd.s32 s21, s4  }
0x9d: {  	[timem:s22], [sflag:s7] =	dma.local [hbm:s6], s5  }
0x9e: {  	_ =	swait.ge [sflag:s7], s5  }
0x9f: {  	s5 =	ssub.s32 $0x0, s5;
	[sflag:s7] =	ssyncset.done $0x0  }
0xa0: {  	[sflag:s7] =	ssyncadd.s32 s5;
	_ =	sdelay $0x1  }
0xa1: {  	s23 =	simm.s32 $0x1B8B  }
0xa2: {  	_ =	swait.ge [sflag:s23], $0x1  }
0xa3: {  	[sflag:s23] =	ssyncset.done $0x0  }
0xa4: {  	[sflag:s23] =	ssyncadd.s32 $0xFFFFFFFF  }
0xa5: {  	s5 =	sld [smem:$0x0]  }
0xa6: {  	s6 =	sand.u32 $0xFFFFFFFE, s1  }
0xa7: {  	p0 =	sne.s32 s1, s6  }
0xa8: {  	s6 =	sshll.u32 @p0 s6, $0xE  }
0xa9: {  	s6 =	sadd.s32 @p0 $0x11B8D, s6;
	s7 =	sshll.u32 @p0 s5, $0x11  }
0xaa: {  	s6 =	sor.u32 @p0 s7, s6  }
0xab: {  	[sflag:s6] =	ssyncadd.remote.s32 @p0 $0x1;
	_ =	sdelay $0x1  }
0xac: {  	s6 =	simm.s32 @p0 $0x1B8D  }
0xad: {  	_ =	swait.eq @p0 [sflag:s6], $0x1  }
0xae: {  	[sflag:s6] =	ssyncadd.s32 @p0 $0xFFFFFFFF  }
0xaf: {  	s7 =	sshll.u32 @!p0 s1, $0xE  }
0xb0: {  	s7 =	sor.u32 @!p0 $0x4000, s7;
	s6 =	simm.s32 @!p0 $0x1B8D  }
0xb1: {  	s5 =	sshll.u32 @!p0 s5, $0x11;
	s7 =	sadd.s32 @!p0 $0x11B8D, s7;
	_ =	swait.eq @!p0 [sflag:s6], $0x1  }
0xb2: {  	s5 =	sor.u32 @!p0 s5, s7;
	[sflag:s6] =	ssyncadd.s32 @!p0 $0xFFFFFFFF  }
0xb3: {  	s25 =	simm.s32 $0x1B8E;
	s24 =	sld [smem:$0x3FFE];
	[sflag:s5] =	ssyncadd.remote.s32 @!p0 $0x1  }
0xb4: {  	s26 =	simm.s32 $execute0_lowered;
	[smem:$0x3FD2] =	sst s25  }
0xb5: {  	s6 =	sshll.u32 s26, $0x1;
	_ =	strace $0x8000004F;
	[dreg:$0x1] =	wrdreg $0xFFFFFFFF  }
0xb6: {  	s28 =	simm.s32 $_size_execute0_lowered;
	s4 =	sadd.s32 s4, s6;
	[dreg:$0x0] =	wrdreg $0x0  }
0xb7: {  	s6 =	sshll.u32 s28, $0x1;
	[dreg:$0x2] =	wrdreg s4  }
0xb8: {  	[dreg:$0x3] =	wrdreg s6  }
0xb9: {  	[dreg:$0x4] =	wrdreg $0xC0  }
0xba: {  	_ =	task [dreg:s22], $0x5FFFF  }
0xbb: {  	[dreg:$0x1] =	wrdreg $0xFFFFFFFF  }
0xbc: {  	[dreg:$0x0] =	wrdreg $0x60  }
0xbd: {  	[dreg:$0x2] =	wrdreg s18  }
0xbe: {  	[dreg:$0x3] =	wrdreg s24  }
0xbf: {  	[dreg:$0x4] =	wrdreg $0xC  }
0xc0: {  	_ =	task.clear_ibuf [dreg:s22], $0x5FFFF;
	_ =	strace $0x9000004F  }
0xc1: {  	s29 =	simm.s32 $0xC;
	_ =	strace $0x80000051  }
0xc2: {  	_ =	swait.ge [sflag:s29], $0x1  }
0xc3: {  	[sflag:s29] =	ssyncadd.s32 $0xFFFFFFFF  }
0xc4: {  	_ =	strace $0x90000051  }
0xc5: {  	_ =	sfence  }
0xc6: {  	s30 =	sld [smem:$0x0];
	_ =	sdelay $0x2  }
0xc7: {  	s31 =	sshll.u32 s1, $0xD;
	s1 =	sshrl.u32 s1, $0x2  }
0xc8: {  	s4 =	sand.u32 $0x4000, s31;
	s1 =	sadd.s32 s1, s30  }
0xc9: {  	s0 =	sor.u32 s4, s0;
	s1 =	sshll.u32 s1, $0x11  }
0xca: {  	s0 =	sor.u32 s1, s0  }
0xcb: {  	s0 =	sadd.s32 $0x8F2B, s0  }
0xcc: {  	[sflag:s0] =	ssyncadd.remote.s32 $0x1  }
0xcd: {  	_ =	sfence.sel $0xFFFF  }
0xce: {  	[dreg:$0x0] =	wrdreg $0xFFFFFFFF;
	(pc) =	sbr.abs _section_cstart, $3  }
0xcf: {  	[dreg:$0x1] =	wrdreg $0xFFFFFFFF  }
0xd0: {  	_ =	task.clear_ibuf [dreg:s22], $0x2FFFF;
	_ =	strace $0x9FFFFFFF  }
0xd1: {  	(tm) =	ssettm $0x7FFFFFFF  }
tec
execute0_lowered:
.L_overlay_start_1:
0x0: {  	(tag) =	ssettag $0x1  }
0x1: {  	s1 =	srdreg.scid  }
0x2: {  	s0 =	stileid.u32;
	s16 =	sand.u32 $0x1, s1  }
0x3: {  	s2 =	rddreg [dreg:$0x0];
	s30 =	sshll.u32 s0, $0xB;
	s3 =	sshll.u32 s16, $0xA  }
0x4: {  	s10 =	rddreg [dreg:$0x1];
	s11 =	sor.u32 s3, s30  }
0x5: {  	s1 =	rddreg [dreg:$0x2];
	s3 =	simm.s32 $0x0;
	s4 =	sshrl.u32 s11, $0x3  }
0x6: {  	[smem:$0x7FF] =	sst s3;
	s4 =	sadd.s32 s4, s10  }
0x7: {  	_ =	strace $0x80000050;
	s5 =	sadd.s32 $0x186600, s4;
	s4 =	simm.s32 $0x3  }
0x8: {  	[tilespmem:s3], [sflag:$0x3] =	stream.linear.gather [hbm4b:s5+s3], $0x400, $0x38;
	[tilespmem:$0x10400] =	vst v63  }
0x9: {  	_ =	swait.ge [sflag:s4], $0x400  }
0xa: {  	[sflag:s4] =	ssyncset.done $0x0  }
0xb: {  	s6 =	simm.s32 $0x100;
	s7 =	simm.s32 $0x400;
	[sflag:s4] =	ssyncadd.s32 $0xFFFFFC00  }
0xc: {  	[tilespmem:s7], [sflag:$0x1] =	stream.indirect.gather [hbm4b:s2+s6], $0x80, s3, s6, $0xb8;
	[tilespmem:$0x10400] =	vst v63  }
0xd: {  	s8 =	simm.s32 $0x8400;
	s9 =	simm.s32 $0x1  }
0xe: {  	[tilespmem:s8], [sflag:$0x2] =	stream.indirect.gather [hbm4b:s2+s6], $0x80, s6, s6, $0xb8;
	[tilespmem:$0x10400] =	vst v63  }
0xf: {  	s11 =	sshll.u32 s11, $0x4;
	_ =	swait.ge [sflag:s9], $0x8000  }
0x10: {  	s17 =	sadd.s32 s11, s10;
	[sflag:s9] =	ssyncset.done $0x0  }
0x11: {  	s10 =	sadd.s32 $0x187600, s17;
	[sflag:s9] =	ssyncadd.s32 $0xFFFF8000  }
0x12: {  	[hbm4b:s10+s3] =	stream.linear.scatter [tilespmem:s7], [sflag:$0x3], $0x8000, $0x38;
	[tilespmem:$0x10400] =	vst v63  }
0x13: {  	_ =	swait.ge [sflag:s4], $0x8000  }
0x14: {  	[sflag:s4] =	ssyncset.done $0x0  }
0x15: {  	s12 =	simm.s32 $0x2;
	s11 =	simm.s32 $0x200;
	[sflag:s4] =	ssyncadd.s32 $0xFFFF8000  }
0x16: {  	[tilespmem:s7], [sflag:$0x1] =	stream.indirect.gather [hbm4b:s2+s6], $0x80, s11, s6, $0xb8;
	[tilespmem:$0x10400] =	vst v63  }
0x17: {  	_ =	swait.ge [sflag:s12], $0x8000  }
0x18: {  	[sflag:s12] =	ssyncset.done $0x0  }
0x19: {  	s13 =	sadd.s32 $0x188600, s17;
	[sflag:s12] =	ssyncadd.s32 $0xFFFF8000  }
0x1a: {  	[hbm4b:s13+s3] =	stream.linear.scatter [tilespmem:s8], [sflag:$0x3], $0x8000, $0x38;
	[tilespmem:$0x10400] =	vst v63  }
0x1b: {  	_ =	swait.ge [sflag:s4], $0x8000  }
0x1c: {  	[sflag:s4] =	ssyncset.done $0x0  }
0x1d: {  	s14 =	simm.s32 $0x300;
	[sflag:s4] =	ssyncadd.s32 $0xFFFF8000  }
0x1e: {  	[tilespmem:s8], [sflag:$0x2] =	stream.indirect.gather [hbm4b:s2+s6], $0x80, s14, s6, $0xb8;
	[tilespmem:$0x10400] =	vst v63  }
0x1f: {  	_ =	swait.ge [sflag:s9], $0x8000  }
0x20: {  	[sflag:s9] =	ssyncset.done $0x0  }
0x21: {  	s16 =	ssub.s32 $0x2, s16;
	s15 =	sadd.s32 $0x189600, s17;
	[sflag:s9] =	ssyncadd.s32 $0xFFFF8000  }
0x22: {  	[hbm4b:s15+s3] =	stream.linear.scatter [tilespmem:s7], [sflag:$0x3], $0x8000, $0x38;
	[tilespmem:$0x10400] =	vst v63  }
0x23: {  	s18 =	sshrl.u32 s16, $0x1;
	_ =	swait.ge [sflag:s4], $0x8000  }
0x24: {  	s18 =	ssub.s32 s16, s18;
	[sflag:s4] =	ssyncset.done $0x0  }
0x25: {  	s31 =	smax.u32 s18, $0x1;
	[sflag:s4] =	ssyncadd.s32 $0xFFFF8000  }
0x26: {  	p0 =	sne.s32 s31, $0x1;
	_ =	swait.ge [sflag:s12], $0x8000  }
.Ltmp0:
0x27: {  	[sflag:s12] =	ssyncset.done $0x0;
	(pc) =	sbr.rel @!p0 .LBB2_2-.Ltmp0, $4  }
0x28: {  	s16 =	sadd.s32 $0x18A600, s17;
	[sflag:s12] =	ssyncadd.s32 $0xFFFF8000  }
0x29: {  	[hbm4b:s16+s3] =	stream.linear.scatter [tilespmem:s8], [sflag:$0x3], $0x8000, $0x38;
	[tilespmem:$0x10400] =	vst v63  }
0x2a: {  	_ =	swait.ge [sflag:s4], $0x8000  }
0x2b: {  	s17 =	sadd.s32 $0xFFFFFFFF, s31;
	[sflag:s4] =	ssyncset.done $0x0  }
.LBB2_1:
0x2c: {  	p0 =	sne.s32 s17, $0x1;
	s17 =	sadd.s32 $0xFFFFFFFF, s17;
	[sflag:s4] =	ssyncadd.s32 $0xFFFF8000  }
0x2d: {  	[tilespmem:s3], [sflag:$0x3] =	stream.linear.gather [hbm4b:s5+s3], $0x400, $0x38;
	[tilespmem:$0x10400] =	vst v63  }
0x2e: {  	_ =	swait.ge [sflag:s4], $0x400  }
0x2f: {  	[sflag:s4] =	ssyncset.done $0x0  }
0x30: {  	[sflag:s4] =	ssyncadd.s32 $0xFFFFFC00  }
0x31: {  	[tilespmem:s7], [sflag:$0x1] =	stream.indirect.gather [hbm4b:s2+s6], $0x80, s3, s6, $0xb8;
	[tilespmem:$0x10400] =	vst v63  }
0x32: {  	_ = 	snop  }
0x33: {  	[tilespmem:s8], [sflag:$0x2] =	stream.indirect.gather [hbm4b:s2+s6], $0x80, s6, s6, $0xb8;
	[tilespmem:$0x10400] =	vst v63  }
0x34: {  	_ =	swait.ge [sflag:s9], $0x8000  }
0x35: {  	[sflag:s9] =	ssyncset.done $0x0  }
0x36: {  	[sflag:s9] =	ssyncadd.s32 $0xFFFF8000  }
0x37: {  	[hbm4b:s10+s3] =	stream.linear.scatter [tilespmem:s7], [sflag:$0x3], $0x8000, $0x38;
	[tilespmem:$0x10400] =	vst v63  }
0x38: {  	_ =	swait.ge [sflag:s4], $0x8000  }
0x39: {  	[sflag:s4] =	ssyncset.done $0x0  }
0x3a: {  	[sflag:s4] =	ssyncadd.s32 $0xFFFF8000  }
0x3b: {  	[tilespmem:s7], [sflag:$0x1] =	stream.indirect.gather [hbm4b:s2+s6], $0x80, s11, s6, $0xb8;
	[tilespmem:$0x10400] =	vst v63  }
0x3c: {  	_ =	swait.ge [sflag:s12], $0x8000  }
0x3d: {  	[sflag:s12] =	ssyncset.done $0x0  }
0x3e: {  	[sflag:s12] =	ssyncadd.s32 $0xFFFF8000  }
0x3f: {  	[hbm4b:s13+s3] =	stream.linear.scatter [tilespmem:s8], [sflag:$0x3], $0x8000, $0x38;
	[tilespmem:$0x10400] =	vst v63  }
0x40: {  	_ =	swait.ge [sflag:s4], $0x8000  }
0x41: {  	[sflag:s4] =	ssyncset.done $0x0  }
0x42: {  	[sflag:s4] =	ssyncadd.s32 $0xFFFF8000  }
0x43: {  	[tilespmem:s8], [sflag:$0x2] =	stream.indirect.gather [hbm4b:s2+s6], $0x80, s14, s6, $0xb8;
	[tilespmem:$0x10400] =	vst v63  }
0x44: {  	_ =	swait.ge [sflag:s9], $0x8000  }
0x45: {  	[sflag:s9] =	ssyncset.done $0x0  }
0x46: {  	[sflag:s9] =	ssyncadd.s32 $0xFFFF8000  }
0x47: {  	[hbm4b:s15+s3] =	stream.linear.scatter [tilespmem:s7], [sflag:$0x3], $0x8000, $0x38;
	[tilespmem:$0x10400] =	vst v63  }
0x48: {  	_ =	swait.ge [sflag:s4], $0x8000  }
0x49: {  	[sflag:s4] =	ssyncset.done $0x0  }
0x4a: {  	[sflag:s4] =	ssyncadd.s32 $0xFFFF8000  }
0x4b: {  	_ =	swait.ge [sflag:s12], $0x8000  }
.Ltmp1:
0x4c: {  	[sflag:s12] =	ssyncset.done $0x0;
	(pc) =	sbr.rel @p0 .LBB2_1-.Ltmp1, $4  }
0x4d: {  	[sflag:s12] =	ssyncadd.s32 $0xFFFF8000  }
0x4e: {  	[hbm4b:s16+s3] =	stream.linear.scatter [tilespmem:s8], [sflag:$0x3], $0x8000, $0x38;
	[tilespmem:$0x10400] =	vst v63  }
0x4f: {  	_ =	swait.ge [sflag:s4], $0x8000  }
0x50: {  	[sflag:s4] =	ssyncset.done $0x0  }
.LBB2_2:
0x51: {  	[sflag:s4] =	ssyncadd.s32 $0xFFFF8000  }
0x52: {  	_ =	sfence.sel $0x180000  }
0x53: {  	[bflag:$0x0] =	sbarrier.arrive $0xFFFF  }
0x54: {  	p0 =	sne.s32 s0, $0x0;
	_ =	strace $0x90000050  }
0x55: {  	s0 =	sadd.s32 @!p0 $0x100000, s1;
	[bflag:$0x2] =	sbarrier.arrive $0xFFFF  }
0x56: {  	[sflag:s0] =	ssyncadd.tile.s32 @!p0 $0x1;
	_ =	shalt  }
.Lfunc_end2:
_tile_overlayer_lowered:
.L_overlay_start_2:
0x57: {  	(tag) =	ssettag $0x2  }
0x58: {  	s0 =	rddreg [dreg:$0x0];
	s2 =	stileid.u32  }
0x59: {  	s1 =	rddreg [dreg:$0x1];
	p0 =	sne.s32 s2, $0x0  }
0x5a: {  	s3 =	rddreg [dreg:$0x2];
	[bflag:$0x3] =	sbarrier.arrive $0xFFFF;
	s2 =	simm.s32 @!p0 $0x1C03  }
0x5b: {  	[timem:s3], [sflag:s2] =	dma.local @!p0 [hbm:s0], s1  }
0x5c: {  	s0 =	simm.s32 @!p0 $0x3  }
0x5d: {  	_ =	swait.ge @!p0 [sflag:s0], s1  }
0x5e: {  	s1 =	ssub.s32 @!p0 $0x0, s1;
	[sflag:s0] =	ssyncset.done @!p0 $0x0  }
0x5f: {  	[sflag:s0] =	ssyncadd.s32 @!p0 s1  }
0x60: {  	[bflag:$0x3] =	sbarrier.arrive $0xFFFF  }
0x61: {  	_ =	shalt  }

</sc_bundles>
